<compile_context>
chip_gen: v7x
topology: tpu7x:2x2x1
jax: 0.10.2.dev20260603
libtpu: 0.0.44.dev20260713+nightly
codegen_flags: <defaults>
</compile_context>

<pallas_src>
import functools

import jax
import jax.numpy as jnp
from jax import lax
from jax.experimental import pallas as pl
from jax.experimental.pallas import tpu as pltpu
from jax.experimental.pallas import tpu_sc as plsc

N = 10000
E = 160000
D = 256

NC = 2
NS = 16
NH = N // NC
DUMMY = NH
AGG_ROWS = NH + 8
EPT = E // NS
K = 80
NCHUNK = EPT // K

NW = NC * NS
EPW = E // NW
GK = 128
GFULL = EPW // GK
GTAIL = EPW - GFULL * GK

BK = 256
NBUCKET = 40
NCH = E // BK
NPAIR = 672

_mesh = plsc.VectorSubcoreMesh(core_axis_name="c", subcore_axis_name="s")


@functools.partial(
    pl.kernel,
    out_type=(
        jax.ShapeDtypeStruct((NS * 640,), jnp.float32),
        jax.ShapeDtypeStruct((NC * AGG_ROWS,), jnp.float32),
    ),
    mesh=_mesh,
    scratch_types=[
        pltpu.VMEM((EPT,), jnp.int32),
        pltpu.VMEM((EPT,), jnp.int32),
        pltpu.VMEM((NCHUNK, K), jnp.int32),
        pltpu.VMEM((NCHUNK, K), jnp.int32),
        pltpu.VMEM((K,), jnp.float32),
        pltpu.VMEM((640,), jnp.float32),
        pltpu.VMEM_SHARED((NS * 640,), jnp.float32),
        pltpu.VMEM_SHARED((AGG_ROWS,), jnp.float32),
    ],
)
def _sc_degrees(src_hbm, dst_hbm, dego_hbm, degi_hbm,
                src_raw, dst_raw, src2d, ldst2d, ones, zbuf, dego_s, degi_s):
    c = lax.axis_index("c")
    s = lax.axis_index("s")
    base = c * NH

    one = jnp.ones((16,), jnp.float32)
    for k in range(K // 16):
        ones[pl.ds(16 * k, 16)] = one
    zv = jnp.zeros((16,), jnp.float32)
    for k in range(640 // 16):
        zbuf[pl.ds(16 * k, 16)] = zv
    pltpu.sync_copy(zbuf, dego_s.at[pl.ds(s * 640, 640)])

    @pl.when(s < NS - 1)
    def _():
        pltpu.sync_copy(zbuf.at[pl.ds(0, 320)], degi_s.at[pl.ds(s * 320, 320)])

    @pl.when(s == NS - 1)
    def _():
        pltpu.sync_copy(zbuf.at[pl.ds(0, 208)],
                        degi_s.at[pl.ds((NS - 1) * 320, 208)])

    pltpu.sync_copy(src_hbm.at[pl.ds(s * EPT, EPT)], src_raw)
    pltpu.sync_copy(dst_hbm.at[pl.ds(s * EPT, EPT)], dst_raw)

    @pl.loop(0, NCHUNK)
    def _(j):
        off = pl.multiple_of(j * K, K)
        for k in range(K // 16):
            sv = src_raw[pl.ds(off + 16 * k, 16)]
            src2d[j, pl.ds(16 * k, 16)] = sv
            dv = dst_raw[pl.ds(off + 16 * k, 16)]
            lv = dv - base
            ok = (lv >= 0) & (lv < NH)
            ldst2d[j, pl.ds(16 * k, 16)] = jnp.where(ok, lv, DUMMY)

    plsc.subcore_barrier()

    @pl.loop(0, NCHUNK)
    def _(j):
        pltpu.sync_copy(ones, degi_s.at[ldst2d.at[j]], add=True)

    @pl.when(c == 0)
    def _():
        @pl.loop(0, NCHUNK)
        def _(j):
            pltpu.sync_copy(ones, dego_s.at[src2d.at[j]], add=True)

    plsc.subcore_barrier()

    @pl.when(c == 0)
    def _():
        pltpu.sync_copy(dego_s.at[pl.ds(s * 640, 640)], zbuf)
        pltpu.sync_copy(zbuf, dego_hbm.at[pl.ds(s * 640, 640)])

    @pl.when(s < NS - 1)
    def _():
        pltpu.sync_copy(degi_s.at[pl.ds(s * 320, 320)], zbuf.at[pl.ds(0, 320)])
        pltpu.sync_copy(zbuf.at[pl.ds(0, 320)],
                        degi_hbm.at[pl.ds(c * AGG_ROWS + s * 320, 320)])

    @pl.when(s == NS - 1)
    def _():
        pltpu.sync_copy(degi_s.at[pl.ds((NS - 1) * 320, 208)],
                        zbuf.at[pl.ds(0, 208)])
        pltpu.sync_copy(zbuf.at[pl.ds(0, 208)],
                        degi_hbm.at[pl.ds(c * AGG_ROWS + (NS - 1) * 320, 208)])


@functools.partial(
    pl.kernel,
    out_type=jax.ShapeDtypeStruct((E, D), jnp.float32),
    mesh=_mesh,
    scratch_types=[
        pltpu.VMEM((EPW,), jnp.int32),
        pltpu.VMEM((GK, D), jnp.float32),
        pltpu.VMEM((GK, D), jnp.float32),
        pltpu.SemaphoreType.DMA,
        pltpu.SemaphoreType.DMA,
        pltpu.SemaphoreType.DMA,
        pltpu.SemaphoreType.DMA,
    ],
)
def _sc_gather(hw_hbm, srcb_hbm, m_hbm, idx, rows0, rows1, g0, g1, w0, w1):
    c = lax.axis_index("c")
    s = lax.axis_index("s")
    wid = s * NC + c
    ebase = wid * EPW

    pltpu.sync_copy(srcb_hbm.at[pl.ds(ebase, EPW)], idx)

    rows = (rows0, rows1)
    gsem = (g0, g1)
    wsem = (w0, w1)

    def gather(j, b):
        off = pl.multiple_of(j * GK, GK)
        return pltpu.async_copy(hw_hbm.at[idx.at[pl.ds(off, GK)]],
                                rows[b], gsem[b])

    def write(j, b):
        off = pl.multiple_of(j * GK, GK)
        return pltpu.async_copy(rows[b], m_hbm.at[pl.ds(ebase + off, GK)],
                                wsem[b])

    def drain_write(b):
        pltpu.make_async_copy(rows[b], m_hbm.at[pl.ds(0, GK)], wsem[b]).wait()

    def drain_gather(b):
        pltpu.make_async_copy(hw_hbm.at[idx.at[pl.ds(0, GK)]],
                              rows[b], gsem[b]).wait()

    gather(0, 0).wait()
    gather(1, 1)
    write(0, 0)

    @pl.loop(0, (GFULL - 2) // 2)
    def _(jj):
        for t in range(2):
            j = 2 * jj + 2 + t
            b = t
            drain_write(b)
            drain_gather(1 - b)
            write(j - 1, 1 - b)
            gather(j, b)

    if GFULL % 2 == 1:
        jb = (GFULL - 1) % 2
        drain_write(jb)
        drain_gather(1 - jb)
        write(GFULL - 2, 1 - jb)
        gather(GFULL - 1, jb)

    bl = (GFULL - 1) % 2
    drain_gather(bl)
    write(GFULL - 1, bl)

    tb = 1 - bl
    drain_write(tb)
    toff = GFULL * GK
    pltpu.async_copy(hw_hbm.at[idx.at[pl.ds(toff, GTAIL)]],
                     rows[tb].at[pl.ds(0, GTAIL)], gsem[tb]).wait()
    pltpu.sync_copy(rows[tb].at[pl.ds(0, GTAIL)],
                    m_hbm.at[pl.ds(ebase + toff, GTAIL)])
    drain_write(bl)


_NPADROWS = (NBUCKET + 1) * BK


def _tc_onehot_body(pc_ref, pb_ref, dstb_ref, nds_ref, m_ref, o_ref):
    i = pl.program_id(0)
    base = pb_ref[i] * BK
    dstv = dstb_ref[0, 0, :]
    rows_id = lax.broadcasted_iota(jnp.int32, (BK, BK), 0) + base
    match = rows_id == dstv[None, :]
    ndc = nds_ref[pl.ds(base, BK), :]
    oh = jnp.where(match, ndc, 0.0).astype(jnp.bfloat16)
    mb = m_ref[...].astype(jnp.bfloat16)

    @pl.when(i == 0)
    def _():
        o_ref[...] = jnp.zeros((_NPADROWS, D), jnp.float32)

    o_ref[pl.ds(base, BK), :] += jnp.dot(oh, mb,
                                         preferred_element_type=jnp.float32)


def _tc_onehot(m, dstb3, nds3, pair_chunk, pair_bucket):
    grid_spec = pltpu.PrefetchScalarGridSpec(
        num_scalar_prefetch=2,
        grid=(NPAIR,),
        in_specs=[
            pl.BlockSpec((1, 1, BK), lambda i, pc, pb: (pc[i], 0, 0)),
            pl.BlockSpec((_NPADROWS, 1), lambda i, pc, pb: (0, 0)),
            pl.BlockSpec((BK, D), lambda i, pc, pb: (pc[i], 0)),
        ],
        out_specs=pl.BlockSpec((_NPADROWS, D), lambda i, pc, pb: (0, 0)),
    )
    return pl.pallas_call(
        _tc_onehot_body,
        grid_spec=grid_spec,
        out_shape=jax.ShapeDtypeStruct((_NPADROWS, D), jnp.float32),
        compiler_params=pltpu.CompilerParams(
            dimension_semantics=("arbitrary",)),
    )(pair_chunk, pair_bucket, dstb3, nds3, m)


_R = 400
_G = N // _R


def _tc_first_body(x_ref, w_ref, do_ref, o_ref):
    ns = lax.rsqrt(jnp.maximum(do_ref[...], 1.0))
    o_ref[...] = jnp.dot(x_ref[...], w_ref[...],
                         preferred_element_type=jnp.float32) * ns


def _tc_mid_body(a_ref, w_ref, b_ref, do_ref, o_ref):
    ns = lax.rsqrt(jnp.maximum(do_ref[...], 1.0))
    h = jax.nn.relu(a_ref[...] + b_ref[...])
    o_ref[...] = jnp.dot(h, w_ref[...],
                         preferred_element_type=jnp.float32) * ns


def _tc_head_body(a_ref, wt_ref, b_ref, bo_ref, o_ref):
    h = jax.nn.relu(a_ref[...] + b_ref[...])
    scores = jnp.sum(h * wt_ref[...], axis=1, keepdims=True) + bo_ref[0, 0]
    o_ref[...] = jax.nn.sigmoid(scores)


_row_spec = pl.BlockSpec((_R, D), lambda i: (i, 0))
_vec_spec = pl.BlockSpec((_R, 1), lambda i: (i, 0))
_w_spec = pl.BlockSpec((D, D), lambda i: (0, 0))
_b_spec = pl.BlockSpec((1, D), lambda i: (0, 0))
_out_f = jax.ShapeDtypeStruct((N, D), jnp.float32)
_out_v = jax.ShapeDtypeStruct((N, 1), jnp.float32)


def _tc_first(x, w, dego):
    return pl.pallas_call(
        _tc_first_body, grid=(_G,),
        in_specs=[_row_spec, _w_spec, _vec_spec],
        out_specs=_row_spec, out_shape=_out_f,
    )(x, w, dego)


def _tc_mid(agg, w, b, dego):
    return pl.pallas_call(
        _tc_mid_body, grid=(_G,),
        in_specs=[_row_spec, _w_spec, _b_spec, _vec_spec],
        out_specs=_row_spec, out_shape=_out_f,
    )(agg, w, b, dego)


def _tc_head(agg, wt, b, bo):
    return pl.pallas_call(
        _tc_head_body, grid=(_G,),
        in_specs=[_row_spec, _b_spec, _b_spec,
                  pl.BlockSpec((1, 1), lambda i: (0, 0))],
        out_specs=_vec_spec, out_shape=_out_v,
    )(agg, wt, b, bo)


def kernel(x, edge_index, W0, b0, W1, b1, W2, b2, Wout, bout):
    src = edge_index[0]
    dst = edge_index[1]

    dego_p, degi_p = _sc_degrees(src, dst)
    degi_vec = jnp.concatenate([degi_p[:NH], degi_p[AGG_ROWS:AGG_ROWS + NH]])

    key = (dst.astype(jnp.uint32) << 18) | jnp.arange(E, dtype=jnp.uint32)
    skey = jnp.sort(key)
    perm = (skey & jnp.uint32((1 << 18) - 1)).astype(jnp.int32)
    srcb = jnp.take(src, perm)
    dstb3 = (skey >> 18).astype(jnp.int32).reshape(NCH, 1, BK)

    dego = dego_p[:N, None]
    nd_pad = jnp.concatenate([degi_vec,
                              jnp.ones(((NBUCKET + 1) * BK - N,),
                                       jnp.float32)])
    nds3 = lax.rsqrt(jnp.maximum(nd_pad, 1.0))[:, None]

    dpad = jnp.concatenate([degi_vec, jnp.zeros((NBUCKET * BK - N,),
                                                jnp.float32)])
    bucket_sizes = dpad.reshape(NBUCKET, BK).sum(axis=1).astype(jnp.int32)
    off = jnp.concatenate([jnp.zeros((1,), jnp.int32),
                           jnp.cumsum(bucket_sizes)])
    nonempty = off[1:] > off[:-1]
    start_chunk = jnp.where(nonempty, off[:-1] // BK, 0)
    end_chunk = jnp.where(nonempty, (off[1:] - 1) // BK, 0)
    m_b = end_chunk - start_chunk + 1
    total = jnp.sum(m_b)
    mb_full = jnp.concatenate([m_b, (NPAIR - total)[None]])
    start_full = jnp.concatenate([start_chunk, jnp.zeros((1,), jnp.int32)])
    pair_bucket = jnp.repeat(jnp.arange(NBUCKET + 1, dtype=jnp.int32),
                             mb_full, total_repeat_length=NPAIR)
    p_off = jnp.concatenate([jnp.zeros((1,), jnp.int32),
                             jnp.cumsum(mb_full)])[:NBUCKET + 1]
    pos_in_bucket = (jnp.arange(NPAIR, dtype=jnp.int32)
                     - jnp.take(p_off, pair_bucket))
    pair_chunk = jnp.minimum(jnp.take(start_full, pair_bucket) + pos_in_bucket,
                             NCH - 1)
    pair_first = (pos_in_bucket == 0).astype(jnp.int32)

    b0r = b0[None, :]
    b1r = b1[None, :]
    b2r = b2[None, :]
    wt = Wout[:, 0][None, :]
    bo = bout[None, :]

    hw = _tc_first(x, W0, dego)
    m = _sc_gather(hw, srcb)
    agg = _tc_onehot(m, dstb3, nds3, pair_chunk, pair_bucket)
    hw = _tc_mid(agg, W1, b0r, dego)
    m = _sc_gather(hw, srcb)
    agg = _tc_onehot(m, dstb3, nds3, pair_chunk, pair_bucket)
    hw = _tc_mid(agg, W2, b1r, dego)
    m = _sc_gather(hw, srcb)
    agg = _tc_onehot(m, dstb3, nds3, pair_chunk, pair_bucket)
    probs = _tc_head(agg, wt, b2r, bo)
    return probs[:, 0]

# --- scband reference (transcript-rebuilt; emitter-appended) ---
"""Pipeline reference for scband-point-sampler-dgl-15925738734015 (READ-ONLY COPY).

The authoritative reference and input builder live on the scoring server;
editing this copy changes nothing except your own understanding.
"""

import jax, jax.numpy as jnp
import numpy as np

N = 10000
E = 160000
D = 256


def setup_inputs(seed: int = 0) -> dict:
    key = jax.random.key(seed)
    ks = jax.random.split(key, 12)
    scale = 1.0 / np.sqrt(D)
    inp = {}
    inp["x"] = jax.random.normal(ks[0], (N, D), dtype=jnp.float32)
    inp["edge_index"] = jax.random.randint(ks[1], (2, E), 0, N, dtype=jnp.int32)
    inp["W0"] = jax.random.normal(ks[2], (D, D), dtype=jnp.float32) * scale
    inp["b0"] = jnp.zeros((D,), dtype=jnp.float32)
    inp["W1"] = jax.random.normal(ks[3], (D, D), dtype=jnp.float32) * scale
    inp["b1"] = jnp.zeros((D,), dtype=jnp.float32)
    inp["W2"] = jax.random.normal(ks[4], (D, D), dtype=jnp.float32) * scale
    inp["b2"] = jnp.zeros((D,), dtype=jnp.float32)
    inp["Wout"] = jax.random.normal(ks[5], (D, 1), dtype=jnp.float32) * scale
    inp["bout"] = jnp.zeros((1,), dtype=jnp.float32)
    return inp


def reference(x, edge_index, W0, b0, W1, b1, W2, b2, Wout, bout):
    # DGL GraphConv with norm='both': h' = D_in^{-1/2} A D_out^{-1/2} (h W) + b
    src = edge_index[0]
    dst = edge_index[1]
    deg_out = jnp.bincount(src, length=N).astype(jnp.float32)
    deg_in = jnp.bincount(dst, length=N).astype(jnp.float32)
    norm_src = jax.lax.rsqrt(jnp.clip(deg_out, 1.0))
    norm_dst = jax.lax.rsqrt(jnp.clip(deg_in, 1.0))

    def gconv(h, W, b):
        h = h @ W
        h = h * norm_src[:, None]
        m = jnp.take(h, src, axis=0)
        agg = jax.ops.segment_sum(m, dst, num_segments=N)
        agg = agg * norm_dst[:, None]
        return agg + b

    h = jax.nn.relu(gconv(x, W0, b0))
    h = jax.nn.relu(gconv(h, W1, b1))
    h = jax.nn.relu(gconv(h, W2, b2))
    scores = (h @ Wout + bout).squeeze(-1)
    probabilities = jax.nn.sigmoid(scores)
    return probabilities

if __name__ == "__main__":
    import jax
    _d = setup_inputs()
    print(jax.jit(kernel)(*tuple(_d.values())))

</pallas_src>

<mosaic_0001>
#map = affine_map<(d0, d1) -> (0, 0)>
#map1 = affine_map<(d0, d1) -> (0)>
module attributes {stable_mosaic.version = 14 : i64} {
  func.func @_sc_gather(%arg0: i32, %arg1: i32, %arg2: memref<10000x256xf32, #tpu.memory_space<hbm>>, %arg3: memref<160000xi32, #tpu.memory_space<hbm>>, %arg4: memref<160000x256xf32, #tpu.memory_space<hbm>>, %arg5: memref<5000xi32, #tpu.memory_space<vmem>>, %arg6: memref<128x256xf32, #tpu.memory_space<vmem>>, %arg7: memref<128x256xf32, #tpu.memory_space<vmem>>, %arg8: memref<!tpu.dma_semaphore, #tpu.memory_space<semaphore_mem>>, %arg9: memref<!tpu.dma_semaphore, #tpu.memory_space<semaphore_mem>>, %arg10: memref<!tpu.dma_semaphore, #tpu.memory_space<semaphore_mem>>, %arg11: memref<!tpu.dma_semaphore, #tpu.memory_space<semaphore_mem>>) attributes {dimension_semantics = [#tpu.dimension_semantics<core_parallel>, #tpu.dimension_semantics<subcore_parallel>], iteration_bounds = array<i64: 2, 16>, scalar_prefetch = 0 : i64, scratch_operands = 7 : i64, tpu.core_type = #tpu.core_type<sc_vector_subcore>, window_params = [{transform_indices = #map}, {transform_indices = #map1}, {transform_indices = #map}]} {
    %mul3A = arith.constant 2 : i32
    %mul3A_0 = arith.muli %arg1, %mul3A : i32
    %add3A = arith.addi %mul3A_0, %arg0 : i32
    %mul3A_1 = arith.constant 5000 : i32
    %mul3A_2 = arith.muli %add3A, %mul3A_1 : i32
    "tpu.region"() ({
      %run_scoped3A = tpu.sem_alloc : memref<!tpu.dma_semaphore, #tpu.memory_space<semaphore_mem>>
      %dma_start3A_93 = tpu.memref_slice %arg3[%mul3A_2] : memref<160000xi32, #tpu.memory_space<hbm>> -> memref<5000xi32, #tpu.memory_space<hbm>>
      %dma_start3A_94 = tpu.memref_slice %arg3[%mul3A_2] : memref<160000xi32, #tpu.memory_space<hbm>> -> memref<5000xi32, #tpu.memory_space<hbm>>
      tpu.enqueue_dma source(%dma_start3A_94 : memref<5000xi32, #tpu.memory_space<hbm>>) target(%arg5 : memref<5000xi32, #tpu.memory_space<vmem>>) target_semaphore(%run_scoped3A : memref<!tpu.dma_semaphore, #tpu.memory_space<semaphore_mem>>)
      %dma_wait3A_95 = tpu.memref_slice %arg3[%mul3A_2] : memref<160000xi32, #tpu.memory_space<hbm>> -> memref<5000xi32, #tpu.memory_space<hbm>>
      %dma_wait3A_96 = tpu.memref_slice %arg3[%mul3A_2] : memref<160000xi32, #tpu.memory_space<hbm>> -> memref<5000xi32, #tpu.memory_space<hbm>>
      tpu.wait_dma2 semaphore(%run_scoped3A : memref<!tpu.dma_semaphore, #tpu.memory_space<semaphore_mem>>) src(%dma_wait3A_96 : memref<5000xi32, #tpu.memory_space<hbm>>) dst(%arg5 : memref<5000xi32, #tpu.memory_space<vmem>>)
      tpu.yield
    }) : () -> ()
    %multiple_of3A = arith.constant 0 : i32
    %multiple_of3A_3 = tpu.assume_multiple %multiple_of3A, 128 : i32
    %dma_start3A = tpu.memref_slice %arg5[%multiple_of3A_3] : memref<5000xi32, #tpu.memory_space<vmem>> -> memref<128xi32, #tpu.memory_space<vmem>>
    %dma_start3A_4 = arith.constant 0 : i32
    %dma_start3A_5 = arith.constant 0 : i32
    %dma_start3A_6 = tpu.memref_slice %arg2[%dma_start3A_4, %dma_start3A_5] : memref<10000x256xf32, #tpu.memory_space<hbm>> -> memref<10000x256xf32, #tpu.memory_space<hbm>>
    tpu.enqueue_indirect_dma source(%dma_start3A_6 : memref<10000x256xf32, #tpu.memory_space<hbm>>) target(%arg6 : memref<128x256xf32, #tpu.memory_space<vmem>>) offsets(%dma_start3A : memref<128xi32, #tpu.memory_space<vmem>>) semaphore(%arg8 : memref<!tpu.dma_semaphore, #tpu.memory_space<semaphore_mem>>)
    %dma_wait3A = tpu.memref_slice %arg5[%multiple_of3A_3] : memref<5000xi32, #tpu.memory_space<vmem>> -> memref<128xi32, #tpu.memory_space<vmem>>
    %dma_wait3A_7 = arith.constant 0 : i32
    %dma_wait3A_8 = arith.constant 0 : i32
    %dma_wait3A_9 = tpu.memref_slice %arg2[%dma_wait3A_7, %dma_wait3A_8] : memref<10000x256xf32, #tpu.memory_space<hbm>> -> memref<10000x256xf32, #tpu.memory_space<hbm>>
    tpu.wait_indirect_dma semaphore(%arg8 : memref<!tpu.dma_semaphore, #tpu.memory_space<semaphore_mem>>) src(%dma_wait3A_9 : memref<10000x256xf32, #tpu.memory_space<hbm>>) dst(%arg6 : memref<128x256xf32, #tpu.memory_space<vmem>>)
    %multiple_of3A_10 = arith.constant 128 : i32
    %multiple_of3A_11 = tpu.assume_multiple %multiple_of3A_10, 128 : i32
    %dma_start3A_12 = tpu.memref_slice %arg5[%multiple_of3A_11] : memref<5000xi32, #tpu.memory_space<vmem>> -> memref<128xi32, #tpu.memory_space<vmem>>
    %dma_start3A_13 = arith.constant 0 : i32
    %dma_start3A_14 = arith.constant 0 : i32
    %dma_start3A_15 = tpu.memref_slice %arg2[%dma_start3A_13, %dma_start3A_14] : memref<10000x256xf32, #tpu.memory_space<hbm>> -> memref<10000x256xf32, #tpu.memory_space<hbm>>
    tpu.enqueue_indirect_dma source(%dma_start3A_15 : memref<10000x256xf32, #tpu.memory_space<hbm>>) target(%arg7 : memref<128x256xf32, #tpu.memory_space<vmem>>) offsets(%dma_start3A_12 : memref<128xi32, #tpu.memory_space<vmem>>) semaphore(%arg9 : memref<!tpu.dma_semaphore, #tpu.memory_space<semaphore_mem>>)
    %multiple_of3A_16 = arith.constant 0 : i32
    %multiple_of3A_17 = tpu.assume_multiple %multiple_of3A_16, 128 : i32
    %add3A_18 = arith.addi %mul3A_2, %multiple_of3A_17 : i32
    %dma_start3A_19 = arith.constant 0 : i32
    %dma_start3A_20 = tpu.memref_slice %arg4[%add3A_18, %dma_start3A_19] : memref<160000x256xf32, #tpu.memory_space<hbm>> -> memref<128x256xf32, #tpu.memory_space<hbm>>
    %dma_start3A_21 = arith.constant 0 : i32
    %dma_start3A_22 = tpu.memref_slice %arg4[%add3A_18, %dma_start3A_21] : memref<160000x256xf32, #tpu.memory_space<hbm>> -> memref<128x256xf32, #tpu.memory_space<hbm>>
    tpu.enqueue_dma source(%arg6 : memref<128x256xf32, #tpu.memory_space<vmem>>) target(%dma_start3A_22 : memref<128x256xf32, #tpu.memory_space<hbm>>) target_semaphore(%arg10 : memref<!tpu.dma_semaphore, #tpu.memory_space<semaphore_mem>>)
    %scan3A = arith.constant 0 : i32
    %scan3A_23 = arith.constant 18 : i32
    %scan3A_24 = arith.addi %scan3A, %scan3A_23 : i32
    %scan3A_25 = arith.constant 1 : i32
    scf.for %scan3A_93 = %scan3A to %scan3A_24 step %scan3A_25  : i32 {
      %mul3A_94 = arith.constant 1 : i32
      %mul3A_95 = arith.muli %scan3A_93, %mul3A_94 : i32
      %add3A_96 = arith.constant 0 : i32
      %add3A_97 = arith.addi %add3A_96, %mul3A_95 : i32
      %mul3A_98 = arith.constant 2 : i32
      %mul3A_99 = arith.muli %mul3A_98, %add3A_97 : i32
      %add3A_100 = arith.constant 2 : i32
      %add3A_101 = arith.addi %mul3A_99, %add3A_100 : i32
      %add3A_102 = arith.constant 0 : i32
      %add3A_103 = arith.addi %add3A_101, %add3A_102 : i32
      %dma_wait3A_104 = arith.constant 0 : i32
      %dma_wait3A_105 = arith.constant 0 : i32
      %dma_wait3A_106 = tpu.memref_slice %arg4[%dma_wait3A_104, %dma_wait3A_105] : memref<160000x256xf32, #tpu.memory_space<hbm>> -> memref<128x256xf32, #tpu.memory_space<hbm>>
      %dma_wait3A_107 = arith.constant 0 : i32
      %dma_wait3A_108 = arith.constant 0 : i32
      %dma_wait3A_109 = tpu.memref_slice %arg4[%dma_wait3A_107, %dma_wait3A_108] : memref<160000x256xf32, #tpu.memory_space<hbm>> -> memref<128x256xf32, #tpu.memory_space<hbm>>
      tpu.wait_dma2 semaphore(%arg10 : memref<!tpu.dma_semaphore, #tpu.memory_space<semaphore_mem>>) src(%arg6 : memref<128x256xf32, #tpu.memory_space<vmem>>) dst(%dma_wait3A_109 : memref<128x256xf32, #tpu.memory_space<hbm>>)
      %dma_wait3A_110 = arith.constant 0 : i32
      %dma_wait3A_111 = tpu.memref_slice %arg5[%dma_wait3A_110] : memref<5000xi32, #tpu.memory_space<vmem>> -> memref<128xi32, #tpu.memory_space<vmem>>
      %dma_wait3A_112 = arith.constant 0 : i32
      %dma_wait3A_113 = arith.constant 0 : i32
      %dma_wait3A_114 = tpu.memref_slice %arg2[%dma_wait3A_112, %dma_wait3A_113] : memref<10000x256xf32, #tpu.memory_space<hbm>> -> memref<10000x256xf32, #tpu.memory_space<hbm>>
      tpu.wait_indirect_dma semaphore(%arg9 : memref<!tpu.dma_semaphore, #tpu.memory_space<semaphore_mem>>) src(%dma_wait3A_114 : memref<10000x256xf32, #tpu.memory_space<hbm>>) dst(%arg7 : memref<128x256xf32, #tpu.memory_space<vmem>>)
      %sub3A = arith.constant 1 : i32
      %sub3A_115 = arith.subi %add3A_103, %sub3A : i32
      %mul3A_116 = arith.constant 128 : i32
      %mul3A_117 = arith.muli %sub3A_115, %mul3A_116 : i32
      %multiple_of3A_118 = tpu.assume_multiple %mul3A_117, 128 : i32
      %add3A_119 = arith.addi %mul3A_2, %multiple_of3A_118 : i32
      %dma_start3A_120 = arith.constant 0 : i32
      %dma_start3A_121 = tpu.memref_slice %arg4[%add3A_119, %dma_start3A_120] : memref<160000x256xf32, #tpu.memory_space<hbm>> -> memref<128x256xf32, #tpu.memory_space<hbm>>
      %dma_start3A_122 = arith.constant 0 : i32
      %dma_start3A_123 = tpu.memref_slice %arg4[%add3A_119, %dma_start3A_122] : memref<160000x256xf32, #tpu.memory_space<hbm>> -> memref<128x256xf32, #tpu.memory_space<hbm>>
      tpu.enqueue_dma source(%arg7 : memref<128x256xf32, #tpu.memory_space<vmem>>) target(%dma_start3A_123 : memref<128x256xf32, #tpu.memory_space<hbm>>) target_semaphore(%arg11 : memref<!tpu.dma_semaphore, #tpu.memory_space<semaphore_mem>>)
      %mul3A_124 = arith.constant 128 : i32
      %mul3A_125 = arith.muli %add3A_103, %mul3A_124 : i32
      %multiple_of3A_126 = tpu.assume_multiple %mul3A_125, 128 : i32
      %dma_start3A_127 = tpu.memref_slice %arg5[%multiple_of3A_126] : memref<5000xi32, #tpu.memory_space<vmem>> -> memref<128xi32, #tpu.memory_space<vmem>>
      %dma_start3A_128 = arith.constant 0 : i32
      %dma_start3A_129 = arith.constant 0 : i32
      %dma_start3A_130 = tpu.memref_slice %arg2[%dma_start3A_128, %dma_start3A_129] : memref<10000x256xf32, #tpu.memory_space<hbm>> -> memref<10000x256xf32, #tpu.memory_space<hbm>>
      tpu.enqueue_indirect_dma source(%dma_start3A_130 : memref<10000x256xf32, #tpu.memory_space<hbm>>) target(%arg6 : memref<128x256xf32, #tpu.memory_space<vmem>>) offsets(%dma_start3A_127 : memref<128xi32, #tpu.memory_space<vmem>>) semaphore(%arg8 : memref<!tpu.dma_semaphore, #tpu.memory_space<semaphore_mem>>)
      %mul3A_131 = arith.constant 2 : i32
      %mul3A_132 = arith.muli %mul3A_131, %add3A_97 : i32
      %add3A_133 = arith.constant 2 : i32
      %add3A_134 = arith.addi %mul3A_132, %add3A_133 : i32
      %add3A_135 = arith.constant 1 : i32
      %add3A_136 = arith.addi %add3A_134, %add3A_135 : i32
      %dma_wait3A_137 = arith.constant 0 : i32
      %dma_wait3A_138 = arith.constant 0 : i32
      %dma_wait3A_139 = tpu.memref_slice %arg4[%dma_wait3A_137, %dma_wait3A_138] : memref<160000x256xf32, #tpu.memory_space<hbm>> -> memref<128x256xf32, #tpu.memory_space<hbm>>
      %dma_wait3A_140 = arith.constant 0 : i32
      %dma_wait3A_141 = arith.constant 0 : i32
      %dma_wait3A_142 = tpu.memref_slice %arg4[%dma_wait3A_140, %dma_wait3A_141] : memref<160000x256xf32, #tpu.memory_space<hbm>> -> memref<128x256xf32, #tpu.memory_space<hbm>>
      tpu.wait_dma2 semaphore(%arg11 : memref<!tpu.dma_semaphore, #tpu.memory_space<semaphore_mem>>) src(%arg7 : memref<128x256xf32, #tpu.memory_space<vmem>>) dst(%dma_wait3A_142 : memref<128x256xf32, #tpu.memory_space<hbm>>)
      %dma_wait3A_143 = arith.constant 0 : i32
      %dma_wait3A_144 = tpu.memref_slice %arg5[%dma_wait3A_143] : memref<5000xi32, #tpu.memory_space<vmem>> -> memref<128xi32, #tpu.memory_space<vmem>>
      %dma_wait3A_145 = arith.constant 0 : i32
      %dma_wait3A_146 = arith.constant 0 : i32
      %dma_wait3A_147 = tpu.memref_slice %arg2[%dma_wait3A_145, %dma_wait3A_146] : memref<10000x256xf32, #tpu.memory_space<hbm>> -> memref<10000x256xf32, #tpu.memory_space<hbm>>
      tpu.wait_indirect_dma semaphore(%arg8 : memref<!tpu.dma_semaphore, #tpu.memory_space<semaphore_mem>>) src(%dma_wait3A_147 : memref<10000x256xf32, #tpu.memory_space<hbm>>) dst(%arg6 : memref<128x256xf32, #tpu.memory_space<vmem>>)
      %sub3A_148 = arith.constant 1 : i32
      %sub3A_149 = arith.subi %add3A_136, %sub3A_148 : i32
      %mul3A_150 = arith.constant 128 : i32
      %mul3A_151 = arith.muli %sub3A_149, %mul3A_150 : i32
      %multiple_of3A_152 = tpu.assume_multiple %mul3A_151, 128 : i32
      %add3A_153 = arith.addi %mul3A_2, %multiple_of3A_152 : i32
      %dma_start3A_154 = arith.constant 0 : i32
      %dma_start3A_155 = tpu.memref_slice %arg4[%add3A_153, %dma_start3A_154] : memref<160000x256xf32, #tpu.memory_space<hbm>> -> memref<128x256xf32, #tpu.memory_space<hbm>>
      %dma_start3A_156 = arith.constant 0 : i32
      %dma_start3A_157 = tpu.memref_slice %arg4[%add3A_153, %dma_start3A_156] : memref<160000x256xf32, #tpu.memory_space<hbm>> -> memref<128x256xf32, #tpu.memory_space<hbm>>
      tpu.enqueue_dma source(%arg6 : memref<128x256xf32, #tpu.memory_space<vmem>>) target(%dma_start3A_157 : memref<128x256xf32, #tpu.memory_space<hbm>>) target_semaphore(%arg10 : memref<!tpu.dma_semaphore, #tpu.memory_space<semaphore_mem>>)
      %mul3A_158 = arith.constant 128 : i32
      %mul3A_159 = arith.muli %add3A_136, %mul3A_158 : i32
      %multiple_of3A_160 = tpu.assume_multiple %mul3A_159, 128 : i32
      %dma_start3A_161 = tpu.memref_slice %arg5[%multiple_of3A_160] : memref<5000xi32, #tpu.memory_space<vmem>> -> memref<128xi32, #tpu.memory_space<vmem>>
      %dma_start3A_162 = arith.constant 0 : i32
      %dma_start3A_163 = arith.constant 0 : i32
      %dma_start3A_164 = tpu.memref_slice %arg2[%dma_start3A_162, %dma_start3A_163] : memref<10000x256xf32, #tpu.memory_space<hbm>> -> memref<10000x256xf32, #tpu.memory_space<hbm>>
      tpu.enqueue_indirect_dma source(%dma_start3A_164 : memref<10000x256xf32, #tpu.memory_space<hbm>>) target(%arg7 : memref<128x256xf32, #tpu.memory_space<vmem>>) offsets(%dma_start3A_161 : memref<128xi32, #tpu.memory_space<vmem>>) semaphore(%arg9 : memref<!tpu.dma_semaphore, #tpu.memory_space<semaphore_mem>>)
    }
    %scan3A_26 = arith.constant 18 : i32
    %dma_wait3A_27 = arith.constant 0 : i32
    %dma_wait3A_28 = arith.constant 0 : i32
    %dma_wait3A_29 = tpu.memref_slice %arg4[%dma_wait3A_27, %dma_wait3A_28] : memref<160000x256xf32, #tpu.memory_space<hbm>> -> memref<128x256xf32, #tpu.memory_space<hbm>>
    %dma_wait3A_30 = arith.constant 0 : i32
    %dma_wait3A_31 = arith.constant 0 : i32
    %dma_wait3A_32 = tpu.memref_slice %arg4[%dma_wait3A_30, %dma_wait3A_31] : memref<160000x256xf32, #tpu.memory_space<hbm>> -> memref<128x256xf32, #tpu.memory_space<hbm>>
    tpu.wait_dma2 semaphore(%arg10 : memref<!tpu.dma_semaphore, #tpu.memory_space<semaphore_mem>>) src(%arg6 : memref<128x256xf32, #tpu.memory_space<vmem>>) dst(%dma_wait3A_32 : memref<128x256xf32, #tpu.memory_space<hbm>>)
    %dma_wait3A_33 = arith.constant 0 : i32
    %dma_wait3A_34 = tpu.memref_slice %arg5[%dma_wait3A_33] : memref<5000xi32, #tpu.memory_space<vmem>> -> memref<128xi32, #tpu.memory_space<vmem>>
    %dma_wait3A_35 = arith.constant 0 : i32
    %dma_wait3A_36 = arith.constant 0 : i32
    %dma_wait3A_37 = tpu.memref_slice %arg2[%dma_wait3A_35, %dma_wait3A_36] : memref<10000x256xf32, #tpu.memory_space<hbm>> -> memref<10000x256xf32, #tpu.memory_space<hbm>>
    tpu.wait_indirect_dma semaphore(%arg9 : memref<!tpu.dma_semaphore, #tpu.memory_space<semaphore_mem>>) src(%dma_wait3A_37 : memref<10000x256xf32, #tpu.memory_space<hbm>>) dst(%arg7 : memref<128x256xf32, #tpu.memory_space<vmem>>)
    %multiple_of3A_38 = arith.constant 4736 : i32
    %multiple_of3A_39 = tpu.assume_multiple %multiple_of3A_38, 128 : i32
    %add3A_40 = arith.addi %mul3A_2, %multiple_of3A_39 : i32
    %dma_start3A_41 = arith.constant 0 : i32
    %dma_start3A_42 = tpu.memref_slice %arg4[%add3A_40, %dma_start3A_41] : memref<160000x256xf32, #tpu.memory_space<hbm>> -> memref<128x256xf32, #tpu.memory_space<hbm>>
    %dma_start3A_43 = arith.constant 0 : i32
    %dma_start3A_44 = tpu.memref_slice %arg4[%add3A_40, %dma_start3A_43] : memref<160000x256xf32, #tpu.memory_space<hbm>> -> memref<128x256xf32, #tpu.memory_space<hbm>>
    tpu.enqueue_dma source(%arg7 : memref<128x256xf32, #tpu.memory_space<vmem>>) target(%dma_start3A_44 : memref<128x256xf32, #tpu.memory_space<hbm>>) target_semaphore(%arg11 : memref<!tpu.dma_semaphore, #tpu.memory_space<semaphore_mem>>)
    %multiple_of3A_45 = arith.constant 4864 : i32
    %multiple_of3A_46 = tpu.assume_multiple %multiple_of3A_45, 128 : i32
    %dma_start3A_47 = tpu.memref_slice %arg5[%multiple_of3A_46] : memref<5000xi32, #tpu.memory_space<vmem>> -> memref<128xi32, #tpu.memory_space<vmem>>
    %dma_start3A_48 = arith.constant 0 : i32
    %dma_start3A_49 = arith.constant 0 : i32
    %dma_start3A_50 = tpu.memref_slice %arg2[%dma_start3A_48, %dma_start3A_49] : memref<10000x256xf32, #tpu.memory_space<hbm>> -> memref<10000x256xf32, #tpu.memory_space<hbm>>
    tpu.enqueue_indirect_dma source(%dma_start3A_50 : memref<10000x256xf32, #tpu.memory_space<hbm>>) target(%arg6 : memref<128x256xf32, #tpu.memory_space<vmem>>) offsets(%dma_start3A_47 : memref<128xi32, #tpu.memory_space<vmem>>) semaphore(%arg8 : memref<!tpu.dma_semaphore, #tpu.memory_space<semaphore_mem>>)
    %dma_wait3A_51 = arith.constant 0 : i32
    %dma_wait3A_52 = tpu.memref_slice %arg5[%dma_wait3A_51] : memref<5000xi32, #tpu.memory_space<vmem>> -> memref<128xi32, #tpu.memory_space<vmem>>
    %dma_wait3A_53 = arith.constant 0 : i32
    %dma_wait3A_54 = arith.constant 0 : i32
    %dma_wait3A_55 = tpu.memref_slice %arg2[%dma_wait3A_53, %dma_wait3A_54] : memref<10000x256xf32, #tpu.memory_space<hbm>> -> memref<10000x256xf32, #tpu.memory_space<hbm>>
    tpu.wait_indirect_dma semaphore(%arg8 : memref<!tpu.dma_semaphore, #tpu.memory_space<semaphore_mem>>) src(%dma_wait3A_55 : memref<10000x256xf32, #tpu.memory_space<hbm>>) dst(%arg6 : memref<128x256xf32, #tpu.memory_space<vmem>>)
    %multiple_of3A_56 = arith.constant 4864 : i32
    %multiple_of3A_57 = tpu.assume_multiple %multiple_of3A_56, 128 : i32
    %add3A_58 = arith.addi %mul3A_2, %multiple_of3A_57 : i32
    %dma_start3A_59 = arith.constant 0 : i32
    %dma_start3A_60 = tpu.memref_slice %arg4[%add3A_58, %dma_start3A_59] : memref<160000x256xf32, #tpu.memory_space<hbm>> -> memref<128x256xf32, #tpu.memory_space<hbm>>
    %dma_start3A_61 = arith.constant 0 : i32
    %dma_start3A_62 = tpu.memref_slice %arg4[%add3A_58, %dma_start3A_61] : memref<160000x256xf32, #tpu.memory_space<hbm>> -> memref<128x256xf32, #tpu.memory_space<hbm>>
    tpu.enqueue_dma source(%arg6 : memref<128x256xf32, #tpu.memory_space<vmem>>) target(%dma_start3A_62 : memref<128x256xf32, #tpu.memory_space<hbm>>) target_semaphore(%arg10 : memref<!tpu.dma_semaphore, #tpu.memory_space<semaphore_mem>>)
    %dma_wait3A_63 = arith.constant 0 : i32
    %dma_wait3A_64 = arith.constant 0 : i32
    %dma_wait3A_65 = tpu.memref_slice %arg4[%dma_wait3A_63, %dma_wait3A_64] : memref<160000x256xf32, #tpu.memory_space<hbm>> -> memref<128x256xf32, #tpu.memory_space<hbm>>
    %dma_wait3A_66 = arith.constant 0 : i32
    %dma_wait3A_67 = arith.constant 0 : i32
    %dma_wait3A_68 = tpu.memref_slice %arg4[%dma_wait3A_66, %dma_wait3A_67] : memref<160000x256xf32, #tpu.memory_space<hbm>> -> memref<128x256xf32, #tpu.memory_space<hbm>>
    tpu.wait_dma2 semaphore(%arg11 : memref<!tpu.dma_semaphore, #tpu.memory_space<semaphore_mem>>) src(%arg7 : memref<128x256xf32, #tpu.memory_space<vmem>>) dst(%dma_wait3A_68 : memref<128x256xf32, #tpu.memory_space<hbm>>)
    %dma_start3A_69 = arith.constant 0 : i32
    %dma_start3A_70 = arith.constant 0 : i32
    %dma_start3A_71 = tpu.memref_slice %arg7[%dma_start3A_69, %dma_start3A_70] : memref<128x256xf32, #tpu.memory_space<vmem>> -> memref<8x256xf32, #tpu.memory_space<vmem>>
    %dma_start3A_72 = arith.constant 4992 : i32
    %dma_start3A_73 = tpu.memref_slice %arg5[%dma_start3A_72] : memref<5000xi32, #tpu.memory_space<vmem>> -> memref<8xi32, #tpu.memory_space<vmem>>
    %dma_start3A_74 = arith.constant 0 : i32
    %dma_start3A_75 = arith.constant 0 : i32
    %dma_start3A_76 = tpu.memref_slice %arg2[%dma_start3A_74, %dma_start3A_75] : memref<10000x256xf32, #tpu.memory_space<hbm>> -> memref<10000x256xf32, #tpu.memory_space<hbm>>
    tpu.enqueue_indirect_dma source(%dma_start3A_76 : memref<10000x256xf32, #tpu.memory_space<hbm>>) target(%dma_start3A_71 : memref<8x256xf32, #tpu.memory_space<vmem>>) offsets(%dma_start3A_73 : memref<8xi32, #tpu.memory_space<vmem>>) semaphore(%arg9 : memref<!tpu.dma_semaphore, #tpu.memory_space<semaphore_mem>>)
    %dma_wait3A_77 = arith.constant 0 : i32
    %dma_wait3A_78 = arith.constant 0 : i32
    %dma_wait3A_79 = tpu.memref_slice %arg7[%dma_wait3A_77, %dma_wait3A_78] : memref<128x256xf32, #tpu.memory_space<vmem>> -> memref<8x256xf32, #tpu.memory_space<vmem>>
    %dma_wait3A_80 = arith.constant 4992 : i32
    %dma_wait3A_81 = tpu.memref_slice %arg5[%dma_wait3A_80] : memref<5000xi32, #tpu.memory_space<vmem>> -> memref<8xi32, #tpu.memory_space<vmem>>
    %dma_wait3A_82 = arith.constant 0 : i32
    %dma_wait3A_83 = arith.constant 0 : i32
    %dma_wait3A_84 = tpu.memref_slice %arg2[%dma_wait3A_82, %dma_wait3A_83] : memref<10000x256xf32, #tpu.memory_space<hbm>> -> memref<10000x256xf32, #tpu.memory_space<hbm>>
    tpu.wait_indirect_dma semaphore(%arg9 : memref<!tpu.dma_semaphore, #tpu.memory_space<semaphore_mem>>) src(%dma_wait3A_84 : memref<10000x256xf32, #tpu.memory_space<hbm>>) dst(%dma_wait3A_79 : memref<8x256xf32, #tpu.memory_space<vmem>>)
    %add3A_85 = arith.constant 4992 : i32
    %add3A_86 = arith.addi %mul3A_2, %add3A_85 : i32
    "tpu.region"() ({
      %run_scoped3A = tpu.sem_alloc : memref<!tpu.dma_semaphore, #tpu.memory_space<semaphore_mem>>
      %dma_start3A_93 = arith.constant 0 : i32
      %dma_start3A_94 = arith.constant 0 : i32
      %dma_start3A_95 = tpu.memref_slice %arg7[%dma_start3A_93, %dma_start3A_94] : memref<128x256xf32, #tpu.memory_space<vmem>> -> memref<8x256xf32, #tpu.memory_space<vmem>>
      %dma_start3A_96 = arith.constant 0 : i32
      %dma_start3A_97 = tpu.memref_slice %arg4[%add3A_86, %dma_start3A_96] : memref<160000x256xf32, #tpu.memory_space<hbm>> -> memref<8x256xf32, #tpu.memory_space<hbm>>
      %dma_start3A_98 = arith.constant 0 : i32
      %dma_start3A_99 = tpu.memref_slice %arg4[%add3A_86, %dma_start3A_98] : memref<160000x256xf32, #tpu.memory_space<hbm>> -> memref<8x256xf32, #tpu.memory_space<hbm>>
      %dma_start3A_100 = arith.constant 0 : i32
      %dma_start3A_101 = arith.constant 0 : i32
      %dma_start3A_102 = tpu.memref_slice %arg7[%dma_start3A_100, %dma_start3A_101] : memref<128x256xf32, #tpu.memory_space<vmem>> -> memref<8x256xf32, #tpu.memory_space<vmem>>
      tpu.enqueue_dma source(%dma_start3A_102 : memref<8x256xf32, #tpu.memory_space<vmem>>) target(%dma_start3A_99 : memref<8x256xf32, #tpu.memory_space<hbm>>) target_semaphore(%run_scoped3A : memref<!tpu.dma_semaphore, #tpu.memory_space<semaphore_mem>>)
      %dma_wait3A_103 = arith.constant 0 : i32
      %dma_wait3A_104 = arith.constant 0 : i32
      %dma_wait3A_105 = tpu.memref_slice %arg7[%dma_wait3A_103, %dma_wait3A_104] : memref<128x256xf32, #tpu.memory_space<vmem>> -> memref<8x256xf32, #tpu.memory_space<vmem>>
      %dma_wait3A_106 = arith.constant 0 : i32
      %dma_wait3A_107 = tpu.memref_slice %arg4[%add3A_86, %dma_wait3A_106] : memref<160000x256xf32, #tpu.memory_space<hbm>> -> memref<8x256xf32, #tpu.memory_space<hbm>>
      %dma_wait3A_108 = arith.constant 0 : i32
      %dma_wait3A_109 = tpu.memref_slice %arg4[%add3A_86, %dma_wait3A_108] : memref<160000x256xf32, #tpu.memory_space<hbm>> -> memref<8x256xf32, #tpu.memory_space<hbm>>
      %dma_wait3A_110 = arith.constant 0 : i32
      %dma_wait3A_111 = arith.constant 0 : i32
      %dma_wait3A_112 = tpu.memref_slice %arg7[%dma_wait3A_110, %dma_wait3A_111] : memref<128x256xf32, #tpu.memory_space<vmem>> -> memref<8x256xf32, #tpu.memory_space<vmem>>
      tpu.wait_dma2 semaphore(%run_scoped3A : memref<!tpu.dma_semaphore, #tpu.memory_space<semaphore_mem>>) src(%dma_wait3A_112 : memref<8x256xf32, #tpu.memory_space<vmem>>) dst(%dma_wait3A_109 : memref<8x256xf32, #tpu.memory_space<hbm>>)
      tpu.yield
    }) : () -> ()
    %dma_wait3A_87 = arith.constant 0 : i32
    %dma_wait3A_88 = arith.constant 0 : i32
    %dma_wait3A_89 = tpu.memref_slice %arg4[%dma_wait3A_87, %dma_wait3A_88] : memref<160000x256xf32, #tpu.memory_space<hbm>> -> memref<128x256xf32, #tpu.memory_space<hbm>>
    %dma_wait3A_90 = arith.constant 0 : i32
    %dma_wait3A_91 = arith.constant 0 : i32
    %dma_wait3A_92 = tpu.memref_slice %arg4[%dma_wait3A_90, %dma_wait3A_91] : memref<160000x256xf32, #tpu.memory_space<hbm>> -> memref<128x256xf32, #tpu.memory_space<hbm>>
    tpu.wait_dma2 semaphore(%arg10 : memref<!tpu.dma_semaphore, #tpu.memory_space<semaphore_mem>>) src(%arg6 : memref<128x256xf32, #tpu.memory_space<vmem>>) dst(%dma_wait3A_92 : memref<128x256xf32, #tpu.memory_space<hbm>>)
    return
  }
}

#map = affine_map<(d0, d1) -> (0, 0)>
#map1 = affine_map<(d0, d1) -> (0)>
module attributes {stable_mosaic.version = 14 : i64} {
  func.func @_sc_gather(%arg0: i32, %arg1: i32, %arg2: memref<10000x256xf32, #tpu.memory_space<hbm>>, %arg3: memref<160000xi32, #tpu.memory_space<hbm>>, %arg4: memref<160000x256xf32, #tpu.memory_space<hbm>>, %arg5: memref<5000xi32, #tpu.memory_space<vmem>>, %arg6: memref<128x256xf32, #tpu.memory_space<vmem>>, %arg7: memref<128x256xf32, #tpu.memory_space<vmem>>, %arg8: memref<!tpu.dma_semaphore, #tpu.memory_space<semaphore_mem>>, %arg9: memref<!tpu.dma_semaphore, #tpu.memory_space<semaphore_mem>>, %arg10: memref<!tpu.dma_semaphore, #tpu.memory_space<semaphore_mem>>, %arg11: memref<!tpu.dma_semaphore, #tpu.memory_space<semaphore_mem>>) attributes {dimension_semantics = [#tpu.dimension_semantics<core_parallel>, #tpu.dimension_semantics<subcore_parallel>], iteration_bounds = array<i64: 2, 16>, scalar_prefetch = 0 : i64, scratch_operands = 7 : i64, tpu.core_type = #tpu.core_type<sc_vector_subcore>, window_params = [{transform_indices = #map}, {transform_indices = #map1}, {transform_indices = #map}]} {
    %mul3A = arith.constant 2 : i32
    %mul3A_0 = arith.muli %arg1, %mul3A : i32
    %add3A = arith.addi %mul3A_0, %arg0 : i32
    %mul3A_1 = arith.constant 5000 : i32
    %mul3A_2 = arith.muli %add3A, %mul3A_1 : i32
    "tpu.region"() ({
      %run_scoped3A = tpu.sem_alloc : memref<!tpu.dma_semaphore, #tpu.memory_space<semaphore_mem>>
      %dma_start3A_93 = tpu.memref_slice %arg3[%mul3A_2] : memref<160000xi32, #tpu.memory_space<hbm>> -> memref<5000xi32, #tpu.memory_space<hbm>>
      %dma_start3A_94 = tpu.memref_slice %arg3[%mul3A_2] : memref<160000xi32, #tpu.memory_space<hbm>> -> memref<5000xi32, #tpu.memory_space<hbm>>
      tpu.enqueue_dma source(%dma_start3A_94 : memref<5000xi32, #tpu.memory_space<hbm>>) target(%arg5 : memref<5000xi32, #tpu.memory_space<vmem>>) target_semaphore(%run_scoped3A : memref<!tpu.dma_semaphore, #tpu.memory_space<semaphore_mem>>)
      %dma_wait3A_95 = tpu.memref_slice %arg3[%mul3A_2] : memref<160000xi32, #tpu.memory_space<hbm>> -> memref<5000xi32, #tpu.memory_space<hbm>>
      %dma_wait3A_96 = tpu.memref_slice %arg3[%mul3A_2] : memref<160000xi32, #tpu.memory_space<hbm>> -> memref<5000xi32, #tpu.memory_space<hbm>>
      tpu.wait_dma2 semaphore(%run_scoped3A : memref<!tpu.dma_semaphore, #tpu.memory_space<semaphore_mem>>) src(%dma_wait3A_96 : memref<5000xi32, #tpu.memory_space<hbm>>) dst(%arg5 : memref<5000xi32, #tpu.memory_space<vmem>>)
      tpu.yield
    }) : () -> ()
    %multiple_of3A = arith.constant 0 : i32
    %multiple_of3A_3 = tpu.assume_multiple %multiple_of3A, 128 : i32
    %dma_start3A = tpu.memref_slice %arg5[%multiple_of3A_3] : memref<5000xi32, #tpu.memory_space<vmem>> -> memref<128xi32, #tpu.memory_space<vmem>>
    %dma_start3A_4 = arith.constant 0 : i32
    %dma_start3A_5 = arith.constant 0 : i32
    %dma_start3A_6 = tpu.memref_slice %arg2[%dma_start3A_4, %dma_start3A_5] : memref<10000x256xf32, #tpu.memory_space<hbm>> -> memref<10000x256xf32, #tpu.memory_space<hbm>>
    tpu.enqueue_indirect_dma source(%dma_start3A_6 : memref<10000x256xf32, #tpu.memory_space<hbm>>) target(%arg6 : memref<128x256xf32, #tpu.memory_space<vmem>>) offsets(%dma_start3A : memref<128xi32, #tpu.memory_space<vmem>>) semaphore(%arg8 : memref<!tpu.dma_semaphore, #tpu.memory_space<semaphore_mem>>)
    %dma_wait3A = tpu.memref_slice %arg5[%multiple_of3A_3] : memref<5000xi32, #tpu.memory_space<vmem>> -> memref<128xi32, #tpu.memory_space<vmem>>
    %dma_wait3A_7 = arith.constant 0 : i32
    %dma_wait3A_8 = arith.constant 0 : i32
    %dma_wait3A_9 = tpu.memref_slice %arg2[%dma_wait3A_7, %dma_wait3A_8] : memref<10000x256xf32, #tpu.memory_space<hbm>> -> memref<10000x256xf32, #tpu.memory_space<hbm>>
    tpu.wait_indirect_dma semaphore(%arg8 : memref<!tpu.dma_semaphore, #tpu.memory_space<semaphore_mem>>) src(%dma_wait3A_9 : memref<10000x256xf32, #tpu.memory_space<hbm>>) dst(%arg6 : memref<128x256xf32, #tpu.memory_space<vmem>>)
    %multiple_of3A_10 = arith.constant 128 : i32
    %multiple_of3A_11 = tpu.assume_multiple %multiple_of3A_10, 128 : i32
    %dma_start3A_12 = tpu.memref_slice %arg5[%multiple_of3A_11] : memref<5000xi32, #tpu.memory_space<vmem>> -> memref<128xi32, #tpu.memory_space<vmem>>
    %dma_start3A_13 = arith.constant 0 : i32
    %dma_start3A_14 = arith.constant 0 : i32
    %dma_start3A_15 = tpu.memref_slice %arg2[%dma_start3A_13, %dma_start3A_14] : memref<10000x256xf32, #tpu.memory_space<hbm>> -> memref<10000x256xf32, #tpu.memory_space<hbm>>
    tpu.enqueue_indirect_dma source(%dma_start3A_15 : memref<10000x256xf32, #tpu.memory_space<hbm>>) target(%arg7 : memref<128x256xf32, #tpu.memory_space<vmem>>) offsets(%dma_start3A_12 : memref<128xi32, #tpu.memory_space<vmem>>) semaphore(%arg9 : memref<!tpu.dma_semaphore, #tpu.memory_space<semaphore_mem>>)
    %multiple_of3A_16 = arith.constant 0 : i32
    %multiple_of3A_17 = tpu.assume_multiple %multiple_of3A_16, 128 : i32
    %add3A_18 = arith.addi %mul3A_2, %multiple_of3A_17 : i32
    %dma_start3A_19 = arith.constant 0 : i32
    %dma_start3A_20 = tpu.memref_slice %arg4[%add3A_18, %dma_start3A_19] : memref<160000x256xf32, #tpu.memory_space<hbm>> -> memref<128x256xf32, #tpu.memory_space<hbm>>
    %dma_start3A_21 = arith.constant 0 : i32
    %dma_start3A_22 = tpu.memref_slice %arg4[%add3A_18, %dma_start3A_21] : memref<160000x256xf32, #tpu.memory_space<hbm>> -> memref<128x256xf32, #tpu.memory_space<hbm>>
    tpu.enqueue_dma source(%arg6 : memref<128x256xf32, #tpu.memory_space<vmem>>) target(%dma_start3A_22 : memref<128x256xf32, #tpu.memory_space<hbm>>) target_semaphore(%arg10 : memref<!tpu.dma_semaphore, #tpu.memory_space<semaphore_mem>>)
    %scan3A = arith.constant 0 : i32
    %scan3A_23 = arith.constant 18 : i32
    %scan3A_24 = arith.addi %scan3A, %scan3A_23 : i32
    %scan3A_25 = arith.constant 1 : i32
    scf.for %scan3A_93 = %scan3A to %scan3A_24 step %scan3A_25  : i32 {
      %mul3A_94 = arith.constant 1 : i32
      %mul3A_95 = arith.muli %scan3A_93, %mul3A_94 : i32
      %add3A_96 = arith.constant 0 : i32
      %add3A_97 = arith.addi %add3A_96, %mul3A_95 : i32
      %mul3A_98 = arith.constant 2 : i32
      %mul3A_99 = arith.muli %mul3A_98, %add3A_97 : i32
      %add3A_100 = arith.constant 2 : i32
      %add3A_101 = arith.addi %mul3A_99, %add3A_100 : i32
      %add3A_102 = arith.constant 0 : i32
      %add3A_103 = arith.addi %add3A_101, %add3A_102 : i32
      %dma_wait3A_104 = arith.constant 0 : i32
      %dma_wait3A_105 = arith.constant 0 : i32
      %dma_wait3A_106 = tpu.memref_slice %arg4[%dma_wait3A_104, %dma_wait3A_105] : memref<160000x256xf32, #tpu.memory_space<hbm>> -> memref<128x256xf32, #tpu.memory_space<hbm>>
      %dma_wait3A_107 = arith.constant 0 : i32
      %dma_wait3A_108 = arith.constant 0 : i32
      %dma_wait3A_109 = tpu.memref_slice %arg4[%dma_wait3A_107, %dma_wait3A_108] : memref<160000x256xf32, #tpu.memory_space<hbm>> -> memref<128x256xf32, #tpu.memory_space<hbm>>
      tpu.wait_dma2 semaphore(%arg10 : memref<!tpu.dma_semaphore, #tpu.memory_space<semaphore_mem>>) src(%arg6 : memref<128x256xf32, #tpu.memory_space<vmem>>) dst(%dma_wait3A_109 : memref<128x256xf32, #tpu.memory_space<hbm>>)
      %dma_wait3A_110 = arith.constant 0 : i32
      %dma_wait3A_111 = tpu.memref_slice %arg5[%dma_wait3A_110] : memref<5000xi32, #tpu.memory_space<vmem>> -> memref<128xi32, #tpu.memory_space<vmem>>
      %dma_wait3A_112 = arith.constant 0 : i32
      %dma_wait3A_113 = arith.constant 0 : i32
      %dma_wait3A_114 = tpu.memref_slice %arg2[%dma_wait3A_112, %dma_wait3A_113] : memref<10000x256xf32, #tpu.memory_space<hbm>> -> memref<10000x256xf32, #tpu.memory_space<hbm>>
      tpu.wait_indirect_dma semaphore(%arg9 : memref<!tpu.dma_semaphore, #tpu.memory_space<semaphore_mem>>) src(%dma_wait3A_114 : memref<10000x256xf32, #tpu.memory_space<hbm>>) dst(%arg7 : memref<128x256xf32, #tpu.memory_space<vmem>>)
      %sub3A = arith.constant 1 : i32
      %sub3A_115 = arith.subi %add3A_103, %sub3A : i32
      %mul3A_116 = arith.constant 128 : i32
      %mul3A_117 = arith.muli %sub3A_115, %mul3A_116 : i32
      %multiple_of3A_118 = tpu.assume_multiple %mul3A_117, 128 : i32
      %add3A_119 = arith.addi %mul3A_2, %multiple_of3A_118 : i32
      %dma_start3A_120 = arith.constant 0 : i32
      %dma_start3A_121 = tpu.memref_slice %arg4[%add3A_119, %dma_start3A_120] : memref<160000x256xf32, #tpu.memory_space<hbm>> -> memref<128x256xf32, #tpu.memory_space<hbm>>
      %dma_start3A_122 = arith.constant 0 : i32
      %dma_start3A_123 = tpu.memref_slice %arg4[%add3A_119, %dma_start3A_122] : memref<160000x256xf32, #tpu.memory_space<hbm>> -> memref<128x256xf32, #tpu.memory_space<hbm>>
      tpu.enqueue_dma source(%arg7 : memref<128x256xf32, #tpu.memory_space<vmem>>) target(%dma_start3A_123 : memref<128x256xf32, #tpu.memory_space<hbm>>) target_semaphore(%arg11 : memref<!tpu.dma_semaphore, #tpu.memory_space<semaphore_mem>>)
      %mul3A_124 = arith.constant 128 : i32
      %mul3A_125 = arith.muli %add3A_103, %mul3A_124 : i32
      %multiple_of3A_126 = tpu.assume_multiple %mul3A_125, 128 : i32
      %dma_start3A_127 = tpu.memref_slice %arg5[%multiple_of3A_126] : memref<5000xi32, #tpu.memory_space<vmem>> -> memref<128xi32, #tpu.memory_space<vmem>>
      %dma_start3A_128 = arith.constant 0 : i32
      %dma_start3A_129 = arith.constant 0 : i32
      %dma_start3A_130 = tpu.memref_slice %arg2[%dma_start3A_128, %dma_start3A_129] : memref<10000x256xf32, #tpu.memory_space<hbm>> -> memref<10000x256xf32, #tpu.memory_space<hbm>>
      tpu.enqueue_indirect_dma source(%dma_start3A_130 : memref<10000x256xf32, #tpu.memory_space<hbm>>) target(%arg6 : memref<128x256xf32, #tpu.memory_space<vmem>>) offsets(%dma_start3A_127 : memref<128xi32, #tpu.memory_space<vmem>>) semaphore(%arg8 : memref<!tpu.dma_semaphore, #tpu.memory_space<semaphore_mem>>)
      %mul3A_131 = arith.constant 2 : i32
      %mul3A_132 = arith.muli %mul3A_131, %add3A_97 : i32
      %add3A_133 = arith.constant 2 : i32
      %add3A_134 = arith.addi %mul3A_132, %add3A_133 : i32
      %add3A_135 = arith.constant 1 : i32
      %add3A_136 = arith.addi %add3A_134, %add3A_135 : i32
      %dma_wait3A_137 = arith.constant 0 : i32
      %dma_wait3A_138 = arith.constant 0 : i32
      %dma_wait3A_139 = tpu.memref_slice %arg4[%dma_wait3A_137, %dma_wait3A_138] : memref<160000x256xf32, #tpu.memory_space<hbm>> -> memref<128x256xf32, #tpu.memory_space<hbm>>
      %dma_wait3A_140 = arith.constant 0 : i32
      %dma_wait3A_141 = arith.constant 0 : i32
      %dma_wait3A_142 = tpu.memref_slice %arg4[%dma_wait3A_140, %dma_wait3A_141] : memref<160000x256xf32, #tpu.memory_space<hbm>> -> memref<128x256xf32, #tpu.memory_space<hbm>>
      tpu.wait_dma2 semaphore(%arg11 : memref<!tpu.dma_semaphore, #tpu.memory_space<semaphore_mem>>) src(%arg7 : memref<128x256xf32, #tpu.memory_space<vmem>>) dst(%dma_wait3A_142 : memref<128x256xf32, #tpu.memory_space<hbm>>)
      %dma_wait3A_143 = arith.constant 0 : i32
      %dma_wait3A_144 = tpu.memref_slice %arg5[%dma_wait3A_143] : memref<5000xi32, #tpu.memory_space<vmem>> -> memref<128xi32, #tpu.memory_space<vmem>>
      %dma_wait3A_145 = arith.constant 0 : i32
      %dma_wait3A_146 = arith.constant 0 : i32
      %dma_wait3A_147 = tpu.memref_slice %arg2[%dma_wait3A_145, %dma_wait3A_146] : memref<10000x256xf32, #tpu.memory_space<hbm>> -> memref<10000x256xf32, #tpu.memory_space<hbm>>
      tpu.wait_indirect_dma semaphore(%arg8 : memref<!tpu.dma_semaphore, #tpu.memory_space<semaphore_mem>>) src(%dma_wait3A_147 : memref<10000x256xf32, #tpu.memory_space<hbm>>) dst(%arg6 : memref<128x256xf32, #tpu.memory_space<vmem>>)
      %sub3A_148 = arith.constant 1 : i32
      %sub3A_149 = arith.subi %add3A_136, %sub3A_148 : i32
      %mul3A_150 = arith.constant 128 : i32
      %mul3A_151 = arith.muli %sub3A_149, %mul3A_150 : i32
      %multiple_of3A_152 = tpu.assume_multiple %mul3A_151, 128 : i32
      %add3A_153 = arith.addi %mul3A_2, %multiple_of3A_152 : i32
      %dma_start3A_154 = arith.constant 0 : i32
      %dma_start3A_155 = tpu.memref_slice %arg4[%add3A_153, %dma_start3A_154] : memref<160000x256xf32, #tpu.memory_space<hbm>> -> memref<128x256xf32, #tpu.memory_space<hbm>>
      %dma_start3A_156 = arith.constant 0 : i32
      %dma_start3A_157 = tpu.memref_slice %arg4[%add3A_153, %dma_start3A_156] : memref<160000x256xf32, #tpu.memory_space<hbm>> -> memref<128x256xf32, #tpu.memory_space<hbm>>
      tpu.enqueue_dma source(%arg6 : memref<128x256xf32, #tpu.memory_space<vmem>>) target(%dma_start3A_157 : memref<128x256xf32, #tpu.memory_space<hbm>>) target_semaphore(%arg10 : memref<!tpu.dma_semaphore, #tpu.memory_space<semaphore_mem>>)
      %mul3A_158 = arith.constant 128 : i32
      %mul3A_159 = arith.muli %add3A_136, %mul3A_158 : i32
      %multiple_of3A_160 = tpu.assume_multiple %mul3A_159, 128 : i32
      %dma_start3A_161 = tpu.memref_slice %arg5[%multiple_of3A_160] : memref<5000xi32, #tpu.memory_space<vmem>> -> memref<128xi32, #tpu.memory_space<vmem>>
      %dma_start3A_162 = arith.constant 0 : i32
      %dma_start3A_163 = arith.constant 0 : i32
      %dma_start3A_164 = tpu.memref_slice %arg2[%dma_start3A_162, %dma_start3A_163] : memref<10000x256xf32, #tpu.memory_space<hbm>> -> memref<10000x256xf32, #tpu.memory_space<hbm>>
      tpu.enqueue_indirect_dma source(%dma_start3A_164 : memref<10000x256xf32, #tpu.memory_space<hbm>>) target(%arg7 : memref<128x256xf32, #tpu.memory_space<vmem>>) offsets(%dma_start3A_161 : memref<128xi32, #tpu.memory_space<vmem>>) semaphore(%arg9 : memref<!tpu.dma_semaphore, #tpu.memory_space<semaphore_mem>>)
    }
    %scan3A_26 = arith.constant 18 : i32
    %dma_wait3A_27 = arith.constant 0 : i32
    %dma_wait3A_28 = arith.constant 0 : i32
    %dma_wait3A_29 = tpu.memref_slice %arg4[%dma_wait3A_27, %dma_wait3A_28] : memref<160000x256xf32, #tpu.memory_space<hbm>> -> memref<128x256xf32, #tpu.memory_space<hbm>>
    %dma_wait3A_30 = arith.constant 0 : i32
    %dma_wait3A_31 = arith.constant 0 : i32
    %dma_wait3A_32 = tpu.memref_slice %arg4[%dma_wait3A_30, %dma_wait3A_31] : memref<160000x256xf32, #tpu.memory_space<hbm>> -> memref<128x256xf32, #tpu.memory_space<hbm>>
    tpu.wait_dma2 semaphore(%arg10 : memref<!tpu.dma_semaphore, #tpu.memory_space<semaphore_mem>>) src(%arg6 : memref<128x256xf32, #tpu.memory_space<vmem>>) dst(%dma_wait3A_32 : memref<128x256xf32, #tpu.memory_space<hbm>>)
    %dma_wait3A_33 = arith.constant 0 : i32
    %dma_wait3A_34 = tpu.memref_slice %arg5[%dma_wait3A_33] : memref<5000xi32, #tpu.memory_space<vmem>> -> memref<128xi32, #tpu.memory_space<vmem>>
    %dma_wait3A_35 = arith.constant 0 : i32
    %dma_wait3A_36 = arith.constant 0 : i32
    %dma_wait3A_37 = tpu.memref_slice %arg2[%dma_wait3A_35, %dma_wait3A_36] : memref<10000x256xf32, #tpu.memory_space<hbm>> -> memref<10000x256xf32, #tpu.memory_space<hbm>>
    tpu.wait_indirect_dma semaphore(%arg9 : memref<!tpu.dma_semaphore, #tpu.memory_space<semaphore_mem>>) src(%dma_wait3A_37 : memref<10000x256xf32, #tpu.memory_space<hbm>>) dst(%arg7 : memref<128x256xf32, #tpu.memory_space<vmem>>)
    %multiple_of3A_38 = arith.constant 4736 : i32
    %multiple_of3A_39 = tpu.assume_multiple %multiple_of3A_38, 128 : i32
    %add3A_40 = arith.addi %mul3A_2, %multiple_of3A_39 : i32
    %dma_start3A_41 = arith.constant 0 : i32
    %dma_start3A_42 = tpu.memref_slice %arg4[%add3A_40, %dma_start3A_41] : memref<160000x256xf32, #tpu.memory_space<hbm>> -> memref<128x256xf32, #tpu.memory_space<hbm>>
    %dma_start3A_43 = arith.constant 0 : i32
    %dma_start3A_44 = tpu.memref_slice %arg4[%add3A_40, %dma_start3A_43] : memref<160000x256xf32, #tpu.memory_space<hbm>> -> memref<128x256xf32, #tpu.memory_space<hbm>>
    tpu.enqueue_dma source(%arg7 : memref<128x256xf32, #tpu.memory_space<vmem>>) target(%dma_start3A_44 : memref<128x256xf32, #tpu.memory_space<hbm>>) target_semaphore(%arg11 : memref<!tpu.dma_semaphore, #tpu.memory_space<semaphore_mem>>)
    %multiple_of3A_45 = arith.constant 4864 : i32
    %multiple_of3A_46 = tpu.assume_multiple %multiple_of3A_45, 128 : i32
    %dma_start3A_47 = tpu.memref_slice %arg5[%multiple_of3A_46] : memref<5000xi32, #tpu.memory_space<vmem>> -> memref<128xi32, #tpu.memory_space<vmem>>
    %dma_start3A_48 = arith.constant 0 : i32
    %dma_start3A_49 = arith.constant 0 : i32
    %dma_start3A_50 = tpu.memref_slice %arg2[%dma_start3A_48, %dma_start3A_49] : memref<10000x256xf32, #tpu.memory_space<hbm>> -> memref<10000x256xf32, #tpu.memory_space<hbm>>
    tpu.enqueue_indirect_dma source(%dma_start3A_50 : memref<10000x256xf32, #tpu.memory_space<hbm>>) target(%arg6 : memref<128x256xf32, #tpu.memory_space<vmem>>) offsets(%dma_start3A_47 : memref<128xi32, #tpu.memory_space<vmem>>) semaphore(%arg8 : memref<!tpu.dma_semaphore, #tpu.memory_space<semaphore_mem>>)
    %dma_wait3A_51 = arith.constant 0 : i32
    %dma_wait3A_52 = tpu.memref_slice %arg5[%dma_wait3A_51] : memref<5000xi32, #tpu.memory_space<vmem>> -> memref<128xi32, #tpu.memory_space<vmem>>
    %dma_wait3A_53 = arith.constant 0 : i32
    %dma_wait3A_54 = arith.constant 0 : i32
    %dma_wait3A_55 = tpu.memref_slice %arg2[%dma_wait3A_53, %dma_wait3A_54] : memref<10000x256xf32, #tpu.memory_space<hbm>> -> memref<10000x256xf32, #tpu.memory_space<hbm>>
    tpu.wait_indirect_dma semaphore(%arg8 : memref<!tpu.dma_semaphore, #tpu.memory_space<semaphore_mem>>) src(%dma_wait3A_55 : memref<10000x256xf32, #tpu.memory_space<hbm>>) dst(%arg6 : memref<128x256xf32, #tpu.memory_space<vmem>>)
    %multiple_of3A_56 = arith.constant 4864 : i32
    %multiple_of3A_57 = tpu.assume_multiple %multiple_of3A_56, 128 : i32
    %add3A_58 = arith.addi %mul3A_2, %multiple_of3A_57 : i32
    %dma_start3A_59 = arith.constant 0 : i32
    %dma_start3A_60 = tpu.memref_slice %arg4[%add3A_58, %dma_start3A_59] : memref<160000x256xf32, #tpu.memory_space<hbm>> -> memref<128x256xf32, #tpu.memory_space<hbm>>
    %dma_start3A_61 = arith.constant 0 : i32
    %dma_start3A_62 = tpu.memref_slice %arg4[%add3A_58, %dma_start3A_61] : memref<160000x256xf32, #tpu.memory_space<hbm>> -> memref<128x256xf32, #tpu.memory_space<hbm>>
    tpu.enqueue_dma source(%arg6 : memref<128x256xf32, #tpu.memory_space<vmem>>) target(%dma_start3A_62 : memref<128x256xf32, #tpu.memory_space<hbm>>) target_semaphore(%arg10 : memref<!tpu.dma_semaphore, #tpu.memory_space<semaphore_mem>>)
    %dma_wait3A_63 = arith.constant 0 : i32
    %dma_wait3A_64 = arith.constant 0 : i32
    %dma_wait3A_65 = tpu.memref_slice %arg4[%dma_wait3A_63, %dma_wait3A_64] : memref<160000x256xf32, #tpu.memory_space<hbm>> -> memref<128x256xf32, #tpu.memory_space<hbm>>
    %dma_wait3A_66 = arith.constant 0 : i32
    %dma_wait3A_67 = arith.constant 0 : i32
    %dma_wait3A_68 = tpu.memref_slice %arg4[%dma_wait3A_66, %dma_wait3A_67] : memref<160000x256xf32, #tpu.memory_space<hbm>> -> memref<128x256xf32, #tpu.memory_space<hbm>>
    tpu.wait_dma2 semaphore(%arg11 : memref<!tpu.dma_semaphore, #tpu.memory_space<semaphore_mem>>) src(%arg7 : memref<128x256xf32, #tpu.memory_space<vmem>>) dst(%dma_wait3A_68 : memref<128x256xf32, #tpu.memory_space<hbm>>)
    %dma_start3A_69 = arith.constant 0 : i32
    %dma_start3A_70 = arith.constant 0 : i32
    %dma_start3A_71 = tpu.memref_slice %arg7[%dma_start3A_69, %dma_start3A_70] : memref<128x256xf32, #tpu.memory_space<vmem>> -> memref<8x256xf32, #tpu.memory_space<vmem>>
    %dma_start3A_72 = arith.constant 4992 : i32
    %dma_start3A_73 = tpu.memref_slice %arg5[%dma_start3A_72] : memref<5000xi32, #tpu.memory_space<vmem>> -> memref<8xi32, #tpu.memory_space<vmem>>
    %dma_start3A_74 = arith.constant 0 : i32
    %dma_start3A_75 = arith.constant 0 : i32
    %dma_start3A_76 = tpu.memref_slice %arg2[%dma_start3A_74, %dma_start3A_75] : memref<10000x256xf32, #tpu.memory_space<hbm>> -> memref<10000x256xf32, #tpu.memory_space<hbm>>
    tpu.enqueue_indirect_dma source(%dma_start3A_76 : memref<10000x256xf32, #tpu.memory_space<hbm>>) target(%dma_start3A_71 : memref<8x256xf32, #tpu.memory_space<vmem>>) offsets(%dma_start3A_73 : memref<8xi32, #tpu.memory_space<vmem>>) semaphore(%arg9 : memref<!tpu.dma_semaphore, #tpu.memory_space<semaphore_mem>>)
    %dma_wait3A_77 = arith.constant 0 : i32
    %dma_wait3A_78 = arith.constant 0 : i32
    %dma_wait3A_79 = tpu.memref_slice %arg7[%dma_wait3A_77, %dma_wait3A_78] : memref<128x256xf32, #tpu.memory_space<vmem>> -> memref<8x256xf32, #tpu.memory_space<vmem>>
    %dma_wait3A_80 = arith.constant 4992 : i32
    %dma_wait3A_81 = tpu.memref_slice %arg5[%dma_wait3A_80] : memref<5000xi32, #tpu.memory_space<vmem>> -> memref<8xi32, #tpu.memory_space<vmem>>
    %dma_wait3A_82 = arith.constant 0 : i32
    %dma_wait3A_83 = arith.constant 0 : i32
    %dma_wait3A_84 = tpu.memref_slice %arg2[%dma_wait3A_82, %dma_wait3A_83] : memref<10000x256xf32, #tpu.memory_space<hbm>> -> memref<10000x256xf32, #tpu.memory_space<hbm>>
    tpu.wait_indirect_dma semaphore(%arg9 : memref<!tpu.dma_semaphore, #tpu.memory_space<semaphore_mem>>) src(%dma_wait3A_84 : memref<10000x256xf32, #tpu.memory_space<hbm>>) dst(%dma_wait3A_79 : memref<8x256xf32, #tpu.memory_space<vmem>>)
    %add3A_85 = arith.constant 4992 : i32
    %add3A_86 = arith.addi %mul3A_2, %add3A_85 : i32
    "tpu.region"() ({
      %run_scoped3A = tpu.sem_alloc : memref<!tpu.dma_semaphore, #tpu.memory_space<semaphore_mem>>
      %dma_start3A_93 = arith.constant 0 : i32
      %dma_start3A_94 = arith.constant 0 : i32
      %dma_start3A_95 = tpu.memref_slice %arg7[%dma_start3A_93, %dma_start3A_94] : memref<128x256xf32, #tpu.memory_space<vmem>> -> memref<8x256xf32, #tpu.memory_space<vmem>>
      %dma_start3A_96 = arith.constant 0 : i32
      %dma_start3A_97 = tpu.memref_slice %arg4[%add3A_86, %dma_start3A_96] : memref<160000x256xf32, #tpu.memory_space<hbm>> -> memref<8x256xf32, #tpu.memory_space<hbm>>
      %dma_start3A_98 = arith.constant 0 : i32
      %dma_start3A_99 = tpu.memref_slice %arg4[%add3A_86, %dma_start3A_98] : memref<160000x256xf32, #tpu.memory_space<hbm>> -> memref<8x256xf32, #tpu.memory_space<hbm>>
      %dma_start3A_100 = arith.constant 0 : i32
      %dma_start3A_101 = arith.constant 0 : i32
      %dma_start3A_102 = tpu.memref_slice %arg7[%dma_start3A_100, %dma_start3A_101] : memref<128x256xf32, #tpu.memory_space<vmem>> -> memref<8x256xf32, #tpu.memory_space<vmem>>
      tpu.enqueue_dma source(%dma_start3A_102 : memref<8x256xf32, #tpu.memory_space<vmem>>) target(%dma_start3A_99 : memref<8x256xf32, #tpu.memory_space<hbm>>) target_semaphore(%run_scoped3A : memref<!tpu.dma_semaphore, #tpu.memory_space<semaphore_mem>>)
      %dma_wait3A_103 = arith.constant 0 : i32
      %dma_wait3A_104 = arith.constant 0 : i32
      %dma_wait3A_105 = tpu.memref_slice %arg7[%dma_wait3A_103, %dma_wait3A_104] : memref<128x256xf32, #tpu.memory_space<vmem>> -> memref<8x256xf32, #tpu.memory_space<vmem>>
      %dma_wait3A_106 = arith.constant 0 : i32
      %dma_wait3A_107 = tpu.memref_slice %arg4[%add3A_86, %dma_wait3A_106] : memref<160000x256xf32, #tpu.memory_space<hbm>> -> memref<8x256xf32, #tpu.memory_space<hbm>>
      %dma_wait3A_108 = arith.constant 0 : i32
      %dma_wait3A_109 = tpu.memref_slice %arg4[%add3A_86, %dma_wait3A_108] : memref<160000x256xf32, #tpu.memory_space<hbm>> -> memref<8x256xf32, #tpu.memory_space<hbm>>
      %dma_wait3A_110 = arith.constant 0 : i32
      %dma_wait3A_111 = arith.constant 0 : i32
      %dma_wait3A_112 = tpu.memref_slice %arg7[%dma_wait3A_110, %dma_wait3A_111] : memref<128x256xf32, #tpu.memory_space<vmem>> -> memref<8x256xf32, #tpu.memory_space<vmem>>
      tpu.wait_dma2 semaphore(%run_scoped3A : memref<!tpu.dma_semaphore, #tpu.memory_space<semaphore_mem>>) src(%dma_wait3A_112 : memref<8x256xf32, #tpu.memory_space<vmem>>) dst(%dma_wait3A_109 : memref<8x256xf32, #tpu.memory_space<hbm>>)
      tpu.yield
    }) : () -> ()
    %dma_wait3A_87 = arith.constant 0 : i32
    %dma_wait3A_88 = arith.constant 0 : i32
    %dma_wait3A_89 = tpu.memref_slice %arg4[%dma_wait3A_87, %dma_wait3A_88] : memref<160000x256xf32, #tpu.memory_space<hbm>> -> memref<128x256xf32, #tpu.memory_space<hbm>>
    %dma_wait3A_90 = arith.constant 0 : i32
    %dma_wait3A_91 = arith.constant 0 : i32
    %dma_wait3A_92 = tpu.memref_slice %arg4[%dma_wait3A_90, %dma_wait3A_91] : memref<160000x256xf32, #tpu.memory_space<hbm>> -> memref<128x256xf32, #tpu.memory_space<hbm>>
    tpu.wait_dma2 semaphore(%arg10 : memref<!tpu.dma_semaphore, #tpu.memory_space<semaphore_mem>>) src(%arg6 : memref<128x256xf32, #tpu.memory_space<vmem>>) dst(%dma_wait3A_92 : memref<128x256xf32, #tpu.memory_space<hbm>>)
    return
  }
}

#map = affine_map<(d0, d1) -> (0)>
module attributes {stable_mosaic.version = 14 : i64} {
  func.func @_sc_degrees(%arg0: i32, %arg1: i32, %arg2: memref<160000xi32, #tpu.memory_space<hbm>>, %arg3: memref<160000xi32, #tpu.memory_space<hbm>>, %arg4: memref<10240xf32, #tpu.memory_space<hbm>>, %arg5: memref<10016xf32, #tpu.memory_space<hbm>>, %arg6: memref<10000xi32, #tpu.memory_space<vmem>>, %arg7: memref<10000xi32, #tpu.memory_space<vmem>>, %arg8: memref<125x80xi32, #tpu.memory_space<vmem>>, %arg9: memref<125x80xi32, #tpu.memory_space<vmem>>, %arg10: memref<80xf32, #tpu.memory_space<vmem>>, %arg11: memref<640xf32, #tpu.memory_space<vmem>>, %arg12: memref<10240xf32, #tpu.memory_space<vmem_shared>>, %arg13: memref<5008xf32, #tpu.memory_space<vmem_shared>>) attributes {dimension_semantics = [#tpu.dimension_semantics<core_parallel>, #tpu.dimension_semantics<subcore_parallel>], iteration_bounds = array<i64: 2, 16>, scalar_prefetch = 0 : i64, scratch_operands = 8 : i64, tpu.core_type = #tpu.core_type<sc_vector_subcore>, window_params = [{transform_indices = #map}, {transform_indices = #map}, {transform_indices = #map}, {transform_indices = #map}]} {
    %mul3A = arith.constant 5000 : i32
    %mul3A_0 = arith.muli %arg0, %mul3A : i32
    %broadcast_in_dim3A = arith.constant 1.000000e+00 : f32
    %broadcast_in_dim3A_1 = vector.broadcast %broadcast_in_dim3A : f32 to vector<16xf32>
    %swap3A = arith.constant 0 : index
    %swap3A_2 = tpu.vector_load %arg10[%swap3A] {strides = array<i32>} : memref<80xf32, #tpu.memory_space<vmem>>, vector<16xf32>,
    %swap3A_3 = vector.shape_cast %swap3A_2 : vector<16xf32> to vector<16xf32>
    %swap3A_4 = vector.shape_cast %broadcast_in_dim3A_1 : vector<16xf32> to vector<16xf32>
    tpu.vector_store %arg10[%swap3A], %swap3A_4 {strides = array<i32>} : memref<80xf32, #tpu.memory_space<vmem>>, vector<16xf32>,
    %swap3A_5 = arith.constant 16 : index
    %swap3A_6 = tpu.vector_load %arg10[%swap3A_5] {strides = array<i32>} : memref<80xf32, #tpu.memory_space<vmem>>, vector<16xf32>,
    %swap3A_7 = vector.shape_cast %swap3A_6 : vector<16xf32> to vector<16xf32>
    %swap3A_8 = vector.shape_cast %broadcast_in_dim3A_1 : vector<16xf32> to vector<16xf32>
    tpu.vector_store %arg10[%swap3A_5], %swap3A_8 {strides = array<i32>} : memref<80xf32, #tpu.memory_space<vmem>>, vector<16xf32>,
    %swap3A_9 = arith.constant 32 : index
    %swap3A_10 = tpu.vector_load %arg10[%swap3A_9] {strides = array<i32>} : memref<80xf32, #tpu.memory_space<vmem>>, vector<16xf32>,
    %swap3A_11 = vector.shape_cast %swap3A_10 : vector<16xf32> to vector<16xf32>
    %swap3A_12 = vector.shape_cast %broadcast_in_dim3A_1 : vector<16xf32> to vector<16xf32>
    tpu.vector_store %arg10[%swap3A_9], %swap3A_12 {strides = array<i32>} : memref<80xf32, #tpu.memory_space<vmem>>, vector<16xf32>,
    %swap3A_13 = arith.constant 48 : index
    %swap3A_14 = tpu.vector_load %arg10[%swap3A_13] {strides = array<i32>} : memref<80xf32, #tpu.memory_space<vmem>>, vector<16xf32>,
    %swap3A_15 = vector.shape_cast %swap3A_14 : vector<16xf32> to vector<16xf32>
    %swap3A_16 = vector.shape_cast %broadcast_in_dim3A_1 : vector<16xf32> to vector<16xf32>
    tpu.vector_store %arg10[%swap3A_13], %swap3A_16 {strides = array<i32>} : memref<80xf32, #tpu.memory_space<vmem>>, vector<16xf32>,
    %swap3A_17 = arith.constant 64 : index
    %swap3A_18 = tpu.vector_load %arg10[%swap3A_17] {strides = array<i32>} : memref<80xf32, #tpu.memory_space<vmem>>, vector<16xf32>,
    %swap3A_19 = vector.shape_cast %swap3A_18 : vector<16xf32> to vector<16xf32>
    %swap3A_20 = vector.shape_cast %broadcast_in_dim3A_1 : vector<16xf32> to vector<16xf32>
    tpu.vector_store %arg10[%swap3A_17], %swap3A_20 {strides = array<i32>} : memref<80xf32, #tpu.memory_space<vmem>>, vector<16xf32>,
    %broadcast_in_dim3A_21 = arith.constant 0.000000e+00 : f32
    %broadcast_in_dim3A_22 = vector.broadcast %broadcast_in_dim3A_21 : f32 to vector<16xf32>
    %swap3A_23 = arith.constant 0 : index
    %swap3A_24 = tpu.vector_load %arg11[%swap3A_23] {strides = array<i32>} : memref<640xf32, #tpu.memory_space<vmem>>, vector<16xf32>,
    %swap3A_25 = vector.shape_cast %swap3A_24 : vector<16xf32> to vector<16xf32>
    %swap3A_26 = vector.shape_cast %broadcast_in_dim3A_22 : vector<16xf32> to vector<16xf32>
    tpu.vector_store %arg11[%swap3A_23], %swap3A_26 {strides = array<i32>} : memref<640xf32, #tpu.memory_space<vmem>>, vector<16xf32>,
    %swap3A_27 = arith.constant 16 : index
    %swap3A_28 = tpu.vector_load %arg11[%swap3A_27] {strides = array<i32>} : memref<640xf32, #tpu.memory_space<vmem>>, vector<16xf32>,
    %swap3A_29 = vector.shape_cast %swap3A_28 : vector<16xf32> to vector<16xf32>
    %swap3A_30 = vector.shape_cast %broadcast_in_dim3A_22 : vector<16xf32> to vector<16xf32>
    tpu.vector_store %arg11[%swap3A_27], %swap3A_30 {strides = array<i32>} : memref<640xf32, #tpu.memory_space<vmem>>, vector<16xf32>,
    %swap3A_31 = arith.constant 32 : index
    %swap3A_32 = tpu.vector_load %arg11[%swap3A_31] {strides = array<i32>} : memref<640xf32, #tpu.memory_space<vmem>>, vector<16xf32>,
    %swap3A_33 = vector.shape_cast %swap3A_32 : vector<16xf32> to vector<16xf32>
    %swap3A_34 = vector.shape_cast %broadcast_in_dim3A_22 : vector<16xf32> to vector<16xf32>
    tpu.vector_store %arg11[%swap3A_31], %swap3A_34 {strides = array<i32>} : memref<640xf32, #tpu.memory_space<vmem>>, vector<16xf32>,
    %swap3A_35 = arith.constant 48 : index
    %swap3A_36 = tpu.vector_load %arg11[%swap3A_35] {strides = array<i32>} : memref<640xf32, #tpu.memory_space<vmem>>, vector<16xf32>,
    %swap3A_37 = vector.shape_cast %swap3A_36 : vector<16xf32> to vector<16xf32>
    %swap3A_38 = vector.shape_cast %broadcast_in_dim3A_22 : vector<16xf32> to vector<16xf32>
    tpu.vector_store %arg11[%swap3A_35], %swap3A_38 {strides = array<i32>} : memref<640xf32, #tpu.memory_space<vmem>>, vector<16xf32>,
    %swap3A_39 = arith.constant 64 : index
    %swap3A_40 = tpu.vector_load %arg11[%swap3A_39] {strides = array<i32>} : memref<640xf32, #tpu.memory_space<vmem>>, vector<16xf32>,
    %swap3A_41 = vector.shape_cast %swap3A_40 : vector<16xf32> to vector<16xf32>
    %swap3A_42 = vector.shape_cast %broadcast_in_dim3A_22 : vector<16xf32> to vector<16xf32>
    tpu.vector_store %arg11[%swap3A_39], %swap3A_42 {strides = array<i32>} : memref<640xf32, #tpu.memory_space<vmem>>, vector<16xf32>,
    %swap3A_43 = arith.constant 80 : index
    %swap3A_44 = tpu.vector_load %arg11[%swap3A_43] {strides = array<i32>} : memref<640xf32, #tpu.memory_space<vmem>>, vector<16xf32>,
    %swap3A_45 = vector.shape_cast %swap3A_44 : vector<16xf32> to vector<16xf32>
    %swap3A_46 = vector.shape_cast %broadcast_in_dim3A_22 : vector<16xf32> to vector<16xf32>
    tpu.vector_store %arg11[%swap3A_43], %swap3A_46 {strides = array<i32>} : memref<640xf32, #tpu.memory_space<vmem>>, vector<16xf32>,
    %swap3A_47 = arith.constant 96 : index
    %swap3A_48 = tpu.vector_load %arg11[%swap3A_47] {strides = array<i32>} : memref<640xf32, #tpu.memory_space<vmem>>, vector<16xf32>,
    %swap3A_49 = vector.shape_cast %swap3A_48 : vector<16xf32> to vector<16xf32>
    %swap3A_50 = vector.shape_cast %broadcast_in_dim3A_22 : vector<16xf32> to vector<16xf32>
    tpu.vector_store %arg11[%swap3A_47], %swap3A_50 {strides = array<i32>} : memref<640xf32, #tpu.memory_space<vmem>>, vector<16xf32>,
    %swap3A_51 = arith.constant 112 : index
    %swap3A_52 = tpu.vector_load %arg11[%swap3A_51] {strides = array<i32>} : memref<640xf32, #tpu.memory_space<vmem>>, vector<16xf32>,
    %swap3A_53 = vector.shape_cast %swap3A_52 : vector<16xf32> to vector<16xf32>
    %swap3A_54 = vector.shape_cast %broadcast_in_dim3A_22 : vector<16xf32> to vector<16xf32>
    tpu.vector_store %arg11[%swap3A_51], %swap3A_54 {strides = array<i32>} : memref<640xf32, #tpu.memory_space<vmem>>, vector<16xf32>,
    %swap3A_55 = arith.constant 128 : index
    %swap3A_56 = tpu.vector_load %arg11[%swap3A_55] {strides = array<i32>} : memref<640xf32, #tpu.memory_space<vmem>>, vector<16xf32>,
    %swap3A_57 = vector.shape_cast %swap3A_56 : vector<16xf32> to vector<16xf32>
    %swap3A_58 = vector.shape_cast %broadcast_in_dim3A_22 : vector<16xf32> to vector<16xf32>
    tpu.vector_store %arg11[%swap3A_55], %swap3A_58 {strides = array<i32>} : memref<640xf32, #tpu.memory_space<vmem>>, vector<16xf32>,
    %swap3A_59 = arith.constant 144 : index
    %swap3A_60 = tpu.vector_load %arg11[%swap3A_59] {strides = array<i32>} : memref<640xf32, #tpu.memory_space<vmem>>, vector<16xf32>,
    %swap3A_61 = vector.shape_cast %swap3A_60 : vector<16xf32> to vector<16xf32>
    %swap3A_62 = vector.shape_cast %broadcast_in_dim3A_22 : vector<16xf32> to vector<16xf32>
    tpu.vector_store %arg11[%swap3A_59], %swap3A_62 {strides = array<i32>} : memref<640xf32, #tpu.memory_space<vmem>>, vector<16xf32>,
    %swap3A_63 = arith.constant 160 : index
    %swap3A_64 = tpu.vector_load %arg11[%swap3A_63] {strides = array<i32>} : memref<640xf32, #tpu.memory_space<vmem>>, vector<16xf32>,
    %swap3A_65 = vector.shape_cast %swap3A_64 : vector<16xf32> to vector<16xf32>
    %swap3A_66 = vector.shape_cast %broadcast_in_dim3A_22 : vector<16xf32> to vector<16xf32>
    tpu.vector_store %arg11[%swap3A_63], %swap3A_66 {strides = array<i32>} : memref<640xf32, #tpu.memory_space<vmem>>, vector<16xf32>,
    %swap3A_67 = arith.constant 176 : index
    %swap3A_68 = tpu.vector_load %arg11[%swap3A_67] {strides = array<i32>} : memref<640xf32, #tpu.memory_space<vmem>>, vector<16xf32>,
    %swap3A_69 = vector.shape_cast %swap3A_68 : vector<16xf32> to vector<16xf32>
    %swap3A_70 = vector.shape_cast %broadcast_in_dim3A_22 : vector<16xf32> to vector<16xf32>
    tpu.vector_store %arg11[%swap3A_67], %swap3A_70 {strides = array<i32>} : memref<640xf32, #tpu.memory_space<vmem>>, vector<16xf32>,
    %swap3A_71 = arith.constant 192 : index
    %swap3A_72 = tpu.vector_load %arg11[%swap3A_71] {strides = array<i32>} : memref<640xf32, #tpu.memory_space<vmem>>, vector<16xf32>,
    %swap3A_73 = vector.shape_cast %swap3A_72 : vector<16xf32> to vector<16xf32>
    %swap3A_74 = vector.shape_cast %broadcast_in_dim3A_22 : vector<16xf32> to vector<16xf32>
    tpu.vector_store %arg11[%swap3A_71], %swap3A_74 {strides = array<i32>} : memref<640xf32, #tpu.memory_space<vmem>>, vector<16xf32>,
    %swap3A_75 = arith.constant 208 : index
    %swap3A_76 = tpu.vector_load %arg11[%swap3A_75] {strides = array<i32>} : memref<640xf32, #tpu.memory_space<vmem>>, vector<16xf32>,
    %swap3A_77 = vector.shape_cast %swap3A_76 : vector<16xf32> to vector<16xf32>
    %swap3A_78 = vector.shape_cast %broadcast_in_dim3A_22 : vector<16xf32> to vector<16xf32>
    tpu.vector_store %arg11[%swap3A_75], %swap3A_78 {strides = array<i32>} : memref<640xf32, #tpu.memory_space<vmem>>, vector<16xf32>,
    %swap3A_79 = arith.constant 224 : index
    %swap3A_80 = tpu.vector_load %arg11[%swap3A_79] {strides = array<i32>} : memref<640xf32, #tpu.memory_space<vmem>>, vector<16xf32>,
    %swap3A_81 = vector.shape_cast %swap3A_80 : vector<16xf32> to vector<16xf32>
    %swap3A_82 = vector.shape_cast %broadcast_in_dim3A_22 : vector<16xf32> to vector<16xf32>
    tpu.vector_store %arg11[%swap3A_79], %swap3A_82 {strides = array<i32>} : memref<640xf32, #tpu.memory_space<vmem>>, vector<16xf32>,
    %swap3A_83 = arith.constant 240 : index
    %swap3A_84 = tpu.vector_load %arg11[%swap3A_83] {strides = array<i32>} : memref<640xf32, #tpu.memory_space<vmem>>, vector<16xf32>,
    %swap3A_85 = vector.shape_cast %swap3A_84 : vector<16xf32> to vector<16xf32>
    %swap3A_86 = vector.shape_cast %broadcast_in_dim3A_22 : vector<16xf32> to vector<16xf32>
    tpu.vector_store %arg11[%swap3A_83], %swap3A_86 {strides = array<i32>} : memref<640xf32, #tpu.memory_space<vmem>>, vector<16xf32>,
    %swap3A_87 = arith.constant 256 : index
    %swap3A_88 = tpu.vector_load %arg11[%swap3A_87] {strides = array<i32>} : memref<640xf32, #tpu.memory_space<vmem>>, vector<16xf32>,
    %swap3A_89 = vector.shape_cast %swap3A_88 : vector<16xf32> to vector<16xf32>
    %swap3A_90 = vector.shape_cast %broadcast_in_dim3A_22 : vector<16xf32> to vector<16xf32>
    tpu.vector_store %arg11[%swap3A_87], %swap3A_90 {strides = array<i32>} : memref<640xf32, #tpu.memory_space<vmem>>, vector<16xf32>,
    %swap3A_91 = arith.constant 272 : index
    %swap3A_92 = tpu.vector_load %arg11[%swap3A_91] {strides = array<i32>} : memref<640xf32, #tpu.memory_space<vmem>>, vector<16xf32>,
    %swap3A_93 = vector.shape_cast %swap3A_92 : vector<16xf32> to vector<16xf32>
    %swap3A_94 = vector.shape_cast %broadcast_in_dim3A_22 : vector<16xf32> to vector<16xf32>
    tpu.vector_store %arg11[%swap3A_91], %swap3A_94 {strides = array<i32>} : memref<640xf32, #tpu.memory_space<vmem>>, vector<16xf32>,
    %swap3A_95 = arith.constant 288 : index
    %swap3A_96 = tpu.vector_load %arg11[%swap3A_95] {strides = array<i32>} : memref<640xf32, #tpu.memory_space<vmem>>, vector<16xf32>,
    %swap3A_97 = vector.shape_cast %swap3A_96 : vector<16xf32> to vector<16xf32>
    %swap3A_98 = vector.shape_cast %broadcast_in_dim3A_22 : vector<16xf32> to vector<16xf32>
    tpu.vector_store %arg11[%swap3A_95], %swap3A_98 {strides = array<i32>} : memref<640xf32, #tpu.memory_space<vmem>>, vector<16xf32>,
    %swap3A_99 = arith.constant 304 : index
    %swap3A_100 = tpu.vector_load %arg11[%swap3A_99] {strides = array<i32>} : memref<640xf32, #tpu.memory_space<vmem>>, vector<16xf32>,
    %swap3A_101 = vector.shape_cast %swap3A_100 : vector<16xf32> to vector<16xf32>
    %swap3A_102 = vector.shape_cast %broadcast_in_dim3A_22 : vector<16xf32> to vector<16xf32>
    tpu.vector_store %arg11[%swap3A_99], %swap3A_102 {strides = array<i32>} : memref<640xf32, #tpu.memory_space<vmem>>, vector<16xf32>,
    %swap3A_103 = arith.constant 320 : index
    %swap3A_104 = tpu.vector_load %arg11[%swap3A_103] {strides = array<i32>} : memref<640xf32, #tpu.memory_space<vmem>>, vector<16xf32>,
    %swap3A_105 = vector.shape_cast %swap3A_104 : vector<16xf32> to vector<16xf32>
    %swap3A_106 = vector.shape_cast %broadcast_in_dim3A_22 : vector<16xf32> to vector<16xf32>
    tpu.vector_store %arg11[%swap3A_103], %swap3A_106 {strides = array<i32>} : memref<640xf32, #tpu.memory_space<vmem>>, vector<16xf32>,
    %swap3A_107 = arith.constant 336 : index
    %swap3A_108 = tpu.vector_load %arg11[%swap3A_107] {strides = array<i32>} : memref<640xf32, #tpu.memory_space<vmem>>, vector<16xf32>,
    %swap3A_109 = vector.shape_cast %swap3A_108 : vector<16xf32> to vector<16xf32>
    %swap3A_110 = vector.shape_cast %broadcast_in_dim3A_22 : vector<16xf32> to vector<16xf32>
    tpu.vector_store %arg11[%swap3A_107], %swap3A_110 {strides = array<i32>} : memref<640xf32, #tpu.memory_space<vmem>>, vector<16xf32>,
    %swap3A_111 = arith.constant 352 : index
    %swap3A_112 = tpu.vector_load %arg11[%swap3A_111] {strides = array<i32>} : memref<640xf32, #tpu.memory_space<vmem>>, vector<16xf32>,
    %swap3A_113 = vector.shape_cast %swap3A_112 : vector<16xf32> to vector<16xf32>
    %swap3A_114 = vector.shape_cast %broadcast_in_dim3A_22 : vector<16xf32> to vector<16xf32>
    tpu.vector_store %arg11[%swap3A_111], %swap3A_114 {strides = array<i32>} : memref<640xf32, #tpu.memory_space<vmem>>, vector<16xf32>,
    %swap3A_115 = arith.constant 368 : index
    %swap3A_116 = tpu.vector_load %arg11[%swap3A_115] {strides = array<i32>} : memref<640xf32, #tpu.memory_space<vmem>>, vector<16xf32>,
    %swap3A_117 = vector.shape_cast %swap3A_116 : vector<16xf32> to vector<16xf32>
    %swap3A_118 = vector.shape_cast %broadcast_in_dim3A_22 : vector<16xf32> to vector<16xf32>
    tpu.vector_store %arg11[%swap3A_115], %swap3A_118 {strides = array<i32>} : memref<640xf32, #tpu.memory_space<vmem>>, vector<16xf32>,
    %swap3A_119 = arith.constant 384 : index
    %swap3A_120 = tpu.vector_load %arg11[%swap3A_119] {strides = array<i32>} : memref<640xf32, #tpu.memory_space<vmem>>, vector<16xf32>,
    %swap3A_121 = vector.shape_cast %swap3A_120 : vector<16xf32> to vector<16xf32>
    %swap3A_122 = vector.shape_cast %broadcast_in_dim3A_22 : vector<16xf32> to vector<16xf32>
    tpu.vector_store %arg11[%swap3A_119], %swap3A_122 {strides = array<i32>} : memref<640xf32, #tpu.memory_space<vmem>>, vector<16xf32>,
    %swap3A_123 = arith.constant 400 : index
    %swap3A_124 = tpu.vector_load %arg11[%swap3A_123] {strides = array<i32>} : memref<640xf32, #tpu.memory_space<vmem>>, vector<16xf32>,
    %swap3A_125 = vector.shape_cast %swap3A_124 : vector<16xf32> to vector<16xf32>
    %swap3A_126 = vector.shape_cast %broadcast_in_dim3A_22 : vector<16xf32> to vector<16xf32>
    tpu.vector_store %arg11[%swap3A_123], %swap3A_126 {strides = array<i32>} : memref<640xf32, #tpu.memory_space<vmem>>, vector<16xf32>,
    %swap3A_127 = arith.constant 416 : index
    %swap3A_128 = tpu.vector_load %arg11[%swap3A_127] {strides = array<i32>} : memref<640xf32, #tpu.memory_space<vmem>>, vector<16xf32>,
    %swap3A_129 = vector.shape_cast %swap3A_128 : vector<16xf32> to vector<16xf32>
    %swap3A_130 = vector.shape_cast %broadcast_in_dim3A_22 : vector<16xf32> to vector<16xf32>
    tpu.vector_store %arg11[%swap3A_127], %swap3A_130 {strides = array<i32>} : memref<640xf32, #tpu.memory_space<vmem>>, vector<16xf32>,
    %swap3A_131 = arith.constant 432 : index
    %swap3A_132 = tpu.vector_load %arg11[%swap3A_131] {strides = array<i32>} : memref<640xf32, #tpu.memory_space<vmem>>, vector<16xf32>,
    %swap3A_133 = vector.shape_cast %swap3A_132 : vector<16xf32> to vector<16xf32>
    %swap3A_134 = vector.shape_cast %broadcast_in_dim3A_22 : vector<16xf32> to vector<16xf32>
    tpu.vector_store %arg11[%swap3A_131], %swap3A_134 {strides = array<i32>} : memref<640xf32, #tpu.memory_space<vmem>>, vector<16xf32>,
    %swap3A_135 = arith.constant 448 : index
    %swap3A_136 = tpu.vector_load %arg11[%swap3A_135] {strides = array<i32>} : memref<640xf32, #tpu.memory_space<vmem>>, vector<16xf32>,
    %swap3A_137 = vector.shape_cast %swap3A_136 : vector<16xf32> to vector<16xf32>
    %swap3A_138 = vector.shape_cast %broadcast_in_dim3A_22 : vector<16xf32> to vector<16xf32>
    tpu.vector_store %arg11[%swap3A_135], %swap3A_138 {strides = array<i32>} : memref<640xf32, #tpu.memory_space<vmem>>, vector<16xf32>,
    %swap3A_139 = arith.constant 464 : index
    %swap3A_140 = tpu.vector_load %arg11[%swap3A_139] {strides = array<i32>} : memref<640xf32, #tpu.memory_space<vmem>>, vector<16xf32>,
    %swap3A_141 = vector.shape_cast %swap3A_140 : vector<16xf32> to vector<16xf32>
    %swap3A_142 = vector.shape_cast %broadcast_in_dim3A_22 : vector<16xf32> to vector<16xf32>
    tpu.vector_store %arg11[%swap3A_139], %swap3A_142 {strides = array<i32>} : memref<640xf32, #tpu.memory_space<vmem>>, vector<16xf32>,
    %swap3A_143 = arith.constant 480 : index
    %swap3A_144 = tpu.vector_load %arg11[%swap3A_143] {strides = array<i32>} : memref<640xf32, #tpu.memory_space<vmem>>, vector<16xf32>,
    %swap3A_145 = vector.shape_cast %swap3A_144 : vector<16xf32> to vector<16xf32>
    %swap3A_146 = vector.shape_cast %broadcast_in_dim3A_22 : vector<16xf32> to vector<16xf32>
    tpu.vector_store %arg11[%swap3A_143], %swap3A_146 {strides = array<i32>} : memref<640xf32, #tpu.memory_space<vmem>>, vector<16xf32>,
    %swap3A_147 = arith.constant 496 : index
    %swap3A_148 = tpu.vector_load %arg11[%swap3A_147] {strides = array<i32>} : memref<640xf32, #tpu.memory_space<vmem>>, vector<16xf32>,
    %swap3A_149 = vector.shape_cast %swap3A_148 : vector<16xf32> to vector<16xf32>
    %swap3A_150 = vector.shape_cast %broadcast_in_dim3A_22 : vector<16xf32> to vector<16xf32>
    tpu.vector_store %arg11[%swap3A_147], %swap3A_150 {strides = array<i32>} : memref<640xf32, #tpu.memory_space<vmem>>, vector<16xf32>,
    %swap3A_151 = arith.constant 512 : index
    %swap3A_152 = tpu.vector_load %arg11[%swap3A_151] {strides = array<i32>} : memref<640xf32, #tpu.memory_space<vmem>>, vector<16xf32>,
    %swap3A_153 = vector.shape_cast %swap3A_152 : vector<16xf32> to vector<16xf32>
    %swap3A_154 = vector.shape_cast %broadcast_in_dim3A_22 : vector<16xf32> to vector<16xf32>
    tpu.vector_store %arg11[%swap3A_151], %swap3A_154 {strides = array<i32>} : memref<640xf32, #tpu.memory_space<vmem>>, vector<16xf32>,
    %swap3A_155 = arith.constant 528 : index
    %swap3A_156 = tpu.vector_load %arg11[%swap3A_155] {strides = array<i32>} : memref<640xf32, #tpu.memory_space<vmem>>, vector<16xf32>,
    %swap3A_157 = vector.shape_cast %swap3A_156 : vector<16xf32> to vector<16xf32>
    %swap3A_158 = vector.shape_cast %broadcast_in_dim3A_22 : vector<16xf32> to vector<16xf32>
    tpu.vector_store %arg11[%swap3A_155], %swap3A_158 {strides = array<i32>} : memref<640xf32, #tpu.memory_space<vmem>>, vector<16xf32>,
    %swap3A_159 = arith.constant 544 : index
    %swap3A_160 = tpu.vector_load %arg11[%swap3A_159] {strides = array<i32>} : memref<640xf32, #tpu.memory_space<vmem>>, vector<16xf32>,
    %swap3A_161 = vector.shape_cast %swap3A_160 : vector<16xf32> to vector<16xf32>
    %swap3A_162 = vector.shape_cast %broadcast_in_dim3A_22 : vector<16xf32> to vector<16xf32>
    tpu.vector_store %arg11[%swap3A_159], %swap3A_162 {strides = array<i32>} : memref<640xf32, #tpu.memory_space<vmem>>, vector<16xf32>,
    %swap3A_163 = arith.constant 560 : index
    %swap3A_164 = tpu.vector_load %arg11[%swap3A_163] {strides = array<i32>} : memref<640xf32, #tpu.memory_space<vmem>>, vector<16xf32>,
    %swap3A_165 = vector.shape_cast %swap3A_164 : vector<16xf32> to vector<16xf32>
    %swap3A_166 = vector.shape_cast %broadcast_in_dim3A_22 : vector<16xf32> to vector<16xf32>
    tpu.vector_store %arg11[%swap3A_163], %swap3A_166 {strides = array<i32>} : memref<640xf32, #tpu.memory_space<vmem>>, vector<16xf32>,
    %swap3A_167 = arith.constant 576 : index
    %swap3A_168 = tpu.vector_load %arg11[%swap3A_167] {strides = array<i32>} : memref<640xf32, #tpu.memory_space<vmem>>, vector<16xf32>,
    %swap3A_169 = vector.shape_cast %swap3A_168 : vector<16xf32> to vector<16xf32>
    %swap3A_170 = vector.shape_cast %broadcast_in_dim3A_22 : vector<16xf32> to vector<16xf32>
    tpu.vector_store %arg11[%swap3A_167], %swap3A_170 {strides = array<i32>} : memref<640xf32, #tpu.memory_space<vmem>>, vector<16xf32>,
    %swap3A_171 = arith.constant 592 : index
    %swap3A_172 = tpu.vector_load %arg11[%swap3A_171] {strides = array<i32>} : memref<640xf32, #tpu.memory_space<vmem>>, vector<16xf32>,
    %swap3A_173 = vector.shape_cast %swap3A_172 : vector<16xf32> to vector<16xf32>
    %swap3A_174 = vector.shape_cast %broadcast_in_dim3A_22 : vector<16xf32> to vector<16xf32>
    tpu.vector_store %arg11[%swap3A_171], %swap3A_174 {strides = array<i32>} : memref<640xf32, #tpu.memory_space<vmem>>, vector<16xf32>,
    %swap3A_175 = arith.constant 608 : index
    %swap3A_176 = tpu.vector_load %arg11[%swap3A_175] {strides = array<i32>} : memref<640xf32, #tpu.memory_space<vmem>>, vector<16xf32>,
    %swap3A_177 = vector.shape_cast %swap3A_176 : vector<16xf32> to vector<16xf32>
    %swap3A_178 = vector.shape_cast %broadcast_in_dim3A_22 : vector<16xf32> to vector<16xf32>
    tpu.vector_store %arg11[%swap3A_175], %swap3A_178 {strides = array<i32>} : memref<640xf32, #tpu.memory_space<vmem>>, vector<16xf32>,
    %swap3A_179 = arith.constant 624 : index
    %swap3A_180 = tpu.vector_load %arg11[%swap3A_179] {strides = array<i32>} : memref<640xf32, #tpu.memory_space<vmem>>, vector<16xf32>,
    %swap3A_181 = vector.shape_cast %swap3A_180 : vector<16xf32> to vector<16xf32>
    %swap3A_182 = vector.shape_cast %broadcast_in_dim3A_22 : vector<16xf32> to vector<16xf32>
    tpu.vector_store %arg11[%swap3A_179], %swap3A_182 {strides = array<i32>} : memref<640xf32, #tpu.memory_space<vmem>>, vector<16xf32>,
    %mul3A_183 = arith.constant 640 : i32
    %mul3A_184 = arith.muli %arg1, %mul3A_183 : i32
    "tpu.region"() ({
      %run_scoped3A = tpu.sem_alloc : memref<!tpu.dma_semaphore, #tpu.memory_space<semaphore_mem>>
      %dma_start3A = tpu.memref_slice %arg12[%mul3A_184] : memref<10240xf32, #tpu.memory_space<vmem_shared>> -> memref<640xf32, #tpu.memory_space<vmem_shared>>
      %dma_start3A_225 = tpu.memref_slice %arg12[%mul3A_184] : memref<10240xf32, #tpu.memory_space<vmem_shared>> -> memref<640xf32, #tpu.memory_space<vmem_shared>>
      tpu.enqueue_dma source(%arg11 : memref<640xf32, #tpu.memory_space<vmem>>) target(%dma_start3A_225 : memref<640xf32, #tpu.memory_space<vmem_shared>>) target_semaphore(%run_scoped3A : memref<!tpu.dma_semaphore, #tpu.memory_space<semaphore_mem>>)
      %dma_wait3A = tpu.memref_slice %arg12[%mul3A_184] : memref<10240xf32, #tpu.memory_space<vmem_shared>> -> memref<640xf32, #tpu.memory_space<vmem_shared>>
      %dma_wait3A_226 = tpu.memref_slice %arg12[%mul3A_184] : memref<10240xf32, #tpu.memory_space<vmem_shared>> -> memref<640xf32, #tpu.memory_space<vmem_shared>>
      tpu.wait_dma2 semaphore(%run_scoped3A : memref<!tpu.dma_semaphore, #tpu.memory_space<semaphore_mem>>) src(%arg11 : memref<640xf32, #tpu.memory_space<vmem>>) dst(%dma_wait3A_226 : memref<640xf32, #tpu.memory_space<vmem_shared>>)
      tpu.yield
    }) : () -> ()
    %lt3A = arith.constant 15 : i32
    %lt3A_185 = arith.cmpi slt, %arg1, %lt3A : i32
    %convert_element_type3A = arith.extui %lt3A_185 : i1 to i32
    %cond3A = arith.constant 0 : i32
    %cond3A_186 = arith.cmpi ne, %convert_element_type3A, %cond3A : i32
    scf.if %cond3A_186 {
      %mul3A_225 = arith.constant 320 : i32
      %mul3A_226 = arith.muli %arg1, %mul3A_225 : i32
      "tpu.region"() ({
        %run_scoped3A = tpu.sem_alloc : memref<!tpu.dma_semaphore, #tpu.memory_space<semaphore_mem>>
        %dma_start3A = arith.constant 0 : i32
        %dma_start3A_227 = tpu.memref_slice %arg11[%dma_start3A] : memref<640xf32, #tpu.memory_space<vmem>> -> memref<320xf32, #tpu.memory_space<vmem>>
        %dma_start3A_228 = tpu.memref_slice %arg13[%mul3A_226] : memref<5008xf32, #tpu.memory_space<vmem_shared>> -> memref<320xf32, #tpu.memory_space<vmem_shared>>
        %dma_start3A_229 = tpu.memref_slice %arg13[%mul3A_226] : memref<5008xf32, #tpu.memory_space<vmem_shared>> -> memref<320xf32, #tpu.memory_space<vmem_shared>>
        %dma_start3A_230 = arith.constant 0 : i32
        %dma_start3A_231 = tpu.memref_slice %arg11[%dma_start3A_230] : memref<640xf32, #tpu.memory_space<vmem>> -> memref<320xf32, #tpu.memory_space<vmem>>
        tpu.enqueue_dma source(%dma_start3A_231 : memref<320xf32, #tpu.memory_space<vmem>>) target(%dma_start3A_229 : memref<320xf32, #tpu.memory_space<vmem_shared>>) target_semaphore(%run_scoped3A : memref<!tpu.dma_semaphore, #tpu.memory_space<semaphore_mem>>)
        %dma_wait3A = arith.constant 0 : i32
        %dma_wait3A_232 = tpu.memref_slice %arg11[%dma_wait3A] : memref<640xf32, #tpu.memory_space<vmem>> -> memref<320xf32, #tpu.memory_space<vmem>>
        %dma_wait3A_233 = tpu.memref_slice %arg13[%mul3A_226] : memref<5008xf32, #tpu.memory_space<vmem_shared>> -> memref<320xf32, #tpu.memory_space<vmem_shared>>
        %dma_wait3A_234 = tpu.memref_slice %arg13[%mul3A_226] : memref<5008xf32, #tpu.memory_space<vmem_shared>> -> memref<320xf32, #tpu.memory_space<vmem_shared>>
        %dma_wait3A_235 = arith.constant 0 : i32
        %dma_wait3A_236 = tpu.memref_slice %arg11[%dma_wait3A_235] : memref<640xf32, #tpu.memory_space<vmem>> -> memref<320xf32, #tpu.memory_space<vmem>>
        tpu.wait_dma2 semaphore(%run_scoped3A : memref<!tpu.dma_semaphore, #tpu.memory_space<semaphore_mem>>) src(%dma_wait3A_236 : memref<320xf32, #tpu.memory_space<vmem>>) dst(%dma_wait3A_234 : memref<320xf32, #tpu.memory_space<vmem_shared>>)
        tpu.yield
      }) : () -> ()
    } else {
    }
    %eq3A = arith.constant 15 : i32
    %eq3A_187 = arith.cmpi eq, %arg1, %eq3A : i32
    %convert_element_type3A_188 = arith.extui %eq3A_187 : i1 to i32
    %cond3A_189 = arith.constant 0 : i32
    %cond3A_190 = arith.cmpi ne, %convert_element_type3A_188, %cond3A_189 : i32
    scf.if %cond3A_190 {
      "tpu.region"() ({
        %run_scoped3A = tpu.sem_alloc : memref<!tpu.dma_semaphore, #tpu.memory_space<semaphore_mem>>
        %dma_start3A = arith.constant 0 : i32
        %dma_start3A_225 = tpu.memref_slice %arg11[%dma_start3A] : memref<640xf32, #tpu.memory_space<vmem>> -> memref<208xf32, #tpu.memory_space<vmem>>
        %dma_start3A_226 = arith.constant 4800 : i32
        %dma_start3A_227 = tpu.memref_slice %arg13[%dma_start3A_226] : memref<5008xf32, #tpu.memory_space<vmem_shared>> -> memref<208xf32, #tpu.memory_space<vmem_shared>>
        %dma_start3A_228 = arith.constant 4800 : i32
        %dma_start3A_229 = tpu.memref_slice %arg13[%dma_start3A_228] : memref<5008xf32, #tpu.memory_space<vmem_shared>> -> memref<208xf32, #tpu.memory_space<vmem_shared>>
        %dma_start3A_230 = arith.constant 0 : i32
        %dma_start3A_231 = tpu.memref_slice %arg11[%dma_start3A_230] : memref<640xf32, #tpu.memory_space<vmem>> -> memref<208xf32, #tpu.memory_space<vmem>>
        tpu.enqueue_dma source(%dma_start3A_231 : memref<208xf32, #tpu.memory_space<vmem>>) target(%dma_start3A_229 : memref<208xf32, #tpu.memory_space<vmem_shared>>) target_semaphore(%run_scoped3A : memref<!tpu.dma_semaphore, #tpu.memory_space<semaphore_mem>>)
        %dma_wait3A = arith.constant 0 : i32
        %dma_wait3A_232 = tpu.memref_slice %arg11[%dma_wait3A] : memref<640xf32, #tpu.memory_space<vmem>> -> memref<208xf32, #tpu.memory_space<vmem>>
        %dma_wait3A_233 = arith.constant 4800 : i32
        %dma_wait3A_234 = tpu.memref_slice %arg13[%dma_wait3A_233] : memref<5008xf32, #tpu.memory_space<vmem_shared>> -> memref<208xf32, #tpu.memory_space<vmem_shared>>
        %dma_wait3A_235 = arith.constant 4800 : i32
        %dma_wait3A_236 = tpu.memref_slice %arg13[%dma_wait3A_235] : memref<5008xf32, #tpu.memory_space<vmem_shared>> -> memref<208xf32, #tpu.memory_space<vmem_shared>>
        %dma_wait3A_237 = arith.constant 0 : i32
        %dma_wait3A_238 = tpu.memref_slice %arg11[%dma_wait3A_237] : memref<640xf32, #tpu.memory_space<vmem>> -> memref<208xf32, #tpu.memory_space<vmem>>
        tpu.wait_dma2 semaphore(%run_scoped3A : memref<!tpu.dma_semaphore, #tpu.memory_space<semaphore_mem>>) src(%dma_wait3A_238 : memref<208xf32, #tpu.memory_space<vmem>>) dst(%dma_wait3A_236 : memref<208xf32, #tpu.memory_space<vmem_shared>>)
        tpu.yield
      }) : () -> ()
    } else {
    }
    %mul3A_191 = arith.constant 10000 : i32
    %mul3A_192 = arith.muli %arg1, %mul3A_191 : i32
    "tpu.region"() ({
      %run_scoped3A = tpu.sem_alloc : memref<!tpu.dma_semaphore, #tpu.memory_space<semaphore_mem>>
      %dma_start3A = tpu.memref_slice %arg2[%mul3A_192] : memref<160000xi32, #tpu.memory_space<hbm>> -> memref<10000xi32, #tpu.memory_space<hbm>>
      %dma_start3A_225 = tpu.memref_slice %arg2[%mul3A_192] : memref<160000xi32, #tpu.memory_space<hbm>> -> memref<10000xi32, #tpu.memory_space<hbm>>
      tpu.enqueue_dma source(%dma_start3A_225 : memref<10000xi32, #tpu.memory_space<hbm>>) target(%arg6 : memref<10000xi32, #tpu.memory_space<vmem>>) target_semaphore(%run_scoped3A : memref<!tpu.dma_semaphore, #tpu.memory_space<semaphore_mem>>)
      %dma_wait3A = tpu.memref_slice %arg2[%mul3A_192] : memref<160000xi32, #tpu.memory_space<hbm>> -> memref<10000xi32, #tpu.memory_space<hbm>>
      %dma_wait3A_226 = tpu.memref_slice %arg2[%mul3A_192] : memref<160000xi32, #tpu.memory_space<hbm>> -> memref<10000xi32, #tpu.memory_space<hbm>>
      tpu.wait_dma2 semaphore(%run_scoped3A : memref<!tpu.dma_semaphore, #tpu.memory_space<semaphore_mem>>) src(%dma_wait3A_226 : memref<10000xi32, #tpu.memory_space<hbm>>) dst(%arg6 : memref<10000xi32, #tpu.memory_space<vmem>>)
      tpu.yield
    }) : () -> ()
    %mul3A_193 = arith.constant 10000 : i32
    %mul3A_194 = arith.muli %arg1, %mul3A_193 : i32
    "tpu.region"() ({
      %run_scoped3A = tpu.sem_alloc : memref<!tpu.dma_semaphore, #tpu.memory_space<semaphore_mem>>
      %dma_start3A = tpu.memref_slice %arg3[%mul3A_194] : memref<160000xi32, #tpu.memory_space<hbm>> -> memref<10000xi32, #tpu.memory_space<hbm>>
      %dma_start3A_225 = tpu.memref_slice %arg3[%mul3A_194] : memref<160000xi32, #tpu.memory_space<hbm>> -> memref<10000xi32, #tpu.memory_space<hbm>>
      tpu.enqueue_dma source(%dma_start3A_225 : memref<10000xi32, #tpu.memory_space<hbm>>) target(%arg7 : memref<10000xi32, #tpu.memory_space<vmem>>) target_semaphore(%run_scoped3A : memref<!tpu.dma_semaphore, #tpu.memory_space<semaphore_mem>>)
      %dma_wait3A = tpu.memref_slice %arg3[%mul3A_194] : memref<160000xi32, #tpu.memory_space<hbm>> -> memref<10000xi32, #tpu.memory_space<hbm>>
      %dma_wait3A_226 = tpu.memref_slice %arg3[%mul3A_194] : memref<160000xi32, #tpu.memory_space<hbm>> -> memref<10000xi32, #tpu.memory_space<hbm>>
      tpu.wait_dma2 semaphore(%run_scoped3A : memref<!tpu.dma_semaphore, #tpu.memory_space<semaphore_mem>>) src(%dma_wait3A_226 : memref<10000xi32, #tpu.memory_space<hbm>>) dst(%arg7 : memref<10000xi32, #tpu.memory_space<vmem>>)
      tpu.yield
    }) : () -> ()
    %scan3A = arith.constant 0 : i32
    %scan3A_195 = arith.constant 125 : i32
    %scan3A_196 = arith.addi %scan3A, %scan3A_195 : i32
    %scan3A_197 = arith.constant 1 : i32
    scf.for %scan3A_225 = %scan3A to %scan3A_196 step %scan3A_197  : i32 {
      %mul3A_226 = arith.constant 1 : i32
      %mul3A_227 = arith.muli %scan3A_225, %mul3A_226 : i32
      %add3A = arith.constant 0 : i32
      %add3A_228 = arith.addi %add3A, %mul3A_227 : i32
      %mul3A_229 = arith.constant 80 : i32
      %mul3A_230 = arith.muli %add3A_228, %mul3A_229 : i32
      %multiple_of3A = tpu.assume_multiple %mul3A_230, 80 : i32
      %add3A_231 = arith.constant 0 : i32
      %add3A_232 = arith.addi %multiple_of3A, %add3A_231 : i32
      %get3A = arith.index_cast %add3A_232 : i32 to index
      %get3A_233 = tpu.vector_load %arg6[%get3A] {strides = array<i32>} : memref<10000xi32, #tpu.memory_space<vmem>>, vector<16xi32>,
      %get3A_234 = vector.shape_cast %get3A_233 : vector<16xi32> to vector<16xi32>
      %swap3A_235 = arith.index_cast %add3A_228 : i32 to index
      %swap3A_236 = arith.constant 0 : index
      %swap3A_237 = tpu.vector_load %arg8[%swap3A_235, %swap3A_236] {strides = array<i32>} : memref<125x80xi32, #tpu.memory_space<vmem>>, vector<1x16xi32>,
      %swap3A_238 = vector.shape_cast %swap3A_237 : vector<1x16xi32> to vector<16xi32>
      %swap3A_239 = vector.shape_cast %get3A_234 : vector<16xi32> to vector<1x16xi32>
      tpu.vector_store %arg8[%swap3A_235, %swap3A_236], %swap3A_239 {strides = array<i32>} : memref<125x80xi32, #tpu.memory_space<vmem>>, vector<1x16xi32>,
      %add3A_240 = arith.constant 0 : i32
      %add3A_241 = arith.addi %multiple_of3A, %add3A_240 : i32
      %get3A_242 = arith.index_cast %add3A_241 : i32 to index
      %get3A_243 = tpu.vector_load %arg7[%get3A_242] {strides = array<i32>} : memref<10000xi32, #tpu.memory_space<vmem>>, vector<16xi32>,
      %get3A_244 = vector.shape_cast %get3A_243 : vector<16xi32> to vector<16xi32>
      %sub3A = vector.broadcast %mul3A_0 : i32 to vector<16xi32>
      %sub3A_245 = arith.subi %get3A_244, %sub3A : vector<16xi32>
      %ge3A = arith.constant 0 : i32
      %ge3A_246 = vector.broadcast %ge3A : i32 to vector<16xi32>
      %ge3A_247 = arith.cmpi sge, %sub3A_245, %ge3A_246 : vector<16xi32>
      %lt3A_248 = arith.constant 5000 : i32
      %lt3A_249 = vector.broadcast %lt3A_248 : i32 to vector<16xi32>
      %lt3A_250 = arith.cmpi slt, %sub3A_245, %lt3A_249 : vector<16xi32>
      %and3A = arith.andi %ge3A_247, %lt3A_250 : vector<16xi1>
      %jit3A = arith.constant 5000 : i32
      %broadcast_in_dim3A_251 = vector.broadcast %jit3A : i32 to vector<16xi32>
      %select_n3A = arith.select %and3A, %sub3A_245, %broadcast_in_dim3A_251 : vector<16xi1>, vector<16xi32>
      %swap3A_252 = arith.index_cast %add3A_228 : i32 to index
      %swap3A_253 = arith.constant 0 : index
      %swap3A_254 = tpu.vector_load %arg9[%swap3A_252, %swap3A_253] {strides = array<i32>} : memref<125x80xi32, #tpu.memory_space<vmem>>, vector<1x16xi32>,
      %swap3A_255 = vector.shape_cast %swap3A_254 : vector<1x16xi32> to vector<16xi32>
      %swap3A_256 = vector.shape_cast %select_n3A : vector<16xi32> to vector<1x16xi32>
      tpu.vector_store %arg9[%swap3A_252, %swap3A_253], %swap3A_256 {strides = array<i32>} : memref<125x80xi32, #tpu.memory_space<vmem>>, vector<1x16xi32>,
      %add3A_257 = arith.constant 16 : i32
      %add3A_258 = arith.addi %multiple_of3A, %add3A_257 : i32
      %get3A_259 = arith.index_cast %add3A_258 : i32 to index
      %get3A_260 = tpu.vector_load %arg6[%get3A_259] {strides = array<i32>} : memref<10000xi32, #tpu.memory_space<vmem>>, vector<16xi32>,
      %get3A_261 = vector.shape_cast %get3A_260 : vector<16xi32> to vector<16xi32>
      %swap3A_262 = arith.index_cast %add3A_228 : i32 to index
      %swap3A_263 = arith.constant 16 : index
      %swap3A_264 = tpu.vector_load %arg8[%swap3A_262, %swap3A_263] {strides = array<i32>} : memref<125x80xi32, #tpu.memory_space<vmem>>, vector<1x16xi32>,
      %swap3A_265 = vector.shape_cast %swap3A_264 : vector<1x16xi32> to vector<16xi32>
      %swap3A_266 = vector.shape_cast %get3A_261 : vector<16xi32> to vector<1x16xi32>
      tpu.vector_store %arg8[%swap3A_262, %swap3A_263], %swap3A_266 {strides = array<i32>} : memref<125x80xi32, #tpu.memory_space<vmem>>, vector<1x16xi32>,
      %add3A_267 = arith.constant 16 : i32
      %add3A_268 = arith.addi %multiple_of3A, %add3A_267 : i32
      %get3A_269 = arith.index_cast %add3A_268 : i32 to index
      %get3A_270 = tpu.vector_load %arg7[%get3A_269] {strides = array<i32>} : memref<10000xi32, #tpu.memory_space<vmem>>, vector<16xi32>,
      %get3A_271 = vector.shape_cast %get3A_270 : vector<16xi32> to vector<16xi32>
      %sub3A_272 = vector.broadcast %mul3A_0 : i32 to vector<16xi32>
      %sub3A_273 = arith.subi %get3A_271, %sub3A_272 : vector<16xi32>
      %ge3A_274 = arith.constant 0 : i32
      %ge3A_275 = vector.broadcast %ge3A_274 : i32 to vector<16xi32>
      %ge3A_276 = arith.cmpi sge, %sub3A_273, %ge3A_275 : vector<16xi32>
      %lt3A_277 = arith.constant 5000 : i32
      %lt3A_278 = vector.broadcast %lt3A_277 : i32 to vector<16xi32>
      %lt3A_279 = arith.cmpi slt, %sub3A_273, %lt3A_278 : vector<16xi32>
      %and3A_280 = arith.andi %ge3A_276, %lt3A_279 : vector<16xi1>
      %jit3A_281 = arith.constant 5000 : i32
      %broadcast_in_dim3A_282 = vector.broadcast %jit3A_281 : i32 to vector<16xi32>
      %select_n3A_283 = arith.select %and3A_280, %sub3A_273, %broadcast_in_dim3A_282 : vector<16xi1>, vector<16xi32>
      %swap3A_284 = arith.index_cast %add3A_228 : i32 to index
      %swap3A_285 = arith.constant 16 : index
      %swap3A_286 = tpu.vector_load %arg9[%swap3A_284, %swap3A_285] {strides = array<i32>} : memref<125x80xi32, #tpu.memory_space<vmem>>, vector<1x16xi32>,
      %swap3A_287 = vector.shape_cast %swap3A_286 : vector<1x16xi32> to vector<16xi32>
      %swap3A_288 = vector.shape_cast %select_n3A_283 : vector<16xi32> to vector<1x16xi32>
      tpu.vector_store %arg9[%swap3A_284, %swap3A_285], %swap3A_288 {strides = array<i32>} : memref<125x80xi32, #tpu.memory_space<vmem>>, vector<1x16xi32>,
      %add3A_289 = arith.constant 32 : i32
      %add3A_290 = arith.addi %multiple_of3A, %add3A_289 : i32
      %get3A_291 = arith.index_cast %add3A_290 : i32 to index
      %get3A_292 = tpu.vector_load %arg6[%get3A_291] {strides = array<i32>} : memref<10000xi32, #tpu.memory_space<vmem>>, vector<16xi32>,
      %get3A_293 = vector.shape_cast %get3A_292 : vector<16xi32> to vector<16xi32>
      %swap3A_294 = arith.index_cast %add3A_228 : i32 to index
      %swap3A_295 = arith.constant 32 : index
      %swap3A_296 = tpu.vector_load %arg8[%swap3A_294, %swap3A_295] {strides = array<i32>} : memref<125x80xi32, #tpu.memory_space<vmem>>, vector<1x16xi32>,
      %swap3A_297 = vector.shape_cast %swap3A_296 : vector<1x16xi32> to vector<16xi32>
      %swap3A_298 = vector.shape_cast %get3A_293 : vector<16xi32> to vector<1x16xi32>
      tpu.vector_store %arg8[%swap3A_294, %swap3A_295], %swap3A_298 {strides = array<i32>} : memref<125x80xi32, #tpu.memory_space<vmem>>, vector<1x16xi32>,
      %add3A_299 = arith.constant 32 : i32
      %add3A_300 = arith.addi %multiple_of3A, %add3A_299 : i32
      %get3A_301 = arith.index_cast %add3A_300 : i32 to index
      %get3A_302 = tpu.vector_load %arg7[%get3A_301] {strides = array<i32>} : memref<10000xi32, #tpu.memory_space<vmem>>, vector<16xi32>,
      %get3A_303 = vector.shape_cast %get3A_302 : vector<16xi32> to vector<16xi32>
      %sub3A_304 = vector.broadcast %mul3A_0 : i32 to vector<16xi32>
      %sub3A_305 = arith.subi %get3A_303, %sub3A_304 : vector<16xi32>
      %ge3A_306 = arith.constant 0 : i32
      %ge3A_307 = vector.broadcast %ge3A_306 : i32 to vector<16xi32>
      %ge3A_308 = arith.cmpi sge, %sub3A_305, %ge3A_307 : vector<16xi32>
      %lt3A_309 = arith.constant 5000 : i32
      %lt3A_310 = vector.broadcast %lt3A_309 : i32 to vector<16xi32>
      %lt3A_311 = arith.cmpi slt, %sub3A_305, %lt3A_310 : vector<16xi32>
      %and3A_312 = arith.andi %ge3A_308, %lt3A_311 : vector<16xi1>
      %jit3A_313 = arith.constant 5000 : i32
      %broadcast_in_dim3A_314 = vector.broadcast %jit3A_313 : i32 to vector<16xi32>
      %select_n3A_315 = arith.select %and3A_312, %sub3A_305, %broadcast_in_dim3A_314 : vector<16xi1>, vector<16xi32>
      %swap3A_316 = arith.index_cast %add3A_228 : i32 to index
      %swap3A_317 = arith.constant 32 : index
      %swap3A_318 = tpu.vector_load %arg9[%swap3A_316, %swap3A_317] {strides = array<i32>} : memref<125x80xi32, #tpu.memory_space<vmem>>, vector<1x16xi32>,
      %swap3A_319 = vector.shape_cast %swap3A_318 : vector<1x16xi32> to vector<16xi32>
      %swap3A_320 = vector.shape_cast %select_n3A_315 : vector<16xi32> to vector<1x16xi32>
      tpu.vector_store %arg9[%swap3A_316, %swap3A_317], %swap3A_320 {strides = array<i32>} : memref<125x80xi32, #tpu.memory_space<vmem>>, vector<1x16xi32>,
      %add3A_321 = arith.constant 48 : i32
      %add3A_322 = arith.addi %multiple_of3A, %add3A_321 : i32
      %get3A_323 = arith.index_cast %add3A_322 : i32 to index
      %get3A_324 = tpu.vector_load %arg6[%get3A_323] {strides = array<i32>} : memref<10000xi32, #tpu.memory_space<vmem>>, vector<16xi32>,
      %get3A_325 = vector.shape_cast %get3A_324 : vector<16xi32> to vector<16xi32>
      %swap3A_326 = arith.index_cast %add3A_228 : i32 to index
      %swap3A_327 = arith.constant 48 : index
      %swap3A_328 = tpu.vector_load %arg8[%swap3A_326, %swap3A_327] {strides = array<i32>} : memref<125x80xi32, #tpu.memory_space<vmem>>, vector<1x16xi32>,
      %swap3A_329 = vector.shape_cast %swap3A_328 : vector<1x16xi32> to vector<16xi32>
      %swap3A_330 = vector.shape_cast %get3A_325 : vector<16xi32> to vector<1x16xi32>
      tpu.vector_store %arg8[%swap3A_326, %swap3A_327], %swap3A_330 {strides = array<i32>} : memref<125x80xi32, #tpu.memory_space<vmem>>, vector<1x16xi32>,
      %add3A_331 = arith.constant 48 : i32
      %add3A_332 = arith.addi %multiple_of3A, %add3A_331 : i32
      %get3A_333 = arith.index_cast %add3A_332 : i32 to index
      %get3A_334 = tpu.vector_load %arg7[%get3A_333] {strides = array<i32>} : memref<10000xi32, #tpu.memory_space<vmem>>, vector<16xi32>,
      %get3A_335 = vector.shape_cast %get3A_334 : vector<16xi32> to vector<16xi32>
      %sub3A_336 = vector.broadcast %mul3A_0 : i32 to vector<16xi32>
      %sub3A_337 = arith.subi %get3A_335, %sub3A_336 : vector<16xi32>
      %ge3A_338 = arith.constant 0 : i32
      %ge3A_339 = vector.broadcast %ge3A_338 : i32 to vector<16xi32>
      %ge3A_340 = arith.cmpi sge, %sub3A_337, %ge3A_339 : vector<16xi32>
      %lt3A_341 = arith.constant 5000 : i32
      %lt3A_342 = vector.broadcast %lt3A_341 : i32 to vector<16xi32>
      %lt3A_343 = arith.cmpi slt, %sub3A_337, %lt3A_342 : vector<16xi32>
      %and3A_344 = arith.andi %ge3A_340, %lt3A_343 : vector<16xi1>
      %jit3A_345 = arith.constant 5000 : i32
      %broadcast_in_dim3A_346 = vector.broadcast %jit3A_345 : i32 to vector<16xi32>
      %select_n3A_347 = arith.select %and3A_344, %sub3A_337, %broadcast_in_dim3A_346 : vector<16xi1>, vector<16xi32>
      %swap3A_348 = arith.index_cast %add3A_228 : i32 to index
      %swap3A_349 = arith.constant 48 : index
      %swap3A_350 = tpu.vector_load %arg9[%swap3A_348, %swap3A_349] {strides = array<i32>} : memref<125x80xi32, #tpu.memory_space<vmem>>, vector<1x16xi32>,
      %swap3A_351 = vector.shape_cast %swap3A_350 : vector<1x16xi32> to vector<16xi32>
      %swap3A_352 = vector.shape_cast %select_n3A_347 : vector<16xi32> to vector<1x16xi32>
      tpu.vector_store %arg9[%swap3A_348, %swap3A_349], %swap3A_352 {strides = array<i32>} : memref<125x80xi32, #tpu.memory_space<vmem>>, vector<1x16xi32>,
      %add3A_353 = arith.constant 64 : i32
      %add3A_354 = arith.addi %multiple_of3A, %add3A_353 : i32
      %get3A_355 = arith.index_cast %add3A_354 : i32 to index
      %get3A_356 = tpu.vector_load %arg6[%get3A_355] {strides = array<i32>} : memref<10000xi32, #tpu.memory_space<vmem>>, vector<16xi32>,
      %get3A_357 = vector.shape_cast %get3A_356 : vector<16xi32> to vector<16xi32>
      %swap3A_358 = arith.index_cast %add3A_228 : i32 to index
      %swap3A_359 = arith.constant 64 : index
      %swap3A_360 = tpu.vector_load %arg8[%swap3A_358, %swap3A_359] {strides = array<i32>} : memref<125x80xi32, #tpu.memory_space<vmem>>, vector<1x16xi32>,
      %swap3A_361 = vector.shape_cast %swap3A_360 : vector<1x16xi32> to vector<16xi32>
      %swap3A_362 = vector.shape_cast %get3A_357 : vector<16xi32> to vector<1x16xi32>
      tpu.vector_store %arg8[%swap3A_358, %swap3A_359], %swap3A_362 {strides = array<i32>} : memref<125x80xi32, #tpu.memory_space<vmem>>, vector<1x16xi32>,
      %add3A_363 = arith.constant 64 : i32
      %add3A_364 = arith.addi %multiple_of3A, %add3A_363 : i32
      %get3A_365 = arith.index_cast %add3A_364 : i32 to index
      %get3A_366 = tpu.vector_load %arg7[%get3A_365] {strides = array<i32>} : memref<10000xi32, #tpu.memory_space<vmem>>, vector<16xi32>,
      %get3A_367 = vector.shape_cast %get3A_366 : vector<16xi32> to vector<16xi32>
      %sub3A_368 = vector.broadcast %mul3A_0 : i32 to vector<16xi32>
      %sub3A_369 = arith.subi %get3A_367, %sub3A_368 : vector<16xi32>
      %ge3A_370 = arith.constant 0 : i32
      %ge3A_371 = vector.broadcast %ge3A_370 : i32 to vector<16xi32>
      %ge3A_372 = arith.cmpi sge, %sub3A_369, %ge3A_371 : vector<16xi32>
      %lt3A_373 = arith.constant 5000 : i32
      %lt3A_374 = vector.broadcast %lt3A_373 : i32 to vector<16xi32>
      %lt3A_375 = arith.cmpi slt, %sub3A_369, %lt3A_374 : vector<16xi32>
      %and3A_376 = arith.andi %ge3A_372, %lt3A_375 : vector<16xi1>
      %jit3A_377 = arith.constant 5000 : i32
      %broadcast_in_dim3A_378 = vector.broadcast %jit3A_377 : i32 to vector<16xi32>
      %select_n3A_379 = arith.select %and3A_376, %sub3A_369, %broadcast_in_dim3A_378 : vector<16xi1>, vector<16xi32>
      %swap3A_380 = arith.index_cast %add3A_228 : i32 to index
      %swap3A_381 = arith.constant 64 : index
      %swap3A_382 = tpu.vector_load %arg9[%swap3A_380, %swap3A_381] {strides = array<i32>} : memref<125x80xi32, #tpu.memory_space<vmem>>, vector<1x16xi32>,
      %swap3A_383 = vector.shape_cast %swap3A_382 : vector<1x16xi32> to vector<16xi32>
      %swap3A_384 = vector.shape_cast %select_n3A_379 : vector<16xi32> to vector<1x16xi32>
      tpu.vector_store %arg9[%swap3A_380, %swap3A_381], %swap3A_384 {strides = array<i32>} : memref<125x80xi32, #tpu.memory_space<vmem>>, vector<1x16xi32>,
    }
    %scan3A_198 = arith.constant 125 : i32
    %barrier3A = arith.constant 0 : index
    tpu.barrier barrier_id(%barrier3A)
    %scan3A_199 = arith.constant 0 : i32
    %scan3A_200 = arith.constant 125 : i32
    %scan3A_201 = arith.addi %scan3A_199, %scan3A_200 : i32
    %scan3A_202 = arith.constant 1 : i32
    scf.for %scan3A_225 = %scan3A_199 to %scan3A_201 step %scan3A_202  : i32 {
      %mul3A_226 = arith.constant 1 : i32
      %mul3A_227 = arith.muli %scan3A_225, %mul3A_226 : i32
      %add3A = arith.constant 0 : i32
      %add3A_228 = arith.addi %add3A, %mul3A_227 : i32
      "tpu.region"() ({
        %run_scoped3A = tpu.sem_alloc : memref<!tpu.dma_semaphore, #tpu.memory_space<semaphore_mem>>
        %dma_start3A = arith.constant 0 : i32
        %dma_start3A_229 = tpu.memref_slice %arg9[%add3A_228, %dma_start3A] : memref<125x80xi32, #tpu.memory_space<vmem>> -> memref<1x80xi32, #tpu.memory_space<vmem>>
        %dma_start3A_230 = tpu.memref_squeeze %dma_start3A_229 : memref<1x80xi32, #tpu.memory_space<vmem>> -> memref<80xi32, #tpu.memory_space<vmem>>
        %dma_start3A_231 = arith.constant 0 : i32
        %dma_start3A_232 = tpu.memref_slice %arg13[%dma_start3A_231] : memref<5008xf32, #tpu.memory_space<vmem_shared>> -> memref<5008xf32, #tpu.memory_space<vmem_shared>>
        tpu.enqueue_indirect_dma source(%arg10 : memref<80xf32, #tpu.memory_space<vmem>>) target(%dma_start3A_232 : memref<5008xf32, #tpu.memory_space<vmem_shared>>) offsets(%dma_start3A_230 : memref<80xi32, #tpu.memory_space<vmem>>) semaphore(%run_scoped3A : memref<!tpu.dma_semaphore, #tpu.memory_space<semaphore_mem>>) {add = true}
        %dma_wait3A = arith.constant 0 : i32
        %dma_wait3A_233 = tpu.memref_slice %arg9[%add3A_228, %dma_wait3A] : memref<125x80xi32, #tpu.memory_space<vmem>> -> memref<1x80xi32, #tpu.memory_space<vmem>>
        %dma_wait3A_234 = tpu.memref_squeeze %dma_wait3A_233 : memref<1x80xi32, #tpu.memory_space<vmem>> -> memref<80xi32, #tpu.memory_space<vmem>>
        %dma_wait3A_235 = arith.constant 0 : i32
        %dma_wait3A_236 = tpu.memref_slice %arg13[%dma_wait3A_235] : memref<5008xf32, #tpu.memory_space<vmem_shared>> -> memref<5008xf32, #tpu.memory_space<vmem_shared>>
        tpu.wait_indirect_dma semaphore(%run_scoped3A : memref<!tpu.dma_semaphore, #tpu.memory_space<semaphore_mem>>) src(%arg10 : memref<80xf32, #tpu.memory_space<vmem>>) dst(%dma_wait3A_236 : memref<5008xf32, #tpu.memory_space<vmem_shared>>)
        tpu.yield
      }) : () -> ()
    }
    %scan3A_203 = arith.constant 125 : i32
    %eq3A_204 = arith.constant 0 : i32
    %eq3A_205 = arith.cmpi eq, %arg0, %eq3A_204 : i32
    %convert_element_type3A_206 = arith.extui %eq3A_205 : i1 to i32
    %cond3A_207 = arith.constant 0 : i32
    %cond3A_208 = arith.cmpi ne, %convert_element_type3A_206, %cond3A_207 : i32
    scf.if %cond3A_208 {
      %scan3A_225 = arith.constant 0 : i32
      %scan3A_226 = arith.constant 125 : i32
      %scan3A_227 = arith.addi %scan3A_225, %scan3A_226 : i32
      %scan3A_228 = arith.constant 1 : i32
      scf.for %scan3A_230 = %scan3A_225 to %scan3A_227 step %scan3A_228  : i32 {
        %mul3A_231 = arith.constant 1 : i32
        %mul3A_232 = arith.muli %scan3A_230, %mul3A_231 : i32
        %add3A = arith.constant 0 : i32
        %add3A_233 = arith.addi %add3A, %mul3A_232 : i32
        "tpu.region"() ({
          %run_scoped3A = tpu.sem_alloc : memref<!tpu.dma_semaphore, #tpu.memory_space<semaphore_mem>>
          %dma_start3A = arith.constant 0 : i32
          %dma_start3A_234 = tpu.memref_slice %arg8[%add3A_233, %dma_start3A] : memref<125x80xi32, #tpu.memory_space<vmem>> -> memref<1x80xi32, #tpu.memory_space<vmem>>
          %dma_start3A_235 = tpu.memref_squeeze %dma_start3A_234 : memref<1x80xi32, #tpu.memory_space<vmem>> -> memref<80xi32, #tpu.memory_space<vmem>>
          %dma_start3A_236 = arith.constant 0 : i32
          %dma_start3A_237 = tpu.memref_slice %arg12[%dma_start3A_236] : memref<10240xf32, #tpu.memory_space<vmem_shared>> -> memref<10240xf32, #tpu.memory_space<vmem_shared>>
          tpu.enqueue_indirect_dma source(%arg10 : memref<80xf32, #tpu.memory_space<vmem>>) target(%dma_start3A_237 : memref<10240xf32, #tpu.memory_space<vmem_shared>>) offsets(%dma_start3A_235 : memref<80xi32, #tpu.memory_space<vmem>>) semaphore(%run_scoped3A : memref<!tpu.dma_semaphore, #tpu.memory_space<semaphore_mem>>) {add = true}
          %dma_wait3A = arith.constant 0 : i32
          %dma_wait3A_238 = tpu.memref_slice %arg8[%add3A_233, %dma_wait3A] : memref<125x80xi32, #tpu.memory_space<vmem>> -> memref<1x80xi32, #tpu.memory_space<vmem>>
          %dma_wait3A_239 = tpu.memref_squeeze %dma_wait3A_238 : memref<1x80xi32, #tpu.memory_space<vmem>> -> memref<80xi32, #tpu.memory_space<vmem>>
          %dma_wait3A_240 = arith.constant 0 : i32
          %dma_wait3A_241 = tpu.memref_slice %arg12[%dma_wait3A_240] : memref<10240xf32, #tpu.memory_space<vmem_shared>> -> memref<10240xf32, #tpu.memory_space<vmem_shared>>
          tpu.wait_indirect_dma semaphore(%run_scoped3A : memref<!tpu.dma_semaphore, #tpu.memory_space<semaphore_mem>>) src(%arg10 : memref<80xf32, #tpu.memory_space<vmem>>) dst(%dma_wait3A_241 : memref<10240xf32, #tpu.memory_space<vmem_shared>>)
          tpu.yield
        }) : () -> ()
      }
      %scan3A_229 = arith.constant 125 : i32
    } else {
    }
    %barrier3A_209 = arith.constant 0 : index
    tpu.barrier barrier_id(%barrier3A_209)
    %eq3A_210 = arith.constant 0 : i32
    %eq3A_211 = arith.cmpi eq, %arg0, %eq3A_210 : i32
    %convert_element_type3A_212 = arith.extui %eq3A_211 : i1 to i32
    %cond3A_213 = arith.constant 0 : i32
    %cond3A_214 = arith.cmpi ne, %convert_element_type3A_212, %cond3A_213 : i32
    scf.if %cond3A_214 {
      %mul3A_225 = arith.constant 640 : i32
      %mul3A_226 = arith.muli %arg1, %mul3A_225 : i32
      "tpu.region"() ({
        %run_scoped3A = tpu.sem_alloc : memref<!tpu.dma_semaphore, #tpu.memory_space<semaphore_mem>>
        %dma_start3A = tpu.memref_slice %arg12[%mul3A_226] : memref<10240xf32, #tpu.memory_space<vmem_shared>> -> memref<640xf32, #tpu.memory_space<vmem_shared>>
        %dma_start3A_229 = tpu.memref_slice %arg12[%mul3A_226] : memref<10240xf32, #tpu.memory_space<vmem_shared>> -> memref<640xf32, #tpu.memory_space<vmem_shared>>
        tpu.enqueue_dma source(%dma_start3A_229 : memref<640xf32, #tpu.memory_space<vmem_shared>>) target(%arg11 : memref<640xf32, #tpu.memory_space<vmem>>) target_semaphore(%run_scoped3A : memref<!tpu.dma_semaphore, #tpu.memory_space<semaphore_mem>>)
        %dma_wait3A = tpu.memref_slice %arg12[%mul3A_226] : memref<10240xf32, #tpu.memory_space<vmem_shared>> -> memref<640xf32, #tpu.memory_space<vmem_shared>>
        %dma_wait3A_230 = tpu.memref_slice %arg12[%mul3A_226] : memref<10240xf32, #tpu.memory_space<vmem_shared>> -> memref<640xf32, #tpu.memory_space<vmem_shared>>
        tpu.wait_dma2 semaphore(%run_scoped3A : memref<!tpu.dma_semaphore, #tpu.memory_space<semaphore_mem>>) src(%dma_wait3A_230 : memref<640xf32, #tpu.memory_space<vmem_shared>>) dst(%arg11 : memref<640xf32, #tpu.memory_space<vmem>>)
        tpu.yield
      }) : () -> ()
      %mul3A_227 = arith.constant 640 : i32
      %mul3A_228 = arith.muli %arg1, %mul3A_227 : i32
      "tpu.region"() ({
        %run_scoped3A = tpu.sem_alloc : memref<!tpu.dma_semaphore, #tpu.memory_space<semaphore_mem>>
        %dma_start3A = tpu.memref_slice %arg4[%mul3A_228] : memref<10240xf32, #tpu.memory_space<hbm>> -> memref<640xf32, #tpu.memory_space<hbm>>
        %dma_start3A_229 = tpu.memref_slice %arg4[%mul3A_228] : memref<10240xf32, #tpu.memory_space<hbm>> -> memref<640xf32, #tpu.memory_space<hbm>>
        tpu.enqueue_dma source(%arg11 : memref<640xf32, #tpu.memory_space<vmem>>) target(%dma_start3A_229 : memref<640xf32, #tpu.memory_space<hbm>>) target_semaphore(%run_scoped3A : memref<!tpu.dma_semaphore, #tpu.memory_space<semaphore_mem>>)
        %dma_wait3A = tpu.memref_slice %arg4[%mul3A_228] : memref<10240xf32, #tpu.memory_space<hbm>> -> memref<640xf32, #tpu.memory_space<hbm>>
        %dma_wait3A_230 = tpu.memref_slice %arg4[%mul3A_228] : memref<10240xf32, #tpu.memory_space<hbm>> -> memref<640xf32, #tpu.memory_space<hbm>>
        tpu.wait_dma2 semaphore(%run_scoped3A : memref<!tpu.dma_semaphore, #tpu.memory_space<semaphore_mem>>) src(%arg11 : memref<640xf32, #tpu.memory_space<vmem>>) dst(%dma_wait3A_230 : memref<640xf32, #tpu.memory_space<hbm>>)
        tpu.yield
      }) : () -> ()
    } else {
    }
    %lt3A_215 = arith.constant 15 : i32
    %lt3A_216 = arith.cmpi slt, %arg1, %lt3A_215 : i32
    %convert_element_type3A_217 = arith.extui %lt3A_216 : i1 to i32
    %cond3A_218 = arith.constant 0 : i32
    %cond3A_219 = arith.cmpi ne, %convert_element_type3A_217, %cond3A_218 : i32
    scf.if %cond3A_219 {
      %mul3A_225 = arith.constant 320 : i32
      %mul3A_226 = arith.muli %arg1, %mul3A_225 : i32
      "tpu.region"() ({
        %run_scoped3A = tpu.sem_alloc : memref<!tpu.dma_semaphore, #tpu.memory_space<semaphore_mem>>
        %dma_start3A = arith.constant 0 : i32
        %dma_start3A_231 = tpu.memref_slice %arg11[%dma_start3A] : memref<640xf32, #tpu.memory_space<vmem>> -> memref<320xf32, #tpu.memory_space<vmem>>
        %dma_start3A_232 = tpu.memref_slice %arg13[%mul3A_226] : memref<5008xf32, #tpu.memory_space<vmem_shared>> -> memref<320xf32, #tpu.memory_space<vmem_shared>>
        %dma_start3A_233 = arith.constant 0 : i32
        %dma_start3A_234 = tpu.memref_slice %arg11[%dma_start3A_233] : memref<640xf32, #tpu.memory_space<vmem>> -> memref<320xf32, #tpu.memory_space<vmem>>
        %dma_start3A_235 = tpu.memref_slice %arg13[%mul3A_226] : memref<5008xf32, #tpu.memory_space<vmem_shared>> -> memref<320xf32, #tpu.memory_space<vmem_shared>>
        tpu.enqueue_dma source(%dma_start3A_235 : memref<320xf32, #tpu.memory_space<vmem_shared>>) target(%dma_start3A_234 : memref<320xf32, #tpu.memory_space<vmem>>) target_semaphore(%run_scoped3A : memref<!tpu.dma_semaphore, #tpu.memory_space<semaphore_mem>>)
        %dma_wait3A = arith.constant 0 : i32
        %dma_wait3A_236 = tpu.memref_slice %arg11[%dma_wait3A] : memref<640xf32, #tpu.memory_space<vmem>> -> memref<320xf32, #tpu.memory_space<vmem>>
        %dma_wait3A_237 = tpu.memref_slice %arg13[%mul3A_226] : memref<5008xf32, #tpu.memory_space<vmem_shared>> -> memref<320xf32, #tpu.memory_space<vmem_shared>>
        %dma_wait3A_238 = arith.constant 0 : i32
        %dma_wait3A_239 = tpu.memref_slice %arg11[%dma_wait3A_238] : memref<640xf32, #tpu.memory_space<vmem>> -> memref<320xf32, #tpu.memory_space<vmem>>
        %dma_wait3A_240 = tpu.memref_slice %arg13[%mul3A_226] : memref<5008xf32, #tpu.memory_space<vmem_shared>> -> memref<320xf32, #tpu.memory_space<vmem_shared>>
        tpu.wait_dma2 semaphore(%run_scoped3A : memref<!tpu.dma_semaphore, #tpu.memory_space<semaphore_mem>>) src(%dma_wait3A_240 : memref<320xf32, #tpu.memory_space<vmem_shared>>) dst(%dma_wait3A_239 : memref<320xf32, #tpu.memory_space<vmem>>)
        tpu.yield
      }) : () -> ()
      %mul3A_227 = arith.constant 5008 : i32
      %mul3A_228 = arith.muli %arg0, %mul3A_227 : i32
      %mul3A_229 = arith.constant 320 : i32
      %mul3A_230 = arith.muli %arg1, %mul3A_229 : i32
      %add3A = arith.addi %mul3A_228, %mul3A_230 : i32
      "tpu.region"() ({
        %run_scoped3A = tpu.sem_alloc : memref<!tpu.dma_semaphore, #tpu.memory_space<semaphore_mem>>
        %dma_start3A = arith.constant 0 : i32
        %dma_start3A_231 = tpu.memref_slice %arg11[%dma_start3A] : memref<640xf32, #tpu.memory_space<vmem>> -> memref<320xf32, #tpu.memory_space<vmem>>
        %dma_start3A_232 = tpu.memref_slice %arg5[%add3A] : memref<10016xf32, #tpu.memory_space<hbm>> -> memref<320xf32, #tpu.memory_space<hbm>>
        %dma_start3A_233 = tpu.memref_slice %arg5[%add3A] : memref<10016xf32, #tpu.memory_space<hbm>> -> memref<320xf32, #tpu.memory_space<hbm>>
        %dma_start3A_234 = arith.constant 0 : i32
        %dma_start3A_235 = tpu.memref_slice %arg11[%dma_start3A_234] : memref<640xf32, #tpu.memory_space<vmem>> -> memref<320xf32, #tpu.memory_space<vmem>>
        tpu.enqueue_dma source(%dma_start3A_235 : memref<320xf32, #tpu.memory_space<vmem>>) target(%dma_start3A_233 : memref<320xf32, #tpu.memory_space<hbm>>) target_semaphore(%run_scoped3A : memref<!tpu.dma_semaphore, #tpu.memory_space<semaphore_mem>>)
        %dma_wait3A = arith.constant 0 : i32
        %dma_wait3A_236 = tpu.memref_slice %arg11[%dma_wait3A] : memref<640xf32, #tpu.memory_space<vmem>> -> memref<320xf32, #tpu.memory_space<vmem>>
        %dma_wait3A_237 = tpu.memref_slice %arg5[%add3A] : memref<10016xf32, #tpu.memory_space<hbm>> -> memref<320xf32, #tpu.memory_space<hbm>>
        %dma_wait3A_238 = tpu.memref_slice %arg5[%add3A] : memref<10016xf32, #tpu.memory_space<hbm>> -> memref<320xf32, #tpu.memory_space<hbm>>
        %dma_wait3A_239 = arith.constant 0 : i32
        %dma_wait3A_240 = tpu.memref_slice %arg11[%dma_wait3A_239] : memref<640xf32, #tpu.memory_space<vmem>> -> memref<320xf32, #tpu.memory_space<vmem>>
        tpu.wait_dma2 semaphore(%run_scoped3A : memref<!tpu.dma_semaphore, #tpu.memory_space<semaphore_mem>>) src(%dma_wait3A_240 : memref<320xf32, #tpu.memory_space<vmem>>) dst(%dma_wait3A_238 : memref<320xf32, #tpu.memory_space<hbm>>)
        tpu.yield
      }) : () -> ()
    } else {
    }
    %eq3A_220 = arith.constant 15 : i32
    %eq3A_221 = arith.cmpi eq, %arg1, %eq3A_220 : i32
    %convert_element_type3A_222 = arith.extui %eq3A_221 : i1 to i32
    %cond3A_223 = arith.constant 0 : i32
    %cond3A_224 = arith.cmpi ne, %convert_element_type3A_222, %cond3A_223 : i32
    scf.if %cond3A_224 {
      "tpu.region"() ({
        %run_scoped3A = tpu.sem_alloc : memref<!tpu.dma_semaphore, #tpu.memory_space<semaphore_mem>>
        %dma_start3A = arith.constant 0 : i32
        %dma_start3A_228 = tpu.memref_slice %arg11[%dma_start3A] : memref<640xf32, #tpu.memory_space<vmem>> -> memref<208xf32, #tpu.memory_space<vmem>>
        %dma_start3A_229 = arith.constant 4800 : i32
        %dma_start3A_230 = tpu.memref_slice %arg13[%dma_start3A_229] : memref<5008xf32, #tpu.memory_space<vmem_shared>> -> memref<208xf32, #tpu.memory_space<vmem_shared>>
        %dma_start3A_231 = arith.constant 0 : i32
        %dma_start3A_232 = tpu.memref_slice %arg11[%dma_start3A_231] : memref<640xf32, #tpu.memory_space<vmem>> -> memref<208xf32, #tpu.memory_space<vmem>>
        %dma_start3A_233 = arith.constant 4800 : i32
        %dma_start3A_234 = tpu.memref_slice %arg13[%dma_start3A_233] : memref<5008xf32, #tpu.memory_space<vmem_shared>> -> memref<208xf32, #tpu.memory_space<vmem_shared>>
        tpu.enqueue_dma source(%dma_start3A_234 : memref<208xf32, #tpu.memory_space<vmem_shared>>) target(%dma_start3A_232 : memref<208xf32, #tpu.memory_space<vmem>>) target_semaphore(%run_scoped3A : memref<!tpu.dma_semaphore, #tpu.memory_space<semaphore_mem>>)
        %dma_wait3A = arith.constant 0 : i32
        %dma_wait3A_235 = tpu.memref_slice %arg11[%dma_wait3A] : memref<640xf32, #tpu.memory_space<vmem>> -> memref<208xf32, #tpu.memory_space<vmem>>
        %dma_wait3A_236 = arith.constant 4800 : i32
        %dma_wait3A_237 = tpu.memref_slice %arg13[%dma_wait3A_236] : memref<5008xf32, #tpu.memory_space<vmem_shared>> -> memref<208xf32, #tpu.memory_space<vmem_shared>>
        %dma_wait3A_238 = arith.constant 0 : i32
        %dma_wait3A_239 = tpu.memref_slice %arg11[%dma_wait3A_238] : memref<640xf32, #tpu.memory_space<vmem>> -> memref<208xf32, #tpu.memory_space<vmem>>
        %dma_wait3A_240 = arith.constant 4800 : i32
        %dma_wait3A_241 = tpu.memref_slice %arg13[%dma_wait3A_240] : memref<5008xf32, #tpu.memory_space<vmem_shared>> -> memref<208xf32, #tpu.memory_space<vmem_shared>>
        tpu.wait_dma2 semaphore(%run_scoped3A : memref<!tpu.dma_semaphore, #tpu.memory_space<semaphore_mem>>) src(%dma_wait3A_241 : memref<208xf32, #tpu.memory_space<vmem_shared>>) dst(%dma_wait3A_239 : memref<208xf32, #tpu.memory_space<vmem>>)
        tpu.yield
      }) : () -> ()
      %mul3A_225 = arith.constant 5008 : i32
      %mul3A_226 = arith.muli %arg0, %mul3A_225 : i32
      %add3A = arith.constant 4800 : i32
      %add3A_227 = arith.addi %mul3A_226, %add3A : i32
      "tpu.region"() ({
        %run_scoped3A = tpu.sem_alloc : memref<!tpu.dma_semaphore, #tpu.memory_space<semaphore_mem>>
        %dma_start3A = arith.constant 0 : i32
        %dma_start3A_228 = tpu.memref_slice %arg11[%dma_start3A] : memref<640xf32, #tpu.memory_space<vmem>> -> memref<208xf32, #tpu.memory_space<vmem>>
        %dma_start3A_229 = tpu.memref_slice %arg5[%add3A_227] : memref<10016xf32, #tpu.memory_space<hbm>> -> memref<208xf32, #tpu.memory_space<hbm>>
        %dma_start3A_230 = tpu.memref_slice %arg5[%add3A_227] : memref<10016xf32, #tpu.memory_space<hbm>> -> memref<208xf32, #tpu.memory_space<hbm>>
        %dma_start3A_231 = arith.constant 0 : i32
        %dma_start3A_232 = tpu.memref_slice %arg11[%dma_start3A_231] : memref<640xf32, #tpu.memory_space<vmem>> -> memref<208xf32, #tpu.memory_space<vmem>>
        tpu.enqueue_dma source(%dma_start3A_232 : memref<208xf32, #tpu.memory_space<vmem>>) target(%dma_start3A_230 : memref<208xf32, #tpu.memory_space<hbm>>) target_semaphore(%run_scoped3A : memref<!tpu.dma_semaphore, #tpu.memory_space<semaphore_mem>>)
        %dma_wait3A = arith.constant 0 : i32
        %dma_wait3A_233 = tpu.memref_slice %arg11[%dma_wait3A] : memref<640xf32, #tpu.memory_space<vmem>> -> memref<208xf32, #tpu.memory_space<vmem>>
        %dma_wait3A_234 = tpu.memref_slice %arg5[%add3A_227] : memref<10016xf32, #tpu.memory_space<hbm>> -> memref<208xf32, #tpu.memory_space<hbm>>
        %dma_wait3A_235 = tpu.memref_slice %arg5[%add3A_227] : memref<10016xf32, #tpu.memory_space<hbm>> -> memref<208xf32, #tpu.memory_space<hbm>>
        %dma_wait3A_236 = arith.constant 0 : i32
        %dma_wait3A_237 = tpu.memref_slice %arg11[%dma_wait3A_236] : memref<640xf32, #tpu.memory_space<vmem>> -> memref<208xf32, #tpu.memory_space<vmem>>
        tpu.wait_dma2 semaphore(%run_scoped3A : memref<!tpu.dma_semaphore, #tpu.memory_space<semaphore_mem>>) src(%dma_wait3A_237 : memref<208xf32, #tpu.memory_space<vmem>>) dst(%dma_wait3A_235 : memref<208xf32, #tpu.memory_space<hbm>>)
        tpu.yield
      }) : () -> ()
    } else {
    }
    return
  }
}

#map = affine_map<(d0, d1) -> (0, 0)>
#map1 = affine_map<(d0, d1) -> (0)>
module attributes {stable_mosaic.version = 14 : i64} {
  func.func @_sc_gather(%arg0: i32, %arg1: i32, %arg2: memref<10000x256xf32, #tpu.memory_space<hbm>>, %arg3: memref<160000xi32, #tpu.memory_space<hbm>>, %arg4: memref<160000x256xf32, #tpu.memory_space<hbm>>, %arg5: memref<5000xi32, #tpu.memory_space<vmem>>, %arg6: memref<128x256xf32, #tpu.memory_space<vmem>>, %arg7: memref<128x256xf32, #tpu.memory_space<vmem>>, %arg8: memref<!tpu.dma_semaphore, #tpu.memory_space<semaphore_mem>>, %arg9: memref<!tpu.dma_semaphore, #tpu.memory_space<semaphore_mem>>, %arg10: memref<!tpu.dma_semaphore, #tpu.memory_space<semaphore_mem>>, %arg11: memref<!tpu.dma_semaphore, #tpu.memory_space<semaphore_mem>>) attributes {dimension_semantics = [#tpu.dimension_semantics<core_parallel>, #tpu.dimension_semantics<subcore_parallel>], iteration_bounds = array<i64: 2, 16>, scalar_prefetch = 0 : i64, scratch_operands = 7 : i64, tpu.core_type = #tpu.core_type<sc_vector_subcore>, window_params = [{transform_indices = #map}, {transform_indices = #map1}, {transform_indices = #map}]} {
    %mul3A = arith.constant 2 : i32
    %mul3A_0 = arith.muli %arg1, %mul3A : i32
    %add3A = arith.addi %mul3A_0, %arg0 : i32
    %mul3A_1 = arith.constant 5000 : i32
    %mul3A_2 = arith.muli %add3A, %mul3A_1 : i32
    "tpu.region"() ({
      %run_scoped3A = tpu.sem_alloc : memref<!tpu.dma_semaphore, #tpu.memory_space<semaphore_mem>>
      %dma_start3A_93 = tpu.memref_slice %arg3[%mul3A_2] : memref<160000xi32, #tpu.memory_space<hbm>> -> memref<5000xi32, #tpu.memory_space<hbm>>
      %dma_start3A_94 = tpu.memref_slice %arg3[%mul3A_2] : memref<160000xi32, #tpu.memory_space<hbm>> -> memref<5000xi32, #tpu.memory_space<hbm>>
      tpu.enqueue_dma source(%dma_start3A_94 : memref<5000xi32, #tpu.memory_space<hbm>>) target(%arg5 : memref<5000xi32, #tpu.memory_space<vmem>>) target_semaphore(%run_scoped3A : memref<!tpu.dma_semaphore, #tpu.memory_space<semaphore_mem>>)
      %dma_wait3A_95 = tpu.memref_slice %arg3[%mul3A_2] : memref<160000xi32, #tpu.memory_space<hbm>> -> memref<5000xi32, #tpu.memory_space<hbm>>
      %dma_wait3A_96 = tpu.memref_slice %arg3[%mul3A_2] : memref<160000xi32, #tpu.memory_space<hbm>> -> memref<5000xi32, #tpu.memory_space<hbm>>
      tpu.wait_dma2 semaphore(%run_scoped3A : memref<!tpu.dma_semaphore, #tpu.memory_space<semaphore_mem>>) src(%dma_wait3A_96 : memref<5000xi32, #tpu.memory_space<hbm>>) dst(%arg5 : memref<5000xi32, #tpu.memory_space<vmem>>)
      tpu.yield
    }) : () -> ()
    %multiple_of3A = arith.constant 0 : i32
    %multiple_of3A_3 = tpu.assume_multiple %multiple_of3A, 128 : i32
    %dma_start3A = tpu.memref_slice %arg5[%multiple_of3A_3] : memref<5000xi32, #tpu.memory_space<vmem>> -> memref<128xi32, #tpu.memory_space<vmem>>
    %dma_start3A_4 = arith.constant 0 : i32
    %dma_start3A_5 = arith.constant 0 : i32
    %dma_start3A_6 = tpu.memref_slice %arg2[%dma_start3A_4, %dma_start3A_5] : memref<10000x256xf32, #tpu.memory_space<hbm>> -> memref<10000x256xf32, #tpu.memory_space<hbm>>
    tpu.enqueue_indirect_dma source(%dma_start3A_6 : memref<10000x256xf32, #tpu.memory_space<hbm>>) target(%arg6 : memref<128x256xf32, #tpu.memory_space<vmem>>) offsets(%dma_start3A : memref<128xi32, #tpu.memory_space<vmem>>) semaphore(%arg8 : memref<!tpu.dma_semaphore, #tpu.memory_space<semaphore_mem>>)
    %dma_wait3A = tpu.memref_slice %arg5[%multiple_of3A_3] : memref<5000xi32, #tpu.memory_space<vmem>> -> memref<128xi32, #tpu.memory_space<vmem>>
    %dma_wait3A_7 = arith.constant 0 : i32
    %dma_wait3A_8 = arith.constant 0 : i32
    %dma_wait3A_9 = tpu.memref_slice %arg2[%dma_wait3A_7, %dma_wait3A_8] : memref<10000x256xf32, #tpu.memory_space<hbm>> -> memref<10000x256xf32, #tpu.memory_space<hbm>>
    tpu.wait_indirect_dma semaphore(%arg8 : memref<!tpu.dma_semaphore, #tpu.memory_space<semaphore_mem>>) src(%dma_wait3A_9 : memref<10000x256xf32, #tpu.memory_space<hbm>>) dst(%arg6 : memref<128x256xf32, #tpu.memory_space<vmem>>)
    %multiple_of3A_10 = arith.constant 128 : i32
    %multiple_of3A_11 = tpu.assume_multiple %multiple_of3A_10, 128 : i32
    %dma_start3A_12 = tpu.memref_slice %arg5[%multiple_of3A_11] : memref<5000xi32, #tpu.memory_space<vmem>> -> memref<128xi32, #tpu.memory_space<vmem>>
    %dma_start3A_13 = arith.constant 0 : i32
    %dma_start3A_14 = arith.constant 0 : i32
    %dma_start3A_15 = tpu.memref_slice %arg2[%dma_start3A_13, %dma_start3A_14] : memref<10000x256xf32, #tpu.memory_space<hbm>> -> memref<10000x256xf32, #tpu.memory_space<hbm>>
    tpu.enqueue_indirect_dma source(%dma_start3A_15 : memref<10000x256xf32, #tpu.memory_space<hbm>>) target(%arg7 : memref<128x256xf32, #tpu.memory_space<vmem>>) offsets(%dma_start3A_12 : memref<128xi32, #tpu.memory_space<vmem>>) semaphore(%arg9 : memref<!tpu.dma_semaphore, #tpu.memory_space<semaphore_mem>>)
    %multiple_of3A_16 = arith.constant 0 : i32
    %multiple_of3A_17 = tpu.assume_multiple %multiple_of3A_16, 128 : i32
    %add3A_18 = arith.addi %mul3A_2, %multiple_of3A_17 : i32
    %dma_start3A_19 = arith.constant 0 : i32
    %dma_start3A_20 = tpu.memref_slice %arg4[%add3A_18, %dma_start3A_19] : memref<160000x256xf32, #tpu.memory_space<hbm>> -> memref<128x256xf32, #tpu.memory_space<hbm>>
    %dma_start3A_21 = arith.constant 0 : i32
    %dma_start3A_22 = tpu.memref_slice %arg4[%add3A_18, %dma_start3A_21] : memref<160000x256xf32, #tpu.memory_space<hbm>> -> memref<128x256xf32, #tpu.memory_space<hbm>>
    tpu.enqueue_dma source(%arg6 : memref<128x256xf32, #tpu.memory_space<vmem>>) target(%dma_start3A_22 : memref<128x256xf32, #tpu.memory_space<hbm>>) target_semaphore(%arg10 : memref<!tpu.dma_semaphore, #tpu.memory_space<semaphore_mem>>)
    %scan3A = arith.constant 0 : i32
    %scan3A_23 = arith.constant 18 : i32
    %scan3A_24 = arith.addi %scan3A, %scan3A_23 : i32
    %scan3A_25 = arith.constant 1 : i32
    scf.for %scan3A_93 = %scan3A to %scan3A_24 step %scan3A_25  : i32 {
      %mul3A_94 = arith.constant 1 : i32
      %mul3A_95 = arith.muli %scan3A_93, %mul3A_94 : i32
      %add3A_96 = arith.constant 0 : i32
      %add3A_97 = arith.addi %add3A_96, %mul3A_95 : i32
      %mul3A_98 = arith.constant 2 : i32
      %mul3A_99 = arith.muli %mul3A_98, %add3A_97 : i32
      %add3A_100 = arith.constant 2 : i32
      %add3A_101 = arith.addi %mul3A_99, %add3A_100 : i32
      %add3A_102 = arith.constant 0 : i32
      %add3A_103 = arith.addi %add3A_101, %add3A_102 : i32
      %dma_wait3A_104 = arith.constant 0 : i32
      %dma_wait3A_105 = arith.constant 0 : i32
      %dma_wait3A_106 = tpu.memref_slice %arg4[%dma_wait3A_104, %dma_wait3A_105] : memref<160000x256xf32, #tpu.memory_space<hbm>> -> memref<128x256xf32, #tpu.memory_space<hbm>>
      %dma_wait3A_107 = arith.constant 0 : i32
      %dma_wait3A_108 = arith.constant 0 : i32
      %dma_wait3A_109 = tpu.memref_slice %arg4[%dma_wait3A_107, %dma_wait3A_108] : memref<160000x256xf32, #tpu.memory_space<hbm>> -> memref<128x256xf32, #tpu.memory_space<hbm>>
      tpu.wait_dma2 semaphore(%arg10 : memref<!tpu.dma_semaphore, #tpu.memory_space<semaphore_mem>>) src(%arg6 : memref<128x256xf32, #tpu.memory_space<vmem>>) dst(%dma_wait3A_109 : memref<128x256xf32, #tpu.memory_space<hbm>>)
      %dma_wait3A_110 = arith.constant 0 : i32
      %dma_wait3A_111 = tpu.memref_slice %arg5[%dma_wait3A_110] : memref<5000xi32, #tpu.memory_space<vmem>> -> memref<128xi32, #tpu.memory_space<vmem>>
      %dma_wait3A_112 = arith.constant 0 : i32
      %dma_wait3A_113 = arith.constant 0 : i32
      %dma_wait3A_114 = tpu.memref_slice %arg2[%dma_wait3A_112, %dma_wait3A_113] : memref<10000x256xf32, #tpu.memory_space<hbm>> -> memref<10000x256xf32, #tpu.memory_space<hbm>>
      tpu.wait_indirect_dma semaphore(%arg9 : memref<!tpu.dma_semaphore, #tpu.memory_space<semaphore_mem>>) src(%dma_wait3A_114 : memref<10000x256xf32, #tpu.memory_space<hbm>>) dst(%arg7 : memref<128x256xf32, #tpu.memory_space<vmem>>)
      %sub3A = arith.constant 1 : i32
      %sub3A_115 = arith.subi %add3A_103, %sub3A : i32
      %mul3A_116 = arith.constant 128 : i32
      %mul3A_117 = arith.muli %sub3A_115, %mul3A_116 : i32
      %multiple_of3A_118 = tpu.assume_multiple %mul3A_117, 128 : i32
      %add3A_119 = arith.addi %mul3A_2, %multiple_of3A_118 : i32
      %dma_start3A_120 = arith.constant 0 : i32
      %dma_start3A_121 = tpu.memref_slice %arg4[%add3A_119, %dma_start3A_120] : memref<160000x256xf32, #tpu.memory_space<hbm>> -> memref<128x256xf32, #tpu.memory_space<hbm>>
      %dma_start3A_122 = arith.constant 0 : i32
      %dma_start3A_123 = tpu.memref_slice %arg4[%add3A_119, %dma_start3A_122] : memref<160000x256xf32, #tpu.memory_space<hbm>> -> memref<128x256xf32, #tpu.memory_space<hbm>>
      tpu.enqueue_dma source(%arg7 : memref<128x256xf32, #tpu.memory_space<vmem>>) target(%dma_start3A_123 : memref<128x256xf32, #tpu.memory_space<hbm>>) target_semaphore(%arg11 : memref<!tpu.dma_semaphore, #tpu.memory_space<semaphore_mem>>)
      %mul3A_124 = arith.constant 128 : i32
      %mul3A_125 = arith.muli %add3A_103, %mul3A_124 : i32
      %multiple_of3A_126 = tpu.assume_multiple %mul3A_125, 128 : i32
      %dma_start3A_127 = tpu.memref_slice %arg5[%multiple_of3A_126] : memref<5000xi32, #tpu.memory_space<vmem>> -> memref<128xi32, #tpu.memory_space<vmem>>
      %dma_start3A_128 = arith.constant 0 : i32
      %dma_start3A_129 = arith.constant 0 : i32
      %dma_start3A_130 = tpu.memref_slice %arg2[%dma_start3A_128, %dma_start3A_129] : memref<10000x256xf32, #tpu.memory_space<hbm>> -> memref<10000x256xf32, #tpu.memory_space<hbm>>
      tpu.enqueue_indirect_dma source(%dma_start3A_130 : memref<10000x256xf32, #tpu.memory_space<hbm>>) target(%arg6 : memref<128x256xf32, #tpu.memory_space<vmem>>) offsets(%dma_start3A_127 : memref<128xi32, #tpu.memory_space<vmem>>) semaphore(%arg8 : memref<!tpu.dma_semaphore, #tpu.memory_space<semaphore_mem>>)
      %mul3A_131 = arith.constant 2 : i32
      %mul3A_132 = arith.muli %mul3A_131, %add3A_97 : i32
      %add3A_133 = arith.constant 2 : i32
      %add3A_134 = arith.addi %mul3A_132, %add3A_133 : i32
      %add3A_135 = arith.constant 1 : i32
      %add3A_136 = arith.addi %add3A_134, %add3A_135 : i32
      %dma_wait3A_137 = arith.constant 0 : i32
      %dma_wait3A_138 = arith.constant 0 : i32
      %dma_wait3A_139 = tpu.memref_slice %arg4[%dma_wait3A_137, %dma_wait3A_138] : memref<160000x256xf32, #tpu.memory_space<hbm>> -> memref<128x256xf32, #tpu.memory_space<hbm>>
      %dma_wait3A_140 = arith.constant 0 : i32
      %dma_wait3A_141 = arith.constant 0 : i32
      %dma_wait3A_142 = tpu.memref_slice %arg4[%dma_wait3A_140, %dma_wait3A_141] : memref<160000x256xf32, #tpu.memory_space<hbm>> -> memref<128x256xf32, #tpu.memory_space<hbm>>
      tpu.wait_dma2 semaphore(%arg11 : memref<!tpu.dma_semaphore, #tpu.memory_space<semaphore_mem>>) src(%arg7 : memref<128x256xf32, #tpu.memory_space<vmem>>) dst(%dma_wait3A_142 : memref<128x256xf32, #tpu.memory_space<hbm>>)
      %dma_wait3A_143 = arith.constant 0 : i32
      %dma_wait3A_144 = tpu.memref_slice %arg5[%dma_wait3A_143] : memref<5000xi32, #tpu.memory_space<vmem>> -> memref<128xi32, #tpu.memory_space<vmem>>
      %dma_wait3A_145 = arith.constant 0 : i32
      %dma_wait3A_146 = arith.constant 0 : i32
      %dma_wait3A_147 = tpu.memref_slice %arg2[%dma_wait3A_145, %dma_wait3A_146] : memref<10000x256xf32, #tpu.memory_space<hbm>> -> memref<10000x256xf32, #tpu.memory_space<hbm>>
      tpu.wait_indirect_dma semaphore(%arg8 : memref<!tpu.dma_semaphore, #tpu.memory_space<semaphore_mem>>) src(%dma_wait3A_147 : memref<10000x256xf32, #tpu.memory_space<hbm>>) dst(%arg6 : memref<128x256xf32, #tpu.memory_space<vmem>>)
      %sub3A_148 = arith.constant 1 : i32
      %sub3A_149 = arith.subi %add3A_136, %sub3A_148 : i32
      %mul3A_150 = arith.constant 128 : i32
      %mul3A_151 = arith.muli %sub3A_149, %mul3A_150 : i32
      %multiple_of3A_152 = tpu.assume_multiple %mul3A_151, 128 : i32
      %add3A_153 = arith.addi %mul3A_2, %multiple_of3A_152 : i32
      %dma_start3A_154 = arith.constant 0 : i32
      %dma_start3A_155 = tpu.memref_slice %arg4[%add3A_153, %dma_start3A_154] : memref<160000x256xf32, #tpu.memory_space<hbm>> -> memref<128x256xf32, #tpu.memory_space<hbm>>
      %dma_start3A_156 = arith.constant 0 : i32
      %dma_start3A_157 = tpu.memref_slice %arg4[%add3A_153, %dma_start3A_156] : memref<160000x256xf32, #tpu.memory_space<hbm>> -> memref<128x256xf32, #tpu.memory_space<hbm>>
      tpu.enqueue_dma source(%arg6 : memref<128x256xf32, #tpu.memory_space<vmem>>) target(%dma_start3A_157 : memref<128x256xf32, #tpu.memory_space<hbm>>) target_semaphore(%arg10 : memref<!tpu.dma_semaphore, #tpu.memory_space<semaphore_mem>>)
      %mul3A_158 = arith.constant 128 : i32
      %mul3A_159 = arith.muli %add3A_136, %mul3A_158 : i32
      %multiple_of3A_160 = tpu.assume_multiple %mul3A_159, 128 : i32
      %dma_start3A_161 = tpu.memref_slice %arg5[%multiple_of3A_160] : memref<5000xi32, #tpu.memory_space<vmem>> -> memref<128xi32, #tpu.memory_space<vmem>>
      %dma_start3A_162 = arith.constant 0 : i32
      %dma_start3A_163 = arith.constant 0 : i32
      %dma_start3A_164 = tpu.memref_slice %arg2[%dma_start3A_162, %dma_start3A_163] : memref<10000x256xf32, #tpu.memory_space<hbm>> -> memref<10000x256xf32, #tpu.memory_space<hbm>>
      tpu.enqueue_indirect_dma source(%dma_start3A_164 : memref<10000x256xf32, #tpu.memory_space<hbm>>) target(%arg7 : memref<128x256xf32, #tpu.memory_space<vmem>>) offsets(%dma_start3A_161 : memref<128xi32, #tpu.memory_space<vmem>>) semaphore(%arg9 : memref<!tpu.dma_semaphore, #tpu.memory_space<semaphore_mem>>)
    }
    %scan3A_26 = arith.constant 18 : i32
    %dma_wait3A_27 = arith.constant 0 : i32
    %dma_wait3A_28 = arith.constant 0 : i32
    %dma_wait3A_29 = tpu.memref_slice %arg4[%dma_wait3A_27, %dma_wait3A_28] : memref<160000x256xf32, #tpu.memory_space<hbm>> -> memref<128x256xf32, #tpu.memory_space<hbm>>
    %dma_wait3A_30 = arith.constant 0 : i32
    %dma_wait3A_31 = arith.constant 0 : i32
    %dma_wait3A_32 = tpu.memref_slice %arg4[%dma_wait3A_30, %dma_wait3A_31] : memref<160000x256xf32, #tpu.memory_space<hbm>> -> memref<128x256xf32, #tpu.memory_space<hbm>>
    tpu.wait_dma2 semaphore(%arg10 : memref<!tpu.dma_semaphore, #tpu.memory_space<semaphore_mem>>) src(%arg6 : memref<128x256xf32, #tpu.memory_space<vmem>>) dst(%dma_wait3A_32 : memref<128x256xf32, #tpu.memory_space<hbm>>)
    %dma_wait3A_33 = arith.constant 0 : i32
    %dma_wait3A_34 = tpu.memref_slice %arg5[%dma_wait3A_33] : memref<5000xi32, #tpu.memory_space<vmem>> -> memref<128xi32, #tpu.memory_space<vmem>>
    %dma_wait3A_35 = arith.constant 0 : i32
    %dma_wait3A_36 = arith.constant 0 : i32
    %dma_wait3A_37 = tpu.memref_slice %arg2[%dma_wait3A_35, %dma_wait3A_36] : memref<10000x256xf32, #tpu.memory_space<hbm>> -> memref<10000x256xf32, #tpu.memory_space<hbm>>
    tpu.wait_indirect_dma semaphore(%arg9 : memref<!tpu.dma_semaphore, #tpu.memory_space<semaphore_mem>>) src(%dma_wait3A_37 : memref<10000x256xf32, #tpu.memory_space<hbm>>) dst(%arg7 : memref<128x256xf32, #tpu.memory_space<vmem>>)
    %multiple_of3A_38 = arith.constant 4736 : i32
    %multiple_of3A_39 = tpu.assume_multiple %multiple_of3A_38, 128 : i32
    %add3A_40 = arith.addi %mul3A_2, %multiple_of3A_39 : i32
    %dma_start3A_41 = arith.constant 0 : i32
    %dma_start3A_42 = tpu.memref_slice %arg4[%add3A_40, %dma_start3A_41] : memref<160000x256xf32, #tpu.memory_space<hbm>> -> memref<128x256xf32, #tpu.memory_space<hbm>>
    %dma_start3A_43 = arith.constant 0 : i32
    %dma_start3A_44 = tpu.memref_slice %arg4[%add3A_40, %dma_start3A_43] : memref<160000x256xf32, #tpu.memory_space<hbm>> -> memref<128x256xf32, #tpu.memory_space<hbm>>
    tpu.enqueue_dma source(%arg7 : memref<128x256xf32, #tpu.memory_space<vmem>>) target(%dma_start3A_44 : memref<128x256xf32, #tpu.memory_space<hbm>>) target_semaphore(%arg11 : memref<!tpu.dma_semaphore, #tpu.memory_space<semaphore_mem>>)
    %multiple_of3A_45 = arith.constant 4864 : i32
    %multiple_of3A_46 = tpu.assume_multiple %multiple_of3A_45, 128 : i32
    %dma_start3A_47 = tpu.memref_slice %arg5[%multiple_of3A_46] : memref<5000xi32, #tpu.memory_space<vmem>> -> memref<128xi32, #tpu.memory_space<vmem>>
    %dma_start3A_48 = arith.constant 0 : i32
    %dma_start3A_49 = arith.constant 0 : i32
    %dma_start3A_50 = tpu.memref_slice %arg2[%dma_start3A_48, %dma_start3A_49] : memref<10000x256xf32, #tpu.memory_space<hbm>> -> memref<10000x256xf32, #tpu.memory_space<hbm>>
    tpu.enqueue_indirect_dma source(%dma_start3A_50 : memref<10000x256xf32, #tpu.memory_space<hbm>>) target(%arg6 : memref<128x256xf32, #tpu.memory_space<vmem>>) offsets(%dma_start3A_47 : memref<128xi32, #tpu.memory_space<vmem>>) semaphore(%arg8 : memref<!tpu.dma_semaphore, #tpu.memory_space<semaphore_mem>>)
    %dma_wait3A_51 = arith.constant 0 : i32
    %dma_wait3A_52 = tpu.memref_slice %arg5[%dma_wait3A_51] : memref<5000xi32, #tpu.memory_space<vmem>> -> memref<128xi32, #tpu.memory_space<vmem>>
    %dma_wait3A_53 = arith.constant 0 : i32
    %dma_wait3A_54 = arith.constant 0 : i32
    %dma_wait3A_55 = tpu.memref_slice %arg2[%dma_wait3A_53, %dma_wait3A_54] : memref<10000x256xf32, #tpu.memory_space<hbm>> -> memref<10000x256xf32, #tpu.memory_space<hbm>>
    tpu.wait_indirect_dma semaphore(%arg8 : memref<!tpu.dma_semaphore, #tpu.memory_space<semaphore_mem>>) src(%dma_wait3A_55 : memref<10000x256xf32, #tpu.memory_space<hbm>>) dst(%arg6 : memref<128x256xf32, #tpu.memory_space<vmem>>)
    %multiple_of3A_56 = arith.constant 4864 : i32
    %multiple_of3A_57 = tpu.assume_multiple %multiple_of3A_56, 128 : i32
    %add3A_58 = arith.addi %mul3A_2, %multiple_of3A_57 : i32
    %dma_start3A_59 = arith.constant 0 : i32
    %dma_start3A_60 = tpu.memref_slice %arg4[%add3A_58, %dma_start3A_59] : memref<160000x256xf32, #tpu.memory_space<hbm>> -> memref<128x256xf32, #tpu.memory_space<hbm>>
    %dma_start3A_61 = arith.constant 0 : i32
    %dma_start3A_62 = tpu.memref_slice %arg4[%add3A_58, %dma_start3A_61] : memref<160000x256xf32, #tpu.memory_space<hbm>> -> memref<128x256xf32, #tpu.memory_space<hbm>>
    tpu.enqueue_dma source(%arg6 : memref<128x256xf32, #tpu.memory_space<vmem>>) target(%dma_start3A_62 : memref<128x256xf32, #tpu.memory_space<hbm>>) target_semaphore(%arg10 : memref<!tpu.dma_semaphore, #tpu.memory_space<semaphore_mem>>)
    %dma_wait3A_63 = arith.constant 0 : i32
    %dma_wait3A_64 = arith.constant 0 : i32
    %dma_wait3A_65 = tpu.memref_slice %arg4[%dma_wait3A_63, %dma_wait3A_64] : memref<160000x256xf32, #tpu.memory_space<hbm>> -> memref<128x256xf32, #tpu.memory_space<hbm>>
    %dma_wait3A_66 = arith.constant 0 : i32
    %dma_wait3A_67 = arith.constant 0 : i32
    %dma_wait3A_68 = tpu.memref_slice %arg4[%dma_wait3A_66, %dma_wait3A_67] : memref<160000x256xf32, #tpu.memory_space<hbm>> -> memref<128x256xf32, #tpu.memory_space<hbm>>
    tpu.wait_dma2 semaphore(%arg11 : memref<!tpu.dma_semaphore, #tpu.memory_space<semaphore_mem>>) src(%arg7 : memref<128x256xf32, #tpu.memory_space<vmem>>) dst(%dma_wait3A_68 : memref<128x256xf32, #tpu.memory_space<hbm>>)
    %dma_start3A_69 = arith.constant 0 : i32
    %dma_start3A_70 = arith.constant 0 : i32
    %dma_start3A_71 = tpu.memref_slice %arg7[%dma_start3A_69, %dma_start3A_70] : memref<128x256xf32, #tpu.memory_space<vmem>> -> memref<8x256xf32, #tpu.memory_space<vmem>>
    %dma_start3A_72 = arith.constant 4992 : i32
    %dma_start3A_73 = tpu.memref_slice %arg5[%dma_start3A_72] : memref<5000xi32, #tpu.memory_space<vmem>> -> memref<8xi32, #tpu.memory_space<vmem>>
    %dma_start3A_74 = arith.constant 0 : i32
    %dma_start3A_75 = arith.constant 0 : i32
    %dma_start3A_76 = tpu.memref_slice %arg2[%dma_start3A_74, %dma_start3A_75] : memref<10000x256xf32, #tpu.memory_space<hbm>> -> memref<10000x256xf32, #tpu.memory_space<hbm>>
    tpu.enqueue_indirect_dma source(%dma_start3A_76 : memref<10000x256xf32, #tpu.memory_space<hbm>>) target(%dma_start3A_71 : memref<8x256xf32, #tpu.memory_space<vmem>>) offsets(%dma_start3A_73 : memref<8xi32, #tpu.memory_space<vmem>>) semaphore(%arg9 : memref<!tpu.dma_semaphore, #tpu.memory_space<semaphore_mem>>)
    %dma_wait3A_77 = arith.constant 0 : i32
    %dma_wait3A_78 = arith.constant 0 : i32
    %dma_wait3A_79 = tpu.memref_slice %arg7[%dma_wait3A_77, %dma_wait3A_78] : memref<128x256xf32, #tpu.memory_space<vmem>> -> memref<8x256xf32, #tpu.memory_space<vmem>>
    %dma_wait3A_80 = arith.constant 4992 : i32
    %dma_wait3A_81 = tpu.memref_slice %arg5[%dma_wait3A_80] : memref<5000xi32, #tpu.memory_space<vmem>> -> memref<8xi32, #tpu.memory_space<vmem>>
    %dma_wait3A_82 = arith.constant 0 : i32
    %dma_wait3A_83 = arith.constant 0 : i32
    %dma_wait3A_84 = tpu.memref_slice %arg2[%dma_wait3A_82, %dma_wait3A_83] : memref<10000x256xf32, #tpu.memory_space<hbm>> -> memref<10000x256xf32, #tpu.memory_space<hbm>>
    tpu.wait_indirect_dma semaphore(%arg9 : memref<!tpu.dma_semaphore, #tpu.memory_space<semaphore_mem>>) src(%dma_wait3A_84 : memref<10000x256xf32, #tpu.memory_space<hbm>>) dst(%dma_wait3A_79 : memref<8x256xf32, #tpu.memory_space<vmem>>)
    %add3A_85 = arith.constant 4992 : i32
    %add3A_86 = arith.addi %mul3A_2, %add3A_85 : i32
    "tpu.region"() ({
      %run_scoped3A = tpu.sem_alloc : memref<!tpu.dma_semaphore, #tpu.memory_space<semaphore_mem>>
      %dma_start3A_93 = arith.constant 0 : i32
      %dma_start3A_94 = arith.constant 0 : i32
      %dma_start3A_95 = tpu.memref_slice %arg7[%dma_start3A_93, %dma_start3A_94] : memref<128x256xf32, #tpu.memory_space<vmem>> -> memref<8x256xf32, #tpu.memory_space<vmem>>
      %dma_start3A_96 = arith.constant 0 : i32
      %dma_start3A_97 = tpu.memref_slice %arg4[%add3A_86, %dma_start3A_96] : memref<160000x256xf32, #tpu.memory_space<hbm>> -> memref<8x256xf32, #tpu.memory_space<hbm>>
      %dma_start3A_98 = arith.constant 0 : i32
      %dma_start3A_99 = tpu.memref_slice %arg4[%add3A_86, %dma_start3A_98] : memref<160000x256xf32, #tpu.memory_space<hbm>> -> memref<8x256xf32, #tpu.memory_space<hbm>>
      %dma_start3A_100 = arith.constant 0 : i32
      %dma_start3A_101 = arith.constant 0 : i32
      %dma_start3A_102 = tpu.memref_slice %arg7[%dma_start3A_100, %dma_start3A_101] : memref<128x256xf32, #tpu.memory_space<vmem>> -> memref<8x256xf32, #tpu.memory_space<vmem>>
      tpu.enqueue_dma source(%dma_start3A_102 : memref<8x256xf32, #tpu.memory_space<vmem>>) target(%dma_start3A_99 : memref<8x256xf32, #tpu.memory_space<hbm>>) target_semaphore(%run_scoped3A : memref<!tpu.dma_semaphore, #tpu.memory_space<semaphore_mem>>)
      %dma_wait3A_103 = arith.constant 0 : i32
      %dma_wait3A_104 = arith.constant 0 : i32
      %dma_wait3A_105 = tpu.memref_slice %arg7[%dma_wait3A_103, %dma_wait3A_104] : memref<128x256xf32, #tpu.memory_space<vmem>> -> memref<8x256xf32, #tpu.memory_space<vmem>>
      %dma_wait3A_106 = arith.constant 0 : i32
      %dma_wait3A_107 = tpu.memref_slice %arg4[%add3A_86, %dma_wait3A_106] : memref<160000x256xf32, #tpu.memory_space<hbm>> -> memref<8x256xf32, #tpu.memory_space<hbm>>
      %dma_wait3A_108 = arith.constant 0 : i32
      %dma_wait3A_109 = tpu.memref_slice %arg4[%add3A_86, %dma_wait3A_108] : memref<160000x256xf32, #tpu.memory_space<hbm>> -> memref<8x256xf32, #tpu.memory_space<hbm>>
      %dma_wait3A_110 = arith.constant 0 : i32
      %dma_wait3A_111 = arith.constant 0 : i32
      %dma_wait3A_112 = tpu.memref_slice %arg7[%dma_wait3A_110, %dma_wait3A_111] : memref<128x256xf32, #tpu.memory_space<vmem>> -> memref<8x256xf32, #tpu.memory_space<vmem>>
      tpu.wait_dma2 semaphore(%run_scoped3A : memref<!tpu.dma_semaphore, #tpu.memory_space<semaphore_mem>>) src(%dma_wait3A_112 : memref<8x256xf32, #tpu.memory_space<vmem>>) dst(%dma_wait3A_109 : memref<8x256xf32, #tpu.memory_space<hbm>>)
      tpu.yield
    }) : () -> ()
    %dma_wait3A_87 = arith.constant 0 : i32
    %dma_wait3A_88 = arith.constant 0 : i32
    %dma_wait3A_89 = tpu.memref_slice %arg4[%dma_wait3A_87, %dma_wait3A_88] : memref<160000x256xf32, #tpu.memory_space<hbm>> -> memref<128x256xf32, #tpu.memory_space<hbm>>
    %dma_wait3A_90 = arith.constant 0 : i32
    %dma_wait3A_91 = arith.constant 0 : i32
    %dma_wait3A_92 = tpu.memref_slice %arg4[%dma_wait3A_90, %dma_wait3A_91] : memref<160000x256xf32, #tpu.memory_space<hbm>> -> memref<128x256xf32, #tpu.memory_space<hbm>>
    tpu.wait_dma2 semaphore(%arg10 : memref<!tpu.dma_semaphore, #tpu.memory_space<semaphore_mem>>) src(%arg6 : memref<128x256xf32, #tpu.memory_space<vmem>>) dst(%dma_wait3A_92 : memref<128x256xf32, #tpu.memory_space<hbm>>)
    return
  }
}

module attributes {stable_mosaic.version = 14 : i64} {
  func.func @_tc_first_body(%arg0: i32, %arg1: memref<400x256xf32, #tpu.memory_space<vmem>>, %arg2: memref<256x256xf32, #tpu.memory_space<vmem>>, %arg3: memref<400x1xf32, #tpu.memory_space<vmem>>, %arg4: memref<400x256xf32, #tpu.memory_space<vmem>>) attributes {dimension_semantics = [#tpu.dimension_semantics<arbitrary>], iteration_bounds = array<i64: 25>, scalar_prefetch = 0 : i64, scratch_operands = 0 : i64, tpu.core_type = #tpu.core_type<tc>, window_params = [{transform_indices = @transform_0, window_bounds = array<i64: 400, 256>}, {pipeline_mode = #tpu.pipeline_mode<synchronous>, transform_indices = @transform_1, window_bounds = array<i64: 256, 256>}, {transform_indices = @transform_2, window_bounds = array<i64: 400, 1>}, {transform_indices = @transform_3, window_bounds = array<i64: 400, 256>}]} {
    %get3A = arith.constant 0 : index
    %get3A_0 = arith.constant 0 : index
    %get3A_1 = vector.load %arg3[%get3A, %get3A_0] : memref<400x1xf32, #tpu.memory_space<vmem>>, vector<400x1xf32>
    %max3A = arith.constant 1.000000e+00 : f32
    %max3A_2 = vector.broadcast %max3A : f32 to vector<400x1xf32>
    %max3A_3 = arith.maximumf %get3A_1, %max3A_2 : vector<400x1xf32>
    %rsqrt3A = math.rsqrt %max3A_3 : vector<400x1xf32>
    %get3A_4 = arith.constant 0 : index
    %get3A_5 = arith.constant 0 : index
    %get3A_6 = vector.load %arg1[%get3A_4, %get3A_5] : memref<400x256xf32, #tpu.memory_space<vmem>>, vector<400x256xf32>
    %get3A_7 = arith.constant 0 : index
    %get3A_8 = arith.constant 0 : index
    %get3A_9 = vector.load %arg2[%get3A_7, %get3A_8] : memref<256x256xf32, #tpu.memory_space<vmem>>, vector<256x256xf32>
    %dot_general3A = arith.constant dense<0.000000e+00> : vector<400x256xf32>
    %dot_general3A_10 = tpu.matmul %get3A_6, %get3A_9, %dot_general3A {dimension_numbers = #tpu.dot_dimension_numbers<[1], [0], [0], [1], [0, 0, 1, 1], [], []>, transpose_lhs_hint = false} : vector<400x256xf32>, vector<256x256xf32>, vector<400x256xf32> -> vector<400x256xf32>
    %mul3A = vector.broadcast %rsqrt3A : vector<400x1xf32> to vector<400x256xf32>
    %mul3A_11 = arith.mulf %dot_general3A_10, %mul3A : vector<400x256xf32>
    %swap3A = arith.constant 0 : index
    %swap3A_12 = arith.constant 0 : index
    %swap3A_13 = vector.load %arg4[%swap3A, %swap3A_12] : memref<400x256xf32, #tpu.memory_space<vmem>>, vector<400x256xf32>
    tpu.vector_store %arg4[%swap3A, %swap3A_12], %mul3A_11 {strides = array<i32>} : memref<400x256xf32, #tpu.memory_space<vmem>>, vector<400x256xf32>,
    return
  }
  func.func @transform_0(%arg0: i32) -> (i32, i32) {
    %c0_i32 = arith.constant 0 : i32
    %c0_i32_0 = arith.constant 0 : i32
    return %arg0, %c0_i32 : i32, i32
  }
  func.func @transform_1(%arg0: i32) -> (i32, i32) {
    %c0_i32 = arith.constant 0 : i32
    %c0_i32_0 = arith.constant 0 : i32
    %c0_i32_1 = arith.constant 0 : i32
    return %c0_i32, %c0_i32_0 : i32, i32
  }
  func.func @transform_2(%arg0: i32) -> (i32, i32) {
    %c0_i32 = arith.constant 0 : i32
    %c0_i32_0 = arith.constant 0 : i32
    return %arg0, %c0_i32 : i32, i32
  }
  func.func @transform_3(%arg0: i32) -> (i32, i32) {
    %c0_i32 = arith.constant 0 : i32
    %c0_i32_0 = arith.constant 0 : i32
    return %arg0, %c0_i32 : i32, i32
  }
}

module attributes {stable_mosaic.version = 14 : i64} {
  func.func @_tc_onehot_body(%arg0: i32, %arg1: memref<672xi32, #tpu.memory_space<smem>>, %arg2: memref<672xi32, #tpu.memory_space<smem>>, %arg3: memref<1x1x256xi32, #tpu.memory_space<vmem>>, %arg4: memref<10496x1xf32, #tpu.memory_space<vmem>>, %arg5: memref<256x256xf32, #tpu.memory_space<vmem>>, %arg6: memref<10496x256xf32, #tpu.memory_space<vmem>>) attributes {dimension_semantics = [#tpu.dimension_semantics<arbitrary>], iteration_bounds = array<i64: 672>, scalar_prefetch = 2 : i64, scratch_operands = 0 : i64, tpu.core_type = #tpu.core_type<tc>, window_params = [{transform_indices = @transform_0, window_bounds = array<i64: 1, 1, 256>}, {pipeline_mode = #tpu.pipeline_mode<synchronous>, transform_indices = @transform_1, window_bounds = array<i64: 10496, 1>}, {transform_indices = @transform_2, window_bounds = array<i64: 256, 256>}, {pipeline_mode = #tpu.pipeline_mode<synchronous>, transform_indices = @transform_3, window_bounds = array<i64: 10496, 256>}]} {
    %get3A = arith.index_cast %arg0 : i32 to index
    %get3A_0 = memref.load %arg2[%get3A] : memref<672xi32, #tpu.memory_space<smem>>
    %mul3A = arith.constant 256 : i32
    %mul3A_1 = arith.muli %get3A_0, %mul3A : i32
    %get3A_2 = arith.constant 0 : index
    %get3A_3 = arith.constant 0 : index
    %get3A_4 = arith.constant 0 : index
    %get3A_5 = vector.load %arg3[%get3A_2, %get3A_3, %get3A_4] : memref<1x1x256xi32, #tpu.memory_space<vmem>>, vector<1x1x256xi32>
    %get3A_6 = vector.shape_cast %get3A_5 : vector<1x1x256xi32> to vector<256xi32>
    %iota3A = tpu.iota {dimensions = array<i32: 0>} : vector<256x256xi32>
    %add3A = vector.broadcast %mul3A_1 : i32 to vector<256x256xi32>
    %add3A_7 = arith.addi %iota3A, %add3A : vector<256x256xi32>
    %broadcast_in_dim3A = vector.shape_cast %get3A_6 : vector<256xi32> to vector<1x256xi32>
    %eq3A = vector.broadcast %broadcast_in_dim3A : vector<1x256xi32> to vector<256x256xi32>
    %eq3A_8 = arith.cmpi eq, %add3A_7, %eq3A : vector<256x256xi32>
    %get3A_9 = arith.index_cast %mul3A_1 : i32 to index
    %get3A_10 = arith.constant 0 : index
    %get3A_11 = vector.load %arg4[%get3A_9, %get3A_10] : memref<10496x1xf32, #tpu.memory_space<vmem>>, vector<256x1xf32>
    %jit3A = arith.constant 0.000000e+00 : f32
    %broadcast_in_dim3A_12 = vector.shape_cast %get3A_11 : vector<256x1xf32> to vector<256x1xf32>
    %broadcast_in_dim3A_13 = vector.broadcast %broadcast_in_dim3A_12 : vector<256x1xf32> to vector<256x256xf32>
    %broadcast_in_dim3A_14 = vector.broadcast %jit3A : f32 to vector<256x256xf32>
    %select_n3A = arith.select %eq3A_8, %broadcast_in_dim3A_13, %broadcast_in_dim3A_14 : vector<256x256xi1>, vector<256x256xf32>
    %convert_element_type3A = arith.truncf %select_n3A : vector<256x256xf32> to vector<256x256xbf16>
    %get3A_15 = arith.constant 0 : index
    %get3A_16 = arith.constant 0 : index
    %get3A_17 = vector.load %arg5[%get3A_15, %get3A_16] : memref<256x256xf32, #tpu.memory_space<vmem>>, vector<256x256xf32>
    %convert_element_type3A_18 = arith.truncf %get3A_17 : vector<256x256xf32> to vector<256x256xbf16>
    %eq3A_19 = arith.constant 0 : i32
    %eq3A_20 = arith.cmpi eq, %arg0, %eq3A_19 : i32
    %convert_element_type3A_21 = arith.extui %eq3A_20 : i1 to i32
    %cond3A = arith.constant 0 : i32
    %cond3A_22 = arith.cmpi ne, %convert_element_type3A_21, %cond3A : i32
    scf.if %cond3A_22 {
      %broadcast_in_dim3A_30 = arith.constant 0.000000e+00 : f32
      %broadcast_in_dim3A_31 = vector.broadcast %broadcast_in_dim3A_30 : f32 to vector<10496x256xf32>
      %swap3A_32 = arith.constant 0 : index
      %swap3A_33 = arith.constant 0 : index
      %swap3A_34 = vector.load %arg6[%swap3A_32, %swap3A_33] : memref<10496x256xf32, #tpu.memory_space<vmem>>, vector<10496x256xf32>
      tpu.vector_store %arg6[%swap3A_32, %swap3A_33], %broadcast_in_dim3A_31 {strides = array<i32>} : memref<10496x256xf32, #tpu.memory_space<vmem>>, vector<10496x256xf32>,
    } else {
    }
    %get3A_23 = arith.index_cast %mul3A_1 : i32 to index
    %get3A_24 = arith.constant 0 : index
    %get3A_25 = vector.load %arg6[%get3A_23, %get3A_24] : memref<10496x256xf32, #tpu.memory_space<vmem>>, vector<256x256xf32>
    %dot_general3A = arith.constant dense<0.000000e+00> : vector<256x256xf32>
    %dot_general3A_26 = tpu.matmul %convert_element_type3A, %convert_element_type3A_18, %dot_general3A {dimension_numbers = #tpu.dot_dimension_numbers<[1], [0], [0], [1], [0, 0, 1, 1], [], []>, transpose_lhs_hint = false} : vector<256x256xbf16>, vector<256x256xbf16>, vector<256x256xf32> -> vector<256x256xf32>
    %add3A_27 = arith.addf %get3A_25, %dot_general3A_26 : vector<256x256xf32>
    %swap3A = arith.index_cast %mul3A_1 : i32 to index
    %swap3A_28 = arith.constant 0 : index
    %swap3A_29 = vector.load %arg6[%swap3A, %swap3A_28] : memref<10496x256xf32, #tpu.memory_space<vmem>>, vector<256x256xf32>
    tpu.vector_store %arg6[%swap3A, %swap3A_28], %add3A_27 {strides = array<i32>} : memref<10496x256xf32, #tpu.memory_space<vmem>>, vector<256x256xf32>,
    return
  }
  func.func @transform_0(%arg0: i32, %arg1: memref<672xi32, #tpu.memory_space<smem>>, %arg2: memref<672xi32, #tpu.memory_space<smem>>) -> (i32, i32, i32) {
    %get3A = arith.index_cast %arg0 : i32 to index
    %get3A_0 = memref.load %arg1[%get3A] : memref<672xi32, #tpu.memory_space<smem>>
    %c0_i32 = arith.constant 0 : i32
    %c0_i32_1 = arith.constant 0 : i32
    %c0_i32_2 = arith.constant 0 : i32
    return %get3A_0, %c0_i32, %c0_i32_1 : i32, i32, i32
  }
  func.func @transform_1(%arg0: i32, %arg1: memref<672xi32, #tpu.memory_space<smem>>, %arg2: memref<672xi32, #tpu.memory_space<smem>>) -> (i32, i32) {
    %c0_i32 = arith.constant 0 : i32
    %c0_i32_0 = arith.constant 0 : i32
    %c0_i32_1 = arith.constant 0 : i32
    return %c0_i32, %c0_i32_0 : i32, i32
  }
  func.func @transform_2(%arg0: i32, %arg1: memref<672xi32, #tpu.memory_space<smem>>, %arg2: memref<672xi32, #tpu.memory_space<smem>>) -> (i32, i32) {
    %get3A = arith.index_cast %arg0 : i32 to index
    %get3A_0 = memref.load %arg1[%get3A] : memref<672xi32, #tpu.memory_space<smem>>
    %c0_i32 = arith.constant 0 : i32
    %c0_i32_1 = arith.constant 0 : i32
    return %get3A_0, %c0_i32 : i32, i32
  }
  func.func @transform_3(%arg0: i32, %arg1: memref<672xi32, #tpu.memory_space<smem>>, %arg2: memref<672xi32, #tpu.memory_space<smem>>) -> (i32, i32) {
    %c0_i32 = arith.constant 0 : i32
    %c0_i32_0 = arith.constant 0 : i32
    %c0_i32_1 = arith.constant 0 : i32
    return %c0_i32, %c0_i32_0 : i32, i32
  }
}

module attributes {stable_mosaic.version = 14 : i64} {
  func.func @_tc_mid_body(%arg0: i32, %arg1: memref<400x256xf32, #tpu.memory_space<vmem>>, %arg2: memref<256x256xf32, #tpu.memory_space<vmem>>, %arg3: memref<1x256xf32, #tpu.memory_space<vmem>>, %arg4: memref<400x1xf32, #tpu.memory_space<vmem>>, %arg5: memref<400x256xf32, #tpu.memory_space<vmem>>) attributes {dimension_semantics = [#tpu.dimension_semantics<arbitrary>], iteration_bounds = array<i64: 25>, scalar_prefetch = 0 : i64, scratch_operands = 0 : i64, tpu.core_type = #tpu.core_type<tc>, window_params = [{transform_indices = @transform_0, window_bounds = array<i64: 400, 256>}, {pipeline_mode = #tpu.pipeline_mode<synchronous>, transform_indices = @transform_1, window_bounds = array<i64: 256, 256>}, {pipeline_mode = #tpu.pipeline_mode<synchronous>, transform_indices = @transform_2, window_bounds = array<i64: 1, 256>}, {transform_indices = @transform_3, window_bounds = array<i64: 400, 1>}, {transform_indices = @transform_4, window_bounds = array<i64: 400, 256>}]} {
    %get3A = arith.constant 0 : index
    %get3A_0 = arith.constant 0 : index
    %get3A_1 = vector.load %arg4[%get3A, %get3A_0] : memref<400x1xf32, #tpu.memory_space<vmem>>, vector<400x1xf32>
    %max3A = arith.constant 1.000000e+00 : f32
    %max3A_2 = vector.broadcast %max3A : f32 to vector<400x1xf32>
    %max3A_3 = arith.maximumf %get3A_1, %max3A_2 : vector<400x1xf32>
    %rsqrt3A = math.rsqrt %max3A_3 : vector<400x1xf32>
    %get3A_4 = arith.constant 0 : index
    %get3A_5 = arith.constant 0 : index
    %get3A_6 = vector.load %arg1[%get3A_4, %get3A_5] : memref<400x256xf32, #tpu.memory_space<vmem>>, vector<400x256xf32>
    %get3A_7 = arith.constant 0 : index
    %get3A_8 = arith.constant 0 : index
    %get3A_9 = vector.load %arg3[%get3A_7, %get3A_8] : memref<1x256xf32, #tpu.memory_space<vmem>>, vector<1x256xf32>
    %add3A = vector.broadcast %get3A_9 : vector<1x256xf32> to vector<400x256xf32>
    %add3A_10 = arith.addf %get3A_6, %add3A : vector<400x256xf32>
    %max3A_11 = arith.constant 0.000000e+00 : f32
    %max3A_12 = vector.broadcast %max3A_11 : f32 to vector<400x256xf32>
    %max3A_13 = arith.maximumf %add3A_10, %max3A_12 : vector<400x256xf32>
    %get3A_14 = arith.constant 0 : index
    %get3A_15 = arith.constant 0 : index
    %get3A_16 = vector.load %arg2[%get3A_14, %get3A_15] : memref<256x256xf32, #tpu.memory_space<vmem>>, vector<256x256xf32>
    %dot_general3A = arith.constant dense<0.000000e+00> : vector<400x256xf32>
    %dot_general3A_17 = tpu.matmul %max3A_13, %get3A_16, %dot_general3A {dimension_numbers = #tpu.dot_dimension_numbers<[1], [0], [0], [1], [0, 0, 1, 1], [], []>, transpose_lhs_hint = false} : vector<400x256xf32>, vector<256x256xf32>, vector<400x256xf32> -> vector<400x256xf32>
    %mul3A = vector.broadcast %rsqrt3A : vector<400x1xf32> to vector<400x256xf32>
    %mul3A_18 = arith.mulf %dot_general3A_17, %mul3A : vector<400x256xf32>
    %swap3A = arith.constant 0 : index
    %swap3A_19 = arith.constant 0 : index
    %swap3A_20 = vector.load %arg5[%swap3A, %swap3A_19] : memref<400x256xf32, #tpu.memory_space<vmem>>, vector<400x256xf32>
    tpu.vector_store %arg5[%swap3A, %swap3A_19], %mul3A_18 {strides = array<i32>} : memref<400x256xf32, #tpu.memory_space<vmem>>, vector<400x256xf32>,
    return
  }
  func.func @transform_0(%arg0: i32) -> (i32, i32) {
    %c0_i32 = arith.constant 0 : i32
    %c0_i32_0 = arith.constant 0 : i32
    return %arg0, %c0_i32 : i32, i32
  }
  func.func @transform_1(%arg0: i32) -> (i32, i32) {
    %c0_i32 = arith.constant 0 : i32
    %c0_i32_0 = arith.constant 0 : i32
    %c0_i32_1 = arith.constant 0 : i32
    return %c0_i32, %c0_i32_0 : i32, i32
  }
  func.func @transform_2(%arg0: i32) -> (i32, i32) {
    %c0_i32 = arith.constant 0 : i32
    %c0_i32_0 = arith.constant 0 : i32
    %c0_i32_1 = arith.constant 0 : i32
    return %c0_i32, %c0_i32_0 : i32, i32
  }
  func.func @transform_3(%arg0: i32) -> (i32, i32) {
    %c0_i32 = arith.constant 0 : i32
    %c0_i32_0 = arith.constant 0 : i32
    return %arg0, %c0_i32 : i32, i32
  }
  func.func @transform_4(%arg0: i32) -> (i32, i32) {
    %c0_i32 = arith.constant 0 : i32
    %c0_i32_0 = arith.constant 0 : i32
    return %arg0, %c0_i32 : i32, i32
  }
}

module attributes {stable_mosaic.version = 14 : i64} {
  func.func @_tc_head_body(%arg0: i32, %arg1: memref<400x256xf32, #tpu.memory_space<vmem>>, %arg2: memref<1x256xf32, #tpu.memory_space<vmem>>, %arg3: memref<1x256xf32, #tpu.memory_space<vmem>>, %arg4: memref<1x1xf32, #tpu.memory_space<vmem>>, %arg5: memref<400x1xf32, #tpu.memory_space<vmem>>) attributes {dimension_semantics = [#tpu.dimension_semantics<arbitrary>], iteration_bounds = array<i64: 25>, scalar_prefetch = 0 : i64, scratch_operands = 0 : i64, tpu.core_type = #tpu.core_type<tc>, window_params = [{transform_indices = @transform_0, window_bounds = array<i64: 400, 256>}, {pipeline_mode = #tpu.pipeline_mode<synchronous>, transform_indices = @transform_1, window_bounds = array<i64: 1, 256>}, {pipeline_mode = #tpu.pipeline_mode<synchronous>, transform_indices = @transform_2, window_bounds = array<i64: 1, 256>}, {pipeline_mode = #tpu.pipeline_mode<synchronous>, transform_indices = @transform_3, window_bounds = array<i64: 1, 1>}, {transform_indices = @transform_4, window_bounds = array<i64: 400, 1>}]} {
    %get3A = arith.constant 0 : index
    %get3A_0 = arith.constant 0 : index
    %get3A_1 = vector.load %arg1[%get3A, %get3A_0] : memref<400x256xf32, #tpu.memory_space<vmem>>, vector<400x256xf32>
    %get3A_2 = arith.constant 0 : index
    %get3A_3 = arith.constant 0 : index
    %get3A_4 = vector.load %arg3[%get3A_2, %get3A_3] : memref<1x256xf32, #tpu.memory_space<vmem>>, vector<1x256xf32>
    %add3A = vector.broadcast %get3A_4 : vector<1x256xf32> to vector<400x256xf32>
    %add3A_5 = arith.addf %get3A_1, %add3A : vector<400x256xf32>
    %max3A = arith.constant 0.000000e+00 : f32
    %max3A_6 = vector.broadcast %max3A : f32 to vector<400x256xf32>
    %max3A_7 = arith.maximumf %add3A_5, %max3A_6 : vector<400x256xf32>
    %get3A_8 = arith.constant 0 : index
    %get3A_9 = arith.constant 0 : index
    %get3A_10 = vector.load %arg2[%get3A_8, %get3A_9] : memref<1x256xf32, #tpu.memory_space<vmem>>, vector<1x256xf32>
    %mul3A = vector.broadcast %get3A_10 : vector<1x256xf32> to vector<400x256xf32>
    %mul3A_11 = arith.mulf %max3A_7, %mul3A : vector<400x256xf32>
    %reduce_sum3A = arith.constant dense<0.000000e+00> : vector<400xf32>
    %reduce_sum3A_12 = vector.multi_reduction <add>, %mul3A_11, %reduce_sum3A [1] : vector<400x256xf32> to vector<400xf32>
    %broadcast_in_dim3A = vector.shape_cast %reduce_sum3A_12 : vector<400xf32> to vector<400x1xf32>
    %get3A_13 = arith.constant 0 : index
    %get3A_14 = arith.constant 0 : index
    %get3A_15 = vector.load %arg4[%get3A_13, %get3A_14] : memref<1x1xf32, #tpu.memory_space<vmem>>, vector<1x1xf32>
    %get3A_16 = vector.extract %get3A_15[0, 0] : f32 from vector<1x1xf32>
    %add3A_17 = vector.broadcast %get3A_16 : f32 to vector<400x1xf32>
    %add3A_18 = arith.addf %broadcast_in_dim3A, %add3A_17 : vector<400x1xf32>
    %logistic3A = arith.negf %add3A_18 : vector<400x1xf32>
    %logistic3A_19 = math.exp %logistic3A : vector<400x1xf32>
    %logistic3A_20 = arith.constant 1.000000e+00 : f32
    %logistic3A_21 = vector.broadcast %logistic3A_20 : f32 to vector<400x1xf32>
    %logistic3A_22 = arith.addf %logistic3A_21, %logistic3A_19 : vector<400x1xf32>
    %logistic3A_23 = arith.divf %logistic3A_21, %logistic3A_22 : vector<400x1xf32>
    %swap3A = arith.constant 0 : index
    %swap3A_24 = arith.constant 0 : index
    %swap3A_25 = vector.load %arg5[%swap3A, %swap3A_24] : memref<400x1xf32, #tpu.memory_space<vmem>>, vector<400x1xf32>
    tpu.vector_store %arg5[%swap3A, %swap3A_24], %logistic3A_23 {strides = array<i32>} : memref<400x1xf32, #tpu.memory_space<vmem>>, vector<400x1xf32>,
    return
  }
  func.func @transform_0(%arg0: i32) -> (i32, i32) {
    %c0_i32 = arith.constant 0 : i32
    %c0_i32_0 = arith.constant 0 : i32
    return %arg0, %c0_i32 : i32, i32
  }
  func.func @transform_1(%arg0: i32) -> (i32, i32) {
    %c0_i32 = arith.constant 0 : i32
    %c0_i32_0 = arith.constant 0 : i32
    %c0_i32_1 = arith.constant 0 : i32
    return %c0_i32, %c0_i32_0 : i32, i32
  }
  func.func @transform_2(%arg0: i32) -> (i32, i32) {
    %c0_i32 = arith.constant 0 : i32
    %c0_i32_0 = arith.constant 0 : i32
    %c0_i32_1 = arith.constant 0 : i32
    return %c0_i32, %c0_i32_0 : i32, i32
  }
  func.func @transform_3(%arg0: i32) -> (i32, i32) {
    %c0_i32 = arith.constant 0 : i32
    %c0_i32_0 = arith.constant 0 : i32
    %c0_i32_1 = arith.constant 0 : i32
    return %c0_i32, %c0_i32_0 : i32, i32
  }
  func.func @transform_4(%arg0: i32) -> (i32, i32) {
    %c0_i32 = arith.constant 0 : i32
    %c0_i32_0 = arith.constant 0 : i32
    return %arg0, %c0_i32 : i32, i32
  }
}

</mosaic_0001>

<sc_bundles>
// kernel: gather_offload_async_start
scs
__scs_entry_jumppad:
0x0: {  	(pc) =	sbr.rel $0x88, $3  }
0x1: {  	(tag) =	ssettag $0x0;
	lr =	simm.s32 $0x1  }
0x2: {  	[smem:$0x3F97] =	sst lr;
	_ =	strace $0xD0000000  }
0x3: {  	_ = 	snop  }
0x4: {  	_ = 	snop  }
0x5: {  	_ = 	snop  }
0x6: {  	_ = 	snop  }
0x7: {  	_ = 	snop  }
__scs_overlays_trampoline_lowered:
0x8: {  	[smem:$0x3FA6] =	sst s0  }
0x9: {  	[smem:$0x3FA7] =	sst s1  }
0xa: {  	[smem:$0x3FA8] =	sst s2  }
0xb: {  	[smem:$0x3FA9] =	sst s3  }
0xc: {  	[smem:$0x3FAA] =	sst s4  }
0xd: {  	[smem:$0x3FAB] =	sst s5  }
0xe: {  	[smem:$0x3FAC] =	sst s6  }
0xf: {  	[smem:$0x3FAD] =	sst s7  }
0x10: {  	[smem:$0x3FAE] =	sst s8  }
0x11: {  	[smem:$0x3FAF] =	sst s9;
	s0 =	simm.s32 @!p0 $0x0  }
0x12: {  	s1 =	sld [smem:$0x3F95];
	s0 =	simm.s32 @p0 $0x1  }
0x13: {  	[smem:$0x3FB0] =	sst s0;
	s0 =	simm.s32 @!p1 $0x0  }
0x14: {  	s2 =	sld [smem:$0x3F94];
	s0 =	simm.s32 @p1 $0x1  }
0x15: {  	[smem:$0x3FB1] =	sst s0;
	s0 =	simm.s32 @!p2 $0x0  }
0x16: {  	s3 =	sld [smem:$0x3FDB];
	s0 =	simm.s32 @p2 $0x1  }
0x17: {  	s4 =	simm.s32 $0x1BF5;
	[smem:$0x3FB3] =	sst s0  }
0x18: {  	s0 =	sld [smem:$0x3F96];
	_ =	swait.ge [sflag:s4], $0x0  }
0x19: {  	s7 =	sld [smem:$0x3F97]  }
0x1a: {  	s8 =	sadd.s32 $0xFFFFE003, lr  }
0x1b: {  	s9 =	sadd.s32 $0xFFFFFEF7, lr;
	s5 =	simm.s32 $0xFFFFFFFF;
	p2 =	slt.u32 s8, $0xFFFFF086  }
0x1c: {  	p1 =	slt.u32 s9, $0xF7A;
	s5 =	simm.s32 @!p2 $0x0  }
0x1d: {  	s5 =	simm.s32 @p1 $0x1;
	p0 =	seq.s32 s7, s2  }
0x1e: {  	s7 =	smul.u32 @!p0 $0xF7A, s2;
	p2 =	seq.s32 @!p0 s5, $0x0  }
0x1f: {  	s9 =	smul.u32 $0xF7A, s1;
	s8 =	simm.s32 @!p0 $0x1BF5;
	p2 =	por !p2, p0  }
0x20: {  	[sflag:s8] =	ssyncset.s32 @!p0 $0xFFFFF086;
	s6 =	sadd.s32 @!p0 s3, s7;
	s7 =	simm.s32 @!p0 $0x108  }
0x21: {  	s3 =	sadd.s32 s3, s9;
	s6 =	sadd.s32 @!p0 $0x88, s6;
	s7 =	simm.s32 @p2 $0x1082  }
0x22: {  	[simem:s7], [sflag:s8] =	dma.local @!p0 [hbm:s6], $0xF7A  }
0x23: {  	s9 =	sor.u32 $0xD0000000, s2;
	s6 =	simm.s32 $0x108;
	_ =	swait.ge @!p0 [sflag:s8], $0x0  }
0x24: {  	s3 =	sadd.s32 $0x88, s3;
	s6 =	simm.s32 @!p1 $0x1082;
	[sflag:s4] =	ssyncset.s32 $0xFFFFF086  }
0x25: {  	[simem:s6], [sflag:s4] =	dma.local [hbm:s3], $0xF7A  }
0x26: {  	[smem:$0x3F97] =	sst s1;
	(tag) =	ssettag s2;
	_ =	strace s9  }
0x27: {  	s1 =	sld [smem:$0x3FA7]  }
0x28: {  	s2 =	sld [smem:$0x3FA8]  }
0x29: {  	s4 =	sld [smem:$0x3FAA]  }
0x2a: {  	p0 =	seq.s32 s5, $0x0;
	s5 =	sld [smem:$0x3FAB]  }
0x2b: {  	s6 =	sld [smem:$0x3FAC]  }
0x2c: {  	s7 =	sld [smem:$0x3FAD]  }
0x2d: {  	s3 =	simm.s32 $0x108;
	s8 =	sld [smem:$0x3FAE]  }
0x2e: {  	s3 =	simm.s32 @!p0 $0x1082;
	s9 =	sld [smem:$0x3FAF]  }
0x2f: {  	lr =	sadd.s32 s0, s3;
	s0 =	sld [smem:$0x3FA6]  }
0x30: {  	s3 =	sld [smem:$0x3FA9]  }
0x31: {  	[smem:$0x3FB2] =	sst s10  }
0x32: {  	s10 =	sld [smem:$0x3FB0];
	_ =	sdelay $0x3  }
0x33: {  	p0 =	seq.s32 s10, $0x1;
	s10 =	sld [smem:$0x3FB2];
	_ =	sdelay $0x3  }
0x34: {  	[smem:$0x3FB2] =	sst s10  }
0x35: {  	s10 =	sld [smem:$0x3FB1];
	_ =	sdelay $0x3  }
0x36: {  	p1 =	seq.s32 s10, $0x1;
	s10 =	sld [smem:$0x3FB2];
	_ =	sdelay $0x3  }
0x37: {  	[smem:$0x3FB2] =	sst s10  }
0x38: {  	s10 =	sld [smem:$0x3FB3]  }
0x39: {  	_ = 	snop;
	(pc) =	sbr.ind lr, $3  }
0x3a: {  	_ = 	snop  }
0x3b: {  	_ = 	snop  }
0x3c: {  	p2 =	seq.s32 s10, $0x1;
	s10 =	sld [smem:$0x3FB2]  }
0x3d: {  	_ =	shalt  }
0x3e: {  	_ =	shalt  }
0x3f: {  	_ =	shalt  }
0x40: {  	_ =	shalt  }
0x41: {  	_ =	shalt  }
0x42: {  	_ =	shalt  }
0x43: {  	_ =	shalt  }
0x44: {  	_ =	shalt  }
0x45: {  	_ =	shalt  }
0x46: {  	_ =	shalt  }
0x47: {  	_ =	shalt  }
0x48: {  	_ =	shalt  }
0x49: {  	_ =	shalt  }
0x4a: {  	_ =	shalt  }
0x4b: {  	_ =	shalt  }
0x4c: {  	_ =	shalt  }
0x4d: {  	_ =	shalt  }
0x4e: {  	_ =	shalt  }
0x4f: {  	_ =	shalt  }
0x50: {  	_ =	shalt  }
0x51: {  	_ =	shalt  }
0x52: {  	_ =	shalt  }
0x53: {  	_ =	shalt  }
0x54: {  	_ =	shalt  }
0x55: {  	_ =	shalt  }
0x56: {  	_ =	shalt  }
0x57: {  	_ =	shalt  }
0x58: {  	_ =	shalt  }
0x59: {  	_ =	shalt  }
0x5a: {  	_ =	shalt  }
0x5b: {  	_ =	shalt  }
0x5c: {  	_ =	shalt  }
0x5d: {  	_ =	shalt  }
0x5e: {  	_ =	shalt  }
0x5f: {  	_ =	shalt  }
0x60: {  	_ =	shalt  }
0x61: {  	_ =	shalt  }
0x62: {  	_ =	shalt  }
0x63: {  	_ =	shalt  }
0x64: {  	_ =	shalt  }
0x65: {  	_ =	shalt  }
0x66: {  	_ =	shalt  }
0x67: {  	_ =	shalt  }
0x68: {  	_ =	shalt  }
0x69: {  	_ =	shalt  }
0x6a: {  	_ =	shalt  }
0x6b: {  	_ =	shalt  }
0x6c: {  	_ =	shalt  }
0x6d: {  	_ =	shalt  }
0x6e: {  	_ =	shalt  }
0x6f: {  	_ =	shalt  }
0x70: {  	_ =	shalt  }
0x71: {  	_ =	shalt  }
0x72: {  	_ =	shalt  }
0x73: {  	_ =	shalt  }
0x74: {  	_ =	shalt  }
0x75: {  	_ =	shalt  }
0x76: {  	_ =	shalt  }
0x77: {  	_ =	shalt  }
0x78: {  	_ =	shalt  }
0x79: {  	_ =	shalt  }
0x7a: {  	_ =	shalt  }
0x7b: {  	_ =	shalt  }
0x7c: {  	_ =	shalt  }
0x7d: {  	_ =	shalt  }
0x7e: {  	_ =	shalt  }
0x7f: {  	_ =	shalt  }
0x80: {  	_ =	shalt  }
0x81: {  	_ =	shalt  }
0x82: {  	_ =	shalt  }
0x83: {  	_ =	shalt  }
0x84: {  	_ =	shalt  }
0x85: {  	_ =	shalt  }
0x86: {  	_ =	shalt  }
0x87: {  	_ =	shalt  }
.Lfunc_end0:
.L_simem_size_0:
called_computation_lowered:
.L_overlay_start_0:
0x88: {  	s2 =	sld [smem:$0x3FD9]  }
0x89: {  	s3 =	sld [smem:$0x3FFE];
	_ =	sdelay $0x1  }
0x8a: {  	s1 =	srdreg.scid  }
0x8b: {  	s0 =	sand.u32 $0x1, s1  }
0x8c: {  	s16 =	sshll.u32 s0, $0xA;
	s2 =	sadd.s32 s3, s2  }
0x8d: {  	s2 =	sadd.s32 s2, s16  }
0x8e: {  	[smem:$0x3FBE] =	sst s2  }
0x8f: {  	_ = 	snop  }
0x90: {  	(tm) =	ssettm $0x1  }
0x91: {  	s17 =	sld [smem:$0x3FFB];
	_ =	sdelay $0x3  }
0x92: {  	_ =	strace s17  }
0x93: {  	s2 =	sld [smem:$0x3FFC];
	_ =	sdelay $0x3  }
0x94: {  	_ =	strace s2  }
0x95: {  	s2 =	sld [smem:$0x3FFD];
	_ =	sdelay $0x3  }
0x96: {  	_ =	strace s2  }
0x97: {  	_ =	strace $0x8FFFFFFF  }
0x98: {  	s18 =	sld [smem:$0x3FDB];
	_ =	sdelay $0x1  }
0x99: {  	s19 =	simm.s32 $_scs_section_size  }
0x9a: {  	s4 =	simm.s32 $_size__tile_overlayer_lowered;
	s5 =	simm.s32 $_tile_overlayer_lowered  }
0x9b: {  	s22 =	simm.s32 $0x1BFF;
	s21 =	sshll.u32 s5, $0x1;
	s2 =	sadd.s32 s19, s18  }
0x9c: {  	s6 =	simm.s32 $0x0;
	s20 =	sshll.u32 s4, $0x1;
	s4 =	sadd.s32 s21, s2  }
0x9d: {  	[timem:s6], [sflag:s22] =	dma.local [hbm:s4], s20  }
0x9e: {  	_ =	swait.ge [sflag:s22], s20  }
0x9f: {  	s3 =	ssub.s32 $0x0, s20;
	[sflag:s22] =	ssyncset.done $0x0  }
0xa0: {  	[sflag:s22] =	ssyncadd.s32 s3;
	_ =	sdelay $0x1  }
0xa1: {  	s23 =	simm.s32 $0x1B8B  }
0xa2: {  	_ =	swait.ge [sflag:s23], $0x1  }
0xa3: {  	[sflag:s23] =	ssyncset.done $0x0  }
0xa4: {  	s25 =	simm.s32 $0x1B8E;
	s24 =	sld [smem:$0x3FFE];
	[sflag:s23] =	ssyncadd.s32 $0xFFFFFFFF  }
0xa5: {  	s26 =	simm.s32 $execute0_lowered;
	[smem:$0x3FD2] =	sst s25  }
0xa6: {  	s4 =	sshll.u32 s26, $0x1;
	_ =	strace $0x80000046;
	[dreg:$0x1] =	wrdreg $0xFFFFFFFF  }
0xa7: {  	s28 =	simm.s32 $_size_execute0_lowered;
	s2 =	sadd.s32 s2, s4;
	[dreg:$0x0] =	wrdreg $0x0  }
0xa8: {  	s4 =	sshll.u32 s28, $0x1;
	[dreg:$0x2] =	wrdreg s2  }
0xa9: {  	[dreg:$0x3] =	wrdreg s4  }
0xaa: {  	[dreg:$0x4] =	wrdreg $0xC0  }
0xab: {  	_ =	task [dreg:s6], $0x5FFFF  }
0xac: {  	[dreg:$0x1] =	wrdreg $0xFFFFFFFF  }
0xad: {  	[dreg:$0x0] =	wrdreg $0x60  }
0xae: {  	[dreg:$0x2] =	wrdreg s24  }
0xaf: {  	[dreg:$0x3] =	wrdreg $0x9  }
0xb0: {  	_ =	task.clear_ibuf [dreg:s6], $0x4FFFF;
	_ =	strace $0x90000046  }
0xb1: {  	s29 =	simm.s32 $0x9;
	_ =	strace $0x80000048  }
0xb2: {  	_ =	swait.ge [sflag:s29], $0x1  }
0xb3: {  	[sflag:s29] =	ssyncadd.s32 $0xFFFFFFFF  }
0xb4: {  	_ =	strace $0x90000048  }
0xb5: {  	_ =	sfence  }
0xb6: {  	s30 =	sld [smem:$0x0];
	_ =	sdelay $0x2  }
0xb7: {  	s31 =	sshll.u32 s1, $0xD;
	s1 =	sshrl.u32 s1, $0x2  }
0xb8: {  	s3 =	sand.u32 $0x4000, s31;
	s1 =	sadd.s32 s1, s30  }
0xb9: {  	s0 =	sor.u32 s3, s0;
	s1 =	sshll.u32 s1, $0x11  }
0xba: {  	s0 =	sor.u32 s1, s0  }
0xbb: {  	s0 =	sadd.s32 $0x8F2B, s0  }
0xbc: {  	[sflag:s0] =	ssyncadd.remote.s32 $0x1  }
0xbd: {  	_ =	sfence.sel $0xFFFF  }
0xbe: {  	[dreg:$0x0] =	wrdreg $0xFFFFFFFF;
	(pc) =	sbr.abs _section_cstart, $3  }
0xbf: {  	[dreg:$0x1] =	wrdreg $0xFFFFFFFF  }
0xc0: {  	_ =	task.clear_ibuf [dreg:s6], $0x2FFFF;
	_ =	strace $0x9FFFFFFF  }
0xc1: {  	(tm) =	ssettm $0x7FFFFFFF  }
tec
execute0_lowered:
.L_overlay_start_1:
0x0: {  	(tag) =	ssettag $0x1  }
0x1: {  	s8 =	rddreg [dreg:$0x0]  }
0x2: {  	s0 =	rddreg [dreg:$0x1];
	_ =	strace $0x80000047;
	s1 =	stileid.u32  }
0x3: {  	s3 =	srdreg.scid;
	s4 =	simm.s32 $0x1;
	s7 =	simm.s32 $0x1  }
0x4: {  	s9 =	simm.s32 $0x1;
	s10 =	simm.s32 $0x3;
	s13 =	simm.s32 $0x0  }
0x5: {  	s12 =	simm.s32 $0x0;
	s5 =	sand.u32 $0x1, s3;
	s6 =	sshll.u32 s1, $0x1  }
0x6: {  	s2 =	sadd.s32 $0x1600, s8;
	s3 =	sadd.s32 $0x10600, s8;
	s5 =	sor.u32 s6, s5  }
.Ltmp0:
0x7: {  	[sflag:s4] =	ssyncpa.u1 $0x0;
	p0 =	slt.u32 s5, $0x9;
	(pc) =	sbr.rel .LBB2_1-.Ltmp0, $4  }
0x8: {  	s6 =	simm.s32 $0x2;
	s7 =	simm.s32 @!p0 $0x0;
	p0 =	sne.s32 s5, $0x8  }
0x9: {  	[sflag:s6] =	ssyncpa.u1 $0x0;
	s5 =	smul.u32 $0xFA0, s5;
	s9 =	simm.s32 @!p0 $0x0  }
0xa: {  	s8 =	sadd.s32 $0x15600, s8;
	[sflag:s10] =	ssyncpa.u1 $0x0;
	s7 =	sadd.s32 s9, s7  }
0xb: {  	vm0 =	vmmov $0xffff;
	s10 =	simm.s32 $0x0;
	s11 =	smov.u32 s5;
	s9 =	sadd.s32 $0x1, s7  }
.LBB2_4:
0xc: {  	v2 =	vnsel vm1, $0x0, v2  }
0xd: {  	vm1 =	vgt.s32 v0, $0x0;
	v2 =	vmin.u32 v2, $0x270FF  }
0xe: {  	v0 =	vnsel vm1, $0x0, v0  }
0xf: {  	v0 =	vmin.u32 v0, $0x270FF  }
0x10: {  	[tilespmem:s18], [sflag:$0x1] =	stream.indirect_vreg.gather [hbm4b:s2+s10], $0x1, v1, vm0, $0x4038;
	[tilespmem:$0x3E80] =	vst v63  }
0x11: {  	(ifvalue) =	ssetifvalue $0x7FFFFFFF  }
0x12: {  	[tilespmem:s15], [sflag:$0x1] =	stream.indirect_vreg.gather [hbm4b:s2+s10], $0x1, v2, vm0, $0x4038;
	[tilespmem:$0x3E80] =	vst v63  }
0x13: {  	s29 =	sadd.s32 $0x10, s15;
	(ifvalue) =	ssetifvalue $0x7FFFFFFF  }
0x14: {  	[tilespmem:s29], [sflag:$0x1] =	stream.indirect_vreg.gather [hbm4b:s2+s10], $0x1, v0, vm0, $0x4038;
	[tilespmem:$0x3E80] =	vst v63  }
0x15: {  	_ =	swait.ge [sflag:s4], $0xFA0  }
0x16: {  	s30 =	sshrl.u32 s13, $0x3;
	[sflag:s4] =	ssyncset.done $0x0  }
0x17: {  	s31 =	sand.u32 $0x7, s13;
	s15 =	sadd.s32 s8, s30;
	[sflag:s4] =	ssyncadd.s32 $0xFFFFF060  }
0x18: {  	[hbm4b:s15+s31] =	stream.linear.scatter [tilespmem:s14], [sflag:$0x3], $0xFA0, $0x38;
	[tilespmem:$0x3E80] =	vst v63  }
.LBB2_5:
0x19: {  	s15 =	sadd.s32 $0x1F400, s11  }
0x1a: {  	p1 =	sgt.s32 s15, $0x270FF  }
0x1b: {  	s15 =	smov.u32 @p1 s5;
	p1 =	sne.s32 s12, s9  }
.Ltmp1:
0x1c: {  	p0 =	slt.u32 s12, $0x2;
	(pc) =	sbr.rel @!p1 .LBB2_6-.Ltmp1, $4  }
0x1d: {  	s14 =	simm.s32 @!p0 $0x3  }
0x1e: {  	_ =	swait.ge @!p0 [sflag:s14], $0xFA0  }
0x1f: {  	s16 =	sadd.s32 $0x1, s12;
	s13 =	smov.u32 s11;
	[sflag:s14] =	ssyncset.done @!p0 $0x0  }
0x20: {  	s12 =	smov.u32 s16;
	s11 =	smov.u32 s15;
	[sflag:s14] =	ssyncadd.s32 @!p0 $0xFFFFF060  }
.LBB2_1:
0x21: {  	p0 =	sge.u32 s12, s7  }
0x22: {  	s14 =	sxor.u32 @!p0 $0x1, s12  }
0x23: {  	s14 =	smul.u32 @!p0 $0x3E80, s14  }
0x24: {  	s31 =	sadd.s32 $0xFFFFFFFF, s12;
	s15 =	sshrl.u32 @!p0 s11, $0x3  }
0x25: {  	s16 =	sand.u32 @!p0 $0x7, s11;
	s15 =	sadd.s32 @!p0 s3, s15;
	s14 =	sshra.s32 @!p0 s14, $0x2  }
0x26: {  	[tilespmem:s14], [sflag:$0x2] =	stream.linear.gather @!p0 [hbm4b:s15+s16], $0xFA0, $0x38;
	[tilespmem:$0x3E80] =	vst v63  }
0x27: {  	p0 =	sge.u32 s31, s7  }
.Ltmp2:
0x28: {  	_ = 	snop;
	(pc) =	sbr.rel @p0 .LBB2_5-.Ltmp2, $1  }
0x29: {  	_ =	sdelay $0x3  }
0x2a: {  	s14 =	sand.u32 $0x1, s12  }
0x2b: {  	_ =	swait.ge [sflag:s6], $0xFA0;
	p0 =	seq.s32 s14, $0x1;
	s14 =	simm.s32 $0xFA0  }
0x2c: {  	[sflag:s6] =	ssyncset.done $0x0;
	s14 =	simm.s32 @!p0 $0x0  }
0x2d: {  	[sflag:s6] =	ssyncadd.s32 $0xFFFFF060;
	(ifvalue) =	ssetifvalue $0x7FFFFFFF;
	v0 =	vld.msk [tilespmem:s14+$0x0 ss:$0x1], $0xffff;
	_ =	sdelay $0x4  }
0x2e: {  	s15 =	sadd.s32 $0x10, s14;
	vm1 =	vgt.s32 v0, $0x0  }
0x2f: {  	v2 =	vld.msk [tilespmem:s15+$0x0 ss:$0x1], $0xffff;
	v1 =	vnsel vm1, $0x0, v0  }
0x30: {  	v1 =	vmin.u32 v1, $0x270FF;
	_ =	sdelay $0x2  }
0x31: {  	s17 =	simm.s32 $0x20;
	s14 =	sadd.s32 $0x1F40, s14;
	s16 =	sadd.s32 $0x10, s15  }
0x32: {  	s15 =	sadd.s32 $0x10, s14;
	s18 =	smov.u32 s14;
	v0 =	vld.msk [tilespmem:s16+$0x0 ss:$0x1], $0xffff;
	vm1 =	vgt.s32 v2, $0x0;
	(ifvalue) =	ssetifvalue $0x7FFFFFFF  }
.LBB2_3:
0x33: {  	[tilespmem:s18], [sflag:$0x1] =	stream.indirect_vreg.gather [hbm4b:s2+s10], $0x1, v1, vm0, $0x4038;
	[tilespmem:$0x3E80] =	vst v63  }
0x34: {  	s17 =	sadd.s32 $0x10, s17  }
0x35: {  	v2 =	vnsel vm1, $0x0, v2;
	p0 =	slt.u32 s17, $0xF90  }
.Ltmp3:
0x36: {  	s18 =	smov.u32 s15;
	v1 =	vmin.u32 v2, $0x270FF;
	(pc) =	sbr.rel @p0 .LBB2_3-.Ltmp3, $3  }
0x37: {  	_ =	sdelay $0x1  }
0x38: {  	s16 =	sadd.s32 $0x10, s16  }
0x39: {  	vm1 =	vgt.s32 v0, $0x0;
	s15 =	sadd.s32 $0x10, s15;
	v2 =	vmov v0;
	(ifvalue) =	ssetifvalue $0x7FFFFFFF;
	v0 =	vld.msk [tilespmem:s16+$0x0 ss:$0x1], $0xffff  }
.Ltmp4:
0x3a: {  	_ = 	snop;
	(pc) =	sbr.rel .LBB2_4-.Ltmp4, $1  }
0x3b: {  	_ =	sdelay $0x3  }
.LBB2_6:
0x3c: {  	_ =	sfence.sel $0x180000  }
0x3d: {  	s2 =	simm.s32 $0x2;
	[bflag:$0x0] =	sbarrier.arrive $0xFFFF  }
0x3e: {  	s30 =	simm.s32 $0x3;
	[sflag:s2] =	ssyncpa.u1 $0x1  }
0x3f: {  	s31 =	simm.s32 $0x1;
	[sflag:s30] =	ssyncpa.u1 $0x1  }
0x40: {  	[sflag:s31] =	ssyncpa.u1 $0x1  }
0x41: {  	p0 =	sne.s32 s1, $0x0;
	_ =	strace $0x90000047  }
0x42: {  	s0 =	sadd.s32 @!p0 $0x100000, s0;
	[bflag:$0x2] =	sbarrier.arrive $0xFFFF  }
0x43: {  	[sflag:s0] =	ssyncadd.tile.s32 @!p0 $0x1;
	_ =	shalt  }
.Lfunc_end2:
_tile_overlayer_lowered:
.L_overlay_start_2:
0x44: {  	(tag) =	ssettag $0x2  }
0x45: {  	s0 =	rddreg [dreg:$0x0];
	s2 =	stileid.u32  }
0x46: {  	s1 =	rddreg [dreg:$0x1];
	p0 =	sne.s32 s2, $0x0  }
0x47: {  	s3 =	rddreg [dreg:$0x2];
	[bflag:$0x3] =	sbarrier.arrive $0xFFFF;
	s2 =	simm.s32 @!p0 $0x1C01  }
0x48: {  	[timem:s3], [sflag:s2] =	dma.local @!p0 [hbm:s0], s1  }
0x49: {  	s0 =	simm.s32 @!p0 $0x1  }
0x4a: {  	_ =	swait.ge @!p0 [sflag:s0], s1  }
0x4b: {  	s1 =	ssub.s32 @!p0 $0x0, s1;
	[sflag:s0] =	ssyncset.done @!p0 $0x0  }
0x4c: {  	[sflag:s0] =	ssyncadd.s32 @!p0 s1  }
0x4d: {  	[bflag:$0x3] =	sbarrier.arrive $0xFFFF  }
0x4e: {  	_ =	shalt  }

// kernel: kernel.13.cloned.1.call-start
scs
__scs_entry_jumppad:
0x0: {  	(pc) =	sbr.rel $0x88, $3  }
0x1: {  	(tag) =	ssettag $0x0;
	lr =	simm.s32 $0x1  }
0x2: {  	[smem:$0x3F97] =	sst lr;
	_ =	strace $0xD0000000  }
0x3: {  	_ = 	snop  }
0x4: {  	_ = 	snop  }
0x5: {  	_ = 	snop  }
0x6: {  	_ = 	snop  }
0x7: {  	_ = 	snop  }
__scs_overlays_trampoline_lowered:
0x8: {  	[smem:$0x3FA6] =	sst s0  }
0x9: {  	[smem:$0x3FA7] =	sst s1  }
0xa: {  	[smem:$0x3FA8] =	sst s2  }
0xb: {  	[smem:$0x3FA9] =	sst s3  }
0xc: {  	[smem:$0x3FAA] =	sst s4  }
0xd: {  	[smem:$0x3FAB] =	sst s5  }
0xe: {  	[smem:$0x3FAC] =	sst s6  }
0xf: {  	[smem:$0x3FAD] =	sst s7  }
0x10: {  	[smem:$0x3FAE] =	sst s8  }
0x11: {  	[smem:$0x3FAF] =	sst s9;
	s0 =	simm.s32 @!p0 $0x0  }
0x12: {  	s1 =	sld [smem:$0x3F95];
	s0 =	simm.s32 @p0 $0x1  }
0x13: {  	[smem:$0x3FB0] =	sst s0;
	s0 =	simm.s32 @!p1 $0x0  }
0x14: {  	s2 =	sld [smem:$0x3F94];
	s0 =	simm.s32 @p1 $0x1  }
0x15: {  	[smem:$0x3FB1] =	sst s0;
	s0 =	simm.s32 @!p2 $0x0  }
0x16: {  	s3 =	sld [smem:$0x3FDB];
	s0 =	simm.s32 @p2 $0x1  }
0x17: {  	s4 =	simm.s32 $0x1BF5;
	[smem:$0x3FB3] =	sst s0  }
0x18: {  	s0 =	sld [smem:$0x3F96];
	_ =	swait.ge [sflag:s4], $0x0  }
0x19: {  	s7 =	sld [smem:$0x3F97]  }
0x1a: {  	s8 =	sadd.s32 $0xFFFFE003, lr  }
0x1b: {  	s9 =	sadd.s32 $0xFFFFFEF7, lr;
	s5 =	simm.s32 $0xFFFFFFFF;
	p2 =	slt.u32 s8, $0xFFFFF086  }
0x1c: {  	p1 =	slt.u32 s9, $0xF7A;
	s5 =	simm.s32 @!p2 $0x0  }
0x1d: {  	s5 =	simm.s32 @p1 $0x1;
	p0 =	seq.s32 s7, s2  }
0x1e: {  	s7 =	smul.u32 @!p0 $0xF7A, s2;
	p2 =	seq.s32 @!p0 s5, $0x0  }
0x1f: {  	s9 =	smul.u32 $0xF7A, s1;
	s8 =	simm.s32 @!p0 $0x1BF5;
	p2 =	por !p2, p0  }
0x20: {  	[sflag:s8] =	ssyncset.s32 @!p0 $0xFFFFF086;
	s6 =	sadd.s32 @!p0 s3, s7;
	s7 =	simm.s32 @!p0 $0x108  }
0x21: {  	s3 =	sadd.s32 s3, s9;
	s6 =	sadd.s32 @!p0 $0x88, s6;
	s7 =	simm.s32 @p2 $0x1082  }
0x22: {  	[simem:s7], [sflag:s8] =	dma.local @!p0 [hbm:s6], $0xF7A  }
0x23: {  	s9 =	sor.u32 $0xD0000000, s2;
	s6 =	simm.s32 $0x108;
	_ =	swait.ge @!p0 [sflag:s8], $0x0  }
0x24: {  	s3 =	sadd.s32 $0x88, s3;
	s6 =	simm.s32 @!p1 $0x1082;
	[sflag:s4] =	ssyncset.s32 $0xFFFFF086  }
0x25: {  	[simem:s6], [sflag:s4] =	dma.local [hbm:s3], $0xF7A  }
0x26: {  	[smem:$0x3F97] =	sst s1;
	(tag) =	ssettag s2;
	_ =	strace s9  }
0x27: {  	s1 =	sld [smem:$0x3FA7]  }
0x28: {  	s2 =	sld [smem:$0x3FA8]  }
0x29: {  	s4 =	sld [smem:$0x3FAA]  }
0x2a: {  	p0 =	seq.s32 s5, $0x0;
	s5 =	sld [smem:$0x3FAB]  }
0x2b: {  	s6 =	sld [smem:$0x3FAC]  }
0x2c: {  	s7 =	sld [smem:$0x3FAD]  }
0x2d: {  	s3 =	simm.s32 $0x108;
	s8 =	sld [smem:$0x3FAE]  }
0x2e: {  	s3 =	simm.s32 @!p0 $0x1082;
	s9 =	sld [smem:$0x3FAF]  }
0x2f: {  	lr =	sadd.s32 s0, s3;
	s0 =	sld [smem:$0x3FA6]  }
0x30: {  	s3 =	sld [smem:$0x3FA9]  }
0x31: {  	[smem:$0x3FB2] =	sst s10  }
0x32: {  	s10 =	sld [smem:$0x3FB0];
	_ =	sdelay $0x3  }
0x33: {  	p0 =	seq.s32 s10, $0x1;
	s10 =	sld [smem:$0x3FB2];
	_ =	sdelay $0x3  }
0x34: {  	[smem:$0x3FB2] =	sst s10  }
0x35: {  	s10 =	sld [smem:$0x3FB1];
	_ =	sdelay $0x3  }
0x36: {  	p1 =	seq.s32 s10, $0x1;
	s10 =	sld [smem:$0x3FB2];
	_ =	sdelay $0x3  }
0x37: {  	[smem:$0x3FB2] =	sst s10  }
0x38: {  	s10 =	sld [smem:$0x3FB3]  }
0x39: {  	_ = 	snop;
	(pc) =	sbr.ind lr, $3  }
0x3a: {  	_ = 	snop  }
0x3b: {  	_ = 	snop  }
0x3c: {  	p2 =	seq.s32 s10, $0x1;
	s10 =	sld [smem:$0x3FB2]  }
0x3d: {  	_ =	shalt  }
0x3e: {  	_ =	shalt  }
0x3f: {  	_ =	shalt  }
0x40: {  	_ =	shalt  }
0x41: {  	_ =	shalt  }
0x42: {  	_ =	shalt  }
0x43: {  	_ =	shalt  }
0x44: {  	_ =	shalt  }
0x45: {  	_ =	shalt  }
0x46: {  	_ =	shalt  }
0x47: {  	_ =	shalt  }
0x48: {  	_ =	shalt  }
0x49: {  	_ =	shalt  }
0x4a: {  	_ =	shalt  }
0x4b: {  	_ =	shalt  }
0x4c: {  	_ =	shalt  }
0x4d: {  	_ =	shalt  }
0x4e: {  	_ =	shalt  }
0x4f: {  	_ =	shalt  }
0x50: {  	_ =	shalt  }
0x51: {  	_ =	shalt  }
0x52: {  	_ =	shalt  }
0x53: {  	_ =	shalt  }
0x54: {  	_ =	shalt  }
0x55: {  	_ =	shalt  }
0x56: {  	_ =	shalt  }
0x57: {  	_ =	shalt  }
0x58: {  	_ =	shalt  }
0x59: {  	_ =	shalt  }
0x5a: {  	_ =	shalt  }
0x5b: {  	_ =	shalt  }
0x5c: {  	_ =	shalt  }
0x5d: {  	_ =	shalt  }
0x5e: {  	_ =	shalt  }
0x5f: {  	_ =	shalt  }
0x60: {  	_ =	shalt  }
0x61: {  	_ =	shalt  }
0x62: {  	_ =	shalt  }
0x63: {  	_ =	shalt  }
0x64: {  	_ =	shalt  }
0x65: {  	_ =	shalt  }
0x66: {  	_ =	shalt  }
0x67: {  	_ =	shalt  }
0x68: {  	_ =	shalt  }
0x69: {  	_ =	shalt  }
0x6a: {  	_ =	shalt  }
0x6b: {  	_ =	shalt  }
0x6c: {  	_ =	shalt  }
0x6d: {  	_ =	shalt  }
0x6e: {  	_ =	shalt  }
0x6f: {  	_ =	shalt  }
0x70: {  	_ =	shalt  }
0x71: {  	_ =	shalt  }
0x72: {  	_ =	shalt  }
0x73: {  	_ =	shalt  }
0x74: {  	_ =	shalt  }
0x75: {  	_ =	shalt  }
0x76: {  	_ =	shalt  }
0x77: {  	_ =	shalt  }
0x78: {  	_ =	shalt  }
0x79: {  	_ =	shalt  }
0x7a: {  	_ =	shalt  }
0x7b: {  	_ =	shalt  }
0x7c: {  	_ =	shalt  }
0x7d: {  	_ =	shalt  }
0x7e: {  	_ =	shalt  }
0x7f: {  	_ =	shalt  }
0x80: {  	_ =	shalt  }
0x81: {  	_ =	shalt  }
0x82: {  	_ =	shalt  }
0x83: {  	_ =	shalt  }
0x84: {  	_ =	shalt  }
0x85: {  	_ =	shalt  }
0x86: {  	_ =	shalt  }
0x87: {  	_ =	shalt  }
.Lfunc_end0:
.L_simem_size_0:
called_computation.1_lowered:
.L_overlay_start_0:
0x88: {  	s2 =	sld [smem:$0x3FD9]  }
0x89: {  	s3 =	sld [smem:$0x3FFE];
	_ =	sdelay $0x1  }
0x8a: {  	s1 =	srdreg.scid  }
0x8b: {  	s0 =	sand.u32 $0x1, s1  }
0x8c: {  	s17 =	sshll.u32 s0, $0xA;
	s2 =	sadd.s32 s3, s2  }
0x8d: {  	s2 =	sadd.s32 s2, s17  }
0x8e: {  	[smem:$0x3FBE] =	sst s2  }
0x8f: {  	_ = 	snop  }
0x90: {  	s18 =	sld [smem:$0x3FD0];
	(tm) =	ssettm $0x1  }
0x91: {  	s19 =	sld [smem:$0x3FFB];
	_ =	sdelay $0x3  }
0x92: {  	_ =	strace s19  }
0x93: {  	s2 =	sld [smem:$0x3FFC];
	_ =	sdelay $0x3  }
0x94: {  	_ =	strace s2  }
0x95: {  	s2 =	sld [smem:$0x3FFD];
	_ =	sdelay $0x3  }
0x96: {  	_ =	strace s2  }
0x97: {  	_ =	strace $0x8FFFFFFF  }
0x98: {  	s20 =	sld [smem:$0x3FDB];
	_ =	sdelay $0x1  }
0x99: {  	s4 =	simm.s32 $_scs_section_size  }
0x9a: {  	s5 =	simm.s32 $_size__tile_overlayer_lowered;
	s6 =	simm.s32 $_tile_overlayer_lowered  }
0x9b: {  	s7 =	simm.s32 $0x1BFF;
	s21 =	sshll.u32 s6, $0x1;
	s4 =	sadd.s32 s4, s20  }
0x9c: {  	s22 =	simm.s32 $0x0;
	s5 =	sshll.u32 s5, $0x1;
	s6 =	sadd.s32 s21, s4  }
0x9d: {  	[timem:s22], [sflag:s7] =	dma.local [hbm:s6], s5  }
0x9e: {  	_ =	swait.ge [sflag:s7], s5  }
0x9f: {  	s5 =	ssub.s32 $0x0, s5;
	[sflag:s7] =	ssyncset.done $0x0  }
0xa0: {  	[sflag:s7] =	ssyncadd.s32 s5;
	_ =	sdelay $0x1  }
0xa1: {  	s23 =	simm.s32 $0x1B8B  }
0xa2: {  	_ =	swait.ge [sflag:s23], $0x1  }
0xa3: {  	[sflag:s23] =	ssyncset.done $0x0  }
0xa4: {  	[sflag:s23] =	ssyncadd.s32 $0xFFFFFFFF  }
0xa5: {  	s5 =	sld [smem:$0x0]  }
0xa6: {  	s6 =	sand.u32 $0xFFFFFFFE, s1  }
0xa7: {  	p0 =	sne.s32 s1, s6  }
0xa8: {  	s6 =	sshll.u32 @p0 s6, $0xE  }
0xa9: {  	s6 =	sadd.s32 @p0 $0x11B8D, s6;
	s7 =	sshll.u32 @p0 s5, $0x11  }
0xaa: {  	s6 =	sor.u32 @p0 s7, s6  }
0xab: {  	[sflag:s6] =	ssyncadd.remote.s32 @p0 $0x1;
	_ =	sdelay $0x1  }
0xac: {  	s6 =	simm.s32 @p0 $0x1B8D  }
0xad: {  	_ =	swait.eq @p0 [sflag:s6], $0x1  }
0xae: {  	[sflag:s6] =	ssyncadd.s32 @p0 $0xFFFFFFFF  }
0xaf: {  	s7 =	sshll.u32 @!p0 s1, $0xE  }
0xb0: {  	s7 =	sor.u32 @!p0 $0x4000, s7;
	s6 =	simm.s32 @!p0 $0x1B8D  }
0xb1: {  	s5 =	sshll.u32 @!p0 s5, $0x11;
	s7 =	sadd.s32 @!p0 $0x11B8D, s7;
	_ =	swait.eq @!p0 [sflag:s6], $0x1  }
0xb2: {  	s5 =	sor.u32 @!p0 s5, s7;
	[sflag:s6] =	ssyncadd.s32 @!p0 $0xFFFFFFFF  }
0xb3: {  	s25 =	simm.s32 $0x1B8E;
	s24 =	sld [smem:$0x3FFE];
	[sflag:s5] =	ssyncadd.remote.s32 @!p0 $0x1  }
0xb4: {  	s26 =	simm.s32 $execute0_lowered;
	[smem:$0x3FD2] =	sst s25  }
0xb5: {  	s6 =	sshll.u32 s26, $0x1;
	_ =	strace $0x80000049;
	[dreg:$0x1] =	wrdreg $0xFFFFFFFF  }
0xb6: {  	s28 =	simm.s32 $_size_execute0_lowered;
	s4 =	sadd.s32 s4, s6;
	[dreg:$0x0] =	wrdreg $0x0  }
0xb7: {  	s6 =	sshll.u32 s28, $0x1;
	[dreg:$0x2] =	wrdreg s4  }
0xb8: {  	[dreg:$0x3] =	wrdreg s6  }
0xb9: {  	[dreg:$0x4] =	wrdreg $0xC0  }
0xba: {  	_ =	task [dreg:s22], $0x5FFFF  }
0xbb: {  	[dreg:$0x1] =	wrdreg $0xFFFFFFFF  }
0xbc: {  	[dreg:$0x0] =	wrdreg $0x60  }
0xbd: {  	[dreg:$0x2] =	wrdreg s24  }
0xbe: {  	[dreg:$0x3] =	wrdreg s18  }
0xbf: {  	[dreg:$0x4] =	wrdreg $0xD2000  }
0xc0: {  	[dreg:$0x5] =	wrdreg $0xD4800  }
0xc1: {  	[dreg:$0x6] =	wrdreg $0xA  }
0xc2: {  	_ =	task.clear_ibuf [dreg:s22], $0x7FFFF;
	_ =	strace $0x90000049  }
0xc3: {  	s29 =	simm.s32 $0xA;
	_ =	strace $0x8000004B  }
0xc4: {  	_ =	swait.ge [sflag:s29], $0x1  }
0xc5: {  	[sflag:s29] =	ssyncadd.s32 $0xFFFFFFFF  }
0xc6: {  	_ =	strace $0x9000004B  }
0xc7: {  	_ =	sfence  }
0xc8: {  	s30 =	sld [smem:$0x0];
	_ =	sdelay $0x2  }
0xc9: {  	s31 =	sshll.u32 s1, $0xD;
	s1 =	sshrl.u32 s1, $0x2  }
0xca: {  	s4 =	sand.u32 $0x4000, s31;
	s1 =	sadd.s32 s1, s30  }
0xcb: {  	s0 =	sor.u32 s4, s0;
	s1 =	sshll.u32 s1, $0x11  }
0xcc: {  	s0 =	sor.u32 s1, s0  }
0xcd: {  	s0 =	sadd.s32 $0x8F2B, s0  }
0xce: {  	[sflag:s0] =	ssyncadd.remote.s32 $0x1  }
0xcf: {  	_ =	sfence.sel $0xFFFF  }
0xd0: {  	[dreg:$0x0] =	wrdreg $0xFFFFFFFF;
	(pc) =	sbr.abs _section_cstart, $3  }
0xd1: {  	[dreg:$0x1] =	wrdreg $0xFFFFFFFF  }
0xd2: {  	_ =	task.clear_ibuf [dreg:s22], $0x2FFFF;
	_ =	strace $0x9FFFFFFF  }
0xd3: {  	(tm) =	ssettm $0x7FFFFFFF  }
tec
execute0_lowered:
.L_overlay_start_1:
0x0: {  	(tag) =	ssettag $0x1  }
0x1: {  	s5 =	rddreg [dreg:$0x0]  }
0x2: {  	s10 =	rddreg [dreg:$0x1]  }
0x3: {  	s2 =	rddreg [dreg:$0x2]  }
0x4: {  	s3 =	rddreg [dreg:$0x3];
	s1 =	stileid.u32  }
0x5: {  	s0 =	rddreg [dreg:$0x4];
	s4 =	simm.s32 $0x0;
	s7 =	smul.u32 $0x4E2, s1  }
0x6: {  	s6 =	srdreg.scid;
	s17 =	simm.s32 $0x2780;
	s29 =	smul.u32 $0x500, s1  }
0x7: {  	s18 =	simm.s32 $0x50;
	[smem:$0x7FF] =	sst s4;
	s11 =	smul.u32 $0x280, s1  }
0x8: {  	s20 =	sand.u32 $0x1, s6;
	s12 =	sadd.s32 $0x1A600, s5;
	s13 =	smul.u32 $0x140, s1  }
0x9: {  	p0 =	seq.s32 s1, $0xF;
	_ =	strace $0x8000004A;
	s19 =	smul.u32 $0x1388, s20  }
0xa: {  	s6 =	ssub.s32 $0x2, s20;
	s15 =	smul.u32 $0x1390, s20;
	p1 =	sne.s32 s20, $0x0  }
0xb: {  	s20 =	simm.s32 $0x0;
	s9 =	sadd.s32 s7, s5;
	s30 =	sshrl.u32 s6, $0x1  }
0xc: {  	s31 =	sshrl.u32 s29, $0x2;
	s5 =	sadd.s32 s11, s2;
	s7 =	sadd.s32 $0x12C0, s3  }
0xd: {  	s11 =	sshrl.u32 s11, $0x3;
	s14 =	ssub.s32 s6, s30;
	s6 =	sadd.s32 s31, s3  }
.Ltmp0:
0xe: {  	s8 =	sadd.s32 $0x1600, s9;
	s9 =	sadd.s32 $0x6600, s9;
	(pc) =	sbr.rel .LBB2_1-.Ltmp0, $4  }
0xf: {  	s16 =	sadd.s32 s13, s15;
	s15 =	sshrl.u32 s15, $0x3;
	s10 =	sadd.s32 s10, s11  }
0x10: {  	s11 =	sadd.s32 s13, s3;
	v0 =	vmov s19;
	s19 =	simm.s32 $0xCF00;
	s16 =	sshrl.u32 s16, $0x3  }
0x11: {  	s15 =	sadd.s32 s12, s15;
	s14 =	smax.u32 s14, $0x1;
	s12 =	sadd.s32 s12, s16  }
0x12: {  	v1 =	vimm.f32 $1.000000000e+00;
	v2 =	vimm.f32 $0.0e+00;
	s13 =	sadd.s32 $0x258, s15;
	s15 =	simm.s32 $0xCF80;
	s16 =	simm.s32 $0x1  }
.LBB2_9:
0x13: {  	[bflag:$0x0] =	sbarrier.arrive $0xFFFF  }
.LBB2_10:
0x14: {  	s21 =	simm.s32 @p0 $0xCF80;
	s22 =	simm.s32 @p0 $0x1  }
0x15: {  	[tilespmem:s21], [sflag:$0x1] =	stream.linear.gather @p0 [spmem:s7], $0xD0, $0x38;
	[tilespmem:$0xD5C0] =	vst v63  }
0x16: {  	_ =	swait.ge @p0 [sflag:s22], $0xD0  }
0x17: {  	[sflag:s22] =	ssyncset.done @p0 $0x0  }
0x18: {  	s23 =	simm.s32 @p0 $0x0;
	[sflag:s22] =	ssyncadd.s32 @p0 $0xFFFFFF30  }
0x19: {  	[hbm4b:s13+s23] =	stream.linear.scatter @p0 [tilespmem:s21], [sflag:$0x1], $0xD0, $0x38;
	[tilespmem:$0xD5C0] =	vst v63  }
0x1a: {  	_ =	swait.ge @p0 [sflag:s22], $0xD0  }
0x1b: {  	[sflag:s22] =	ssyncset.done @p0 $0x0  }
0x1c: {  	s21 =	simm.s32 @!p0 $0xCF80;
	[sflag:s22] =	ssyncadd.s32 @p0 $0xFFFFFF30;
	s22 =	simm.s32 @!p0 $0x1  }
0x1d: {  	[tilespmem:s21], [sflag:$0x1] =	stream.linear.gather @!p0 [spmem:s11], $0x140, $0x38;
	[tilespmem:$0xD5C0] =	vst v63  }
0x1e: {  	s20 =	sadd.s32 $0x1, s20;
	_ =	swait.ge @!p0 [sflag:s22], $0x140  }
0x1f: {  	p2 =	sne.s32 s20, s14;
	[sflag:s22] =	ssyncset.done @!p0 $0x0  }
.Ltmp1:
0x20: {  	s23 =	simm.s32 @!p0 $0x0;
	[sflag:s22] =	ssyncadd.s32 @!p0 $0xFFFFFEC0;
	(pc) =	sbr.rel @!p2 .LBB2_11-.Ltmp1, $4  }
0x21: {  	[hbm4b:s12+s23] =	stream.linear.scatter @!p0 [tilespmem:s21], [sflag:$0x1], $0x140, $0x38;
	[tilespmem:$0xD5C0] =	vst v63  }
0x22: {  	_ =	swait.ge @!p0 [sflag:s22], $0x140  }
0x23: {  	[sflag:s22] =	ssyncset.done @!p0 $0x0  }
0x24: {  	[sflag:s22] =	ssyncadd.s32 @!p0 $0xFFFFFEC0  }
.LBB2_1:
0x25: {  	[tilespmem:$0xCF00] =	vst v1  }
0x26: {  	[tilespmem:$0xCF10] =	vst v1  }
0x27: {  	[tilespmem:$0xCF20] =	vst v1  }
0x28: {  	[tilespmem:$0xCF30] =	vst v1  }
0x29: {  	[tilespmem:$0xCF40] =	vst v1  }
0x2a: {  	[tilespmem:$0xCF80] =	vst v2  }
0x2b: {  	[tilespmem:$0xCF90] =	vst v2  }
0x2c: {  	[tilespmem:$0xCFA0] =	vst v2  }
0x2d: {  	[tilespmem:$0xCFB0] =	vst v2  }
0x2e: {  	[tilespmem:$0xCFC0] =	vst v2  }
0x2f: {  	[tilespmem:$0xCFD0] =	vst v2  }
0x30: {  	[tilespmem:$0xCFE0] =	vst v2  }
0x31: {  	[tilespmem:$0xCFF0] =	vst v2  }
0x32: {  	[tilespmem:$0xD000] =	vst v2  }
0x33: {  	[tilespmem:$0xD010] =	vst v2  }
0x34: {  	[tilespmem:$0xD020] =	vst v2  }
0x35: {  	[tilespmem:$0xD030] =	vst v2  }
0x36: {  	[tilespmem:$0xD040] =	vst v2  }
0x37: {  	[tilespmem:$0xD050] =	vst v2  }
0x38: {  	[tilespmem:$0xD060] =	vst v2  }
0x39: {  	[tilespmem:$0xD070] =	vst v2  }
0x3a: {  	[tilespmem:$0xD080] =	vst v2  }
0x3b: {  	[tilespmem:$0xD090] =	vst v2  }
0x3c: {  	[tilespmem:$0xD0A0] =	vst v2  }
0x3d: {  	[tilespmem:$0xD0B0] =	vst v2  }
0x3e: {  	[tilespmem:$0xD0C0] =	vst v2  }
0x3f: {  	[tilespmem:$0xD0D0] =	vst v2  }
0x40: {  	[tilespmem:$0xD0E0] =	vst v2  }
0x41: {  	[tilespmem:$0xD0F0] =	vst v2  }
0x42: {  	[tilespmem:$0xD100] =	vst v2  }
0x43: {  	[tilespmem:$0xD110] =	vst v2  }
0x44: {  	[tilespmem:$0xD120] =	vst v2  }
0x45: {  	[tilespmem:$0xD130] =	vst v2  }
0x46: {  	[tilespmem:$0xD140] =	vst v2  }
0x47: {  	[tilespmem:$0xD150] =	vst v2  }
0x48: {  	[tilespmem:$0xD160] =	vst v2  }
0x49: {  	[tilespmem:$0xD170] =	vst v2  }
0x4a: {  	[tilespmem:$0xD180] =	vst v2  }
0x4b: {  	[tilespmem:$0xD190] =	vst v2  }
0x4c: {  	[tilespmem:$0xD1A0] =	vst v2  }
0x4d: {  	[tilespmem:$0xD1B0] =	vst v2  }
0x4e: {  	[tilespmem:$0xD1C0] =	vst v2  }
0x4f: {  	[tilespmem:$0xD1D0] =	vst v2  }
0x50: {  	[tilespmem:$0xD1E0] =	vst v2  }
0x51: {  	[tilespmem:$0xD1F0] =	vst v2  }
0x52: {  	[spmem:s5] =	stream.linear.scatter [tilespmem:s15], [sflag:$0x1], $0x280, $0x38;
	[tilespmem:$0xD5C0] =	vst v63  }
0x53: {  	_ =	swait.ge [sflag:s16], $0x280  }
0x54: {  	[sflag:s16] =	ssyncset.done $0x0  }
0x55: {  	s21 =	simm.s32 @p0 $0xCF80;
	[sflag:s16] =	ssyncadd.s32 $0xFFFFFD80  }
0x56: {  	[spmem:s7] =	stream.linear.scatter @p0 [tilespmem:s21], [sflag:$0x1], $0xD0, $0x38;
	[tilespmem:$0xD5C0] =	vst v63  }
0x57: {  	s21 =	simm.s32 @p0 $0x1  }
0x58: {  	_ =	swait.ge @p0 [sflag:s21], $0xD0  }
0x59: {  	[sflag:s21] =	ssyncset.done @p0 $0x0  }
0x5a: {  	[sflag:s21] =	ssyncadd.s32 @p0 $0xFFFFFF30;
	s21 =	simm.s32 @!p0 $0xCF80  }
0x5b: {  	[spmem:s6] =	stream.linear.scatter @!p0 [tilespmem:s21], [sflag:$0x1], $0x140, $0x38;
	[tilespmem:$0xD5C0] =	vst v63  }
0x5c: {  	s21 =	simm.s32 @!p0 $0x1  }
0x5d: {  	_ =	swait.ge @!p0 [sflag:s21], $0x140  }
0x5e: {  	[sflag:s21] =	ssyncset.done @!p0 $0x0  }
0x5f: {  	[sflag:s21] =	ssyncadd.s32 @!p0 $0xFFFFFEC0  }
0x60: {  	[tilespmem:s4], [sflag:$0x1] =	stream.linear.gather [hbm4b:s8+s4], $0x2710, $0x38;
	[tilespmem:$0xD5C0] =	vst v63  }
0x61: {  	_ =	swait.ge [sflag:s16], $0x2710  }
0x62: {  	[sflag:s16] =	ssyncset.done $0x0  }
0x63: {  	[sflag:s16] =	ssyncadd.s32 $0xFFFFD8F0  }
0x64: {  	[tilespmem:s17], [sflag:$0x1] =	stream.linear.gather [hbm4b:s9+s4], $0x2710, $0x38;
	[tilespmem:$0xD5C0] =	vst v63  }
0x65: {  	_ =	swait.ge [sflag:s16], $0x2710  }
0x66: {  	[sflag:s16] =	ssyncset.done $0x0  }
0x67: {  	s22 =	simm.s32 $0x20;
	[sflag:s16] =	ssyncadd.s32 $0xFFFFD8F0  }
0x68: {  	v3 =	vld [tilespmem:s22+$0xFFFFFFE0];
	_ =	sdelay $0x3  }
0x69: {  	s23 =	simm.s32 $0x0  }
0x6a: {  	s21 =	simm.s32 $0x27A0;
	[tilespmem:s23+$0x4F00] =	vst v3  }
0x6b: {  	v3 =	vld [tilespmem:s21+$0xFFFFFFE0];
	_ =	sdelay $0x4  }
0x6c: {  	v3 =	vsub.s32 v3, v0  }
0x6d: {  	v3 =	vmin.u32 v3, $0x1388  }
0x6e: {  	[tilespmem:s23+$0x8F00] =	vst v3  }
0x6f: {  	v3 =	vld [tilespmem:s22+$0xFFFFFFF0];
	_ =	sdelay $0x4  }
0x70: {  	[tilespmem:s23+$0x4F10] =	vst v3  }
0x71: {  	v3 =	vld [tilespmem:s21+$0xFFFFFFF0];
	_ =	sdelay $0x4  }
0x72: {  	v3 =	vsub.s32 v3, v0  }
0x73: {  	v3 =	vmin.u32 v3, $0x1388  }
0x74: {  	[tilespmem:s23+$0x8F10] =	vst v3  }
0x75: {  	v3 =	vld [tilespmem:s22+$0x0];
	_ =	sdelay $0x4  }
0x76: {  	[tilespmem:s23+$0x4F20] =	vst v3  }
0x77: {  	v3 =	vld [tilespmem:s21+$0x0];
	_ =	sdelay $0x4  }
0x78: {  	v3 =	vsub.s32 v3, v0  }
0x79: {  	v3 =	vmin.u32 v3, $0x1388  }
0x7a: {  	[tilespmem:s23+$0x8F20] =	vst v3  }
0x7b: {  	v3 =	vld [tilespmem:s22+$0x10];
	_ =	sdelay $0x4  }
0x7c: {  	[tilespmem:s23+$0x4F30] =	vst v3  }
0x7d: {  	v3 =	vld [tilespmem:s21+$0x10];
	_ =	sdelay $0x4  }
0x7e: {  	v3 =	vsub.s32 v3, v0  }
0x7f: {  	v3 =	vmin.u32 v3, $0x1388  }
0x80: {  	[tilespmem:s23+$0x8F30] =	vst v3  }
0x81: {  	v3 =	vld [tilespmem:s22+$0x20];
	_ =	sdelay $0x4  }
0x82: {  	[tilespmem:s23+$0x4F40] =	vst v3  }
0x83: {  	v3 =	vld [tilespmem:s21+$0x20];
	_ =	sdelay $0x4  }
0x84: {  	v3 =	vsub.s32 v3, v0  }
0x85: {  	v3 =	vmin.u32 v3, $0x1388  }
0x86: {  	s22 =	simm.s32 $0x70;
	[tilespmem:s23+$0x8F40] =	vst v3  }
0x87: {  	s24 =	simm.s32 $0x400;
	s23 =	simm.s32 $0x200;
	v3 =	vld [tilespmem:s22+$0xFFFFFFE0]  }
.LBB2_2:
0x88: {  	p2 =	sne.s32 s24, $0xF800;
	_ =	sdelay $0x2  }
0x89: {  	s25 =	sshra.s32 s23, $0x2;
	s23 =	smov.u32 s24  }
0x8a: {  	s21 =	sadd.s32 $0x50, s21;
	[tilespmem:s25+$0x4F00] =	vst v3  }
0x8b: {  	v3 =	vld [tilespmem:s21+$0xFFFFFFE0];
	_ =	sdelay $0x4  }
0x8c: {  	v3 =	vsub.s32 v3, v0  }
0x8d: {  	v3 =	vmin.u32 v3, $0x1388  }
0x8e: {  	[tilespmem:s25+$0x8F00] =	vst v3  }
0x8f: {  	v3 =	vld [tilespmem:s22+$0xFFFFFFF0];
	_ =	sdelay $0x4  }
0x90: {  	[tilespmem:s25+$0x4F10] =	vst v3  }
0x91: {  	v3 =	vld [tilespmem:s21+$0xFFFFFFF0];
	_ =	sdelay $0x4  }
0x92: {  	v3 =	vsub.s32 v3, v0  }
0x93: {  	v3 =	vmin.u32 v3, $0x1388  }
0x94: {  	[tilespmem:s25+$0x8F10] =	vst v3  }
0x95: {  	v3 =	vld [tilespmem:s22+$0x0];
	_ =	sdelay $0x4  }
0x96: {  	[tilespmem:s25+$0x4F20] =	vst v3  }
0x97: {  	v3 =	vld [tilespmem:s21+$0x0];
	_ =	sdelay $0x4  }
0x98: {  	v3 =	vsub.s32 v3, v0  }
0x99: {  	v3 =	vmin.u32 v3, $0x1388  }
0x9a: {  	[tilespmem:s25+$0x8F20] =	vst v3  }
0x9b: {  	v3 =	vld [tilespmem:s22+$0x10];
	_ =	sdelay $0x4  }
0x9c: {  	[tilespmem:s25+$0x4F30] =	vst v3  }
0x9d: {  	v3 =	vld [tilespmem:s21+$0x10];
	_ =	sdelay $0x4  }
0x9e: {  	v3 =	vsub.s32 v3, v0  }
0x9f: {  	v3 =	vmin.u32 v3, $0x1388  }
0xa0: {  	[tilespmem:s25+$0x8F30] =	vst v3  }
0xa1: {  	v3 =	vld [tilespmem:s22+$0x20];
	_ =	sdelay $0x4  }
0xa2: {  	[tilespmem:s25+$0x4F40] =	vst v3  }
0xa3: {  	v3 =	vld [tilespmem:s21+$0x20];
	_ =	sdelay $0x3  }
.Ltmp2:
0xa4: {  	(pc) =	sbr.rel @p2 .LBB2_2-.Ltmp2, $4  }
0xa5: {  	v3 =	vsub.s32 v3, v0  }
0xa6: {  	v3 =	vmin.u32 v3, $0x1388  }
0xa7: {  	s22 =	sadd.s32 $0x50, s22;
	[tilespmem:s25+$0x8F40] =	vst v3  }
0xa8: {  	s24 =	sadd.s32 $0x200, s24;
	v3 =	vld [tilespmem:s22+$0xFFFFFFE0]  }
0xa9: {  	_ =	sdelay $0x2  }
0xaa: {  	s23 =	sshra.s32 s23, $0x2  }
0xab: {  	s21 =	sadd.s32 $0x50, s21;
	[tilespmem:s23+$0x4F00] =	vst v3  }
0xac: {  	v3 =	vld [tilespmem:s21+$0xFFFFFFE0];
	_ =	sdelay $0x4  }
0xad: {  	v3 =	vsub.s32 v3, v0  }
0xae: {  	v3 =	vmin.u32 v3, $0x1388  }
0xaf: {  	[tilespmem:s23+$0x8F00] =	vst v3  }
0xb0: {  	v3 =	vld [tilespmem:s22+$0xFFFFFFF0];
	_ =	sdelay $0x4  }
0xb1: {  	[tilespmem:s23+$0x4F10] =	vst v3  }
0xb2: {  	v3 =	vld [tilespmem:s21+$0xFFFFFFF0];
	_ =	sdelay $0x4  }
0xb3: {  	v3 =	vsub.s32 v3, v0  }
0xb4: {  	v3 =	vmin.u32 v3, $0x1388  }
0xb5: {  	[tilespmem:s23+$0x8F10] =	vst v3  }
0xb6: {  	v3 =	vld [tilespmem:s22+$0x0];
	_ =	sdelay $0x4  }
0xb7: {  	[tilespmem:s23+$0x4F20] =	vst v3  }
0xb8: {  	v3 =	vld [tilespmem:s21+$0x0];
	_ =	sdelay $0x4  }
0xb9: {  	v3 =	vsub.s32 v3, v0  }
0xba: {  	v3 =	vmin.u32 v3, $0x1388  }
0xbb: {  	[tilespmem:s23+$0x8F20] =	vst v3  }
0xbc: {  	v3 =	vld [tilespmem:s22+$0x10];
	_ =	sdelay $0x4  }
0xbd: {  	[tilespmem:s23+$0x4F30] =	vst v3  }
0xbe: {  	v3 =	vld [tilespmem:s21+$0x10];
	_ =	sdelay $0x4  }
0xbf: {  	v3 =	vsub.s32 v3, v0  }
0xc0: {  	v3 =	vmin.u32 v3, $0x1388  }
0xc1: {  	[tilespmem:s23+$0x8F30] =	vst v3  }
0xc2: {  	v3 =	vld [tilespmem:s22+$0x20];
	_ =	sdelay $0x4  }
0xc3: {  	[tilespmem:s23+$0x4F40] =	vst v3  }
0xc4: {  	v3 =	vld [tilespmem:s21+$0x20];
	_ =	sdelay $0x4  }
0xc5: {  	v3 =	vsub.s32 v3, v0  }
0xc6: {  	v3 =	vmin.u32 v3, $0x1388  }
0xc7: {  	[tilespmem:s23+$0x8F40] =	vst v3  }
0xc8: {  	s31 =	simm.s32 $0x8F00;
	[bflag:$0x0] =	sbarrier.arrive $0xFFFF  }
0xc9: {  	[spmem:s3] =	stream.indirect.scatter.add.f32 [tilespmem:s19], [sflag:$0x1], $0x1, s31, s18, $0xb8;
	[tilespmem:$0xD5C0] =	vst v63  }
0xca: {  	s21 =	simm.s32 $0x200;
	_ =	swait.ge [sflag:s16], $0x50  }
.LBB2_4:
0xcb: {  	s22 =	sshra.s32 s21, $0x2;
	[sflag:s16] =	ssyncset.done $0x0;
	p2 =	sne.s32 s21, $0xF800  }
.Ltmp3:
0xcc: {  	s22 =	sadd.s32 $0x8F00, s22;
	[sflag:s16] =	ssyncadd.s32 $0xFFFFFFB0;
	(pc) =	sbr.rel @p2 .LBB2_4-.Ltmp3, $3  }
0xcd: {  	[spmem:s3] =	stream.indirect.scatter.add.f32 [tilespmem:s19], [sflag:$0x1], $0x1, s22, s18, $0xb8;
	[tilespmem:$0xD5C0] =	vst v63  }
0xce: {  	s21 =	sadd.s32 $0x200, s21;
	_ =	sdelay $0x1  }
0xcf: {  	_ =	swait.ge [sflag:s16], $0x50  }
.Ltmp4:
0xd0: {  	(pc) =	sbr.rel @p1 .LBB2_9-.Ltmp4, $3  }
0xd1: {  	_ =	sdelay $0x1  }
0xd2: {  	[sflag:s16] =	ssyncset.done $0x0  }
0xd3: {  	s21 =	simm.s32 $0x0;
	[sflag:s16] =	ssyncadd.s32 $0xFFFFFFB0  }
0xd4: {  	s22 =	sshra.s32 s21, $0x2  }
0xd5: {  	s22 =	sadd.s32 $0x4F00, s22  }
0xd6: {  	[spmem:s2] =	stream.indirect.scatter.add.f32 [tilespmem:s19], [sflag:$0x1], $0x1, s22, s18, $0xb8;
	[tilespmem:$0xD5C0] =	vst v63  }
0xd7: {  	s21 =	sadd.s32 $0x200, s21;
	_ =	swait.ge [sflag:s16], $0x50  }
.LBB2_7:
0xd8: {  	s22 =	sshra.s32 s21, $0x2;
	[sflag:s16] =	ssyncset.done $0x0;
	p2 =	sne.s32 s21, $0xF800  }
.Ltmp5:
0xd9: {  	s22 =	sadd.s32 $0x4F00, s22;
	[sflag:s16] =	ssyncadd.s32 $0xFFFFFFB0;
	(pc) =	sbr.rel @p2 .LBB2_7-.Ltmp5, $3  }
0xda: {  	[spmem:s2] =	stream.indirect.scatter.add.f32 [tilespmem:s19], [sflag:$0x1], $0x1, s22, s18, $0xb8;
	[tilespmem:$0xD5C0] =	vst v63  }
0xdb: {  	s21 =	sadd.s32 $0x200, s21;
	_ =	sdelay $0x1  }
0xdc: {  	_ =	swait.ge [sflag:s16], $0x50  }
0xdd: {  	[sflag:s16] =	ssyncset.done $0x0  }
0xde: {  	[sflag:s16] =	ssyncadd.s32 $0xFFFFFFB0  }
0xdf: {  	[bflag:$0x0] =	sbarrier.arrive $0xFFFF  }
0xe0: {  	[tilespmem:s15], [sflag:$0x1] =	stream.linear.gather [spmem:s5], $0x280, $0x38;
	[tilespmem:$0xD5C0] =	vst v63  }
0xe1: {  	_ =	swait.ge [sflag:s16], $0x280  }
0xe2: {  	[sflag:s16] =	ssyncset.done $0x0  }
.Ltmp6:
0xe3: {  	[sflag:s16] =	ssyncadd.s32 $0xFFFFFD80;
	(pc) =	sbr.rel .LBB2_10-.Ltmp6, $4  }
0xe4: {  	[hbm4b:s10+s4] =	stream.linear.scatter [tilespmem:s15], [sflag:$0x1], $0x280, $0x38;
	[tilespmem:$0xD5C0] =	vst v63  }
0xe5: {  	_ =	swait.ge [sflag:s16], $0x280  }
0xe6: {  	[sflag:s16] =	ssyncset.done $0x0  }
0xe7: {  	[sflag:s16] =	ssyncadd.s32 $0xFFFFFD80  }
.LBB2_11:
0xe8: {  	_ =	sfence.sel $0x180000  }
0xe9: {  	[bflag:$0x0] =	sbarrier.arrive $0xFFFF  }
0xea: {  	p0 =	sne.s32 s1, $0x0;
	_ =	strace $0x9000004A  }
0xeb: {  	s0 =	sadd.s32 @!p0 $0x100000, s0;
	[bflag:$0x2] =	sbarrier.arrive $0xFFFF  }
0xec: {  	[sflag:s0] =	ssyncadd.tile.s32 @!p0 $0x1;
	_ =	shalt  }
.Lfunc_end2:
_tile_overlayer_lowered:
.L_overlay_start_2:
0xed: {  	(tag) =	ssettag $0x2  }
0xee: {  	s0 =	rddreg [dreg:$0x0];
	s2 =	stileid.u32  }
0xef: {  	s1 =	rddreg [dreg:$0x1];
	p0 =	sne.s32 s2, $0x0  }
0xf0: {  	s3 =	rddreg [dreg:$0x2];
	[bflag:$0x3] =	sbarrier.arrive $0xFFFF;
	s2 =	simm.s32 @!p0 $0x1C01  }
0xf1: {  	[timem:s3], [sflag:s2] =	dma.local @!p0 [hbm:s0], s1  }
0xf2: {  	s0 =	simm.s32 @!p0 $0x1  }
0xf3: {  	_ =	swait.ge @!p0 [sflag:s0], s1  }
0xf4: {  	s1 =	ssub.s32 @!p0 $0x0, s1;
	[sflag:s0] =	ssyncset.done @!p0 $0x0  }
0xf5: {  	[sflag:s0] =	ssyncadd.s32 @!p0 s1  }
0xf6: {  	[bflag:$0x3] =	sbarrier.arrive $0xFFFF  }
0xf7: {  	_ =	shalt  }

// kernel: kernel.16.cloned.1.call-start
scs
__scs_entry_jumppad:
0x0: {  	(pc) =	sbr.rel $0x88, $3  }
0x1: {  	(tag) =	ssettag $0x0;
	lr =	simm.s32 $0x1  }
0x2: {  	[smem:$0x3F97] =	sst lr;
	_ =	strace $0xD0000000  }
0x3: {  	_ = 	snop  }
0x4: {  	_ = 	snop  }
0x5: {  	_ = 	snop  }
0x6: {  	_ = 	snop  }
0x7: {  	_ = 	snop  }
__scs_overlays_trampoline_lowered:
0x8: {  	[smem:$0x3FA6] =	sst s0  }
0x9: {  	[smem:$0x3FA7] =	sst s1  }
0xa: {  	[smem:$0x3FA8] =	sst s2  }
0xb: {  	[smem:$0x3FA9] =	sst s3  }
0xc: {  	[smem:$0x3FAA] =	sst s4  }
0xd: {  	[smem:$0x3FAB] =	sst s5  }
0xe: {  	[smem:$0x3FAC] =	sst s6  }
0xf: {  	[smem:$0x3FAD] =	sst s7  }
0x10: {  	[smem:$0x3FAE] =	sst s8  }
0x11: {  	[smem:$0x3FAF] =	sst s9;
	s0 =	simm.s32 @!p0 $0x0  }
0x12: {  	s1 =	sld [smem:$0x3F95];
	s0 =	simm.s32 @p0 $0x1  }
0x13: {  	[smem:$0x3FB0] =	sst s0;
	s0 =	simm.s32 @!p1 $0x0  }
0x14: {  	s2 =	sld [smem:$0x3F94];
	s0 =	simm.s32 @p1 $0x1  }
0x15: {  	[smem:$0x3FB1] =	sst s0;
	s0 =	simm.s32 @!p2 $0x0  }
0x16: {  	s3 =	sld [smem:$0x3FDB];
	s0 =	simm.s32 @p2 $0x1  }
0x17: {  	s4 =	simm.s32 $0x1BF5;
	[smem:$0x3FB3] =	sst s0  }
0x18: {  	s0 =	sld [smem:$0x3F96];
	_ =	swait.ge [sflag:s4], $0x0  }
0x19: {  	s7 =	sld [smem:$0x3F97]  }
0x1a: {  	s8 =	sadd.s32 $0xFFFFE003, lr  }
0x1b: {  	s9 =	sadd.s32 $0xFFFFFEF7, lr;
	s5 =	simm.s32 $0xFFFFFFFF;
	p2 =	slt.u32 s8, $0xFFFFF086  }
0x1c: {  	p1 =	slt.u32 s9, $0xF7A;
	s5 =	simm.s32 @!p2 $0x0  }
0x1d: {  	s5 =	simm.s32 @p1 $0x1;
	p0 =	seq.s32 s7, s2  }
0x1e: {  	s7 =	smul.u32 @!p0 $0xF7A, s2;
	p2 =	seq.s32 @!p0 s5, $0x0  }
0x1f: {  	s9 =	smul.u32 $0xF7A, s1;
	s8 =	simm.s32 @!p0 $0x1BF5;
	p2 =	por !p2, p0  }
0x20: {  	[sflag:s8] =	ssyncset.s32 @!p0 $0xFFFFF086;
	s6 =	sadd.s32 @!p0 s3, s7;
	s7 =	simm.s32 @!p0 $0x108  }
0x21: {  	s3 =	sadd.s32 s3, s9;
	s6 =	sadd.s32 @!p0 $0x88, s6;
	s7 =	simm.s32 @p2 $0x1082  }
0x22: {  	[simem:s7], [sflag:s8] =	dma.local @!p0 [hbm:s6], $0xF7A  }
0x23: {  	s9 =	sor.u32 $0xD0000000, s2;
	s6 =	simm.s32 $0x108;
	_ =	swait.ge @!p0 [sflag:s8], $0x0  }
0x24: {  	s3 =	sadd.s32 $0x88, s3;
	s6 =	simm.s32 @!p1 $0x1082;
	[sflag:s4] =	ssyncset.s32 $0xFFFFF086  }
0x25: {  	[simem:s6], [sflag:s4] =	dma.local [hbm:s3], $0xF7A  }
0x26: {  	[smem:$0x3F97] =	sst s1;
	(tag) =	ssettag s2;
	_ =	strace s9  }
0x27: {  	s1 =	sld [smem:$0x3FA7]  }
0x28: {  	s2 =	sld [smem:$0x3FA8]  }
0x29: {  	s4 =	sld [smem:$0x3FAA]  }
0x2a: {  	p0 =	seq.s32 s5, $0x0;
	s5 =	sld [smem:$0x3FAB]  }
0x2b: {  	s6 =	sld [smem:$0x3FAC]  }
0x2c: {  	s7 =	sld [smem:$0x3FAD]  }
0x2d: {  	s3 =	simm.s32 $0x108;
	s8 =	sld [smem:$0x3FAE]  }
0x2e: {  	s3 =	simm.s32 @!p0 $0x1082;
	s9 =	sld [smem:$0x3FAF]  }
0x2f: {  	lr =	sadd.s32 s0, s3;
	s0 =	sld [smem:$0x3FA6]  }
0x30: {  	s3 =	sld [smem:$0x3FA9]  }
0x31: {  	[smem:$0x3FB2] =	sst s10  }
0x32: {  	s10 =	sld [smem:$0x3FB0];
	_ =	sdelay $0x3  }
0x33: {  	p0 =	seq.s32 s10, $0x1;
	s10 =	sld [smem:$0x3FB2];
	_ =	sdelay $0x3  }
0x34: {  	[smem:$0x3FB2] =	sst s10  }
0x35: {  	s10 =	sld [smem:$0x3FB1];
	_ =	sdelay $0x3  }
0x36: {  	p1 =	seq.s32 s10, $0x1;
	s10 =	sld [smem:$0x3FB2];
	_ =	sdelay $0x3  }
0x37: {  	[smem:$0x3FB2] =	sst s10  }
0x38: {  	s10 =	sld [smem:$0x3FB3]  }
0x39: {  	_ = 	snop;
	(pc) =	sbr.ind lr, $3  }
0x3a: {  	_ = 	snop  }
0x3b: {  	_ = 	snop  }
0x3c: {  	p2 =	seq.s32 s10, $0x1;
	s10 =	sld [smem:$0x3FB2]  }
0x3d: {  	_ =	shalt  }
0x3e: {  	_ =	shalt  }
0x3f: {  	_ =	shalt  }
0x40: {  	_ =	shalt  }
0x41: {  	_ =	shalt  }
0x42: {  	_ =	shalt  }
0x43: {  	_ =	shalt  }
0x44: {  	_ =	shalt  }
0x45: {  	_ =	shalt  }
0x46: {  	_ =	shalt  }
0x47: {  	_ =	shalt  }
0x48: {  	_ =	shalt  }
0x49: {  	_ =	shalt  }
0x4a: {  	_ =	shalt  }
0x4b: {  	_ =	shalt  }
0x4c: {  	_ =	shalt  }
0x4d: {  	_ =	shalt  }
0x4e: {  	_ =	shalt  }
0x4f: {  	_ =	shalt  }
0x50: {  	_ =	shalt  }
0x51: {  	_ =	shalt  }
0x52: {  	_ =	shalt  }
0x53: {  	_ =	shalt  }
0x54: {  	_ =	shalt  }
0x55: {  	_ =	shalt  }
0x56: {  	_ =	shalt  }
0x57: {  	_ =	shalt  }
0x58: {  	_ =	shalt  }
0x59: {  	_ =	shalt  }
0x5a: {  	_ =	shalt  }
0x5b: {  	_ =	shalt  }
0x5c: {  	_ =	shalt  }
0x5d: {  	_ =	shalt  }
0x5e: {  	_ =	shalt  }
0x5f: {  	_ =	shalt  }
0x60: {  	_ =	shalt  }
0x61: {  	_ =	shalt  }
0x62: {  	_ =	shalt  }
0x63: {  	_ =	shalt  }
0x64: {  	_ =	shalt  }
0x65: {  	_ =	shalt  }
0x66: {  	_ =	shalt  }
0x67: {  	_ =	shalt  }
0x68: {  	_ =	shalt  }
0x69: {  	_ =	shalt  }
0x6a: {  	_ =	shalt  }
0x6b: {  	_ =	shalt  }
0x6c: {  	_ =	shalt  }
0x6d: {  	_ =	shalt  }
0x6e: {  	_ =	shalt  }
0x6f: {  	_ =	shalt  }
0x70: {  	_ =	shalt  }
0x71: {  	_ =	shalt  }
0x72: {  	_ =	shalt  }
0x73: {  	_ =	shalt  }
0x74: {  	_ =	shalt  }
0x75: {  	_ =	shalt  }
0x76: {  	_ =	shalt  }
0x77: {  	_ =	shalt  }
0x78: {  	_ =	shalt  }
0x79: {  	_ =	shalt  }
0x7a: {  	_ =	shalt  }
0x7b: {  	_ =	shalt  }
0x7c: {  	_ =	shalt  }
0x7d: {  	_ =	shalt  }
0x7e: {  	_ =	shalt  }
0x7f: {  	_ =	shalt  }
0x80: {  	_ =	shalt  }
0x81: {  	_ =	shalt  }
0x82: {  	_ =	shalt  }
0x83: {  	_ =	shalt  }
0x84: {  	_ =	shalt  }
0x85: {  	_ =	shalt  }
0x86: {  	_ =	shalt  }
0x87: {  	_ =	shalt  }
.Lfunc_end0:
.L_simem_size_0:
called_computation.2_lowered:
.L_overlay_start_0:
0x88: {  	s2 =	sld [smem:$0x3FD9]  }
0x89: {  	s3 =	sld [smem:$0x3FFE];
	_ =	sdelay $0x1  }
0x8a: {  	s1 =	srdreg.scid  }
0x8b: {  	s0 =	sand.u32 $0x1, s1  }
0x8c: {  	s16 =	sshll.u32 s0, $0xA;
	s2 =	sadd.s32 s3, s2  }
0x8d: {  	s2 =	sadd.s32 s2, s16  }
0x8e: {  	[smem:$0x3FBE] =	sst s2  }
0x8f: {  	_ = 	snop  }
0x90: {  	(tm) =	ssettm $0x1  }
0x91: {  	s17 =	sld [smem:$0x3FFB];
	_ =	sdelay $0x3  }
0x92: {  	_ =	strace s17  }
0x93: {  	s2 =	sld [smem:$0x3FFC];
	_ =	sdelay $0x3  }
0x94: {  	_ =	strace s2  }
0x95: {  	s2 =	sld [smem:$0x3FFD];
	_ =	sdelay $0x3  }
0x96: {  	_ =	strace s2  }
0x97: {  	_ =	strace $0x8FFFFFFF  }
0x98: {  	s18 =	sld [smem:$0x3FDB];
	_ =	sdelay $0x1  }
0x99: {  	s19 =	simm.s32 $_scs_section_size  }
0x9a: {  	s4 =	simm.s32 $_size__tile_overlayer_lowered;
	s5 =	simm.s32 $_tile_overlayer_lowered  }
0x9b: {  	s22 =	simm.s32 $0x1BFF;
	s21 =	sshll.u32 s5, $0x1;
	s2 =	sadd.s32 s19, s18  }
0x9c: {  	s6 =	simm.s32 $0x0;
	s20 =	sshll.u32 s4, $0x1;
	s4 =	sadd.s32 s21, s2  }
0x9d: {  	[timem:s6], [sflag:s22] =	dma.local [hbm:s4], s20  }
0x9e: {  	_ =	swait.ge [sflag:s22], s20  }
0x9f: {  	s3 =	ssub.s32 $0x0, s20;
	[sflag:s22] =	ssyncset.done $0x0  }
0xa0: {  	[sflag:s22] =	ssyncadd.s32 s3;
	_ =	sdelay $0x1  }
0xa1: {  	s23 =	simm.s32 $0x1B8B  }
0xa2: {  	_ =	swait.ge [sflag:s23], $0x1  }
0xa3: {  	[sflag:s23] =	ssyncset.done $0x0  }
0xa4: {  	s25 =	simm.s32 $0x1B8E;
	s24 =	sld [smem:$0x3FFE];
	[sflag:s23] =	ssyncadd.s32 $0xFFFFFFFF  }
0xa5: {  	s26 =	simm.s32 $execute0_lowered;
	[smem:$0x3FD2] =	sst s25  }
0xa6: {  	s4 =	sshll.u32 s26, $0x1;
	_ =	strace $0x8000004C;
	[dreg:$0x1] =	wrdreg $0xFFFFFFFF  }
0xa7: {  	s28 =	simm.s32 $_size_execute0_lowered;
	s2 =	sadd.s32 s2, s4;
	[dreg:$0x0] =	wrdreg $0x0  }
0xa8: {  	s4 =	sshll.u32 s28, $0x1;
	[dreg:$0x2] =	wrdreg s2  }
0xa9: {  	[dreg:$0x3] =	wrdreg s4  }
0xaa: {  	[dreg:$0x4] =	wrdreg $0xC0  }
0xab: {  	_ =	task [dreg:s6], $0x5FFFF  }
0xac: {  	[dreg:$0x1] =	wrdreg $0xFFFFFFFF  }
0xad: {  	[dreg:$0x0] =	wrdreg $0x60  }
0xae: {  	[dreg:$0x2] =	wrdreg s24  }
0xaf: {  	[dreg:$0x3] =	wrdreg $0x9  }
0xb0: {  	_ =	task.clear_ibuf [dreg:s6], $0x4FFFF;
	_ =	strace $0x9000004C  }
0xb1: {  	s29 =	simm.s32 $0x9;
	_ =	strace $0x8000004E  }
0xb2: {  	_ =	swait.ge [sflag:s29], $0x1  }
0xb3: {  	[sflag:s29] =	ssyncadd.s32 $0xFFFFFFFF  }
0xb4: {  	_ =	strace $0x9000004E  }
0xb5: {  	_ =	sfence  }
0xb6: {  	s30 =	sld [smem:$0x0];
	_ =	sdelay $0x2  }
0xb7: {  	s31 =	sshll.u32 s1, $0xD;
	s1 =	sshrl.u32 s1, $0x2  }
0xb8: {  	s3 =	sand.u32 $0x4000, s31;
	s1 =	sadd.s32 s1, s30  }
0xb9: {  	s0 =	sor.u32 s3, s0;
	s1 =	sshll.u32 s1, $0x11  }
0xba: {  	s0 =	sor.u32 s1, s0  }
0xbb: {  	s0 =	sadd.s32 $0x8F2B, s0  }
0xbc: {  	[sflag:s0] =	ssyncadd.remote.s32 $0x1  }
0xbd: {  	_ =	sfence.sel $0xFFFF  }
0xbe: {  	[dreg:$0x0] =	wrdreg $0xFFFFFFFF;
	(pc) =	sbr.abs _section_cstart, $3  }
0xbf: {  	[dreg:$0x1] =	wrdreg $0xFFFFFFFF  }
0xc0: {  	_ =	task.clear_ibuf [dreg:s6], $0x2FFFF;
	_ =	strace $0x9FFFFFFF  }
0xc1: {  	(tm) =	ssettm $0x7FFFFFFF  }
tec
execute0_lowered:
.L_overlay_start_1:
0x0: {  	(tag) =	ssettag $0x1  }
0x1: {  	s0 =	srdreg.scid  }
0x2: {  	s9 =	stileid.u32;
	s1 =	rddreg [dreg:$0x0]  }
0x3: {  	s2 =	simm.s32 $0x0;
	s11 =	simm.s32 $0x1400;
	s28 =	simm.s32 $0x1  }
0x4: {  	s29 =	simm.s32 $0x9400;
	s17 =	simm.s32 $0x9C00;
	s16 =	simm.s32 $0xAC00  }
0x5: {  	s18 =	simm.s32 $0xBC00;
	s19 =	simm.s32 $0xCC00;
	s20 =	simm.s32 $0xDC00  }
0x6: {  	s10 =	simm.s32 $0xEC00;
	s30 =	simm.s32 $0xF400;
	s12 =	simm.s32 $0xFC00  }
0x7: {  	s13 =	simm.s32 $0x10400;
	s31 =	simm.s32 $0x10C00;
	s14 =	simm.s32 $0x3  }
0x8: {  	s15 =	simm.s32 $0x4;
	s21 =	simm.s32 $0x0;
	s0 =	sand.u32 $0x1, s0  }
0x9: {  	s3 =	sshll.u32 s9, $0x1;
	[smem:$0x7FF] =	sst s2;
	s23 =	smul.u32 $0x4E200, s9  }
0xa: {  	s4 =	sor.u32 s0, s3;
	s6 =	ssub.s32 $0x2, s0;
	s0 =	smul.u32 $0x27100, s0  }
0xb: {  	s9 =	simm.s32 $0xE400;
	_ =	strace $0x8000004D;
	s5 =	smul.u32 $0x1388, s4  }
0xc: {  	s3 =	sadd.s32 $0x41E00, s1;
	s7 =	sshrl.u32 s6, $0x1;
	s8 =	smul.u32 $0x138800, s4  }
0xd: {  	s4 =	smul.u32 $0x27100, s4;
	s6 =	ssub.s32 s6, s7;
	s7 =	simm.s32 $0xC400  }
0xe: {  	s5 =	sshrl.u32 s5, $0x3;
	s22 =	sshrl.u32 s8, $0x3;
	s26 =	smax.u32 s6, $0x1  }
0xf: {  	s6 =	simm.s32 $0xB400;
	s8 =	simm.s32 $0xD400;
	s5 =	sadd.s32 s5, s1  }
0x10: {  	s1 =	sadd.s32 $0x90000, s1;
	[dreg:$0x8] =	wrdreg s26;
	s5 =	sadd.s32 $0x10600, s5  }
0x11: {  	s4 =	sadd.s32 s1, s4;
	s24 =	sadd.s32 s1, s22;
	[dreg:$0x3] =	wrdreg s5  }
0x12: {  	s26 =	simm.s32 $0x8C00;
	[dreg:$0x4] =	wrdreg s4;
	s5 =	sadd.s32 $0x25000, s24  }
0x13: {  	s1 =	sadd.s32 s23, s1;
	s25 =	sadd.s32 $0x26000, s24;
	[dreg:$0x5] =	wrdreg s5  }
0x14: {  	s22 =	simm.s32 $0x6C00;
	s4 =	sadd.s32 $0x27000, s24;
	[dreg:$0x6] =	wrdreg s25  }
0x15: {  	v2 =	vlaneseq.u32;
	s23 =	simm.s32 $0x7400;
	s0 =	sadd.s32 s0, s1;
	[dreg:$0x7] =	wrdreg s4  }
0x16: {  	vm0 =	vmmov $0xffff;
	v1 =	vshrl.u32 v2, $0x3;
	s24 =	simm.s32 $0x7C00;
	s1 =	simm.s32 $0x2;
	[dreg:$0x2] =	wrdreg s0  }
0x17: {  	v0 =	vand.u32 $0x7, v2;
	v2 =	vor.u32 $0x8, v2;
	v1 =	vmul.u32 $0x8, v1;
	s4 =	simm.s32 $0x5;
	s25 =	simm.s32 $0x8400;
	s5 =	simm.s32 $0xA400  }
.LBB2_1:
0x18: {  	[dreg:$0x9] =	wrdreg s21  }
0x19: {  	s0 =	rddreg [dreg:$0x3]  }
0x1a: {  	[tilespmem:s2], [sflag:$0x5] =	stream.linear.gather [hbm4b:s0+s2], $0x1388, $0x38;
	[tilespmem:$0x11400] =	vst v63  }
0x1b: {  	_ =	swait.ge [sflag:s4], $0x1388  }
0x1c: {  	[sflag:s4] =	ssyncset.done $0x0  }
0x1d: {  	[sflag:s4] =	ssyncadd.s32 $0xFFFFEC78  }
0x1e: {  	v3 =	vld [tilespmem:$0x0];
	_ =	sdelay $0x4  }
0x1f: {  	v4 =	vshll.u32 v3, $0x1  }
0x20: {  	v3 =	vand.u32 $0x7, v3;
	v4 =	vand.u32 $0xFFFFFFF0, v4  }
0x21: {  	v3 =	vor.u32 v3, v4  }
0x22: {  	v4 =	vperm.xlane v3, v0;
	_ =	sdelay $0x1  }
0x23: {  	v3 =	vperm.xlane v3, v2;
	v4 =	vadd.s32 v1, v4;
	_ =	sdelay $0x1  }
0x24: {  	v3 =	vadd.s32 v1, v3;
	_ =	sdelay $0x2  }
0x25: {  	[tilespmem:s11], [sflag:$0x1] =	stream.indirect_vreg.gather [hbm4b:s3+s2], $0x80, v4, vm0, $0xb8;
	[tilespmem:$0x11400] =	vst v63  }
0x26: {  	s21 =	simm.s32 $0x1C00  }
0x27: {  	[tilespmem:s21], [sflag:$0x1] =	stream.indirect_vreg.gather [hbm4b:s3+s2], $0x80, v3, vm0, $0xb8;
	[tilespmem:$0x11400] =	vst v63  }
0x28: {  	v3 =	vld [tilespmem:$0x10];
	_ =	sdelay $0x4  }
0x29: {  	v49 =	vshll.u32 v3, $0x1  }
0x2a: {  	v3 =	vand.u32 $0x7, v3;
	v4 =	vand.u32 $0xFFFFFFF0, v49  }
0x2b: {  	v3 =	vor.u32 v3, v4  }
0x2c: {  	v4 =	vperm.xlane v3, v0;
	_ =	sdelay $0x1  }
0x2d: {  	v3 =	vperm.xlane v3, v2;
	v4 =	vadd.s32 v1, v4;
	_ =	sdelay $0x1  }
0x2e: {  	v3 =	vadd.s32 v1, v3;
	_ =	sdelay $0x1  }
0x2f: {  	s4 =	simm.s32 $0x2400  }
0x30: {  	[tilespmem:s4], [sflag:$0x1] =	stream.indirect_vreg.gather [hbm4b:s3+s2], $0x80, v4, vm0, $0xb8;
	[tilespmem:$0x11400] =	vst v63  }
0x31: {  	s21 =	simm.s32 $0x2C00  }
0x32: {  	[tilespmem:s21], [sflag:$0x1] =	stream.indirect_vreg.gather [hbm4b:s3+s2], $0x80, v3, vm0, $0xb8;
	[tilespmem:$0x11400] =	vst v63  }
0x33: {  	v3 =	vld [tilespmem:$0x20];
	_ =	sdelay $0x4  }
0x34: {  	v50 =	vshll.u32 v3, $0x1  }
0x35: {  	v3 =	vand.u32 $0x7, v3;
	v4 =	vand.u32 $0xFFFFFFF0, v50  }
0x36: {  	v3 =	vor.u32 v3, v4  }
0x37: {  	v4 =	vperm.xlane v3, v0;
	_ =	sdelay $0x1  }
0x38: {  	v3 =	vperm.xlane v3, v2;
	v4 =	vadd.s32 v1, v4;
	_ =	sdelay $0x1  }
0x39: {  	v3 =	vadd.s32 v1, v3;
	_ =	sdelay $0x1  }
0x3a: {  	s4 =	simm.s32 $0x3400  }
0x3b: {  	[tilespmem:s4], [sflag:$0x1] =	stream.indirect_vreg.gather [hbm4b:s3+s2], $0x80, v4, vm0, $0xb8;
	[tilespmem:$0x11400] =	vst v63  }
0x3c: {  	s21 =	simm.s32 $0x3C00  }
0x3d: {  	[tilespmem:s21], [sflag:$0x1] =	stream.indirect_vreg.gather [hbm4b:s3+s2], $0x80, v3, vm0, $0xb8;
	[tilespmem:$0x11400] =	vst v63  }
0x3e: {  	v3 =	vld [tilespmem:$0x30];
	_ =	sdelay $0x4  }
0x3f: {  	v51 =	vshll.u32 v3, $0x1  }
0x40: {  	v3 =	vand.u32 $0x7, v3;
	v4 =	vand.u32 $0xFFFFFFF0, v51  }
0x41: {  	v3 =	vor.u32 v3, v4  }
0x42: {  	v4 =	vperm.xlane v3, v0;
	_ =	sdelay $0x1  }
0x43: {  	v3 =	vperm.xlane v3, v2;
	v4 =	vadd.s32 v1, v4;
	_ =	sdelay $0x1  }
0x44: {  	v3 =	vadd.s32 v1, v3;
	_ =	sdelay $0x1  }
0x45: {  	s4 =	simm.s32 $0x4400  }
0x46: {  	[tilespmem:s4], [sflag:$0x1] =	stream.indirect_vreg.gather [hbm4b:s3+s2], $0x80, v4, vm0, $0xb8;
	[tilespmem:$0x11400] =	vst v63  }
0x47: {  	s21 =	simm.s32 $0x4C00  }
0x48: {  	[tilespmem:s21], [sflag:$0x1] =	stream.indirect_vreg.gather [hbm4b:s3+s2], $0x80, v3, vm0, $0xb8;
	[tilespmem:$0x11400] =	vst v63  }
0x49: {  	v3 =	vld [tilespmem:$0x40];
	_ =	sdelay $0x4  }
0x4a: {  	v52 =	vshll.u32 v3, $0x1  }
0x4b: {  	v3 =	vand.u32 $0x7, v3;
	v4 =	vand.u32 $0xFFFFFFF0, v52  }
0x4c: {  	v3 =	vor.u32 v3, v4  }
0x4d: {  	v4 =	vperm.xlane v3, v0;
	_ =	sdelay $0x1  }
0x4e: {  	v3 =	vperm.xlane v3, v2;
	v4 =	vadd.s32 v1, v4;
	_ =	sdelay $0x1  }
0x4f: {  	v3 =	vadd.s32 v1, v3;
	_ =	sdelay $0x1  }
0x50: {  	s4 =	simm.s32 $0x5400  }
0x51: {  	[tilespmem:s4], [sflag:$0x1] =	stream.indirect_vreg.gather [hbm4b:s3+s2], $0x80, v4, vm0, $0xb8;
	[tilespmem:$0x11400] =	vst v63  }
0x52: {  	s21 =	simm.s32 $0x5C00  }
0x53: {  	[tilespmem:s21], [sflag:$0x1] =	stream.indirect_vreg.gather [hbm4b:s3+s2], $0x80, v3, vm0, $0xb8;
	[tilespmem:$0x11400] =	vst v63  }
0x54: {  	v3 =	vld [tilespmem:$0x50];
	_ =	sdelay $0x4  }
0x55: {  	v53 =	vshll.u32 v3, $0x1  }
0x56: {  	v3 =	vand.u32 $0x7, v3;
	v4 =	vand.u32 $0xFFFFFFF0, v53  }
0x57: {  	v3 =	vor.u32 v3, v4  }
0x58: {  	v4 =	vperm.xlane v3, v0;
	_ =	sdelay $0x1  }
0x59: {  	v3 =	vperm.xlane v3, v2;
	v4 =	vadd.s32 v1, v4;
	_ =	sdelay $0x1  }
0x5a: {  	v3 =	vadd.s32 v1, v3;
	_ =	sdelay $0x1  }
0x5b: {  	s4 =	simm.s32 $0x6400  }
0x5c: {  	[tilespmem:s4], [sflag:$0x1] =	stream.indirect_vreg.gather [hbm4b:s3+s2], $0x80, v4, vm0, $0xb8;
	[tilespmem:$0x11400] =	vst v63  }
0x5d: {  	_ = 	snop  }
0x5e: {  	[tilespmem:s22], [sflag:$0x1] =	stream.indirect_vreg.gather [hbm4b:s3+s2], $0x80, v3, vm0, $0xb8;
	[tilespmem:$0x11400] =	vst v63  }
0x5f: {  	v3 =	vld [tilespmem:$0x60];
	_ =	sdelay $0x4  }
0x60: {  	v54 =	vshll.u32 v3, $0x1  }
0x61: {  	v3 =	vand.u32 $0x7, v3;
	v4 =	vand.u32 $0xFFFFFFF0, v54  }
0x62: {  	v3 =	vor.u32 v3, v4  }
0x63: {  	v4 =	vperm.xlane v3, v0;
	_ =	sdelay $0x1  }
0x64: {  	v3 =	vperm.xlane v3, v2;
	v4 =	vadd.s32 v1, v4;
	_ =	sdelay $0x1  }
0x65: {  	v3 =	vadd.s32 v1, v3;
	_ =	sdelay $0x2  }
0x66: {  	[tilespmem:s23], [sflag:$0x1] =	stream.indirect_vreg.gather [hbm4b:s3+s2], $0x80, v4, vm0, $0xb8;
	[tilespmem:$0x11400] =	vst v63  }
0x67: {  	_ = 	snop  }
0x68: {  	[tilespmem:s24], [sflag:$0x1] =	stream.indirect_vreg.gather [hbm4b:s3+s2], $0x80, v3, vm0, $0xb8;
	[tilespmem:$0x11400] =	vst v63  }
0x69: {  	v3 =	vld [tilespmem:$0x70];
	_ =	sdelay $0x4  }
0x6a: {  	v55 =	vshll.u32 v3, $0x1  }
0x6b: {  	v3 =	vand.u32 $0x7, v3;
	v4 =	vand.u32 $0xFFFFFFF0, v55  }
0x6c: {  	v3 =	vor.u32 v3, v4  }
0x6d: {  	v4 =	vperm.xlane v3, v0;
	_ =	sdelay $0x1  }
0x6e: {  	v3 =	vperm.xlane v3, v2;
	v4 =	vadd.s32 v1, v4;
	_ =	sdelay $0x1  }
0x6f: {  	v3 =	vadd.s32 v1, v3;
	_ =	sdelay $0x2  }
0x70: {  	[tilespmem:s25], [sflag:$0x1] =	stream.indirect_vreg.gather [hbm4b:s3+s2], $0x80, v4, vm0, $0xb8;
	[tilespmem:$0x11400] =	vst v63  }
0x71: {  	_ = 	snop  }
0x72: {  	[tilespmem:s26], [sflag:$0x1] =	stream.indirect_vreg.gather [hbm4b:s3+s2], $0x80, v3, vm0, $0xb8;
	[tilespmem:$0x11400] =	vst v63  }
0x73: {  	_ =	swait.ge [sflag:s28], $0x8000  }
0x74: {  	[sflag:s28] =	ssyncset.done $0x0  }
0x75: {  	[sflag:s28] =	ssyncadd.s32 $0xFFFF8000  }
0x76: {  	v3 =	vld [tilespmem:$0x80];
	_ =	sdelay $0x4  }
0x77: {  	v56 =	vshll.u32 v3, $0x1  }
0x78: {  	v3 =	vand.u32 $0x7, v3;
	v4 =	vand.u32 $0xFFFFFFF0, v56  }
0x79: {  	v3 =	vor.u32 v3, v4  }
0x7a: {  	v4 =	vperm.xlane v3, v0;
	_ =	sdelay $0x1  }
0x7b: {  	v3 =	vperm.xlane v3, v2;
	v4 =	vadd.s32 v1, v4;
	_ =	sdelay $0x1  }
0x7c: {  	v3 =	vadd.s32 v1, v3;
	_ =	sdelay $0x2  }
0x7d: {  	[tilespmem:s29], [sflag:$0x2] =	stream.indirect_vreg.gather [hbm4b:s3+s2], $0x80, v4, vm0, $0xb8;
	[tilespmem:$0x11400] =	vst v63  }
0x7e: {  	_ = 	snop  }
0x7f: {  	[tilespmem:s17], [sflag:$0x2] =	stream.indirect_vreg.gather [hbm4b:s3+s2], $0x80, v3, vm0, $0xb8;
	[tilespmem:$0x11400] =	vst v63  }
0x80: {  	v3 =	vld [tilespmem:$0x90];
	_ =	sdelay $0x4  }
0x81: {  	v57 =	vshll.u32 v3, $0x1  }
0x82: {  	v3 =	vand.u32 $0x7, v3;
	v4 =	vand.u32 $0xFFFFFFF0, v57  }
0x83: {  	v3 =	vor.u32 v3, v4  }
0x84: {  	v4 =	vperm.xlane v3, v0;
	_ =	sdelay $0x1  }
0x85: {  	v3 =	vperm.xlane v3, v2;
	v4 =	vadd.s32 v1, v4;
	_ =	sdelay $0x1  }
0x86: {  	v3 =	vadd.s32 v1, v3;
	_ =	sdelay $0x2  }
0x87: {  	[tilespmem:s5], [sflag:$0x2] =	stream.indirect_vreg.gather [hbm4b:s3+s2], $0x80, v4, vm0, $0xb8;
	[tilespmem:$0x11400] =	vst v63  }
0x88: {  	_ = 	snop  }
0x89: {  	[tilespmem:s16], [sflag:$0x2] =	stream.indirect_vreg.gather [hbm4b:s3+s2], $0x80, v3, vm0, $0xb8;
	[tilespmem:$0x11400] =	vst v63  }
0x8a: {  	v3 =	vld [tilespmem:$0xA0];
	_ =	sdelay $0x4  }
0x8b: {  	v58 =	vshll.u32 v3, $0x1  }
0x8c: {  	v3 =	vand.u32 $0x7, v3;
	v4 =	vand.u32 $0xFFFFFFF0, v58  }
0x8d: {  	v3 =	vor.u32 v3, v4  }
0x8e: {  	v4 =	vperm.xlane v3, v0;
	_ =	sdelay $0x1  }
0x8f: {  	v3 =	vperm.xlane v3, v2;
	v4 =	vadd.s32 v1, v4;
	_ =	sdelay $0x1  }
0x90: {  	v3 =	vadd.s32 v1, v3;
	_ =	sdelay $0x2  }
0x91: {  	[tilespmem:s6], [sflag:$0x2] =	stream.indirect_vreg.gather [hbm4b:s3+s2], $0x80, v4, vm0, $0xb8;
	[tilespmem:$0x11400] =	vst v63  }
0x92: {  	_ = 	snop  }
0x93: {  	[tilespmem:s18], [sflag:$0x2] =	stream.indirect_vreg.gather [hbm4b:s3+s2], $0x80, v3, vm0, $0xb8;
	[tilespmem:$0x11400] =	vst v63  }
0x94: {  	v3 =	vld [tilespmem:$0xB0];
	_ =	sdelay $0x4  }
0x95: {  	v59 =	vshll.u32 v3, $0x1  }
0x96: {  	v3 =	vand.u32 $0x7, v3;
	v4 =	vand.u32 $0xFFFFFFF0, v59  }
0x97: {  	v3 =	vor.u32 v3, v4  }
0x98: {  	v4 =	vperm.xlane v3, v0;
	_ =	sdelay $0x1  }
0x99: {  	v3 =	vperm.xlane v3, v2;
	v4 =	vadd.s32 v1, v4;
	_ =	sdelay $0x1  }
0x9a: {  	v3 =	vadd.s32 v1, v3;
	_ =	sdelay $0x2  }
0x9b: {  	[tilespmem:s7], [sflag:$0x2] =	stream.indirect_vreg.gather [hbm4b:s3+s2], $0x80, v4, vm0, $0xb8;
	[tilespmem:$0x11400] =	vst v63  }
0x9c: {  	_ = 	snop  }
0x9d: {  	[tilespmem:s19], [sflag:$0x2] =	stream.indirect_vreg.gather [hbm4b:s3+s2], $0x80, v3, vm0, $0xb8;
	[tilespmem:$0x11400] =	vst v63  }
0x9e: {  	v3 =	vld [tilespmem:$0xC0];
	_ =	sdelay $0x4  }
0x9f: {  	v60 =	vshll.u32 v3, $0x1  }
0xa0: {  	v3 =	vand.u32 $0x7, v3;
	v4 =	vand.u32 $0xFFFFFFF0, v60  }
0xa1: {  	v3 =	vor.u32 v3, v4  }
0xa2: {  	v4 =	vperm.xlane v3, v0;
	_ =	sdelay $0x1  }
0xa3: {  	v3 =	vperm.xlane v3, v2;
	v4 =	vadd.s32 v1, v4;
	_ =	sdelay $0x1  }
0xa4: {  	v3 =	vadd.s32 v1, v3;
	_ =	sdelay $0x2  }
0xa5: {  	[tilespmem:s8], [sflag:$0x2] =	stream.indirect_vreg.gather [hbm4b:s3+s2], $0x80, v4, vm0, $0xb8;
	[tilespmem:$0x11400] =	vst v63  }
0xa6: {  	_ = 	snop  }
0xa7: {  	[tilespmem:s20], [sflag:$0x2] =	stream.indirect_vreg.gather [hbm4b:s3+s2], $0x80, v3, vm0, $0xb8;
	[tilespmem:$0x11400] =	vst v63  }
0xa8: {  	v3 =	vld [tilespmem:$0xD0];
	_ =	sdelay $0x4  }
0xa9: {  	v61 =	vshll.u32 v3, $0x1  }
0xaa: {  	v3 =	vand.u32 $0x7, v3;
	v4 =	vand.u32 $0xFFFFFFF0, v61  }
0xab: {  	v3 =	vor.u32 v3, v4  }
0xac: {  	v4 =	vperm.xlane v3, v0;
	_ =	sdelay $0x1  }
0xad: {  	v3 =	vperm.xlane v3, v2;
	v4 =	vadd.s32 v1, v4;
	_ =	sdelay $0x1  }
0xae: {  	v3 =	vadd.s32 v1, v3;
	_ =	sdelay $0x2  }
0xaf: {  	[tilespmem:s9], [sflag:$0x2] =	stream.indirect_vreg.gather [hbm4b:s3+s2], $0x80, v4, vm0, $0xb8;
	[tilespmem:$0x11400] =	vst v63  }
0xb0: {  	_ = 	snop  }
0xb1: {  	[tilespmem:s10], [sflag:$0x2] =	stream.indirect_vreg.gather [hbm4b:s3+s2], $0x80, v3, vm0, $0xb8;
	[tilespmem:$0x11400] =	vst v63  }
0xb2: {  	v3 =	vld [tilespmem:$0xE0];
	_ =	sdelay $0x4  }
0xb3: {  	v62 =	vshll.u32 v3, $0x1  }
0xb4: {  	v3 =	vand.u32 $0x7, v3;
	v4 =	vand.u32 $0xFFFFFFF0, v62  }
0xb5: {  	v3 =	vor.u32 v3, v4  }
0xb6: {  	v4 =	vperm.xlane v3, v0;
	_ =	sdelay $0x1  }
0xb7: {  	v3 =	vperm.xlane v3, v2;
	v4 =	vadd.s32 v1, v4;
	_ =	sdelay $0x1  }
0xb8: {  	v3 =	vadd.s32 v1, v3;
	_ =	sdelay $0x2  }
0xb9: {  	[tilespmem:s30], [sflag:$0x2] =	stream.indirect_vreg.gather [hbm4b:s3+s2], $0x80, v4, vm0, $0xb8;
	[tilespmem:$0x11400] =	vst v63  }
0xba: {  	_ = 	snop  }
0xbb: {  	[tilespmem:s12], [sflag:$0x2] =	stream.indirect_vreg.gather [hbm4b:s3+s2], $0x80, v3, vm0, $0xb8;
	[tilespmem:$0x11400] =	vst v63  }
0xbc: {  	v3 =	vld [tilespmem:$0xF0];
	_ =	sdelay $0x4  }
0xbd: {  	v63 =	vshll.u32 v3, $0x1  }
0xbe: {  	v3 =	vand.u32 $0x7, v3;
	v4 =	vand.u32 $0xFFFFFFF0, v63  }
0xbf: {  	v3 =	vor.u32 v3, v4  }
0xc0: {  	v4 =	vperm.xlane v3, v0;
	_ =	sdelay $0x1  }
0xc1: {  	v3 =	vperm.xlane v3, v2;
	v4 =	vadd.s32 v1, v4;
	_ =	sdelay $0x1  }
0xc2: {  	v3 =	vadd.s32 v1, v3;
	_ =	sdelay $0x2  }
0xc3: {  	[tilespmem:s13], [sflag:$0x2] =	stream.indirect_vreg.gather [hbm4b:s3+s2], $0x80, v4, vm0, $0xb8;
	[tilespmem:$0x11400] =	vst v63  }
0xc4: {  	s0 =	simm.s32 $0xFFFDC000;
	s21 =	rddreg [dreg:$0x4]  }
0xc5: {  	[tilespmem:s31], [sflag:$0x2] =	stream.indirect_vreg.gather [hbm4b:s3+s2], $0x80, v3, vm0, $0xb8;
	[tilespmem:$0x11400] =	vst v63  }
0xc6: {  	s5 =	simm.s32 $0xA400;
	s16 =	simm.s32 $0x1F0;
	s18 =	simm.s32 $0xAC00  }
0xc7: {  	[hbm4b:s21+s2] =	stream.linear.scatter [tilespmem:s11], [sflag:$0x3], $0x8000, $0x38;
	[tilespmem:$0x11400] =	vst v63  }
0xc8: {  	s19 =	simm.s32 $0xBC00;
	s20 =	simm.s32 $0xCC00;
	s21 =	simm.s32 $0xDC00  }
.LBB2_2:
0xc9: {  	_ =	swait.ge [sflag:s14], $0x8000  }
0xca: {  	[sflag:s14] =	ssyncset.done $0x0  }
0xcb: {  	[sflag:s14] =	ssyncadd.s32 $0xFFFF8000  }
0xcc: {  	_ =	swait.ge [sflag:s1], $0x8000  }
0xcd: {  	s4 =	rddreg [dreg:$0x2]  }
0xce: {  	[sflag:s1] =	ssyncset.done $0x0;
	s4 =	sadd.s32 s0, s4  }
0xcf: {  	[sflag:s1] =	ssyncadd.s32 $0xFFFF8000;
	s17 =	sadd.s32 $0x25000, s4  }
0xd0: {  	[hbm4b:s17+s2] =	stream.linear.scatter [tilespmem:s29], [sflag:$0x4], $0x8000, $0x38;
	[tilespmem:$0x11400] =	vst v63  }
0xd1: {  	v3 =	vld [tilespmem:s16+$0xFFFFFF10];
	_ =	sdelay $0x4  }
0xd2: {  	v4 =	vshll.u32 v3, $0x1  }
0xd3: {  	v3 =	vand.u32 $0x7, v3;
	v4 =	vand.u32 $0xFFFFFFF0, v4  }
0xd4: {  	v3 =	vor.u32 v3, v4  }
0xd5: {  	v4 =	vperm.xlane v3, v0;
	_ =	sdelay $0x1  }
0xd6: {  	v3 =	vperm.xlane v3, v2;
	v4 =	vadd.s32 v1, v4;
	_ =	sdelay $0x1  }
0xd7: {  	v3 =	vadd.s32 v1, v3;
	_ =	sdelay $0x2  }
0xd8: {  	[tilespmem:s11], [sflag:$0x1] =	stream.indirect_vreg.gather [hbm4b:s3+s2], $0x80, v4, vm0, $0xb8;
	[tilespmem:$0x11400] =	vst v63  }
0xd9: {  	s8 =	simm.s32 $0x1C00  }
0xda: {  	[tilespmem:s8], [sflag:$0x1] =	stream.indirect_vreg.gather [hbm4b:s3+s2], $0x80, v3, vm0, $0xb8;
	[tilespmem:$0x11400] =	vst v63  }
0xdb: {  	v3 =	vld [tilespmem:s16+$0xFFFFFF20];
	_ =	sdelay $0x4  }
0xdc: {  	v49 =	vshll.u32 v3, $0x1  }
0xdd: {  	v3 =	vand.u32 $0x7, v3;
	v4 =	vand.u32 $0xFFFFFFF0, v49  }
0xde: {  	v3 =	vor.u32 v3, v4  }
0xdf: {  	v4 =	vperm.xlane v3, v0;
	_ =	sdelay $0x1  }
0xe0: {  	v3 =	vperm.xlane v3, v2;
	v4 =	vadd.s32 v1, v4;
	_ =	sdelay $0x1  }
0xe1: {  	v3 =	vadd.s32 v1, v3;
	_ =	sdelay $0x1  }
0xe2: {  	s9 =	simm.s32 $0x2400  }
0xe3: {  	[tilespmem:s9], [sflag:$0x1] =	stream.indirect_vreg.gather [hbm4b:s3+s2], $0x80, v4, vm0, $0xb8;
	[tilespmem:$0x11400] =	vst v63  }
0xe4: {  	s6 =	simm.s32 $0x2C00  }
0xe5: {  	[tilespmem:s6], [sflag:$0x1] =	stream.indirect_vreg.gather [hbm4b:s3+s2], $0x80, v3, vm0, $0xb8;
	[tilespmem:$0x11400] =	vst v63  }
0xe6: {  	v3 =	vld [tilespmem:s16+$0xFFFFFF30];
	_ =	sdelay $0x4  }
0xe7: {  	v50 =	vshll.u32 v3, $0x1  }
0xe8: {  	v3 =	vand.u32 $0x7, v3;
	v4 =	vand.u32 $0xFFFFFFF0, v50  }
0xe9: {  	v3 =	vor.u32 v3, v4  }
0xea: {  	v4 =	vperm.xlane v3, v0;
	_ =	sdelay $0x1  }
0xeb: {  	v3 =	vperm.xlane v3, v2;
	v4 =	vadd.s32 v1, v4;
	_ =	sdelay $0x1  }
0xec: {  	v3 =	vadd.s32 v1, v3;
	_ =	sdelay $0x1  }
0xed: {  	s7 =	simm.s32 $0x3400  }
0xee: {  	[tilespmem:s7], [sflag:$0x1] =	stream.indirect_vreg.gather [hbm4b:s3+s2], $0x80, v4, vm0, $0xb8;
	[tilespmem:$0x11400] =	vst v63  }
0xef: {  	s8 =	simm.s32 $0x3C00  }
0xf0: {  	[tilespmem:s8], [sflag:$0x1] =	stream.indirect_vreg.gather [hbm4b:s3+s2], $0x80, v3, vm0, $0xb8;
	[tilespmem:$0x11400] =	vst v63  }
0xf1: {  	v3 =	vld [tilespmem:s16+$0xFFFFFF40];
	_ =	sdelay $0x4  }
0xf2: {  	v51 =	vshll.u32 v3, $0x1  }
0xf3: {  	v3 =	vand.u32 $0x7, v3;
	v4 =	vand.u32 $0xFFFFFFF0, v51  }
0xf4: {  	v3 =	vor.u32 v3, v4  }
0xf5: {  	v4 =	vperm.xlane v3, v0;
	_ =	sdelay $0x1  }
0xf6: {  	v3 =	vperm.xlane v3, v2;
	v4 =	vadd.s32 v1, v4;
	_ =	sdelay $0x1  }
0xf7: {  	v3 =	vadd.s32 v1, v3;
	_ =	sdelay $0x1  }
0xf8: {  	s9 =	simm.s32 $0x4400  }
0xf9: {  	[tilespmem:s9], [sflag:$0x1] =	stream.indirect_vreg.gather [hbm4b:s3+s2], $0x80, v4, vm0, $0xb8;
	[tilespmem:$0x11400] =	vst v63  }
0xfa: {  	s6 =	simm.s32 $0x4C00  }
0xfb: {  	[tilespmem:s6], [sflag:$0x1] =	stream.indirect_vreg.gather [hbm4b:s3+s2], $0x80, v3, vm0, $0xb8;
	[tilespmem:$0x11400] =	vst v63  }
0xfc: {  	v3 =	vld [tilespmem:s16+$0xFFFFFF50];
	_ =	sdelay $0x4  }
0xfd: {  	v52 =	vshll.u32 v3, $0x1  }
0xfe: {  	v3 =	vand.u32 $0x7, v3;
	v4 =	vand.u32 $0xFFFFFFF0, v52  }
0xff: {  	v3 =	vor.u32 v3, v4  }
0x100: {  	v4 =	vperm.xlane v3, v0;
	_ =	sdelay $0x1  }
0x101: {  	v3 =	vperm.xlane v3, v2;
	v4 =	vadd.s32 v1, v4;
	_ =	sdelay $0x1  }
0x102: {  	v3 =	vadd.s32 v1, v3;
	_ =	sdelay $0x1  }
0x103: {  	s7 =	simm.s32 $0x5400  }
0x104: {  	[tilespmem:s7], [sflag:$0x1] =	stream.indirect_vreg.gather [hbm4b:s3+s2], $0x80, v4, vm0, $0xb8;
	[tilespmem:$0x11400] =	vst v63  }
0x105: {  	s8 =	simm.s32 $0x5C00  }
0x106: {  	[tilespmem:s8], [sflag:$0x1] =	stream.indirect_vreg.gather [hbm4b:s3+s2], $0x80, v3, vm0, $0xb8;
	[tilespmem:$0x11400] =	vst v63  }
0x107: {  	v3 =	vld [tilespmem:s16+$0xFFFFFF60];
	_ =	sdelay $0x4  }
0x108: {  	v53 =	vshll.u32 v3, $0x1  }
0x109: {  	v3 =	vand.u32 $0x7, v3;
	v4 =	vand.u32 $0xFFFFFFF0, v53  }
0x10a: {  	v3 =	vor.u32 v3, v4  }
0x10b: {  	v4 =	vperm.xlane v3, v0;
	_ =	sdelay $0x1  }
0x10c: {  	v3 =	vperm.xlane v3, v2;
	v4 =	vadd.s32 v1, v4;
	_ =	sdelay $0x1  }
0x10d: {  	v3 =	vadd.s32 v1, v3;
	_ =	sdelay $0x1  }
0x10e: {  	s9 =	simm.s32 $0x6400  }
0x10f: {  	[tilespmem:s9], [sflag:$0x1] =	stream.indirect_vreg.gather [hbm4b:s3+s2], $0x80, v4, vm0, $0xb8;
	[tilespmem:$0x11400] =	vst v63  }
0x110: {  	_ = 	snop  }
0x111: {  	[tilespmem:s22], [sflag:$0x1] =	stream.indirect_vreg.gather [hbm4b:s3+s2], $0x80, v3, vm0, $0xb8;
	[tilespmem:$0x11400] =	vst v63  }
0x112: {  	v3 =	vld [tilespmem:s16+$0xFFFFFF70];
	_ =	sdelay $0x4  }
0x113: {  	v54 =	vshll.u32 v3, $0x1  }
0x114: {  	v3 =	vand.u32 $0x7, v3;
	v4 =	vand.u32 $0xFFFFFFF0, v54  }
0x115: {  	v3 =	vor.u32 v3, v4  }
0x116: {  	v4 =	vperm.xlane v3, v0;
	_ =	sdelay $0x1  }
0x117: {  	v3 =	vperm.xlane v3, v2;
	v4 =	vadd.s32 v1, v4;
	_ =	sdelay $0x1  }
0x118: {  	v3 =	vadd.s32 v1, v3;
	_ =	sdelay $0x2  }
0x119: {  	[tilespmem:s23], [sflag:$0x1] =	stream.indirect_vreg.gather [hbm4b:s3+s2], $0x80, v4, vm0, $0xb8;
	[tilespmem:$0x11400] =	vst v63  }
0x11a: {  	_ = 	snop  }
0x11b: {  	[tilespmem:s24], [sflag:$0x1] =	stream.indirect_vreg.gather [hbm4b:s3+s2], $0x80, v3, vm0, $0xb8;
	[tilespmem:$0x11400] =	vst v63  }
0x11c: {  	v3 =	vld [tilespmem:s16+$0xFFFFFF80];
	_ =	sdelay $0x4  }
0x11d: {  	v55 =	vshll.u32 v3, $0x1  }
0x11e: {  	v3 =	vand.u32 $0x7, v3;
	v4 =	vand.u32 $0xFFFFFFF0, v55  }
0x11f: {  	v3 =	vor.u32 v3, v4  }
0x120: {  	v4 =	vperm.xlane v3, v0;
	_ =	sdelay $0x1  }
0x121: {  	v3 =	vperm.xlane v3, v2;
	v4 =	vadd.s32 v1, v4;
	_ =	sdelay $0x1  }
0x122: {  	v3 =	vadd.s32 v1, v3;
	_ =	sdelay $0x2  }
0x123: {  	[tilespmem:s25], [sflag:$0x1] =	stream.indirect_vreg.gather [hbm4b:s3+s2], $0x80, v4, vm0, $0xb8;
	[tilespmem:$0x11400] =	vst v63  }
0x124: {  	_ = 	snop  }
0x125: {  	[tilespmem:s26], [sflag:$0x1] =	stream.indirect_vreg.gather [hbm4b:s3+s2], $0x80, v3, vm0, $0xb8;
	[tilespmem:$0x11400] =	vst v63  }
0x126: {  	_ =	swait.ge [sflag:s15], $0x8000  }
0x127: {  	[sflag:s15] =	ssyncset.done $0x0  }
0x128: {  	[sflag:s15] =	ssyncadd.s32 $0xFFFF8000  }
0x129: {  	_ =	swait.ge [sflag:s28], $0x8000  }
0x12a: {  	[sflag:s28] =	ssyncset.done $0x0  }
0x12b: {  	s4 =	sadd.s32 $0x26000, s4;
	[sflag:s28] =	ssyncadd.s32 $0xFFFF8000  }
0x12c: {  	[hbm4b:s4+s2] =	stream.linear.scatter [tilespmem:s11], [sflag:$0x3], $0x8000, $0x38;
	[tilespmem:$0x11400] =	vst v63  }
0x12d: {  	v3 =	vld [tilespmem:s16+$0xFFFFFF90];
	_ =	sdelay $0x4  }
0x12e: {  	v56 =	vshll.u32 v3, $0x1  }
0x12f: {  	v3 =	vand.u32 $0x7, v3;
	v4 =	vand.u32 $0xFFFFFFF0, v56  }
0x130: {  	v3 =	vor.u32 v3, v4  }
0x131: {  	v4 =	vperm.xlane v3, v0;
	_ =	sdelay $0x1  }
0x132: {  	v3 =	vperm.xlane v3, v2;
	v4 =	vadd.s32 v1, v4;
	_ =	sdelay $0x1  }
0x133: {  	v3 =	vadd.s32 v1, v3;
	_ =	sdelay $0x2  }
0x134: {  	[tilespmem:s29], [sflag:$0x2] =	stream.indirect_vreg.gather [hbm4b:s3+s2], $0x80, v4, vm0, $0xb8;
	[tilespmem:$0x11400] =	vst v63  }
0x135: {  	s17 =	simm.s32 $0x9C00  }
0x136: {  	[tilespmem:s17], [sflag:$0x2] =	stream.indirect_vreg.gather [hbm4b:s3+s2], $0x80, v3, vm0, $0xb8;
	[tilespmem:$0x11400] =	vst v63  }
0x137: {  	v3 =	vld [tilespmem:s16+$0xFFFFFFA0];
	_ =	sdelay $0x4  }
0x138: {  	v57 =	vshll.u32 v3, $0x1  }
0x139: {  	v3 =	vand.u32 $0x7, v3;
	v4 =	vand.u32 $0xFFFFFFF0, v57  }
0x13a: {  	v3 =	vor.u32 v3, v4  }
0x13b: {  	v4 =	vperm.xlane v3, v0;
	_ =	sdelay $0x1  }
0x13c: {  	v3 =	vperm.xlane v3, v2;
	v4 =	vadd.s32 v1, v4;
	_ =	sdelay $0x1  }
0x13d: {  	v3 =	vadd.s32 v1, v3;
	_ =	sdelay $0x2  }
0x13e: {  	[tilespmem:s5], [sflag:$0x2] =	stream.indirect_vreg.gather [hbm4b:s3+s2], $0x80, v4, vm0, $0xb8;
	[tilespmem:$0x11400] =	vst v63  }
0x13f: {  	_ = 	snop  }
0x140: {  	[tilespmem:s18], [sflag:$0x2] =	stream.indirect_vreg.gather [hbm4b:s3+s2], $0x80, v3, vm0, $0xb8;
	[tilespmem:$0x11400] =	vst v63  }
0x141: {  	v3 =	vld [tilespmem:s16+$0xFFFFFFB0];
	_ =	sdelay $0x4  }
0x142: {  	v58 =	vshll.u32 v3, $0x1  }
0x143: {  	v3 =	vand.u32 $0x7, v3;
	v4 =	vand.u32 $0xFFFFFFF0, v58  }
0x144: {  	v3 =	vor.u32 v3, v4  }
0x145: {  	v4 =	vperm.xlane v3, v0;
	_ =	sdelay $0x1  }
0x146: {  	v3 =	vperm.xlane v3, v2;
	v4 =	vadd.s32 v1, v4;
	_ =	sdelay $0x1  }
0x147: {  	v3 =	vadd.s32 v1, v3;
	_ =	sdelay $0x1  }
0x148: {  	s6 =	simm.s32 $0xB400  }
0x149: {  	[tilespmem:s6], [sflag:$0x2] =	stream.indirect_vreg.gather [hbm4b:s3+s2], $0x80, v4, vm0, $0xb8;
	[tilespmem:$0x11400] =	vst v63  }
0x14a: {  	_ = 	snop  }
0x14b: {  	[tilespmem:s19], [sflag:$0x2] =	stream.indirect_vreg.gather [hbm4b:s3+s2], $0x80, v3, vm0, $0xb8;
	[tilespmem:$0x11400] =	vst v63  }
0x14c: {  	v3 =	vld [tilespmem:s16+$0xFFFFFFC0];
	_ =	sdelay $0x4  }
0x14d: {  	v59 =	vshll.u32 v3, $0x1  }
0x14e: {  	v3 =	vand.u32 $0x7, v3;
	v4 =	vand.u32 $0xFFFFFFF0, v59  }
0x14f: {  	v3 =	vor.u32 v3, v4  }
0x150: {  	v4 =	vperm.xlane v3, v0;
	_ =	sdelay $0x1  }
0x151: {  	v3 =	vperm.xlane v3, v2;
	v4 =	vadd.s32 v1, v4;
	_ =	sdelay $0x1  }
0x152: {  	v3 =	vadd.s32 v1, v3;
	_ =	sdelay $0x1  }
0x153: {  	s7 =	simm.s32 $0xC400  }
0x154: {  	[tilespmem:s7], [sflag:$0x2] =	stream.indirect_vreg.gather [hbm4b:s3+s2], $0x80, v4, vm0, $0xb8;
	[tilespmem:$0x11400] =	vst v63  }
0x155: {  	_ = 	snop  }
0x156: {  	[tilespmem:s20], [sflag:$0x2] =	stream.indirect_vreg.gather [hbm4b:s3+s2], $0x80, v3, vm0, $0xb8;
	[tilespmem:$0x11400] =	vst v63  }
0x157: {  	v3 =	vld [tilespmem:s16+$0xFFFFFFD0];
	_ =	sdelay $0x4  }
0x158: {  	v60 =	vshll.u32 v3, $0x1  }
0x159: {  	v3 =	vand.u32 $0x7, v3;
	v4 =	vand.u32 $0xFFFFFFF0, v60  }
0x15a: {  	v3 =	vor.u32 v3, v4  }
0x15b: {  	v4 =	vperm.xlane v3, v0;
	_ =	sdelay $0x1  }
0x15c: {  	v3 =	vperm.xlane v3, v2;
	v4 =	vadd.s32 v1, v4;
	_ =	sdelay $0x1  }
0x15d: {  	v3 =	vadd.s32 v1, v3;
	_ =	sdelay $0x1  }
0x15e: {  	s8 =	simm.s32 $0xD400  }
0x15f: {  	[tilespmem:s8], [sflag:$0x2] =	stream.indirect_vreg.gather [hbm4b:s3+s2], $0x80, v4, vm0, $0xb8;
	[tilespmem:$0x11400] =	vst v63  }
0x160: {  	_ = 	snop  }
0x161: {  	[tilespmem:s21], [sflag:$0x2] =	stream.indirect_vreg.gather [hbm4b:s3+s2], $0x80, v3, vm0, $0xb8;
	[tilespmem:$0x11400] =	vst v63  }
0x162: {  	v3 =	vld [tilespmem:s16+$0xFFFFFFE0];
	_ =	sdelay $0x4  }
0x163: {  	v61 =	vshll.u32 v3, $0x1  }
0x164: {  	v3 =	vand.u32 $0x7, v3;
	v4 =	vand.u32 $0xFFFFFFF0, v61  }
0x165: {  	v3 =	vor.u32 v3, v4  }
0x166: {  	v4 =	vperm.xlane v3, v0;
	_ =	sdelay $0x1  }
0x167: {  	v3 =	vperm.xlane v3, v2;
	v4 =	vadd.s32 v1, v4;
	_ =	sdelay $0x1  }
0x168: {  	v3 =	vadd.s32 v1, v3;
	_ =	sdelay $0x1  }
0x169: {  	s9 =	simm.s32 $0xE400  }
0x16a: {  	[tilespmem:s9], [sflag:$0x2] =	stream.indirect_vreg.gather [hbm4b:s3+s2], $0x80, v4, vm0, $0xb8;
	[tilespmem:$0x11400] =	vst v63  }
0x16b: {  	_ = 	snop  }
0x16c: {  	[tilespmem:s10], [sflag:$0x2] =	stream.indirect_vreg.gather [hbm4b:s3+s2], $0x80, v3, vm0, $0xb8;
	[tilespmem:$0x11400] =	vst v63  }
0x16d: {  	v3 =	vld [tilespmem:s16+$0xFFFFFFF0];
	_ =	sdelay $0x4  }
0x16e: {  	v62 =	vshll.u32 v3, $0x1  }
0x16f: {  	v3 =	vand.u32 $0x7, v3;
	v4 =	vand.u32 $0xFFFFFFF0, v62  }
0x170: {  	v3 =	vor.u32 v3, v4  }
0x171: {  	v4 =	vperm.xlane v3, v0;
	_ =	sdelay $0x1  }
0x172: {  	v3 =	vperm.xlane v3, v2;
	v4 =	vadd.s32 v1, v4;
	_ =	sdelay $0x1  }
0x173: {  	v3 =	vadd.s32 v1, v3;
	_ =	sdelay $0x2  }
0x174: {  	[tilespmem:s30], [sflag:$0x2] =	stream.indirect_vreg.gather [hbm4b:s3+s2], $0x80, v4, vm0, $0xb8;
	[tilespmem:$0x11400] =	vst v63  }
0x175: {  	_ = 	snop  }
0x176: {  	[tilespmem:s12], [sflag:$0x2] =	stream.indirect_vreg.gather [hbm4b:s3+s2], $0x80, v3, vm0, $0xb8;
	[tilespmem:$0x11400] =	vst v63  }
0x177: {  	v3 =	vld [tilespmem:s16+$0x0];
	_ =	sdelay $0x4  }
0x178: {  	v63 =	vshll.u32 v3, $0x1  }
0x179: {  	v3 =	vand.u32 $0x7, v3;
	v4 =	vand.u32 $0xFFFFFFF0, v63  }
0x17a: {  	v3 =	vor.u32 v3, v4  }
0x17b: {  	v4 =	vperm.xlane v3, v0;
	_ =	sdelay $0x1  }
0x17c: {  	v3 =	vperm.xlane v3, v2;
	v4 =	vadd.s32 v1, v4;
	_ =	sdelay $0x1  }
0x17d: {  	p0 =	sne.s32 s0, $0xFFFFE000;
	v3 =	vadd.s32 v1, v3  }
.Ltmp0:
0x17e: {  	_ = 	snop;
	(pc) =	sbr.rel @p0 .LBB2_2-.Ltmp0, $4  }
0x17f: {  	_ = 	snop  }
0x180: {  	[tilespmem:s13], [sflag:$0x2] =	stream.indirect_vreg.gather [hbm4b:s3+s2], $0x80, v4, vm0, $0xb8;
	[tilespmem:$0x11400] =	vst v63  }
0x181: {  	s0 =	sadd.s32 $0x2000, s0;
	s16 =	sadd.s32 $0x100, s16  }
0x182: {  	[tilespmem:s31], [sflag:$0x2] =	stream.indirect_vreg.gather [hbm4b:s3+s2], $0x80, v3, vm0, $0xb8;
	[tilespmem:$0x11400] =	vst v63  }
0x183: {  	_ =	swait.ge [sflag:s14], $0x8000  }
0x184: {  	[sflag:s14] =	ssyncset.done $0x0  }
0x185: {  	[sflag:s14] =	ssyncadd.s32 $0xFFFF8000  }
0x186: {  	_ =	swait.ge [sflag:s1], $0x8000  }
0x187: {  	[sflag:s1] =	ssyncset.done $0x0  }
0x188: {  	s0 =	rddreg [dreg:$0x5];
	[sflag:s1] =	ssyncadd.s32 $0xFFFF8000  }
0x189: {  	[hbm4b:s0+s2] =	stream.linear.scatter [tilespmem:s29], [sflag:$0x4], $0x8000, $0x38;
	[tilespmem:$0x11400] =	vst v63  }
0x18a: {  	v3 =	vld [tilespmem:$0x1300];
	_ =	sdelay $0x4  }
0x18b: {  	v4 =	vshll.u32 v3, $0x1  }
0x18c: {  	v3 =	vand.u32 $0x7, v3;
	v4 =	vand.u32 $0xFFFFFFF0, v4  }
0x18d: {  	v3 =	vor.u32 v3, v4  }
0x18e: {  	v4 =	vperm.xlane v3, v0;
	_ =	sdelay $0x1  }
0x18f: {  	v3 =	vperm.xlane v3, v2;
	v4 =	vadd.s32 v1, v4;
	_ =	sdelay $0x1  }
0x190: {  	v3 =	vadd.s32 v1, v3;
	_ =	sdelay $0x2  }
0x191: {  	[tilespmem:s11], [sflag:$0x1] =	stream.indirect_vreg.gather [hbm4b:s3+s2], $0x80, v4, vm0, $0xb8;
	[tilespmem:$0x11400] =	vst v63  }
0x192: {  	s4 =	simm.s32 $0x1C00  }
0x193: {  	[tilespmem:s4], [sflag:$0x1] =	stream.indirect_vreg.gather [hbm4b:s3+s2], $0x80, v3, vm0, $0xb8;
	[tilespmem:$0x11400] =	vst v63  }
0x194: {  	v3 =	vld [tilespmem:$0x1310];
	_ =	sdelay $0x4  }
0x195: {  	v56 =	vshll.u32 v3, $0x1  }
0x196: {  	v3 =	vand.u32 $0x7, v3;
	v4 =	vand.u32 $0xFFFFFFF0, v56  }
0x197: {  	v3 =	vor.u32 v3, v4  }
0x198: {  	v4 =	vperm.xlane v3, v0;
	_ =	sdelay $0x1  }
0x199: {  	v3 =	vperm.xlane v3, v2;
	v4 =	vadd.s32 v1, v4;
	_ =	sdelay $0x1  }
0x19a: {  	v3 =	vadd.s32 v1, v3;
	_ =	sdelay $0x1  }
0x19b: {  	s5 =	simm.s32 $0x2400  }
0x19c: {  	[tilespmem:s5], [sflag:$0x1] =	stream.indirect_vreg.gather [hbm4b:s3+s2], $0x80, v4, vm0, $0xb8;
	[tilespmem:$0x11400] =	vst v63  }
0x19d: {  	s16 =	simm.s32 $0x2C00  }
0x19e: {  	[tilespmem:s16], [sflag:$0x1] =	stream.indirect_vreg.gather [hbm4b:s3+s2], $0x80, v3, vm0, $0xb8;
	[tilespmem:$0x11400] =	vst v63  }
0x19f: {  	v3 =	vld [tilespmem:$0x1320];
	_ =	sdelay $0x4  }
0x1a0: {  	v57 =	vshll.u32 v3, $0x1  }
0x1a1: {  	v3 =	vand.u32 $0x7, v3;
	v4 =	vand.u32 $0xFFFFFFF0, v57  }
0x1a2: {  	v3 =	vor.u32 v3, v4  }
0x1a3: {  	v4 =	vperm.xlane v3, v0;
	_ =	sdelay $0x1  }
0x1a4: {  	v3 =	vperm.xlane v3, v2;
	v4 =	vadd.s32 v1, v4;
	_ =	sdelay $0x1  }
0x1a5: {  	v3 =	vadd.s32 v1, v3;
	_ =	sdelay $0x1  }
0x1a6: {  	s18 =	simm.s32 $0x3400  }
0x1a7: {  	[tilespmem:s18], [sflag:$0x1] =	stream.indirect_vreg.gather [hbm4b:s3+s2], $0x80, v4, vm0, $0xb8;
	[tilespmem:$0x11400] =	vst v63  }
0x1a8: {  	s19 =	simm.s32 $0x3C00  }
0x1a9: {  	[tilespmem:s19], [sflag:$0x1] =	stream.indirect_vreg.gather [hbm4b:s3+s2], $0x80, v3, vm0, $0xb8;
	[tilespmem:$0x11400] =	vst v63  }
0x1aa: {  	v3 =	vld [tilespmem:$0x1330];
	_ =	sdelay $0x4  }
0x1ab: {  	v58 =	vshll.u32 v3, $0x1  }
0x1ac: {  	v3 =	vand.u32 $0x7, v3;
	v4 =	vand.u32 $0xFFFFFFF0, v58  }
0x1ad: {  	v3 =	vor.u32 v3, v4  }
0x1ae: {  	v4 =	vperm.xlane v3, v0;
	_ =	sdelay $0x1  }
0x1af: {  	v3 =	vperm.xlane v3, v2;
	v4 =	vadd.s32 v1, v4;
	_ =	sdelay $0x1  }
0x1b0: {  	v3 =	vadd.s32 v1, v3;
	_ =	sdelay $0x1  }
0x1b1: {  	s20 =	simm.s32 $0x4400  }
0x1b2: {  	[tilespmem:s20], [sflag:$0x1] =	stream.indirect_vreg.gather [hbm4b:s3+s2], $0x80, v4, vm0, $0xb8;
	[tilespmem:$0x11400] =	vst v63  }
0x1b3: {  	s21 =	simm.s32 $0x4C00  }
0x1b4: {  	[tilespmem:s21], [sflag:$0x1] =	stream.indirect_vreg.gather [hbm4b:s3+s2], $0x80, v3, vm0, $0xb8;
	[tilespmem:$0x11400] =	vst v63  }
0x1b5: {  	v3 =	vld [tilespmem:$0x1340];
	_ =	sdelay $0x4  }
0x1b6: {  	v59 =	vshll.u32 v3, $0x1  }
0x1b7: {  	v3 =	vand.u32 $0x7, v3;
	v4 =	vand.u32 $0xFFFFFFF0, v59  }
0x1b8: {  	v3 =	vor.u32 v3, v4  }
0x1b9: {  	v4 =	vperm.xlane v3, v0;
	_ =	sdelay $0x1  }
0x1ba: {  	v3 =	vperm.xlane v3, v2;
	v4 =	vadd.s32 v1, v4;
	_ =	sdelay $0x1  }
0x1bb: {  	v3 =	vadd.s32 v1, v3;
	_ =	sdelay $0x1  }
0x1bc: {  	s4 =	simm.s32 $0x5400  }
0x1bd: {  	[tilespmem:s4], [sflag:$0x1] =	stream.indirect_vreg.gather [hbm4b:s3+s2], $0x80, v4, vm0, $0xb8;
	[tilespmem:$0x11400] =	vst v63  }
0x1be: {  	s5 =	simm.s32 $0x5C00  }
0x1bf: {  	[tilespmem:s5], [sflag:$0x1] =	stream.indirect_vreg.gather [hbm4b:s3+s2], $0x80, v3, vm0, $0xb8;
	[tilespmem:$0x11400] =	vst v63  }
0x1c0: {  	v3 =	vld [tilespmem:$0x1350];
	_ =	sdelay $0x4  }
0x1c1: {  	v60 =	vshll.u32 v3, $0x1  }
0x1c2: {  	v3 =	vand.u32 $0x7, v3;
	v4 =	vand.u32 $0xFFFFFFF0, v60  }
0x1c3: {  	v3 =	vor.u32 v3, v4  }
0x1c4: {  	v4 =	vperm.xlane v3, v0;
	_ =	sdelay $0x1  }
0x1c5: {  	v3 =	vperm.xlane v3, v2;
	v4 =	vadd.s32 v1, v4;
	_ =	sdelay $0x1  }
0x1c6: {  	v3 =	vadd.s32 v1, v3;
	_ =	sdelay $0x1  }
0x1c7: {  	s16 =	simm.s32 $0x6400  }
0x1c8: {  	[tilespmem:s16], [sflag:$0x1] =	stream.indirect_vreg.gather [hbm4b:s3+s2], $0x80, v4, vm0, $0xb8;
	[tilespmem:$0x11400] =	vst v63  }
0x1c9: {  	_ = 	snop  }
0x1ca: {  	[tilespmem:s22], [sflag:$0x1] =	stream.indirect_vreg.gather [hbm4b:s3+s2], $0x80, v3, vm0, $0xb8;
	[tilespmem:$0x11400] =	vst v63  }
0x1cb: {  	v3 =	vld [tilespmem:$0x1360];
	_ =	sdelay $0x4  }
0x1cc: {  	v61 =	vshll.u32 v3, $0x1  }
0x1cd: {  	v3 =	vand.u32 $0x7, v3;
	v4 =	vand.u32 $0xFFFFFFF0, v61  }
0x1ce: {  	v3 =	vor.u32 v3, v4  }
0x1cf: {  	v4 =	vperm.xlane v3, v0;
	_ =	sdelay $0x1  }
0x1d0: {  	v3 =	vperm.xlane v3, v2;
	v4 =	vadd.s32 v1, v4;
	_ =	sdelay $0x1  }
0x1d1: {  	v3 =	vadd.s32 v1, v3;
	_ =	sdelay $0x2  }
0x1d2: {  	[tilespmem:s23], [sflag:$0x1] =	stream.indirect_vreg.gather [hbm4b:s3+s2], $0x80, v4, vm0, $0xb8;
	[tilespmem:$0x11400] =	vst v63  }
0x1d3: {  	_ = 	snop  }
0x1d4: {  	[tilespmem:s24], [sflag:$0x1] =	stream.indirect_vreg.gather [hbm4b:s3+s2], $0x80, v3, vm0, $0xb8;
	[tilespmem:$0x11400] =	vst v63  }
0x1d5: {  	v3 =	vld [tilespmem:$0x1370];
	_ =	sdelay $0x4  }
0x1d6: {  	v62 =	vshll.u32 v3, $0x1  }
0x1d7: {  	v3 =	vand.u32 $0x7, v3;
	v4 =	vand.u32 $0xFFFFFFF0, v62  }
0x1d8: {  	v3 =	vor.u32 v3, v4  }
0x1d9: {  	v4 =	vperm.xlane v3, v0;
	_ =	sdelay $0x1  }
0x1da: {  	v3 =	vperm.xlane v3, v2;
	v4 =	vadd.s32 v1, v4;
	_ =	sdelay $0x1  }
0x1db: {  	v3 =	vadd.s32 v1, v3;
	_ =	sdelay $0x2  }
0x1dc: {  	[tilespmem:s25], [sflag:$0x1] =	stream.indirect_vreg.gather [hbm4b:s3+s2], $0x80, v4, vm0, $0xb8;
	[tilespmem:$0x11400] =	vst v63  }
0x1dd: {  	_ = 	snop  }
0x1de: {  	[tilespmem:s26], [sflag:$0x1] =	stream.indirect_vreg.gather [hbm4b:s3+s2], $0x80, v3, vm0, $0xb8;
	[tilespmem:$0x11400] =	vst v63  }
0x1df: {  	_ =	swait.ge [sflag:s28], $0x8000  }
0x1e0: {  	[sflag:s28] =	ssyncset.done $0x0  }
0x1e1: {  	s18 =	rddreg [dreg:$0x6];
	[sflag:s28] =	ssyncadd.s32 $0xFFFF8000  }
0x1e2: {  	[hbm4b:s18+s2] =	stream.linear.scatter [tilespmem:s11], [sflag:$0x3], $0x8000, $0x38;
	[tilespmem:$0x11400] =	vst v63  }
0x1e3: {  	_ =	swait.ge [sflag:s15], $0x8000  }
0x1e4: {  	[sflag:s15] =	ssyncset.done $0x0  }
0x1e5: {  	[sflag:s15] =	ssyncadd.s32 $0xFFFF8000  }
0x1e6: {  	v3 =	vld.msk [tilespmem:$0x1380], $0xff;
	_ =	sdelay $0x4  }
0x1e7: {  	v63 =	vshll.u32 v3, $0x1  }
0x1e8: {  	v3 =	vand.u32 $0x7, v3;
	v4 =	vand.u32 $0xFFFFFFF0, v63  }
0x1e9: {  	v3 =	vor.u32 v3, v4  }
0x1ea: {  	v3 =	vperm.xlane v3, v0;
	_ =	sdelay $0x1  }
0x1eb: {  	v3 =	vadd.s32 v1, v3;
	_ =	sdelay $0x4  }
0x1ec: {  	[tilespmem:s29], [sflag:$0x2] =	stream.indirect_vreg.gather [hbm4b:s3+s2], $0x80, v3, vm0, $0xb8;
	[tilespmem:$0x11400] =	vst v63  }
0x1ed: {  	_ =	swait.ge [sflag:s1], $0x800  }
0x1ee: {  	[sflag:s1] =	ssyncset.done $0x0  }
0x1ef: {  	s4 =	simm.s32 $0x5;
	s19 =	rddreg [dreg:$0x7];
	[sflag:s1] =	ssyncadd.s32 $0xFFFFF800  }
0x1f0: {  	[hbm4b:s19+s2] =	stream.linear.scatter [tilespmem:s29], [sflag:$0x5], $0x800, $0x38;
	[tilespmem:$0x11400] =	vst v63  }
0x1f1: {  	_ =	swait.ge [sflag:s4], $0x800  }
0x1f2: {  	[sflag:s4] =	ssyncset.done $0x0  }
0x1f3: {  	[sflag:s4] =	ssyncadd.s32 $0xFFFFF800  }
0x1f4: {  	_ =	swait.ge [sflag:s14], $0x8000  }
0x1f5: {  	s21 =	rddreg [dreg:$0x9]  }
0x1f6: {  	s20 =	rddreg [dreg:$0x8];
	s21 =	sadd.s32 $0x1, s21  }
0x1f7: {  	p0 =	sne.s32 s21, s20  }
.Ltmp1:
0x1f8: {  	_ = 	snop;
	(pc) =	sbr.rel @p0 .LBB2_1-.Ltmp1, $4  }
0x1f9: {  	_ = 	snop  }
0x1fa: {  	s5 =	simm.s32 $0xA400  }
0x1fb: {  	s16 =	simm.s32 $0xAC00;
	s18 =	simm.s32 $0xBC00;
	[sflag:s14] =	ssyncset.done $0x0  }
0x1fc: {  	s19 =	simm.s32 $0xCC00;
	[sflag:s14] =	ssyncadd.s32 $0xFFFF8000;
	s20 =	simm.s32 $0xDC00  }
0x1fd: {  	_ =	sfence.sel $0x180000  }
0x1fe: {  	[bflag:$0x0] =	sbarrier.arrive $0xFFFF  }
0x1ff: {  	_ =	strace $0x9000004D  }
0x200: {  	s0 =	stileid.u32;
	[bflag:$0x2] =	sbarrier.arrive $0xFFFF  }
0x201: {  	p0 =	sne.s32 s0, $0x0;
	s0 =	rddreg [dreg:$0x1]  }
0x202: {  	s0 =	sadd.s32 @!p0 $0x100000, s0  }
0x203: {  	[sflag:s0] =	ssyncadd.tile.s32 @!p0 $0x1;
	_ =	shalt  }
.Lfunc_end2:
_tile_overlayer_lowered:
.L_overlay_start_2:
0x204: {  	(tag) =	ssettag $0x2  }
0x205: {  	s0 =	rddreg [dreg:$0x0];
	s2 =	stileid.u32  }
0x206: {  	s1 =	rddreg [dreg:$0x1];
	p0 =	sne.s32 s2, $0x0  }
0x207: {  	s3 =	rddreg [dreg:$0x2];
	[bflag:$0x3] =	sbarrier.arrive $0xFFFF;
	s2 =	simm.s32 @!p0 $0x1C05  }
0x208: {  	[timem:s3], [sflag:s2] =	dma.local @!p0 [hbm:s0], s1  }
0x209: {  	s0 =	simm.s32 @!p0 $0x5  }
0x20a: {  	_ =	swait.ge @!p0 [sflag:s0], s1  }
0x20b: {  	s1 =	ssub.s32 @!p0 $0x0, s1;
	[sflag:s0] =	ssyncset.done @!p0 $0x0  }
0x20c: {  	[sflag:s0] =	ssyncadd.s32 @!p0 s1  }
0x20d: {  	[bflag:$0x3] =	sbarrier.arrive $0xFFFF  }
0x20e: {  	_ =	shalt  }

// kernel: kernel.19.cloned.1.call-start
scs
__scs_entry_jumppad:
0x0: {  	(pc) =	sbr.rel $0x88, $3  }
0x1: {  	(tag) =	ssettag $0x0;
	lr =	simm.s32 $0x1  }
0x2: {  	[smem:$0x3F97] =	sst lr;
	_ =	strace $0xD0000000  }
0x3: {  	_ = 	snop  }
0x4: {  	_ = 	snop  }
0x5: {  	_ = 	snop  }
0x6: {  	_ = 	snop  }
0x7: {  	_ = 	snop  }
__scs_overlays_trampoline_lowered:
0x8: {  	[smem:$0x3FA6] =	sst s0  }
0x9: {  	[smem:$0x3FA7] =	sst s1  }
0xa: {  	[smem:$0x3FA8] =	sst s2  }
0xb: {  	[smem:$0x3FA9] =	sst s3  }
0xc: {  	[smem:$0x3FAA] =	sst s4  }
0xd: {  	[smem:$0x3FAB] =	sst s5  }
0xe: {  	[smem:$0x3FAC] =	sst s6  }
0xf: {  	[smem:$0x3FAD] =	sst s7  }
0x10: {  	[smem:$0x3FAE] =	sst s8  }
0x11: {  	[smem:$0x3FAF] =	sst s9;
	s0 =	simm.s32 @!p0 $0x0  }
0x12: {  	s1 =	sld [smem:$0x3F95];
	s0 =	simm.s32 @p0 $0x1  }
0x13: {  	[smem:$0x3FB0] =	sst s0;
	s0 =	simm.s32 @!p1 $0x0  }
0x14: {  	s2 =	sld [smem:$0x3F94];
	s0 =	simm.s32 @p1 $0x1  }
0x15: {  	[smem:$0x3FB1] =	sst s0;
	s0 =	simm.s32 @!p2 $0x0  }
0x16: {  	s3 =	sld [smem:$0x3FDB];
	s0 =	simm.s32 @p2 $0x1  }
0x17: {  	s4 =	simm.s32 $0x1BF5;
	[smem:$0x3FB3] =	sst s0  }
0x18: {  	s0 =	sld [smem:$0x3F96];
	_ =	swait.ge [sflag:s4], $0x0  }
0x19: {  	s7 =	sld [smem:$0x3F97]  }
0x1a: {  	s8 =	sadd.s32 $0xFFFFE003, lr  }
0x1b: {  	s9 =	sadd.s32 $0xFFFFFEF7, lr;
	s5 =	simm.s32 $0xFFFFFFFF;
	p2 =	slt.u32 s8, $0xFFFFF086  }
0x1c: {  	p1 =	slt.u32 s9, $0xF7A;
	s5 =	simm.s32 @!p2 $0x0  }
0x1d: {  	s5 =	simm.s32 @p1 $0x1;
	p0 =	seq.s32 s7, s2  }
0x1e: {  	s7 =	smul.u32 @!p0 $0xF7A, s2;
	p2 =	seq.s32 @!p0 s5, $0x0  }
0x1f: {  	s9 =	smul.u32 $0xF7A, s1;
	s8 =	simm.s32 @!p0 $0x1BF5;
	p2 =	por !p2, p0  }
0x20: {  	[sflag:s8] =	ssyncset.s32 @!p0 $0xFFFFF086;
	s6 =	sadd.s32 @!p0 s3, s7;
	s7 =	simm.s32 @!p0 $0x108  }
0x21: {  	s3 =	sadd.s32 s3, s9;
	s6 =	sadd.s32 @!p0 $0x88, s6;
	s7 =	simm.s32 @p2 $0x1082  }
0x22: {  	[simem:s7], [sflag:s8] =	dma.local @!p0 [hbm:s6], $0xF7A  }
0x23: {  	s9 =	sor.u32 $0xD0000000, s2;
	s6 =	simm.s32 $0x108;
	_ =	swait.ge @!p0 [sflag:s8], $0x0  }
0x24: {  	s3 =	sadd.s32 $0x88, s3;
	s6 =	simm.s32 @!p1 $0x1082;
	[sflag:s4] =	ssyncset.s32 $0xFFFFF086  }
0x25: {  	[simem:s6], [sflag:s4] =	dma.local [hbm:s3], $0xF7A  }
0x26: {  	[smem:$0x3F97] =	sst s1;
	(tag) =	ssettag s2;
	_ =	strace s9  }
0x27: {  	s1 =	sld [smem:$0x3FA7]  }
0x28: {  	s2 =	sld [smem:$0x3FA8]  }
0x29: {  	s4 =	sld [smem:$0x3FAA]  }
0x2a: {  	p0 =	seq.s32 s5, $0x0;
	s5 =	sld [smem:$0x3FAB]  }
0x2b: {  	s6 =	sld [smem:$0x3FAC]  }
0x2c: {  	s7 =	sld [smem:$0x3FAD]  }
0x2d: {  	s3 =	simm.s32 $0x108;
	s8 =	sld [smem:$0x3FAE]  }
0x2e: {  	s3 =	simm.s32 @!p0 $0x1082;
	s9 =	sld [smem:$0x3FAF]  }
0x2f: {  	lr =	sadd.s32 s0, s3;
	s0 =	sld [smem:$0x3FA6]  }
0x30: {  	s3 =	sld [smem:$0x3FA9]  }
0x31: {  	[smem:$0x3FB2] =	sst s10  }
0x32: {  	s10 =	sld [smem:$0x3FB0];
	_ =	sdelay $0x3  }
0x33: {  	p0 =	seq.s32 s10, $0x1;
	s10 =	sld [smem:$0x3FB2];
	_ =	sdelay $0x3  }
0x34: {  	[smem:$0x3FB2] =	sst s10  }
0x35: {  	s10 =	sld [smem:$0x3FB1];
	_ =	sdelay $0x3  }
0x36: {  	p1 =	seq.s32 s10, $0x1;
	s10 =	sld [smem:$0x3FB2];
	_ =	sdelay $0x3  }
0x37: {  	[smem:$0x3FB2] =	sst s10  }
0x38: {  	s10 =	sld [smem:$0x3FB3]  }
0x39: {  	_ = 	snop;
	(pc) =	sbr.ind lr, $3  }
0x3a: {  	_ = 	snop  }
0x3b: {  	_ = 	snop  }
0x3c: {  	p2 =	seq.s32 s10, $0x1;
	s10 =	sld [smem:$0x3FB2]  }
0x3d: {  	_ =	shalt  }
0x3e: {  	_ =	shalt  }
0x3f: {  	_ =	shalt  }
0x40: {  	_ =	shalt  }
0x41: {  	_ =	shalt  }
0x42: {  	_ =	shalt  }
0x43: {  	_ =	shalt  }
0x44: {  	_ =	shalt  }
0x45: {  	_ =	shalt  }
0x46: {  	_ =	shalt  }
0x47: {  	_ =	shalt  }
0x48: {  	_ =	shalt  }
0x49: {  	_ =	shalt  }
0x4a: {  	_ =	shalt  }
0x4b: {  	_ =	shalt  }
0x4c: {  	_ =	shalt  }
0x4d: {  	_ =	shalt  }
0x4e: {  	_ =	shalt  }
0x4f: {  	_ =	shalt  }
0x50: {  	_ =	shalt  }
0x51: {  	_ =	shalt  }
0x52: {  	_ =	shalt  }
0x53: {  	_ =	shalt  }
0x54: {  	_ =	shalt  }
0x55: {  	_ =	shalt  }
0x56: {  	_ =	shalt  }
0x57: {  	_ =	shalt  }
0x58: {  	_ =	shalt  }
0x59: {  	_ =	shalt  }
0x5a: {  	_ =	shalt  }
0x5b: {  	_ =	shalt  }
0x5c: {  	_ =	shalt  }
0x5d: {  	_ =	shalt  }
0x5e: {  	_ =	shalt  }
0x5f: {  	_ =	shalt  }
0x60: {  	_ =	shalt  }
0x61: {  	_ =	shalt  }
0x62: {  	_ =	shalt  }
0x63: {  	_ =	shalt  }
0x64: {  	_ =	shalt  }
0x65: {  	_ =	shalt  }
0x66: {  	_ =	shalt  }
0x67: {  	_ =	shalt  }
0x68: {  	_ =	shalt  }
0x69: {  	_ =	shalt  }
0x6a: {  	_ =	shalt  }
0x6b: {  	_ =	shalt  }
0x6c: {  	_ =	shalt  }
0x6d: {  	_ =	shalt  }
0x6e: {  	_ =	shalt  }
0x6f: {  	_ =	shalt  }
0x70: {  	_ =	shalt  }
0x71: {  	_ =	shalt  }
0x72: {  	_ =	shalt  }
0x73: {  	_ =	shalt  }
0x74: {  	_ =	shalt  }
0x75: {  	_ =	shalt  }
0x76: {  	_ =	shalt  }
0x77: {  	_ =	shalt  }
0x78: {  	_ =	shalt  }
0x79: {  	_ =	shalt  }
0x7a: {  	_ =	shalt  }
0x7b: {  	_ =	shalt  }
0x7c: {  	_ =	shalt  }
0x7d: {  	_ =	shalt  }
0x7e: {  	_ =	shalt  }
0x7f: {  	_ =	shalt  }
0x80: {  	_ =	shalt  }
0x81: {  	_ =	shalt  }
0x82: {  	_ =	shalt  }
0x83: {  	_ =	shalt  }
0x84: {  	_ =	shalt  }
0x85: {  	_ =	shalt  }
0x86: {  	_ =	shalt  }
0x87: {  	_ =	shalt  }
.Lfunc_end0:
.L_simem_size_0:
called_computation.3_lowered:
.L_overlay_start_0:
0x88: {  	s2 =	sld [smem:$0x3FD9]  }
0x89: {  	s3 =	sld [smem:$0x3FFE];
	_ =	sdelay $0x1  }
0x8a: {  	s1 =	srdreg.scid  }
0x8b: {  	s0 =	sand.u32 $0x1, s1  }
0x8c: {  	s16 =	sshll.u32 s0, $0xA;
	s2 =	sadd.s32 s3, s2  }
0x8d: {  	s2 =	sadd.s32 s2, s16  }
0x8e: {  	[smem:$0x3FBE] =	sst s2  }
0x8f: {  	_ = 	snop  }
0x90: {  	(tm) =	ssettm $0x1  }
0x91: {  	s17 =	sld [smem:$0x3FFB];
	_ =	sdelay $0x3  }
0x92: {  	_ =	strace s17  }
0x93: {  	s2 =	sld [smem:$0x3FFC];
	_ =	sdelay $0x3  }
0x94: {  	_ =	strace s2  }
0x95: {  	s2 =	sld [smem:$0x3FFD];
	_ =	sdelay $0x3  }
0x96: {  	_ =	strace s2  }
0x97: {  	_ =	strace $0x8FFFFFFF  }
0x98: {  	s18 =	sld [smem:$0x3FDB];
	_ =	sdelay $0x1  }
0x99: {  	s19 =	simm.s32 $_scs_section_size  }
0x9a: {  	s4 =	simm.s32 $_size__tile_overlayer_lowered;
	s5 =	simm.s32 $_tile_overlayer_lowered  }
0x9b: {  	s22 =	simm.s32 $0x1BFF;
	s21 =	sshll.u32 s5, $0x1;
	s2 =	sadd.s32 s19, s18  }
0x9c: {  	s6 =	simm.s32 $0x0;
	s20 =	sshll.u32 s4, $0x1;
	s4 =	sadd.s32 s21, s2  }
0x9d: {  	[timem:s6], [sflag:s22] =	dma.local [hbm:s4], s20  }
0x9e: {  	_ =	swait.ge [sflag:s22], s20  }
0x9f: {  	s3 =	ssub.s32 $0x0, s20;
	[sflag:s22] =	ssyncset.done $0x0  }
0xa0: {  	[sflag:s22] =	ssyncadd.s32 s3;
	_ =	sdelay $0x1  }
0xa1: {  	s23 =	simm.s32 $0x1B8B  }
0xa2: {  	_ =	swait.ge [sflag:s23], $0x1  }
0xa3: {  	[sflag:s23] =	ssyncset.done $0x0  }
0xa4: {  	s25 =	simm.s32 $0x1B8E;
	s24 =	sld [smem:$0x3FFE];
	[sflag:s23] =	ssyncadd.s32 $0xFFFFFFFF  }
0xa5: {  	s26 =	simm.s32 $execute0_lowered;
	[smem:$0x3FD2] =	sst s25  }
0xa6: {  	s4 =	sshll.u32 s26, $0x1;
	_ =	strace $0x8000004F;
	[dreg:$0x1] =	wrdreg $0xFFFFFFFF  }
0xa7: {  	s28 =	simm.s32 $_size_execute0_lowered;
	s2 =	sadd.s32 s2, s4;
	[dreg:$0x0] =	wrdreg $0x0  }
0xa8: {  	s4 =	sshll.u32 s28, $0x1;
	[dreg:$0x2] =	wrdreg s2  }
0xa9: {  	[dreg:$0x3] =	wrdreg s4  }
0xaa: {  	[dreg:$0x4] =	wrdreg $0xC0  }
0xab: {  	_ =	task [dreg:s6], $0x5FFFF  }
0xac: {  	[dreg:$0x1] =	wrdreg $0xFFFFFFFF  }
0xad: {  	[dreg:$0x0] =	wrdreg $0x60  }
0xae: {  	[dreg:$0x2] =	wrdreg s24  }
0xaf: {  	[dreg:$0x3] =	wrdreg $0x9  }
0xb0: {  	_ =	task.clear_ibuf [dreg:s6], $0x4FFFF;
	_ =	strace $0x9000004F  }
0xb1: {  	s29 =	simm.s32 $0x9;
	_ =	strace $0x80000051  }
0xb2: {  	_ =	swait.ge [sflag:s29], $0x1  }
0xb3: {  	[sflag:s29] =	ssyncadd.s32 $0xFFFFFFFF  }
0xb4: {  	_ =	strace $0x90000051  }
0xb5: {  	_ =	sfence  }
0xb6: {  	s30 =	sld [smem:$0x0];
	_ =	sdelay $0x2  }
0xb7: {  	s31 =	sshll.u32 s1, $0xD;
	s1 =	sshrl.u32 s1, $0x2  }
0xb8: {  	s3 =	sand.u32 $0x4000, s31;
	s1 =	sadd.s32 s1, s30  }
0xb9: {  	s0 =	sor.u32 s3, s0;
	s1 =	sshll.u32 s1, $0x11  }
0xba: {  	s0 =	sor.u32 s1, s0  }
0xbb: {  	s0 =	sadd.s32 $0x8F2B, s0  }
0xbc: {  	[sflag:s0] =	ssyncadd.remote.s32 $0x1  }
0xbd: {  	_ =	sfence.sel $0xFFFF  }
0xbe: {  	[dreg:$0x0] =	wrdreg $0xFFFFFFFF;
	(pc) =	sbr.abs _section_cstart, $3  }
0xbf: {  	[dreg:$0x1] =	wrdreg $0xFFFFFFFF  }
0xc0: {  	_ =	task.clear_ibuf [dreg:s6], $0x2FFFF;
	_ =	strace $0x9FFFFFFF  }
0xc1: {  	(tm) =	ssettm $0x7FFFFFFF  }
tec
execute0_lowered:
.L_overlay_start_1:
0x0: {  	(tag) =	ssettag $0x1  }
0x1: {  	s0 =	srdreg.scid  }
0x2: {  	s9 =	stileid.u32;
	s1 =	rddreg [dreg:$0x0]  }
0x3: {  	s2 =	simm.s32 $0x0;
	s11 =	simm.s32 $0x1400;
	s28 =	simm.s32 $0x1  }
0x4: {  	s29 =	simm.s32 $0x9400;
	s17 =	simm.s32 $0x9C00;
	s16 =	simm.s32 $0xAC00  }
0x5: {  	s18 =	simm.s32 $0xBC00;
	s19 =	simm.s32 $0xCC00;
	s20 =	simm.s32 $0xDC00  }
0x6: {  	s10 =	simm.s32 $0xEC00;
	s30 =	simm.s32 $0xF400;
	s12 =	simm.s32 $0xFC00  }
0x7: {  	s13 =	simm.s32 $0x10400;
	s31 =	simm.s32 $0x10C00;
	s14 =	simm.s32 $0x3  }
0x8: {  	s15 =	simm.s32 $0x4;
	s21 =	simm.s32 $0x0;
	s0 =	sand.u32 $0x1, s0  }
0x9: {  	s3 =	sshll.u32 s9, $0x1;
	[smem:$0x7FF] =	sst s2;
	s23 =	smul.u32 $0x4E200, s9  }
0xa: {  	s4 =	sor.u32 s0, s3;
	s6 =	ssub.s32 $0x2, s0;
	s0 =	smul.u32 $0x27100, s0  }
0xb: {  	s9 =	simm.s32 $0xE400;
	_ =	strace $0x80000050;
	s5 =	smul.u32 $0x1388, s4  }
0xc: {  	s3 =	sadd.s32 $0x41E00, s1;
	s7 =	sshrl.u32 s6, $0x1;
	s8 =	smul.u32 $0x138800, s4  }
0xd: {  	s4 =	smul.u32 $0x27100, s4;
	s6 =	ssub.s32 s6, s7;
	s7 =	simm.s32 $0xC400  }
0xe: {  	s5 =	sshrl.u32 s5, $0x3;
	s22 =	sshrl.u32 s8, $0x3;
	s26 =	smax.u32 s6, $0x1  }
0xf: {  	s6 =	simm.s32 $0xB400;
	s8 =	simm.s32 $0xD400;
	s5 =	sadd.s32 s5, s1  }
0x10: {  	s1 =	sadd.s32 $0x90000, s1;
	[dreg:$0x8] =	wrdreg s26;
	s5 =	sadd.s32 $0x10600, s5  }
0x11: {  	s4 =	sadd.s32 s1, s4;
	s24 =	sadd.s32 s1, s22;
	[dreg:$0x3] =	wrdreg s5  }
0x12: {  	s26 =	simm.s32 $0x8C00;
	[dreg:$0x4] =	wrdreg s4;
	s5 =	sadd.s32 $0x25000, s24  }
0x13: {  	s1 =	sadd.s32 s23, s1;
	s25 =	sadd.s32 $0x26000, s24;
	[dreg:$0x5] =	wrdreg s5  }
0x14: {  	s22 =	simm.s32 $0x6C00;
	s4 =	sadd.s32 $0x27000, s24;
	[dreg:$0x6] =	wrdreg s25  }
0x15: {  	v2 =	vlaneseq.u32;
	s23 =	simm.s32 $0x7400;
	s0 =	sadd.s32 s0, s1;
	[dreg:$0x7] =	wrdreg s4  }
0x16: {  	vm0 =	vmmov $0xffff;
	v1 =	vshrl.u32 v2, $0x3;
	s24 =	simm.s32 $0x7C00;
	s1 =	simm.s32 $0x2;
	[dreg:$0x2] =	wrdreg s0  }
0x17: {  	v0 =	vand.u32 $0x7, v2;
	v2 =	vor.u32 $0x8, v2;
	v1 =	vmul.u32 $0x8, v1;
	s4 =	simm.s32 $0x5;
	s25 =	simm.s32 $0x8400;
	s5 =	simm.s32 $0xA400  }
.LBB2_1:
0x18: {  	[dreg:$0x9] =	wrdreg s21  }
0x19: {  	s0 =	rddreg [dreg:$0x3]  }
0x1a: {  	[tilespmem:s2], [sflag:$0x5] =	stream.linear.gather [hbm4b:s0+s2], $0x1388, $0x38;
	[tilespmem:$0x11400] =	vst v63  }
0x1b: {  	_ =	swait.ge [sflag:s4], $0x1388  }
0x1c: {  	[sflag:s4] =	ssyncset.done $0x0  }
0x1d: {  	[sflag:s4] =	ssyncadd.s32 $0xFFFFEC78  }
0x1e: {  	v3 =	vld [tilespmem:$0x0];
	_ =	sdelay $0x4  }
0x1f: {  	v4 =	vshll.u32 v3, $0x1  }
0x20: {  	v3 =	vand.u32 $0x7, v3;
	v4 =	vand.u32 $0xFFFFFFF0, v4  }
0x21: {  	v3 =	vor.u32 v3, v4  }
0x22: {  	v4 =	vperm.xlane v3, v0;
	_ =	sdelay $0x1  }
0x23: {  	v3 =	vperm.xlane v3, v2;
	v4 =	vadd.s32 v1, v4;
	_ =	sdelay $0x1  }
0x24: {  	v3 =	vadd.s32 v1, v3;
	_ =	sdelay $0x2  }
0x25: {  	[tilespmem:s11], [sflag:$0x1] =	stream.indirect_vreg.gather [hbm4b:s3+s2], $0x80, v4, vm0, $0xb8;
	[tilespmem:$0x11400] =	vst v63  }
0x26: {  	s21 =	simm.s32 $0x1C00  }
0x27: {  	[tilespmem:s21], [sflag:$0x1] =	stream.indirect_vreg.gather [hbm4b:s3+s2], $0x80, v3, vm0, $0xb8;
	[tilespmem:$0x11400] =	vst v63  }
0x28: {  	v3 =	vld [tilespmem:$0x10];
	_ =	sdelay $0x4  }
0x29: {  	v49 =	vshll.u32 v3, $0x1  }
0x2a: {  	v3 =	vand.u32 $0x7, v3;
	v4 =	vand.u32 $0xFFFFFFF0, v49  }
0x2b: {  	v3 =	vor.u32 v3, v4  }
0x2c: {  	v4 =	vperm.xlane v3, v0;
	_ =	sdelay $0x1  }
0x2d: {  	v3 =	vperm.xlane v3, v2;
	v4 =	vadd.s32 v1, v4;
	_ =	sdelay $0x1  }
0x2e: {  	v3 =	vadd.s32 v1, v3;
	_ =	sdelay $0x1  }
0x2f: {  	s4 =	simm.s32 $0x2400  }
0x30: {  	[tilespmem:s4], [sflag:$0x1] =	stream.indirect_vreg.gather [hbm4b:s3+s2], $0x80, v4, vm0, $0xb8;
	[tilespmem:$0x11400] =	vst v63  }
0x31: {  	s21 =	simm.s32 $0x2C00  }
0x32: {  	[tilespmem:s21], [sflag:$0x1] =	stream.indirect_vreg.gather [hbm4b:s3+s2], $0x80, v3, vm0, $0xb8;
	[tilespmem:$0x11400] =	vst v63  }
0x33: {  	v3 =	vld [tilespmem:$0x20];
	_ =	sdelay $0x4  }
0x34: {  	v50 =	vshll.u32 v3, $0x1  }
0x35: {  	v3 =	vand.u32 $0x7, v3;
	v4 =	vand.u32 $0xFFFFFFF0, v50  }
0x36: {  	v3 =	vor.u32 v3, v4  }
0x37: {  	v4 =	vperm.xlane v3, v0;
	_ =	sdelay $0x1  }
0x38: {  	v3 =	vperm.xlane v3, v2;
	v4 =	vadd.s32 v1, v4;
	_ =	sdelay $0x1  }
0x39: {  	v3 =	vadd.s32 v1, v3;
	_ =	sdelay $0x1  }
0x3a: {  	s4 =	simm.s32 $0x3400  }
0x3b: {  	[tilespmem:s4], [sflag:$0x1] =	stream.indirect_vreg.gather [hbm4b:s3+s2], $0x80, v4, vm0, $0xb8;
	[tilespmem:$0x11400] =	vst v63  }
0x3c: {  	s21 =	simm.s32 $0x3C00  }
0x3d: {  	[tilespmem:s21], [sflag:$0x1] =	stream.indirect_vreg.gather [hbm4b:s3+s2], $0x80, v3, vm0, $0xb8;
	[tilespmem:$0x11400] =	vst v63  }
0x3e: {  	v3 =	vld [tilespmem:$0x30];
	_ =	sdelay $0x4  }
0x3f: {  	v51 =	vshll.u32 v3, $0x1  }
0x40: {  	v3 =	vand.u32 $0x7, v3;
	v4 =	vand.u32 $0xFFFFFFF0, v51  }
0x41: {  	v3 =	vor.u32 v3, v4  }
0x42: {  	v4 =	vperm.xlane v3, v0;
	_ =	sdelay $0x1  }
0x43: {  	v3 =	vperm.xlane v3, v2;
	v4 =	vadd.s32 v1, v4;
	_ =	sdelay $0x1  }
0x44: {  	v3 =	vadd.s32 v1, v3;
	_ =	sdelay $0x1  }
0x45: {  	s4 =	simm.s32 $0x4400  }
0x46: {  	[tilespmem:s4], [sflag:$0x1] =	stream.indirect_vreg.gather [hbm4b:s3+s2], $0x80, v4, vm0, $0xb8;
	[tilespmem:$0x11400] =	vst v63  }
0x47: {  	s21 =	simm.s32 $0x4C00  }
0x48: {  	[tilespmem:s21], [sflag:$0x1] =	stream.indirect_vreg.gather [hbm4b:s3+s2], $0x80, v3, vm0, $0xb8;
	[tilespmem:$0x11400] =	vst v63  }
0x49: {  	v3 =	vld [tilespmem:$0x40];
	_ =	sdelay $0x4  }
0x4a: {  	v52 =	vshll.u32 v3, $0x1  }
0x4b: {  	v3 =	vand.u32 $0x7, v3;
	v4 =	vand.u32 $0xFFFFFFF0, v52  }
0x4c: {  	v3 =	vor.u32 v3, v4  }
0x4d: {  	v4 =	vperm.xlane v3, v0;
	_ =	sdelay $0x1  }
0x4e: {  	v3 =	vperm.xlane v3, v2;
	v4 =	vadd.s32 v1, v4;
	_ =	sdelay $0x1  }
0x4f: {  	v3 =	vadd.s32 v1, v3;
	_ =	sdelay $0x1  }
0x50: {  	s4 =	simm.s32 $0x5400  }
0x51: {  	[tilespmem:s4], [sflag:$0x1] =	stream.indirect_vreg.gather [hbm4b:s3+s2], $0x80, v4, vm0, $0xb8;
	[tilespmem:$0x11400] =	vst v63  }
0x52: {  	s21 =	simm.s32 $0x5C00  }
0x53: {  	[tilespmem:s21], [sflag:$0x1] =	stream.indirect_vreg.gather [hbm4b:s3+s2], $0x80, v3, vm0, $0xb8;
	[tilespmem:$0x11400] =	vst v63  }
0x54: {  	v3 =	vld [tilespmem:$0x50];
	_ =	sdelay $0x4  }
0x55: {  	v53 =	vshll.u32 v3, $0x1  }
0x56: {  	v3 =	vand.u32 $0x7, v3;
	v4 =	vand.u32 $0xFFFFFFF0, v53  }
0x57: {  	v3 =	vor.u32 v3, v4  }
0x58: {  	v4 =	vperm.xlane v3, v0;
	_ =	sdelay $0x1  }
0x59: {  	v3 =	vperm.xlane v3, v2;
	v4 =	vadd.s32 v1, v4;
	_ =	sdelay $0x1  }
0x5a: {  	v3 =	vadd.s32 v1, v3;
	_ =	sdelay $0x1  }
0x5b: {  	s4 =	simm.s32 $0x6400  }
0x5c: {  	[tilespmem:s4], [sflag:$0x1] =	stream.indirect_vreg.gather [hbm4b:s3+s2], $0x80, v4, vm0, $0xb8;
	[tilespmem:$0x11400] =	vst v63  }
0x5d: {  	_ = 	snop  }
0x5e: {  	[tilespmem:s22], [sflag:$0x1] =	stream.indirect_vreg.gather [hbm4b:s3+s2], $0x80, v3, vm0, $0xb8;
	[tilespmem:$0x11400] =	vst v63  }
0x5f: {  	v3 =	vld [tilespmem:$0x60];
	_ =	sdelay $0x4  }
0x60: {  	v54 =	vshll.u32 v3, $0x1  }
0x61: {  	v3 =	vand.u32 $0x7, v3;
	v4 =	vand.u32 $0xFFFFFFF0, v54  }
0x62: {  	v3 =	vor.u32 v3, v4  }
0x63: {  	v4 =	vperm.xlane v3, v0;
	_ =	sdelay $0x1  }
0x64: {  	v3 =	vperm.xlane v3, v2;
	v4 =	vadd.s32 v1, v4;
	_ =	sdelay $0x1  }
0x65: {  	v3 =	vadd.s32 v1, v3;
	_ =	sdelay $0x2  }
0x66: {  	[tilespmem:s23], [sflag:$0x1] =	stream.indirect_vreg.gather [hbm4b:s3+s2], $0x80, v4, vm0, $0xb8;
	[tilespmem:$0x11400] =	vst v63  }
0x67: {  	_ = 	snop  }
0x68: {  	[tilespmem:s24], [sflag:$0x1] =	stream.indirect_vreg.gather [hbm4b:s3+s2], $0x80, v3, vm0, $0xb8;
	[tilespmem:$0x11400] =	vst v63  }
0x69: {  	v3 =	vld [tilespmem:$0x70];
	_ =	sdelay $0x4  }
0x6a: {  	v55 =	vshll.u32 v3, $0x1  }
0x6b: {  	v3 =	vand.u32 $0x7, v3;
	v4 =	vand.u32 $0xFFFFFFF0, v55  }
0x6c: {  	v3 =	vor.u32 v3, v4  }
0x6d: {  	v4 =	vperm.xlane v3, v0;
	_ =	sdelay $0x1  }
0x6e: {  	v3 =	vperm.xlane v3, v2;
	v4 =	vadd.s32 v1, v4;
	_ =	sdelay $0x1  }
0x6f: {  	v3 =	vadd.s32 v1, v3;
	_ =	sdelay $0x2  }
0x70: {  	[tilespmem:s25], [sflag:$0x1] =	stream.indirect_vreg.gather [hbm4b:s3+s2], $0x80, v4, vm0, $0xb8;
	[tilespmem:$0x11400] =	vst v63  }
0x71: {  	_ = 	snop  }
0x72: {  	[tilespmem:s26], [sflag:$0x1] =	stream.indirect_vreg.gather [hbm4b:s3+s2], $0x80, v3, vm0, $0xb8;
	[tilespmem:$0x11400] =	vst v63  }
0x73: {  	_ =	swait.ge [sflag:s28], $0x8000  }
0x74: {  	[sflag:s28] =	ssyncset.done $0x0  }
0x75: {  	[sflag:s28] =	ssyncadd.s32 $0xFFFF8000  }
0x76: {  	v3 =	vld [tilespmem:$0x80];
	_ =	sdelay $0x4  }
0x77: {  	v56 =	vshll.u32 v3, $0x1  }
0x78: {  	v3 =	vand.u32 $0x7, v3;
	v4 =	vand.u32 $0xFFFFFFF0, v56  }
0x79: {  	v3 =	vor.u32 v3, v4  }
0x7a: {  	v4 =	vperm.xlane v3, v0;
	_ =	sdelay $0x1  }
0x7b: {  	v3 =	vperm.xlane v3, v2;
	v4 =	vadd.s32 v1, v4;
	_ =	sdelay $0x1  }
0x7c: {  	v3 =	vadd.s32 v1, v3;
	_ =	sdelay $0x2  }
0x7d: {  	[tilespmem:s29], [sflag:$0x2] =	stream.indirect_vreg.gather [hbm4b:s3+s2], $0x80, v4, vm0, $0xb8;
	[tilespmem:$0x11400] =	vst v63  }
0x7e: {  	_ = 	snop  }
0x7f: {  	[tilespmem:s17], [sflag:$0x2] =	stream.indirect_vreg.gather [hbm4b:s3+s2], $0x80, v3, vm0, $0xb8;
	[tilespmem:$0x11400] =	vst v63  }
0x80: {  	v3 =	vld [tilespmem:$0x90];
	_ =	sdelay $0x4  }
0x81: {  	v57 =	vshll.u32 v3, $0x1  }
0x82: {  	v3 =	vand.u32 $0x7, v3;
	v4 =	vand.u32 $0xFFFFFFF0, v57  }
0x83: {  	v3 =	vor.u32 v3, v4  }
0x84: {  	v4 =	vperm.xlane v3, v0;
	_ =	sdelay $0x1  }
0x85: {  	v3 =	vperm.xlane v3, v2;
	v4 =	vadd.s32 v1, v4;
	_ =	sdelay $0x1  }
0x86: {  	v3 =	vadd.s32 v1, v3;
	_ =	sdelay $0x2  }
0x87: {  	[tilespmem:s5], [sflag:$0x2] =	stream.indirect_vreg.gather [hbm4b:s3+s2], $0x80, v4, vm0, $0xb8;
	[tilespmem:$0x11400] =	vst v63  }
0x88: {  	_ = 	snop  }
0x89: {  	[tilespmem:s16], [sflag:$0x2] =	stream.indirect_vreg.gather [hbm4b:s3+s2], $0x80, v3, vm0, $0xb8;
	[tilespmem:$0x11400] =	vst v63  }
0x8a: {  	v3 =	vld [tilespmem:$0xA0];
	_ =	sdelay $0x4  }
0x8b: {  	v58 =	vshll.u32 v3, $0x1  }
0x8c: {  	v3 =	vand.u32 $0x7, v3;
	v4 =	vand.u32 $0xFFFFFFF0, v58  }
0x8d: {  	v3 =	vor.u32 v3, v4  }
0x8e: {  	v4 =	vperm.xlane v3, v0;
	_ =	sdelay $0x1  }
0x8f: {  	v3 =	vperm.xlane v3, v2;
	v4 =	vadd.s32 v1, v4;
	_ =	sdelay $0x1  }
0x90: {  	v3 =	vadd.s32 v1, v3;
	_ =	sdelay $0x2  }
0x91: {  	[tilespmem:s6], [sflag:$0x2] =	stream.indirect_vreg.gather [hbm4b:s3+s2], $0x80, v4, vm0, $0xb8;
	[tilespmem:$0x11400] =	vst v63  }
0x92: {  	_ = 	snop  }
0x93: {  	[tilespmem:s18], [sflag:$0x2] =	stream.indirect_vreg.gather [hbm4b:s3+s2], $0x80, v3, vm0, $0xb8;
	[tilespmem:$0x11400] =	vst v63  }
0x94: {  	v3 =	vld [tilespmem:$0xB0];
	_ =	sdelay $0x4  }
0x95: {  	v59 =	vshll.u32 v3, $0x1  }
0x96: {  	v3 =	vand.u32 $0x7, v3;
	v4 =	vand.u32 $0xFFFFFFF0, v59  }
0x97: {  	v3 =	vor.u32 v3, v4  }
0x98: {  	v4 =	vperm.xlane v3, v0;
	_ =	sdelay $0x1  }
0x99: {  	v3 =	vperm.xlane v3, v2;
	v4 =	vadd.s32 v1, v4;
	_ =	sdelay $0x1  }
0x9a: {  	v3 =	vadd.s32 v1, v3;
	_ =	sdelay $0x2  }
0x9b: {  	[tilespmem:s7], [sflag:$0x2] =	stream.indirect_vreg.gather [hbm4b:s3+s2], $0x80, v4, vm0, $0xb8;
	[tilespmem:$0x11400] =	vst v63  }
0x9c: {  	_ = 	snop  }
0x9d: {  	[tilespmem:s19], [sflag:$0x2] =	stream.indirect_vreg.gather [hbm4b:s3+s2], $0x80, v3, vm0, $0xb8;
	[tilespmem:$0x11400] =	vst v63  }
0x9e: {  	v3 =	vld [tilespmem:$0xC0];
	_ =	sdelay $0x4  }
0x9f: {  	v60 =	vshll.u32 v3, $0x1  }
0xa0: {  	v3 =	vand.u32 $0x7, v3;
	v4 =	vand.u32 $0xFFFFFFF0, v60  }
0xa1: {  	v3 =	vor.u32 v3, v4  }
0xa2: {  	v4 =	vperm.xlane v3, v0;
	_ =	sdelay $0x1  }
0xa3: {  	v3 =	vperm.xlane v3, v2;
	v4 =	vadd.s32 v1, v4;
	_ =	sdelay $0x1  }
0xa4: {  	v3 =	vadd.s32 v1, v3;
	_ =	sdelay $0x2  }
0xa5: {  	[tilespmem:s8], [sflag:$0x2] =	stream.indirect_vreg.gather [hbm4b:s3+s2], $0x80, v4, vm0, $0xb8;
	[tilespmem:$0x11400] =	vst v63  }
0xa6: {  	_ = 	snop  }
0xa7: {  	[tilespmem:s20], [sflag:$0x2] =	stream.indirect_vreg.gather [hbm4b:s3+s2], $0x80, v3, vm0, $0xb8;
	[tilespmem:$0x11400] =	vst v63  }
0xa8: {  	v3 =	vld [tilespmem:$0xD0];
	_ =	sdelay $0x4  }
0xa9: {  	v61 =	vshll.u32 v3, $0x1  }
0xaa: {  	v3 =	vand.u32 $0x7, v3;
	v4 =	vand.u32 $0xFFFFFFF0, v61  }
0xab: {  	v3 =	vor.u32 v3, v4  }
0xac: {  	v4 =	vperm.xlane v3, v0;
	_ =	sdelay $0x1  }
0xad: {  	v3 =	vperm.xlane v3, v2;
	v4 =	vadd.s32 v1, v4;
	_ =	sdelay $0x1  }
0xae: {  	v3 =	vadd.s32 v1, v3;
	_ =	sdelay $0x2  }
0xaf: {  	[tilespmem:s9], [sflag:$0x2] =	stream.indirect_vreg.gather [hbm4b:s3+s2], $0x80, v4, vm0, $0xb8;
	[tilespmem:$0x11400] =	vst v63  }
0xb0: {  	_ = 	snop  }
0xb1: {  	[tilespmem:s10], [sflag:$0x2] =	stream.indirect_vreg.gather [hbm4b:s3+s2], $0x80, v3, vm0, $0xb8;
	[tilespmem:$0x11400] =	vst v63  }
0xb2: {  	v3 =	vld [tilespmem:$0xE0];
	_ =	sdelay $0x4  }
0xb3: {  	v62 =	vshll.u32 v3, $0x1  }
0xb4: {  	v3 =	vand.u32 $0x7, v3;
	v4 =	vand.u32 $0xFFFFFFF0, v62  }
0xb5: {  	v3 =	vor.u32 v3, v4  }
0xb6: {  	v4 =	vperm.xlane v3, v0;
	_ =	sdelay $0x1  }
0xb7: {  	v3 =	vperm.xlane v3, v2;
	v4 =	vadd.s32 v1, v4;
	_ =	sdelay $0x1  }
0xb8: {  	v3 =	vadd.s32 v1, v3;
	_ =	sdelay $0x2  }
0xb9: {  	[tilespmem:s30], [sflag:$0x2] =	stream.indirect_vreg.gather [hbm4b:s3+s2], $0x80, v4, vm0, $0xb8;
	[tilespmem:$0x11400] =	vst v63  }
0xba: {  	_ = 	snop  }
0xbb: {  	[tilespmem:s12], [sflag:$0x2] =	stream.indirect_vreg.gather [hbm4b:s3+s2], $0x80, v3, vm0, $0xb8;
	[tilespmem:$0x11400] =	vst v63  }
0xbc: {  	v3 =	vld [tilespmem:$0xF0];
	_ =	sdelay $0x4  }
0xbd: {  	v63 =	vshll.u32 v3, $0x1  }
0xbe: {  	v3 =	vand.u32 $0x7, v3;
	v4 =	vand.u32 $0xFFFFFFF0, v63  }
0xbf: {  	v3 =	vor.u32 v3, v4  }
0xc0: {  	v4 =	vperm.xlane v3, v0;
	_ =	sdelay $0x1  }
0xc1: {  	v3 =	vperm.xlane v3, v2;
	v4 =	vadd.s32 v1, v4;
	_ =	sdelay $0x1  }
0xc2: {  	v3 =	vadd.s32 v1, v3;
	_ =	sdelay $0x2  }
0xc3: {  	[tilespmem:s13], [sflag:$0x2] =	stream.indirect_vreg.gather [hbm4b:s3+s2], $0x80, v4, vm0, $0xb8;
	[tilespmem:$0x11400] =	vst v63  }
0xc4: {  	s0 =	simm.s32 $0xFFFDC000;
	s21 =	rddreg [dreg:$0x4]  }
0xc5: {  	[tilespmem:s31], [sflag:$0x2] =	stream.indirect_vreg.gather [hbm4b:s3+s2], $0x80, v3, vm0, $0xb8;
	[tilespmem:$0x11400] =	vst v63  }
0xc6: {  	s5 =	simm.s32 $0xA400;
	s16 =	simm.s32 $0x1F0;
	s18 =	simm.s32 $0xAC00  }
0xc7: {  	[hbm4b:s21+s2] =	stream.linear.scatter [tilespmem:s11], [sflag:$0x3], $0x8000, $0x38;
	[tilespmem:$0x11400] =	vst v63  }
0xc8: {  	s19 =	simm.s32 $0xBC00;
	s20 =	simm.s32 $0xCC00;
	s21 =	simm.s32 $0xDC00  }
.LBB2_2:
0xc9: {  	_ =	swait.ge [sflag:s14], $0x8000  }
0xca: {  	[sflag:s14] =	ssyncset.done $0x0  }
0xcb: {  	[sflag:s14] =	ssyncadd.s32 $0xFFFF8000  }
0xcc: {  	_ =	swait.ge [sflag:s1], $0x8000  }
0xcd: {  	s4 =	rddreg [dreg:$0x2]  }
0xce: {  	[sflag:s1] =	ssyncset.done $0x0;
	s4 =	sadd.s32 s0, s4  }
0xcf: {  	[sflag:s1] =	ssyncadd.s32 $0xFFFF8000;
	s17 =	sadd.s32 $0x25000, s4  }
0xd0: {  	[hbm4b:s17+s2] =	stream.linear.scatter [tilespmem:s29], [sflag:$0x4], $0x8000, $0x38;
	[tilespmem:$0x11400] =	vst v63  }
0xd1: {  	v3 =	vld [tilespmem:s16+$0xFFFFFF10];
	_ =	sdelay $0x4  }
0xd2: {  	v4 =	vshll.u32 v3, $0x1  }
0xd3: {  	v3 =	vand.u32 $0x7, v3;
	v4 =	vand.u32 $0xFFFFFFF0, v4  }
0xd4: {  	v3 =	vor.u32 v3, v4  }
0xd5: {  	v4 =	vperm.xlane v3, v0;
	_ =	sdelay $0x1  }
0xd6: {  	v3 =	vperm.xlane v3, v2;
	v4 =	vadd.s32 v1, v4;
	_ =	sdelay $0x1  }
0xd7: {  	v3 =	vadd.s32 v1, v3;
	_ =	sdelay $0x2  }
0xd8: {  	[tilespmem:s11], [sflag:$0x1] =	stream.indirect_vreg.gather [hbm4b:s3+s2], $0x80, v4, vm0, $0xb8;
	[tilespmem:$0x11400] =	vst v63  }
0xd9: {  	s8 =	simm.s32 $0x1C00  }
0xda: {  	[tilespmem:s8], [sflag:$0x1] =	stream.indirect_vreg.gather [hbm4b:s3+s2], $0x80, v3, vm0, $0xb8;
	[tilespmem:$0x11400] =	vst v63  }
0xdb: {  	v3 =	vld [tilespmem:s16+$0xFFFFFF20];
	_ =	sdelay $0x4  }
0xdc: {  	v49 =	vshll.u32 v3, $0x1  }
0xdd: {  	v3 =	vand.u32 $0x7, v3;
	v4 =	vand.u32 $0xFFFFFFF0, v49  }
0xde: {  	v3 =	vor.u32 v3, v4  }
0xdf: {  	v4 =	vperm.xlane v3, v0;
	_ =	sdelay $0x1  }
0xe0: {  	v3 =	vperm.xlane v3, v2;
	v4 =	vadd.s32 v1, v4;
	_ =	sdelay $0x1  }
0xe1: {  	v3 =	vadd.s32 v1, v3;
	_ =	sdelay $0x1  }
0xe2: {  	s9 =	simm.s32 $0x2400  }
0xe3: {  	[tilespmem:s9], [sflag:$0x1] =	stream.indirect_vreg.gather [hbm4b:s3+s2], $0x80, v4, vm0, $0xb8;
	[tilespmem:$0x11400] =	vst v63  }
0xe4: {  	s6 =	simm.s32 $0x2C00  }
0xe5: {  	[tilespmem:s6], [sflag:$0x1] =	stream.indirect_vreg.gather [hbm4b:s3+s2], $0x80, v3, vm0, $0xb8;
	[tilespmem:$0x11400] =	vst v63  }
0xe6: {  	v3 =	vld [tilespmem:s16+$0xFFFFFF30];
	_ =	sdelay $0x4  }
0xe7: {  	v50 =	vshll.u32 v3, $0x1  }
0xe8: {  	v3 =	vand.u32 $0x7, v3;
	v4 =	vand.u32 $0xFFFFFFF0, v50  }
0xe9: {  	v3 =	vor.u32 v3, v4  }
0xea: {  	v4 =	vperm.xlane v3, v0;
	_ =	sdelay $0x1  }
0xeb: {  	v3 =	vperm.xlane v3, v2;
	v4 =	vadd.s32 v1, v4;
	_ =	sdelay $0x1  }
0xec: {  	v3 =	vadd.s32 v1, v3;
	_ =	sdelay $0x1  }
0xed: {  	s7 =	simm.s32 $0x3400  }
0xee: {  	[tilespmem:s7], [sflag:$0x1] =	stream.indirect_vreg.gather [hbm4b:s3+s2], $0x80, v4, vm0, $0xb8;
	[tilespmem:$0x11400] =	vst v63  }
0xef: {  	s8 =	simm.s32 $0x3C00  }
0xf0: {  	[tilespmem:s8], [sflag:$0x1] =	stream.indirect_vreg.gather [hbm4b:s3+s2], $0x80, v3, vm0, $0xb8;
	[tilespmem:$0x11400] =	vst v63  }
0xf1: {  	v3 =	vld [tilespmem:s16+$0xFFFFFF40];
	_ =	sdelay $0x4  }
0xf2: {  	v51 =	vshll.u32 v3, $0x1  }
0xf3: {  	v3 =	vand.u32 $0x7, v3;
	v4 =	vand.u32 $0xFFFFFFF0, v51  }
0xf4: {  	v3 =	vor.u32 v3, v4  }
0xf5: {  	v4 =	vperm.xlane v3, v0;
	_ =	sdelay $0x1  }
0xf6: {  	v3 =	vperm.xlane v3, v2;
	v4 =	vadd.s32 v1, v4;
	_ =	sdelay $0x1  }
0xf7: {  	v3 =	vadd.s32 v1, v3;
	_ =	sdelay $0x1  }
0xf8: {  	s9 =	simm.s32 $0x4400  }
0xf9: {  	[tilespmem:s9], [sflag:$0x1] =	stream.indirect_vreg.gather [hbm4b:s3+s2], $0x80, v4, vm0, $0xb8;
	[tilespmem:$0x11400] =	vst v63  }
0xfa: {  	s6 =	simm.s32 $0x4C00  }
0xfb: {  	[tilespmem:s6], [sflag:$0x1] =	stream.indirect_vreg.gather [hbm4b:s3+s2], $0x80, v3, vm0, $0xb8;
	[tilespmem:$0x11400] =	vst v63  }
0xfc: {  	v3 =	vld [tilespmem:s16+$0xFFFFFF50];
	_ =	sdelay $0x4  }
0xfd: {  	v52 =	vshll.u32 v3, $0x1  }
0xfe: {  	v3 =	vand.u32 $0x7, v3;
	v4 =	vand.u32 $0xFFFFFFF0, v52  }
0xff: {  	v3 =	vor.u32 v3, v4  }
0x100: {  	v4 =	vperm.xlane v3, v0;
	_ =	sdelay $0x1  }
0x101: {  	v3 =	vperm.xlane v3, v2;
	v4 =	vadd.s32 v1, v4;
	_ =	sdelay $0x1  }
0x102: {  	v3 =	vadd.s32 v1, v3;
	_ =	sdelay $0x1  }
0x103: {  	s7 =	simm.s32 $0x5400  }
0x104: {  	[tilespmem:s7], [sflag:$0x1] =	stream.indirect_vreg.gather [hbm4b:s3+s2], $0x80, v4, vm0, $0xb8;
	[tilespmem:$0x11400] =	vst v63  }
0x105: {  	s8 =	simm.s32 $0x5C00  }
0x106: {  	[tilespmem:s8], [sflag:$0x1] =	stream.indirect_vreg.gather [hbm4b:s3+s2], $0x80, v3, vm0, $0xb8;
	[tilespmem:$0x11400] =	vst v63  }
0x107: {  	v3 =	vld [tilespmem:s16+$0xFFFFFF60];
	_ =	sdelay $0x4  }
0x108: {  	v53 =	vshll.u32 v3, $0x1  }
0x109: {  	v3 =	vand.u32 $0x7, v3;
	v4 =	vand.u32 $0xFFFFFFF0, v53  }
0x10a: {  	v3 =	vor.u32 v3, v4  }
0x10b: {  	v4 =	vperm.xlane v3, v0;
	_ =	sdelay $0x1  }
0x10c: {  	v3 =	vperm.xlane v3, v2;
	v4 =	vadd.s32 v1, v4;
	_ =	sdelay $0x1  }
0x10d: {  	v3 =	vadd.s32 v1, v3;
	_ =	sdelay $0x1  }
0x10e: {  	s9 =	simm.s32 $0x6400  }
0x10f: {  	[tilespmem:s9], [sflag:$0x1] =	stream.indirect_vreg.gather [hbm4b:s3+s2], $0x80, v4, vm0, $0xb8;
	[tilespmem:$0x11400] =	vst v63  }
0x110: {  	_ = 	snop  }
0x111: {  	[tilespmem:s22], [sflag:$0x1] =	stream.indirect_vreg.gather [hbm4b:s3+s2], $0x80, v3, vm0, $0xb8;
	[tilespmem:$0x11400] =	vst v63  }
0x112: {  	v3 =	vld [tilespmem:s16+$0xFFFFFF70];
	_ =	sdelay $0x4  }
0x113: {  	v54 =	vshll.u32 v3, $0x1  }
0x114: {  	v3 =	vand.u32 $0x7, v3;
	v4 =	vand.u32 $0xFFFFFFF0, v54  }
0x115: {  	v3 =	vor.u32 v3, v4  }
0x116: {  	v4 =	vperm.xlane v3, v0;
	_ =	sdelay $0x1  }
0x117: {  	v3 =	vperm.xlane v3, v2;
	v4 =	vadd.s32 v1, v4;
	_ =	sdelay $0x1  }
0x118: {  	v3 =	vadd.s32 v1, v3;
	_ =	sdelay $0x2  }
0x119: {  	[tilespmem:s23], [sflag:$0x1] =	stream.indirect_vreg.gather [hbm4b:s3+s2], $0x80, v4, vm0, $0xb8;
	[tilespmem:$0x11400] =	vst v63  }
0x11a: {  	_ = 	snop  }
0x11b: {  	[tilespmem:s24], [sflag:$0x1] =	stream.indirect_vreg.gather [hbm4b:s3+s2], $0x80, v3, vm0, $0xb8;
	[tilespmem:$0x11400] =	vst v63  }
0x11c: {  	v3 =	vld [tilespmem:s16+$0xFFFFFF80];
	_ =	sdelay $0x4  }
0x11d: {  	v55 =	vshll.u32 v3, $0x1  }
0x11e: {  	v3 =	vand.u32 $0x7, v3;
	v4 =	vand.u32 $0xFFFFFFF0, v55  }
0x11f: {  	v3 =	vor.u32 v3, v4  }
0x120: {  	v4 =	vperm.xlane v3, v0;
	_ =	sdelay $0x1  }
0x121: {  	v3 =	vperm.xlane v3, v2;
	v4 =	vadd.s32 v1, v4;
	_ =	sdelay $0x1  }
0x122: {  	v3 =	vadd.s32 v1, v3;
	_ =	sdelay $0x2  }
0x123: {  	[tilespmem:s25], [sflag:$0x1] =	stream.indirect_vreg.gather [hbm4b:s3+s2], $0x80, v4, vm0, $0xb8;
	[tilespmem:$0x11400] =	vst v63  }
0x124: {  	_ = 	snop  }
0x125: {  	[tilespmem:s26], [sflag:$0x1] =	stream.indirect_vreg.gather [hbm4b:s3+s2], $0x80, v3, vm0, $0xb8;
	[tilespmem:$0x11400] =	vst v63  }
0x126: {  	_ =	swait.ge [sflag:s15], $0x8000  }
0x127: {  	[sflag:s15] =	ssyncset.done $0x0  }
0x128: {  	[sflag:s15] =	ssyncadd.s32 $0xFFFF8000  }
0x129: {  	_ =	swait.ge [sflag:s28], $0x8000  }
0x12a: {  	[sflag:s28] =	ssyncset.done $0x0  }
0x12b: {  	s4 =	sadd.s32 $0x26000, s4;
	[sflag:s28] =	ssyncadd.s32 $0xFFFF8000  }
0x12c: {  	[hbm4b:s4+s2] =	stream.linear.scatter [tilespmem:s11], [sflag:$0x3], $0x8000, $0x38;
	[tilespmem:$0x11400] =	vst v63  }
0x12d: {  	v3 =	vld [tilespmem:s16+$0xFFFFFF90];
	_ =	sdelay $0x4  }
0x12e: {  	v56 =	vshll.u32 v3, $0x1  }
0x12f: {  	v3 =	vand.u32 $0x7, v3;
	v4 =	vand.u32 $0xFFFFFFF0, v56  }
0x130: {  	v3 =	vor.u32 v3, v4  }
0x131: {  	v4 =	vperm.xlane v3, v0;
	_ =	sdelay $0x1  }
0x132: {  	v3 =	vperm.xlane v3, v2;
	v4 =	vadd.s32 v1, v4;
	_ =	sdelay $0x1  }
0x133: {  	v3 =	vadd.s32 v1, v3;
	_ =	sdelay $0x2  }
0x134: {  	[tilespmem:s29], [sflag:$0x2] =	stream.indirect_vreg.gather [hbm4b:s3+s2], $0x80, v4, vm0, $0xb8;
	[tilespmem:$0x11400] =	vst v63  }
0x135: {  	s17 =	simm.s32 $0x9C00  }
0x136: {  	[tilespmem:s17], [sflag:$0x2] =	stream.indirect_vreg.gather [hbm4b:s3+s2], $0x80, v3, vm0, $0xb8;
	[tilespmem:$0x11400] =	vst v63  }
0x137: {  	v3 =	vld [tilespmem:s16+$0xFFFFFFA0];
	_ =	sdelay $0x4  }
0x138: {  	v57 =	vshll.u32 v3, $0x1  }
0x139: {  	v3 =	vand.u32 $0x7, v3;
	v4 =	vand.u32 $0xFFFFFFF0, v57  }
0x13a: {  	v3 =	vor.u32 v3, v4  }
0x13b: {  	v4 =	vperm.xlane v3, v0;
	_ =	sdelay $0x1  }
0x13c: {  	v3 =	vperm.xlane v3, v2;
	v4 =	vadd.s32 v1, v4;
	_ =	sdelay $0x1  }
0x13d: {  	v3 =	vadd.s32 v1, v3;
	_ =	sdelay $0x2  }
0x13e: {  	[tilespmem:s5], [sflag:$0x2] =	stream.indirect_vreg.gather [hbm4b:s3+s2], $0x80, v4, vm0, $0xb8;
	[tilespmem:$0x11400] =	vst v63  }
0x13f: {  	_ = 	snop  }
0x140: {  	[tilespmem:s18], [sflag:$0x2] =	stream.indirect_vreg.gather [hbm4b:s3+s2], $0x80, v3, vm0, $0xb8;
	[tilespmem:$0x11400] =	vst v63  }
0x141: {  	v3 =	vld [tilespmem:s16+$0xFFFFFFB0];
	_ =	sdelay $0x4  }
0x142: {  	v58 =	vshll.u32 v3, $0x1  }
0x143: {  	v3 =	vand.u32 $0x7, v3;
	v4 =	vand.u32 $0xFFFFFFF0, v58  }
0x144: {  	v3 =	vor.u32 v3, v4  }
0x145: {  	v4 =	vperm.xlane v3, v0;
	_ =	sdelay $0x1  }
0x146: {  	v3 =	vperm.xlane v3, v2;
	v4 =	vadd.s32 v1, v4;
	_ =	sdelay $0x1  }
0x147: {  	v3 =	vadd.s32 v1, v3;
	_ =	sdelay $0x1  }
0x148: {  	s6 =	simm.s32 $0xB400  }
0x149: {  	[tilespmem:s6], [sflag:$0x2] =	stream.indirect_vreg.gather [hbm4b:s3+s2], $0x80, v4, vm0, $0xb8;
	[tilespmem:$0x11400] =	vst v63  }
0x14a: {  	_ = 	snop  }
0x14b: {  	[tilespmem:s19], [sflag:$0x2] =	stream.indirect_vreg.gather [hbm4b:s3+s2], $0x80, v3, vm0, $0xb8;
	[tilespmem:$0x11400] =	vst v63  }
0x14c: {  	v3 =	vld [tilespmem:s16+$0xFFFFFFC0];
	_ =	sdelay $0x4  }
0x14d: {  	v59 =	vshll.u32 v3, $0x1  }
0x14e: {  	v3 =	vand.u32 $0x7, v3;
	v4 =	vand.u32 $0xFFFFFFF0, v59  }
0x14f: {  	v3 =	vor.u32 v3, v4  }
0x150: {  	v4 =	vperm.xlane v3, v0;
	_ =	sdelay $0x1  }
0x151: {  	v3 =	vperm.xlane v3, v2;
	v4 =	vadd.s32 v1, v4;
	_ =	sdelay $0x1  }
0x152: {  	v3 =	vadd.s32 v1, v3;
	_ =	sdelay $0x1  }
0x153: {  	s7 =	simm.s32 $0xC400  }
0x154: {  	[tilespmem:s7], [sflag:$0x2] =	stream.indirect_vreg.gather [hbm4b:s3+s2], $0x80, v4, vm0, $0xb8;
	[tilespmem:$0x11400] =	vst v63  }
0x155: {  	_ = 	snop  }
0x156: {  	[tilespmem:s20], [sflag:$0x2] =	stream.indirect_vreg.gather [hbm4b:s3+s2], $0x80, v3, vm0, $0xb8;
	[tilespmem:$0x11400] =	vst v63  }
0x157: {  	v3 =	vld [tilespmem:s16+$0xFFFFFFD0];
	_ =	sdelay $0x4  }
0x158: {  	v60 =	vshll.u32 v3, $0x1  }
0x159: {  	v3 =	vand.u32 $0x7, v3;
	v4 =	vand.u32 $0xFFFFFFF0, v60  }
0x15a: {  	v3 =	vor.u32 v3, v4  }
0x15b: {  	v4 =	vperm.xlane v3, v0;
	_ =	sdelay $0x1  }
0x15c: {  	v3 =	vperm.xlane v3, v2;
	v4 =	vadd.s32 v1, v4;
	_ =	sdelay $0x1  }
0x15d: {  	v3 =	vadd.s32 v1, v3;
	_ =	sdelay $0x1  }
0x15e: {  	s8 =	simm.s32 $0xD400  }
0x15f: {  	[tilespmem:s8], [sflag:$0x2] =	stream.indirect_vreg.gather [hbm4b:s3+s2], $0x80, v4, vm0, $0xb8;
	[tilespmem:$0x11400] =	vst v63  }
0x160: {  	_ = 	snop  }
0x161: {  	[tilespmem:s21], [sflag:$0x2] =	stream.indirect_vreg.gather [hbm4b:s3+s2], $0x80, v3, vm0, $0xb8;
	[tilespmem:$0x11400] =	vst v63  }
0x162: {  	v3 =	vld [tilespmem:s16+$0xFFFFFFE0];
	_ =	sdelay $0x4  }
0x163: {  	v61 =	vshll.u32 v3, $0x1  }
0x164: {  	v3 =	vand.u32 $0x7, v3;
	v4 =	vand.u32 $0xFFFFFFF0, v61  }
0x165: {  	v3 =	vor.u32 v3, v4  }
0x166: {  	v4 =	vperm.xlane v3, v0;
	_ =	sdelay $0x1  }
0x167: {  	v3 =	vperm.xlane v3, v2;
	v4 =	vadd.s32 v1, v4;
	_ =	sdelay $0x1  }
0x168: {  	v3 =	vadd.s32 v1, v3;
	_ =	sdelay $0x1  }
0x169: {  	s9 =	simm.s32 $0xE400  }
0x16a: {  	[tilespmem:s9], [sflag:$0x2] =	stream.indirect_vreg.gather [hbm4b:s3+s2], $0x80, v4, vm0, $0xb8;
	[tilespmem:$0x11400] =	vst v63  }
0x16b: {  	_ = 	snop  }
0x16c: {  	[tilespmem:s10], [sflag:$0x2] =	stream.indirect_vreg.gather [hbm4b:s3+s2], $0x80, v3, vm0, $0xb8;
	[tilespmem:$0x11400] =	vst v63  }
0x16d: {  	v3 =	vld [tilespmem:s16+$0xFFFFFFF0];
	_ =	sdelay $0x4  }
0x16e: {  	v62 =	vshll.u32 v3, $0x1  }
0x16f: {  	v3 =	vand.u32 $0x7, v3;
	v4 =	vand.u32 $0xFFFFFFF0, v62  }
0x170: {  	v3 =	vor.u32 v3, v4  }
0x171: {  	v4 =	vperm.xlane v3, v0;
	_ =	sdelay $0x1  }
0x172: {  	v3 =	vperm.xlane v3, v2;
	v4 =	vadd.s32 v1, v4;
	_ =	sdelay $0x1  }
0x173: {  	v3 =	vadd.s32 v1, v3;
	_ =	sdelay $0x2  }
0x174: {  	[tilespmem:s30], [sflag:$0x2] =	stream.indirect_vreg.gather [hbm4b:s3+s2], $0x80, v4, vm0, $0xb8;
	[tilespmem:$0x11400] =	vst v63  }
0x175: {  	_ = 	snop  }
0x176: {  	[tilespmem:s12], [sflag:$0x2] =	stream.indirect_vreg.gather [hbm4b:s3+s2], $0x80, v3, vm0, $0xb8;
	[tilespmem:$0x11400] =	vst v63  }
0x177: {  	v3 =	vld [tilespmem:s16+$0x0];
	_ =	sdelay $0x4  }
0x178: {  	v63 =	vshll.u32 v3, $0x1  }
0x179: {  	v3 =	vand.u32 $0x7, v3;
	v4 =	vand.u32 $0xFFFFFFF0, v63  }
0x17a: {  	v3 =	vor.u32 v3, v4  }
0x17b: {  	v4 =	vperm.xlane v3, v0;
	_ =	sdelay $0x1  }
0x17c: {  	v3 =	vperm.xlane v3, v2;
	v4 =	vadd.s32 v1, v4;
	_ =	sdelay $0x1  }
0x17d: {  	p0 =	sne.s32 s0, $0xFFFFE000;
	v3 =	vadd.s32 v1, v3  }
.Ltmp0:
0x17e: {  	_ = 	snop;
	(pc) =	sbr.rel @p0 .LBB2_2-.Ltmp0, $4  }
0x17f: {  	_ = 	snop  }
0x180: {  	[tilespmem:s13], [sflag:$0x2] =	stream.indirect_vreg.gather [hbm4b:s3+s2], $0x80, v4, vm0, $0xb8;
	[tilespmem:$0x11400] =	vst v63  }
0x181: {  	s0 =	sadd.s32 $0x2000, s0;
	s16 =	sadd.s32 $0x100, s16  }
0x182: {  	[tilespmem:s31], [sflag:$0x2] =	stream.indirect_vreg.gather [hbm4b:s3+s2], $0x80, v3, vm0, $0xb8;
	[tilespmem:$0x11400] =	vst v63  }
0x183: {  	_ =	swait.ge [sflag:s14], $0x8000  }
0x184: {  	[sflag:s14] =	ssyncset.done $0x0  }
0x185: {  	[sflag:s14] =	ssyncadd.s32 $0xFFFF8000  }
0x186: {  	_ =	swait.ge [sflag:s1], $0x8000  }
0x187: {  	[sflag:s1] =	ssyncset.done $0x0  }
0x188: {  	s0 =	rddreg [dreg:$0x5];
	[sflag:s1] =	ssyncadd.s32 $0xFFFF8000  }
0x189: {  	[hbm4b:s0+s2] =	stream.linear.scatter [tilespmem:s29], [sflag:$0x4], $0x8000, $0x38;
	[tilespmem:$0x11400] =	vst v63  }
0x18a: {  	v3 =	vld [tilespmem:$0x1300];
	_ =	sdelay $0x4  }
0x18b: {  	v4 =	vshll.u32 v3, $0x1  }
0x18c: {  	v3 =	vand.u32 $0x7, v3;
	v4 =	vand.u32 $0xFFFFFFF0, v4  }
0x18d: {  	v3 =	vor.u32 v3, v4  }
0x18e: {  	v4 =	vperm.xlane v3, v0;
	_ =	sdelay $0x1  }
0x18f: {  	v3 =	vperm.xlane v3, v2;
	v4 =	vadd.s32 v1, v4;
	_ =	sdelay $0x1  }
0x190: {  	v3 =	vadd.s32 v1, v3;
	_ =	sdelay $0x2  }
0x191: {  	[tilespmem:s11], [sflag:$0x1] =	stream.indirect_vreg.gather [hbm4b:s3+s2], $0x80, v4, vm0, $0xb8;
	[tilespmem:$0x11400] =	vst v63  }
0x192: {  	s4 =	simm.s32 $0x1C00  }
0x193: {  	[tilespmem:s4], [sflag:$0x1] =	stream.indirect_vreg.gather [hbm4b:s3+s2], $0x80, v3, vm0, $0xb8;
	[tilespmem:$0x11400] =	vst v63  }
0x194: {  	v3 =	vld [tilespmem:$0x1310];
	_ =	sdelay $0x4  }
0x195: {  	v56 =	vshll.u32 v3, $0x1  }
0x196: {  	v3 =	vand.u32 $0x7, v3;
	v4 =	vand.u32 $0xFFFFFFF0, v56  }
0x197: {  	v3 =	vor.u32 v3, v4  }
0x198: {  	v4 =	vperm.xlane v3, v0;
	_ =	sdelay $0x1  }
0x199: {  	v3 =	vperm.xlane v3, v2;
	v4 =	vadd.s32 v1, v4;
	_ =	sdelay $0x1  }
0x19a: {  	v3 =	vadd.s32 v1, v3;
	_ =	sdelay $0x1  }
0x19b: {  	s5 =	simm.s32 $0x2400  }
0x19c: {  	[tilespmem:s5], [sflag:$0x1] =	stream.indirect_vreg.gather [hbm4b:s3+s2], $0x80, v4, vm0, $0xb8;
	[tilespmem:$0x11400] =	vst v63  }
0x19d: {  	s16 =	simm.s32 $0x2C00  }
0x19e: {  	[tilespmem:s16], [sflag:$0x1] =	stream.indirect_vreg.gather [hbm4b:s3+s2], $0x80, v3, vm0, $0xb8;
	[tilespmem:$0x11400] =	vst v63  }
0x19f: {  	v3 =	vld [tilespmem:$0x1320];
	_ =	sdelay $0x4  }
0x1a0: {  	v57 =	vshll.u32 v3, $0x1  }
0x1a1: {  	v3 =	vand.u32 $0x7, v3;
	v4 =	vand.u32 $0xFFFFFFF0, v57  }
0x1a2: {  	v3 =	vor.u32 v3, v4  }
0x1a3: {  	v4 =	vperm.xlane v3, v0;
	_ =	sdelay $0x1  }
0x1a4: {  	v3 =	vperm.xlane v3, v2;
	v4 =	vadd.s32 v1, v4;
	_ =	sdelay $0x1  }
0x1a5: {  	v3 =	vadd.s32 v1, v3;
	_ =	sdelay $0x1  }
0x1a6: {  	s18 =	simm.s32 $0x3400  }
0x1a7: {  	[tilespmem:s18], [sflag:$0x1] =	stream.indirect_vreg.gather [hbm4b:s3+s2], $0x80, v4, vm0, $0xb8;
	[tilespmem:$0x11400] =	vst v63  }
0x1a8: {  	s19 =	simm.s32 $0x3C00  }
0x1a9: {  	[tilespmem:s19], [sflag:$0x1] =	stream.indirect_vreg.gather [hbm4b:s3+s2], $0x80, v3, vm0, $0xb8;
	[tilespmem:$0x11400] =	vst v63  }
0x1aa: {  	v3 =	vld [tilespmem:$0x1330];
	_ =	sdelay $0x4  }
0x1ab: {  	v58 =	vshll.u32 v3, $0x1  }
0x1ac: {  	v3 =	vand.u32 $0x7, v3;
	v4 =	vand.u32 $0xFFFFFFF0, v58  }
0x1ad: {  	v3 =	vor.u32 v3, v4  }
0x1ae: {  	v4 =	vperm.xlane v3, v0;
	_ =	sdelay $0x1  }
0x1af: {  	v3 =	vperm.xlane v3, v2;
	v4 =	vadd.s32 v1, v4;
	_ =	sdelay $0x1  }
0x1b0: {  	v3 =	vadd.s32 v1, v3;
	_ =	sdelay $0x1  }
0x1b1: {  	s20 =	simm.s32 $0x4400  }
0x1b2: {  	[tilespmem:s20], [sflag:$0x1] =	stream.indirect_vreg.gather [hbm4b:s3+s2], $0x80, v4, vm0, $0xb8;
	[tilespmem:$0x11400] =	vst v63  }
0x1b3: {  	s21 =	simm.s32 $0x4C00  }
0x1b4: {  	[tilespmem:s21], [sflag:$0x1] =	stream.indirect_vreg.gather [hbm4b:s3+s2], $0x80, v3, vm0, $0xb8;
	[tilespmem:$0x11400] =	vst v63  }
0x1b5: {  	v3 =	vld [tilespmem:$0x1340];
	_ =	sdelay $0x4  }
0x1b6: {  	v59 =	vshll.u32 v3, $0x1  }
0x1b7: {  	v3 =	vand.u32 $0x7, v3;
	v4 =	vand.u32 $0xFFFFFFF0, v59  }
0x1b8: {  	v3 =	vor.u32 v3, v4  }
0x1b9: {  	v4 =	vperm.xlane v3, v0;
	_ =	sdelay $0x1  }
0x1ba: {  	v3 =	vperm.xlane v3, v2;
	v4 =	vadd.s32 v1, v4;
	_ =	sdelay $0x1  }
0x1bb: {  	v3 =	vadd.s32 v1, v3;
	_ =	sdelay $0x1  }
0x1bc: {  	s4 =	simm.s32 $0x5400  }
0x1bd: {  	[tilespmem:s4], [sflag:$0x1] =	stream.indirect_vreg.gather [hbm4b:s3+s2], $0x80, v4, vm0, $0xb8;
	[tilespmem:$0x11400] =	vst v63  }
0x1be: {  	s5 =	simm.s32 $0x5C00  }
0x1bf: {  	[tilespmem:s5], [sflag:$0x1] =	stream.indirect_vreg.gather [hbm4b:s3+s2], $0x80, v3, vm0, $0xb8;
	[tilespmem:$0x11400] =	vst v63  }
0x1c0: {  	v3 =	vld [tilespmem:$0x1350];
	_ =	sdelay $0x4  }
0x1c1: {  	v60 =	vshll.u32 v3, $0x1  }
0x1c2: {  	v3 =	vand.u32 $0x7, v3;
	v4 =	vand.u32 $0xFFFFFFF0, v60  }
0x1c3: {  	v3 =	vor.u32 v3, v4  }
0x1c4: {  	v4 =	vperm.xlane v3, v0;
	_ =	sdelay $0x1  }
0x1c5: {  	v3 =	vperm.xlane v3, v2;
	v4 =	vadd.s32 v1, v4;
	_ =	sdelay $0x1  }
0x1c6: {  	v3 =	vadd.s32 v1, v3;
	_ =	sdelay $0x1  }
0x1c7: {  	s16 =	simm.s32 $0x6400  }
0x1c8: {  	[tilespmem:s16], [sflag:$0x1] =	stream.indirect_vreg.gather [hbm4b:s3+s2], $0x80, v4, vm0, $0xb8;
	[tilespmem:$0x11400] =	vst v63  }
0x1c9: {  	_ = 	snop  }
0x1ca: {  	[tilespmem:s22], [sflag:$0x1] =	stream.indirect_vreg.gather [hbm4b:s3+s2], $0x80, v3, vm0, $0xb8;
	[tilespmem:$0x11400] =	vst v63  }
0x1cb: {  	v3 =	vld [tilespmem:$0x1360];
	_ =	sdelay $0x4  }
0x1cc: {  	v61 =	vshll.u32 v3, $0x1  }
0x1cd: {  	v3 =	vand.u32 $0x7, v3;
	v4 =	vand.u32 $0xFFFFFFF0, v61  }
0x1ce: {  	v3 =	vor.u32 v3, v4  }
0x1cf: {  	v4 =	vperm.xlane v3, v0;
	_ =	sdelay $0x1  }
0x1d0: {  	v3 =	vperm.xlane v3, v2;
	v4 =	vadd.s32 v1, v4;
	_ =	sdelay $0x1  }
0x1d1: {  	v3 =	vadd.s32 v1, v3;
	_ =	sdelay $0x2  }
0x1d2: {  	[tilespmem:s23], [sflag:$0x1] =	stream.indirect_vreg.gather [hbm4b:s3+s2], $0x80, v4, vm0, $0xb8;
	[tilespmem:$0x11400] =	vst v63  }
0x1d3: {  	_ = 	snop  }
0x1d4: {  	[tilespmem:s24], [sflag:$0x1] =	stream.indirect_vreg.gather [hbm4b:s3+s2], $0x80, v3, vm0, $0xb8;
	[tilespmem:$0x11400] =	vst v63  }
0x1d5: {  	v3 =	vld [tilespmem:$0x1370];
	_ =	sdelay $0x4  }
0x1d6: {  	v62 =	vshll.u32 v3, $0x1  }
0x1d7: {  	v3 =	vand.u32 $0x7, v3;
	v4 =	vand.u32 $0xFFFFFFF0, v62  }
0x1d8: {  	v3 =	vor.u32 v3, v4  }
0x1d9: {  	v4 =	vperm.xlane v3, v0;
	_ =	sdelay $0x1  }
0x1da: {  	v3 =	vperm.xlane v3, v2;
	v4 =	vadd.s32 v1, v4;
	_ =	sdelay $0x1  }
0x1db: {  	v3 =	vadd.s32 v1, v3;
	_ =	sdelay $0x2  }
0x1dc: {  	[tilespmem:s25], [sflag:$0x1] =	stream.indirect_vreg.gather [hbm4b:s3+s2], $0x80, v4, vm0, $0xb8;
	[tilespmem:$0x11400] =	vst v63  }
0x1dd: {  	_ = 	snop  }
0x1de: {  	[tilespmem:s26], [sflag:$0x1] =	stream.indirect_vreg.gather [hbm4b:s3+s2], $0x80, v3, vm0, $0xb8;
	[tilespmem:$0x11400] =	vst v63  }
0x1df: {  	_ =	swait.ge [sflag:s28], $0x8000  }
0x1e0: {  	[sflag:s28] =	ssyncset.done $0x0  }
0x1e1: {  	s18 =	rddreg [dreg:$0x6];
	[sflag:s28] =	ssyncadd.s32 $0xFFFF8000  }
0x1e2: {  	[hbm4b:s18+s2] =	stream.linear.scatter [tilespmem:s11], [sflag:$0x3], $0x8000, $0x38;
	[tilespmem:$0x11400] =	vst v63  }
0x1e3: {  	_ =	swait.ge [sflag:s15], $0x8000  }
0x1e4: {  	[sflag:s15] =	ssyncset.done $0x0  }
0x1e5: {  	[sflag:s15] =	ssyncadd.s32 $0xFFFF8000  }
0x1e6: {  	v3 =	vld.msk [tilespmem:$0x1380], $0xff;
	_ =	sdelay $0x4  }
0x1e7: {  	v63 =	vshll.u32 v3, $0x1  }
0x1e8: {  	v3 =	vand.u32 $0x7, v3;
	v4 =	vand.u32 $0xFFFFFFF0, v63  }
0x1e9: {  	v3 =	vor.u32 v3, v4  }
0x1ea: {  	v3 =	vperm.xlane v3, v0;
	_ =	sdelay $0x1  }
0x1eb: {  	v3 =	vadd.s32 v1, v3;
	_ =	sdelay $0x4  }
0x1ec: {  	[tilespmem:s29], [sflag:$0x2] =	stream.indirect_vreg.gather [hbm4b:s3+s2], $0x80, v3, vm0, $0xb8;
	[tilespmem:$0x11400] =	vst v63  }
0x1ed: {  	_ =	swait.ge [sflag:s1], $0x800  }
0x1ee: {  	[sflag:s1] =	ssyncset.done $0x0  }
0x1ef: {  	s4 =	simm.s32 $0x5;
	s19 =	rddreg [dreg:$0x7];
	[sflag:s1] =	ssyncadd.s32 $0xFFFFF800  }
0x1f0: {  	[hbm4b:s19+s2] =	stream.linear.scatter [tilespmem:s29], [sflag:$0x5], $0x800, $0x38;
	[tilespmem:$0x11400] =	vst v63  }
0x1f1: {  	_ =	swait.ge [sflag:s4], $0x800  }
0x1f2: {  	[sflag:s4] =	ssyncset.done $0x0  }
0x1f3: {  	[sflag:s4] =	ssyncadd.s32 $0xFFFFF800  }
0x1f4: {  	_ =	swait.ge [sflag:s14], $0x8000  }
0x1f5: {  	s21 =	rddreg [dreg:$0x9]  }
0x1f6: {  	s20 =	rddreg [dreg:$0x8];
	s21 =	sadd.s32 $0x1, s21  }
0x1f7: {  	p0 =	sne.s32 s21, s20  }
.Ltmp1:
0x1f8: {  	_ = 	snop;
	(pc) =	sbr.rel @p0 .LBB2_1-.Ltmp1, $4  }
0x1f9: {  	_ = 	snop  }
0x1fa: {  	s5 =	simm.s32 $0xA400  }
0x1fb: {  	s16 =	simm.s32 $0xAC00;
	s18 =	simm.s32 $0xBC00;
	[sflag:s14] =	ssyncset.done $0x0  }
0x1fc: {  	s19 =	simm.s32 $0xCC00;
	[sflag:s14] =	ssyncadd.s32 $0xFFFF8000;
	s20 =	simm.s32 $0xDC00  }
0x1fd: {  	_ =	sfence.sel $0x180000  }
0x1fe: {  	[bflag:$0x0] =	sbarrier.arrive $0xFFFF  }
0x1ff: {  	_ =	strace $0x90000050  }
0x200: {  	s0 =	stileid.u32;
	[bflag:$0x2] =	sbarrier.arrive $0xFFFF  }
0x201: {  	p0 =	sne.s32 s0, $0x0;
	s0 =	rddreg [dreg:$0x1]  }
0x202: {  	s0 =	sadd.s32 @!p0 $0x100000, s0  }
0x203: {  	[sflag:s0] =	ssyncadd.tile.s32 @!p0 $0x1;
	_ =	shalt  }
.Lfunc_end2:
_tile_overlayer_lowered:
.L_overlay_start_2:
0x204: {  	(tag) =	ssettag $0x2  }
0x205: {  	s0 =	rddreg [dreg:$0x0];
	s2 =	stileid.u32  }
0x206: {  	s1 =	rddreg [dreg:$0x1];
	p0 =	sne.s32 s2, $0x0  }
0x207: {  	s3 =	rddreg [dreg:$0x2];
	[bflag:$0x3] =	sbarrier.arrive $0xFFFF;
	s2 =	simm.s32 @!p0 $0x1C05  }
0x208: {  	[timem:s3], [sflag:s2] =	dma.local @!p0 [hbm:s0], s1  }
0x209: {  	s0 =	simm.s32 @!p0 $0x5  }
0x20a: {  	_ =	swait.ge @!p0 [sflag:s0], s1  }
0x20b: {  	s1 =	ssub.s32 @!p0 $0x0, s1;
	[sflag:s0] =	ssyncset.done @!p0 $0x0  }
0x20c: {  	[sflag:s0] =	ssyncadd.s32 @!p0 s1  }
0x20d: {  	[bflag:$0x3] =	sbarrier.arrive $0xFFFF  }
0x20e: {  	_ =	shalt  }

// kernel: kernel.22.cloned.1.call-start
scs
__scs_entry_jumppad:
0x0: {  	(pc) =	sbr.rel $0x88, $3  }
0x1: {  	(tag) =	ssettag $0x0;
	lr =	simm.s32 $0x1  }
0x2: {  	[smem:$0x3F97] =	sst lr;
	_ =	strace $0xD0000000  }
0x3: {  	_ = 	snop  }
0x4: {  	_ = 	snop  }
0x5: {  	_ = 	snop  }
0x6: {  	_ = 	snop  }
0x7: {  	_ = 	snop  }
__scs_overlays_trampoline_lowered:
0x8: {  	[smem:$0x3FA6] =	sst s0  }
0x9: {  	[smem:$0x3FA7] =	sst s1  }
0xa: {  	[smem:$0x3FA8] =	sst s2  }
0xb: {  	[smem:$0x3FA9] =	sst s3  }
0xc: {  	[smem:$0x3FAA] =	sst s4  }
0xd: {  	[smem:$0x3FAB] =	sst s5  }
0xe: {  	[smem:$0x3FAC] =	sst s6  }
0xf: {  	[smem:$0x3FAD] =	sst s7  }
0x10: {  	[smem:$0x3FAE] =	sst s8  }
0x11: {  	[smem:$0x3FAF] =	sst s9;
	s0 =	simm.s32 @!p0 $0x0  }
0x12: {  	s1 =	sld [smem:$0x3F95];
	s0 =	simm.s32 @p0 $0x1  }
0x13: {  	[smem:$0x3FB0] =	sst s0;
	s0 =	simm.s32 @!p1 $0x0  }
0x14: {  	s2 =	sld [smem:$0x3F94];
	s0 =	simm.s32 @p1 $0x1  }
0x15: {  	[smem:$0x3FB1] =	sst s0;
	s0 =	simm.s32 @!p2 $0x0  }
0x16: {  	s3 =	sld [smem:$0x3FDB];
	s0 =	simm.s32 @p2 $0x1  }
0x17: {  	s4 =	simm.s32 $0x1BF5;
	[smem:$0x3FB3] =	sst s0  }
0x18: {  	s0 =	sld [smem:$0x3F96];
	_ =	swait.ge [sflag:s4], $0x0  }
0x19: {  	s7 =	sld [smem:$0x3F97]  }
0x1a: {  	s8 =	sadd.s32 $0xFFFFE003, lr  }
0x1b: {  	s9 =	sadd.s32 $0xFFFFFEF7, lr;
	s5 =	simm.s32 $0xFFFFFFFF;
	p2 =	slt.u32 s8, $0xFFFFF086  }
0x1c: {  	p1 =	slt.u32 s9, $0xF7A;
	s5 =	simm.s32 @!p2 $0x0  }
0x1d: {  	s5 =	simm.s32 @p1 $0x1;
	p0 =	seq.s32 s7, s2  }
0x1e: {  	s7 =	smul.u32 @!p0 $0xF7A, s2;
	p2 =	seq.s32 @!p0 s5, $0x0  }
0x1f: {  	s9 =	smul.u32 $0xF7A, s1;
	s8 =	simm.s32 @!p0 $0x1BF5;
	p2 =	por !p2, p0  }
0x20: {  	[sflag:s8] =	ssyncset.s32 @!p0 $0xFFFFF086;
	s6 =	sadd.s32 @!p0 s3, s7;
	s7 =	simm.s32 @!p0 $0x108  }
0x21: {  	s3 =	sadd.s32 s3, s9;
	s6 =	sadd.s32 @!p0 $0x88, s6;
	s7 =	simm.s32 @p2 $0x1082  }
0x22: {  	[simem:s7], [sflag:s8] =	dma.local @!p0 [hbm:s6], $0xF7A  }
0x23: {  	s9 =	sor.u32 $0xD0000000, s2;
	s6 =	simm.s32 $0x108;
	_ =	swait.ge @!p0 [sflag:s8], $0x0  }
0x24: {  	s3 =	sadd.s32 $0x88, s3;
	s6 =	simm.s32 @!p1 $0x1082;
	[sflag:s4] =	ssyncset.s32 $0xFFFFF086  }
0x25: {  	[simem:s6], [sflag:s4] =	dma.local [hbm:s3], $0xF7A  }
0x26: {  	[smem:$0x3F97] =	sst s1;
	(tag) =	ssettag s2;
	_ =	strace s9  }
0x27: {  	s1 =	sld [smem:$0x3FA7]  }
0x28: {  	s2 =	sld [smem:$0x3FA8]  }
0x29: {  	s4 =	sld [smem:$0x3FAA]  }
0x2a: {  	p0 =	seq.s32 s5, $0x0;
	s5 =	sld [smem:$0x3FAB]  }
0x2b: {  	s6 =	sld [smem:$0x3FAC]  }
0x2c: {  	s7 =	sld [smem:$0x3FAD]  }
0x2d: {  	s3 =	simm.s32 $0x108;
	s8 =	sld [smem:$0x3FAE]  }
0x2e: {  	s3 =	simm.s32 @!p0 $0x1082;
	s9 =	sld [smem:$0x3FAF]  }
0x2f: {  	lr =	sadd.s32 s0, s3;
	s0 =	sld [smem:$0x3FA6]  }
0x30: {  	s3 =	sld [smem:$0x3FA9]  }
0x31: {  	[smem:$0x3FB2] =	sst s10  }
0x32: {  	s10 =	sld [smem:$0x3FB0];
	_ =	sdelay $0x3  }
0x33: {  	p0 =	seq.s32 s10, $0x1;
	s10 =	sld [smem:$0x3FB2];
	_ =	sdelay $0x3  }
0x34: {  	[smem:$0x3FB2] =	sst s10  }
0x35: {  	s10 =	sld [smem:$0x3FB1];
	_ =	sdelay $0x3  }
0x36: {  	p1 =	seq.s32 s10, $0x1;
	s10 =	sld [smem:$0x3FB2];
	_ =	sdelay $0x3  }
0x37: {  	[smem:$0x3FB2] =	sst s10  }
0x38: {  	s10 =	sld [smem:$0x3FB3]  }
0x39: {  	_ = 	snop;
	(pc) =	sbr.ind lr, $3  }
0x3a: {  	_ = 	snop  }
0x3b: {  	_ = 	snop  }
0x3c: {  	p2 =	seq.s32 s10, $0x1;
	s10 =	sld [smem:$0x3FB2]  }
0x3d: {  	_ =	shalt  }
0x3e: {  	_ =	shalt  }
0x3f: {  	_ =	shalt  }
0x40: {  	_ =	shalt  }
0x41: {  	_ =	shalt  }
0x42: {  	_ =	shalt  }
0x43: {  	_ =	shalt  }
0x44: {  	_ =	shalt  }
0x45: {  	_ =	shalt  }
0x46: {  	_ =	shalt  }
0x47: {  	_ =	shalt  }
0x48: {  	_ =	shalt  }
0x49: {  	_ =	shalt  }
0x4a: {  	_ =	shalt  }
0x4b: {  	_ =	shalt  }
0x4c: {  	_ =	shalt  }
0x4d: {  	_ =	shalt  }
0x4e: {  	_ =	shalt  }
0x4f: {  	_ =	shalt  }
0x50: {  	_ =	shalt  }
0x51: {  	_ =	shalt  }
0x52: {  	_ =	shalt  }
0x53: {  	_ =	shalt  }
0x54: {  	_ =	shalt  }
0x55: {  	_ =	shalt  }
0x56: {  	_ =	shalt  }
0x57: {  	_ =	shalt  }
0x58: {  	_ =	shalt  }
0x59: {  	_ =	shalt  }
0x5a: {  	_ =	shalt  }
0x5b: {  	_ =	shalt  }
0x5c: {  	_ =	shalt  }
0x5d: {  	_ =	shalt  }
0x5e: {  	_ =	shalt  }
0x5f: {  	_ =	shalt  }
0x60: {  	_ =	shalt  }
0x61: {  	_ =	shalt  }
0x62: {  	_ =	shalt  }
0x63: {  	_ =	shalt  }
0x64: {  	_ =	shalt  }
0x65: {  	_ =	shalt  }
0x66: {  	_ =	shalt  }
0x67: {  	_ =	shalt  }
0x68: {  	_ =	shalt  }
0x69: {  	_ =	shalt  }
0x6a: {  	_ =	shalt  }
0x6b: {  	_ =	shalt  }
0x6c: {  	_ =	shalt  }
0x6d: {  	_ =	shalt  }
0x6e: {  	_ =	shalt  }
0x6f: {  	_ =	shalt  }
0x70: {  	_ =	shalt  }
0x71: {  	_ =	shalt  }
0x72: {  	_ =	shalt  }
0x73: {  	_ =	shalt  }
0x74: {  	_ =	shalt  }
0x75: {  	_ =	shalt  }
0x76: {  	_ =	shalt  }
0x77: {  	_ =	shalt  }
0x78: {  	_ =	shalt  }
0x79: {  	_ =	shalt  }
0x7a: {  	_ =	shalt  }
0x7b: {  	_ =	shalt  }
0x7c: {  	_ =	shalt  }
0x7d: {  	_ =	shalt  }
0x7e: {  	_ =	shalt  }
0x7f: {  	_ =	shalt  }
0x80: {  	_ =	shalt  }
0x81: {  	_ =	shalt  }
0x82: {  	_ =	shalt  }
0x83: {  	_ =	shalt  }
0x84: {  	_ =	shalt  }
0x85: {  	_ =	shalt  }
0x86: {  	_ =	shalt  }
0x87: {  	_ =	shalt  }
.Lfunc_end0:
.L_simem_size_0:
called_computation.4_lowered:
.L_overlay_start_0:
0x88: {  	s2 =	sld [smem:$0x3FD9]  }
0x89: {  	s3 =	sld [smem:$0x3FFE];
	_ =	sdelay $0x1  }
0x8a: {  	s1 =	srdreg.scid  }
0x8b: {  	s0 =	sand.u32 $0x1, s1  }
0x8c: {  	s16 =	sshll.u32 s0, $0xA;
	s2 =	sadd.s32 s3, s2  }
0x8d: {  	s2 =	sadd.s32 s2, s16  }
0x8e: {  	[smem:$0x3FBE] =	sst s2  }
0x8f: {  	_ = 	snop  }
0x90: {  	(tm) =	ssettm $0x1  }
0x91: {  	s17 =	sld [smem:$0x3FFB];
	_ =	sdelay $0x3  }
0x92: {  	_ =	strace s17  }
0x93: {  	s2 =	sld [smem:$0x3FFC];
	_ =	sdelay $0x3  }
0x94: {  	_ =	strace s2  }
0x95: {  	s2 =	sld [smem:$0x3FFD];
	_ =	sdelay $0x3  }
0x96: {  	_ =	strace s2  }
0x97: {  	_ =	strace $0x8FFFFFFF  }
0x98: {  	s18 =	sld [smem:$0x3FDB];
	_ =	sdelay $0x1  }
0x99: {  	s19 =	simm.s32 $_scs_section_size  }
0x9a: {  	s4 =	simm.s32 $_size__tile_overlayer_lowered;
	s5 =	simm.s32 $_tile_overlayer_lowered  }
0x9b: {  	s22 =	simm.s32 $0x1BFF;
	s21 =	sshll.u32 s5, $0x1;
	s2 =	sadd.s32 s19, s18  }
0x9c: {  	s6 =	simm.s32 $0x0;
	s20 =	sshll.u32 s4, $0x1;
	s4 =	sadd.s32 s21, s2  }
0x9d: {  	[timem:s6], [sflag:s22] =	dma.local [hbm:s4], s20  }
0x9e: {  	_ =	swait.ge [sflag:s22], s20  }
0x9f: {  	s3 =	ssub.s32 $0x0, s20;
	[sflag:s22] =	ssyncset.done $0x0  }
0xa0: {  	[sflag:s22] =	ssyncadd.s32 s3;
	_ =	sdelay $0x1  }
0xa1: {  	s23 =	simm.s32 $0x1B8B  }
0xa2: {  	_ =	swait.ge [sflag:s23], $0x1  }
0xa3: {  	[sflag:s23] =	ssyncset.done $0x0  }
0xa4: {  	s25 =	simm.s32 $0x1B8E;
	s24 =	sld [smem:$0x3FFE];
	[sflag:s23] =	ssyncadd.s32 $0xFFFFFFFF  }
0xa5: {  	s26 =	simm.s32 $execute0_lowered;
	[smem:$0x3FD2] =	sst s25  }
0xa6: {  	s4 =	sshll.u32 s26, $0x1;
	_ =	strace $0x80000052;
	[dreg:$0x1] =	wrdreg $0xFFFFFFFF  }
0xa7: {  	s28 =	simm.s32 $_size_execute0_lowered;
	s2 =	sadd.s32 s2, s4;
	[dreg:$0x0] =	wrdreg $0x0  }
0xa8: {  	s4 =	sshll.u32 s28, $0x1;
	[dreg:$0x2] =	wrdreg s2  }
0xa9: {  	[dreg:$0x3] =	wrdreg s4  }
0xaa: {  	[dreg:$0x4] =	wrdreg $0xC0  }
0xab: {  	_ =	task [dreg:s6], $0x5FFFF  }
0xac: {  	[dreg:$0x1] =	wrdreg $0xFFFFFFFF  }
0xad: {  	[dreg:$0x0] =	wrdreg $0x60  }
0xae: {  	[dreg:$0x2] =	wrdreg s24  }
0xaf: {  	[dreg:$0x3] =	wrdreg $0x9  }
0xb0: {  	_ =	task.clear_ibuf [dreg:s6], $0x4FFFF;
	_ =	strace $0x90000052  }
0xb1: {  	s29 =	simm.s32 $0x9;
	_ =	strace $0x80000054  }
0xb2: {  	_ =	swait.ge [sflag:s29], $0x1  }
0xb3: {  	[sflag:s29] =	ssyncadd.s32 $0xFFFFFFFF  }
0xb4: {  	_ =	strace $0x90000054  }
0xb5: {  	_ =	sfence  }
0xb6: {  	s30 =	sld [smem:$0x0];
	_ =	sdelay $0x2  }
0xb7: {  	s31 =	sshll.u32 s1, $0xD;
	s1 =	sshrl.u32 s1, $0x2  }
0xb8: {  	s3 =	sand.u32 $0x4000, s31;
	s1 =	sadd.s32 s1, s30  }
0xb9: {  	s0 =	sor.u32 s3, s0;
	s1 =	sshll.u32 s1, $0x11  }
0xba: {  	s0 =	sor.u32 s1, s0  }
0xbb: {  	s0 =	sadd.s32 $0x8F2B, s0  }
0xbc: {  	[sflag:s0] =	ssyncadd.remote.s32 $0x1  }
0xbd: {  	_ =	sfence.sel $0xFFFF  }
0xbe: {  	[dreg:$0x0] =	wrdreg $0xFFFFFFFF;
	(pc) =	sbr.abs _section_cstart, $3  }
0xbf: {  	[dreg:$0x1] =	wrdreg $0xFFFFFFFF  }
0xc0: {  	_ =	task.clear_ibuf [dreg:s6], $0x2FFFF;
	_ =	strace $0x9FFFFFFF  }
0xc1: {  	(tm) =	ssettm $0x7FFFFFFF  }
tec
execute0_lowered:
.L_overlay_start_1:
0x0: {  	(tag) =	ssettag $0x1  }
0x1: {  	s0 =	srdreg.scid  }
0x2: {  	s9 =	stileid.u32;
	s1 =	rddreg [dreg:$0x0]  }
0x3: {  	s2 =	simm.s32 $0x0;
	s11 =	simm.s32 $0x1400;
	s28 =	simm.s32 $0x1  }
0x4: {  	s29 =	simm.s32 $0x9400;
	s17 =	simm.s32 $0x9C00;
	s16 =	simm.s32 $0xAC00  }
0x5: {  	s18 =	simm.s32 $0xBC00;
	s19 =	simm.s32 $0xCC00;
	s20 =	simm.s32 $0xDC00  }
0x6: {  	s10 =	simm.s32 $0xEC00;
	s30 =	simm.s32 $0xF400;
	s12 =	simm.s32 $0xFC00  }
0x7: {  	s13 =	simm.s32 $0x10400;
	s31 =	simm.s32 $0x10C00;
	s14 =	simm.s32 $0x3  }
0x8: {  	s15 =	simm.s32 $0x4;
	s21 =	simm.s32 $0x0;
	s0 =	sand.u32 $0x1, s0  }
0x9: {  	s3 =	sshll.u32 s9, $0x1;
	[smem:$0x7FF] =	sst s2;
	s23 =	smul.u32 $0x4E200, s9  }
0xa: {  	s4 =	sor.u32 s0, s3;
	s6 =	ssub.s32 $0x2, s0;
	s0 =	smul.u32 $0x27100, s0  }
0xb: {  	s9 =	simm.s32 $0xE400;
	_ =	strace $0x80000053;
	s5 =	smul.u32 $0x1388, s4  }
0xc: {  	s3 =	sadd.s32 $0x1A800, s1;
	s7 =	sshrl.u32 s6, $0x1;
	s8 =	smul.u32 $0x138800, s4  }
0xd: {  	s4 =	smul.u32 $0x27100, s4;
	s6 =	ssub.s32 s6, s7;
	s7 =	simm.s32 $0xC400  }
0xe: {  	s5 =	sshrl.u32 s5, $0x3;
	s22 =	sshrl.u32 s8, $0x3;
	s26 =	smax.u32 s6, $0x1  }
0xf: {  	s6 =	simm.s32 $0xB400;
	s8 =	simm.s32 $0xD400;
	s5 =	sadd.s32 s5, s1  }
0x10: {  	s1 =	sadd.s32 $0x68A00, s1;
	[dreg:$0x8] =	wrdreg s26;
	s5 =	sadd.s32 $0x10600, s5  }
0x11: {  	s4 =	sadd.s32 s1, s4;
	s24 =	sadd.s32 s1, s22;
	[dreg:$0x3] =	wrdreg s5  }
0x12: {  	s26 =	simm.s32 $0x8C00;
	[dreg:$0x4] =	wrdreg s4;
	s5 =	sadd.s32 $0x25000, s24  }
0x13: {  	s1 =	sadd.s32 s23, s1;
	s25 =	sadd.s32 $0x26000, s24;
	[dreg:$0x5] =	wrdreg s5  }
0x14: {  	s22 =	simm.s32 $0x6C00;
	s4 =	sadd.s32 $0x27000, s24;
	[dreg:$0x6] =	wrdreg s25  }
0x15: {  	v2 =	vlaneseq.u32;
	s23 =	simm.s32 $0x7400;
	s0 =	sadd.s32 s0, s1;
	[dreg:$0x7] =	wrdreg s4  }
0x16: {  	vm0 =	vmmov $0xffff;
	v1 =	vshrl.u32 v2, $0x3;
	s24 =	simm.s32 $0x7C00;
	s1 =	simm.s32 $0x2;
	[dreg:$0x2] =	wrdreg s0  }
0x17: {  	v0 =	vand.u32 $0x7, v2;
	v2 =	vor.u32 $0x8, v2;
	v1 =	vmul.u32 $0x8, v1;
	s4 =	simm.s32 $0x5;
	s25 =	simm.s32 $0x8400;
	s5 =	simm.s32 $0xA400  }
.LBB2_1:
0x18: {  	[dreg:$0x9] =	wrdreg s21  }
0x19: {  	s0 =	rddreg [dreg:$0x3]  }
0x1a: {  	[tilespmem:s2], [sflag:$0x5] =	stream.linear.gather [hbm4b:s0+s2], $0x1388, $0x38;
	[tilespmem:$0x11400] =	vst v63  }
0x1b: {  	_ =	swait.ge [sflag:s4], $0x1388  }
0x1c: {  	[sflag:s4] =	ssyncset.done $0x0  }
0x1d: {  	[sflag:s4] =	ssyncadd.s32 $0xFFFFEC78  }
0x1e: {  	v3 =	vld [tilespmem:$0x0];
	_ =	sdelay $0x4  }
0x1f: {  	v4 =	vshll.u32 v3, $0x1  }
0x20: {  	v3 =	vand.u32 $0x7, v3;
	v4 =	vand.u32 $0xFFFFFFF0, v4  }
0x21: {  	v3 =	vor.u32 v3, v4  }
0x22: {  	v4 =	vperm.xlane v3, v0;
	_ =	sdelay $0x1  }
0x23: {  	v3 =	vperm.xlane v3, v2;
	v4 =	vadd.s32 v1, v4;
	_ =	sdelay $0x1  }
0x24: {  	v3 =	vadd.s32 v1, v3;
	_ =	sdelay $0x2  }
0x25: {  	[tilespmem:s11], [sflag:$0x1] =	stream.indirect_vreg.gather [hbm4b:s3+s2], $0x80, v4, vm0, $0xb8;
	[tilespmem:$0x11400] =	vst v63  }
0x26: {  	s21 =	simm.s32 $0x1C00  }
0x27: {  	[tilespmem:s21], [sflag:$0x1] =	stream.indirect_vreg.gather [hbm4b:s3+s2], $0x80, v3, vm0, $0xb8;
	[tilespmem:$0x11400] =	vst v63  }
0x28: {  	v3 =	vld [tilespmem:$0x10];
	_ =	sdelay $0x4  }
0x29: {  	v49 =	vshll.u32 v3, $0x1  }
0x2a: {  	v3 =	vand.u32 $0x7, v3;
	v4 =	vand.u32 $0xFFFFFFF0, v49  }
0x2b: {  	v3 =	vor.u32 v3, v4  }
0x2c: {  	v4 =	vperm.xlane v3, v0;
	_ =	sdelay $0x1  }
0x2d: {  	v3 =	vperm.xlane v3, v2;
	v4 =	vadd.s32 v1, v4;
	_ =	sdelay $0x1  }
0x2e: {  	v3 =	vadd.s32 v1, v3;
	_ =	sdelay $0x1  }
0x2f: {  	s4 =	simm.s32 $0x2400  }
0x30: {  	[tilespmem:s4], [sflag:$0x1] =	stream.indirect_vreg.gather [hbm4b:s3+s2], $0x80, v4, vm0, $0xb8;
	[tilespmem:$0x11400] =	vst v63  }
0x31: {  	s21 =	simm.s32 $0x2C00  }
0x32: {  	[tilespmem:s21], [sflag:$0x1] =	stream.indirect_vreg.gather [hbm4b:s3+s2], $0x80, v3, vm0, $0xb8;
	[tilespmem:$0x11400] =	vst v63  }
0x33: {  	v3 =	vld [tilespmem:$0x20];
	_ =	sdelay $0x4  }
0x34: {  	v50 =	vshll.u32 v3, $0x1  }
0x35: {  	v3 =	vand.u32 $0x7, v3;
	v4 =	vand.u32 $0xFFFFFFF0, v50  }
0x36: {  	v3 =	vor.u32 v3, v4  }
0x37: {  	v4 =	vperm.xlane v3, v0;
	_ =	sdelay $0x1  }
0x38: {  	v3 =	vperm.xlane v3, v2;
	v4 =	vadd.s32 v1, v4;
	_ =	sdelay $0x1  }
0x39: {  	v3 =	vadd.s32 v1, v3;
	_ =	sdelay $0x1  }
0x3a: {  	s4 =	simm.s32 $0x3400  }
0x3b: {  	[tilespmem:s4], [sflag:$0x1] =	stream.indirect_vreg.gather [hbm4b:s3+s2], $0x80, v4, vm0, $0xb8;
	[tilespmem:$0x11400] =	vst v63  }
0x3c: {  	s21 =	simm.s32 $0x3C00  }
0x3d: {  	[tilespmem:s21], [sflag:$0x1] =	stream.indirect_vreg.gather [hbm4b:s3+s2], $0x80, v3, vm0, $0xb8;
	[tilespmem:$0x11400] =	vst v63  }
0x3e: {  	v3 =	vld [tilespmem:$0x30];
	_ =	sdelay $0x4  }
0x3f: {  	v51 =	vshll.u32 v3, $0x1  }
0x40: {  	v3 =	vand.u32 $0x7, v3;
	v4 =	vand.u32 $0xFFFFFFF0, v51  }
0x41: {  	v3 =	vor.u32 v3, v4  }
0x42: {  	v4 =	vperm.xlane v3, v0;
	_ =	sdelay $0x1  }
0x43: {  	v3 =	vperm.xlane v3, v2;
	v4 =	vadd.s32 v1, v4;
	_ =	sdelay $0x1  }
0x44: {  	v3 =	vadd.s32 v1, v3;
	_ =	sdelay $0x1  }
0x45: {  	s4 =	simm.s32 $0x4400  }
0x46: {  	[tilespmem:s4], [sflag:$0x1] =	stream.indirect_vreg.gather [hbm4b:s3+s2], $0x80, v4, vm0, $0xb8;
	[tilespmem:$0x11400] =	vst v63  }
0x47: {  	s21 =	simm.s32 $0x4C00  }
0x48: {  	[tilespmem:s21], [sflag:$0x1] =	stream.indirect_vreg.gather [hbm4b:s3+s2], $0x80, v3, vm0, $0xb8;
	[tilespmem:$0x11400] =	vst v63  }
0x49: {  	v3 =	vld [tilespmem:$0x40];
	_ =	sdelay $0x4  }
0x4a: {  	v52 =	vshll.u32 v3, $0x1  }
0x4b: {  	v3 =	vand.u32 $0x7, v3;
	v4 =	vand.u32 $0xFFFFFFF0, v52  }
0x4c: {  	v3 =	vor.u32 v3, v4  }
0x4d: {  	v4 =	vperm.xlane v3, v0;
	_ =	sdelay $0x1  }
0x4e: {  	v3 =	vperm.xlane v3, v2;
	v4 =	vadd.s32 v1, v4;
	_ =	sdelay $0x1  }
0x4f: {  	v3 =	vadd.s32 v1, v3;
	_ =	sdelay $0x1  }
0x50: {  	s4 =	simm.s32 $0x5400  }
0x51: {  	[tilespmem:s4], [sflag:$0x1] =	stream.indirect_vreg.gather [hbm4b:s3+s2], $0x80, v4, vm0, $0xb8;
	[tilespmem:$0x11400] =	vst v63  }
0x52: {  	s21 =	simm.s32 $0x5C00  }
0x53: {  	[tilespmem:s21], [sflag:$0x1] =	stream.indirect_vreg.gather [hbm4b:s3+s2], $0x80, v3, vm0, $0xb8;
	[tilespmem:$0x11400] =	vst v63  }
0x54: {  	v3 =	vld [tilespmem:$0x50];
	_ =	sdelay $0x4  }
0x55: {  	v53 =	vshll.u32 v3, $0x1  }
0x56: {  	v3 =	vand.u32 $0x7, v3;
	v4 =	vand.u32 $0xFFFFFFF0, v53  }
0x57: {  	v3 =	vor.u32 v3, v4  }
0x58: {  	v4 =	vperm.xlane v3, v0;
	_ =	sdelay $0x1  }
0x59: {  	v3 =	vperm.xlane v3, v2;
	v4 =	vadd.s32 v1, v4;
	_ =	sdelay $0x1  }
0x5a: {  	v3 =	vadd.s32 v1, v3;
	_ =	sdelay $0x1  }
0x5b: {  	s4 =	simm.s32 $0x6400  }
0x5c: {  	[tilespmem:s4], [sflag:$0x1] =	stream.indirect_vreg.gather [hbm4b:s3+s2], $0x80, v4, vm0, $0xb8;
	[tilespmem:$0x11400] =	vst v63  }
0x5d: {  	_ = 	snop  }
0x5e: {  	[tilespmem:s22], [sflag:$0x1] =	stream.indirect_vreg.gather [hbm4b:s3+s2], $0x80, v3, vm0, $0xb8;
	[tilespmem:$0x11400] =	vst v63  }
0x5f: {  	v3 =	vld [tilespmem:$0x60];
	_ =	sdelay $0x4  }
0x60: {  	v54 =	vshll.u32 v3, $0x1  }
0x61: {  	v3 =	vand.u32 $0x7, v3;
	v4 =	vand.u32 $0xFFFFFFF0, v54  }
0x62: {  	v3 =	vor.u32 v3, v4  }
0x63: {  	v4 =	vperm.xlane v3, v0;
	_ =	sdelay $0x1  }
0x64: {  	v3 =	vperm.xlane v3, v2;
	v4 =	vadd.s32 v1, v4;
	_ =	sdelay $0x1  }
0x65: {  	v3 =	vadd.s32 v1, v3;
	_ =	sdelay $0x2  }
0x66: {  	[tilespmem:s23], [sflag:$0x1] =	stream.indirect_vreg.gather [hbm4b:s3+s2], $0x80, v4, vm0, $0xb8;
	[tilespmem:$0x11400] =	vst v63  }
0x67: {  	_ = 	snop  }
0x68: {  	[tilespmem:s24], [sflag:$0x1] =	stream.indirect_vreg.gather [hbm4b:s3+s2], $0x80, v3, vm0, $0xb8;
	[tilespmem:$0x11400] =	vst v63  }
0x69: {  	v3 =	vld [tilespmem:$0x70];
	_ =	sdelay $0x4  }
0x6a: {  	v55 =	vshll.u32 v3, $0x1  }
0x6b: {  	v3 =	vand.u32 $0x7, v3;
	v4 =	vand.u32 $0xFFFFFFF0, v55  }
0x6c: {  	v3 =	vor.u32 v3, v4  }
0x6d: {  	v4 =	vperm.xlane v3, v0;
	_ =	sdelay $0x1  }
0x6e: {  	v3 =	vperm.xlane v3, v2;
	v4 =	vadd.s32 v1, v4;
	_ =	sdelay $0x1  }
0x6f: {  	v3 =	vadd.s32 v1, v3;
	_ =	sdelay $0x2  }
0x70: {  	[tilespmem:s25], [sflag:$0x1] =	stream.indirect_vreg.gather [hbm4b:s3+s2], $0x80, v4, vm0, $0xb8;
	[tilespmem:$0x11400] =	vst v63  }
0x71: {  	_ = 	snop  }
0x72: {  	[tilespmem:s26], [sflag:$0x1] =	stream.indirect_vreg.gather [hbm4b:s3+s2], $0x80, v3, vm0, $0xb8;
	[tilespmem:$0x11400] =	vst v63  }
0x73: {  	_ =	swait.ge [sflag:s28], $0x8000  }
0x74: {  	[sflag:s28] =	ssyncset.done $0x0  }
0x75: {  	[sflag:s28] =	ssyncadd.s32 $0xFFFF8000  }
0x76: {  	v3 =	vld [tilespmem:$0x80];
	_ =	sdelay $0x4  }
0x77: {  	v56 =	vshll.u32 v3, $0x1  }
0x78: {  	v3 =	vand.u32 $0x7, v3;
	v4 =	vand.u32 $0xFFFFFFF0, v56  }
0x79: {  	v3 =	vor.u32 v3, v4  }
0x7a: {  	v4 =	vperm.xlane v3, v0;
	_ =	sdelay $0x1  }
0x7b: {  	v3 =	vperm.xlane v3, v2;
	v4 =	vadd.s32 v1, v4;
	_ =	sdelay $0x1  }
0x7c: {  	v3 =	vadd.s32 v1, v3;
	_ =	sdelay $0x2  }
0x7d: {  	[tilespmem:s29], [sflag:$0x2] =	stream.indirect_vreg.gather [hbm4b:s3+s2], $0x80, v4, vm0, $0xb8;
	[tilespmem:$0x11400] =	vst v63  }
0x7e: {  	_ = 	snop  }
0x7f: {  	[tilespmem:s17], [sflag:$0x2] =	stream.indirect_vreg.gather [hbm4b:s3+s2], $0x80, v3, vm0, $0xb8;
	[tilespmem:$0x11400] =	vst v63  }
0x80: {  	v3 =	vld [tilespmem:$0x90];
	_ =	sdelay $0x4  }
0x81: {  	v57 =	vshll.u32 v3, $0x1  }
0x82: {  	v3 =	vand.u32 $0x7, v3;
	v4 =	vand.u32 $0xFFFFFFF0, v57  }
0x83: {  	v3 =	vor.u32 v3, v4  }
0x84: {  	v4 =	vperm.xlane v3, v0;
	_ =	sdelay $0x1  }
0x85: {  	v3 =	vperm.xlane v3, v2;
	v4 =	vadd.s32 v1, v4;
	_ =	sdelay $0x1  }
0x86: {  	v3 =	vadd.s32 v1, v3;
	_ =	sdelay $0x2  }
0x87: {  	[tilespmem:s5], [sflag:$0x2] =	stream.indirect_vreg.gather [hbm4b:s3+s2], $0x80, v4, vm0, $0xb8;
	[tilespmem:$0x11400] =	vst v63  }
0x88: {  	_ = 	snop  }
0x89: {  	[tilespmem:s16], [sflag:$0x2] =	stream.indirect_vreg.gather [hbm4b:s3+s2], $0x80, v3, vm0, $0xb8;
	[tilespmem:$0x11400] =	vst v63  }
0x8a: {  	v3 =	vld [tilespmem:$0xA0];
	_ =	sdelay $0x4  }
0x8b: {  	v58 =	vshll.u32 v3, $0x1  }
0x8c: {  	v3 =	vand.u32 $0x7, v3;
	v4 =	vand.u32 $0xFFFFFFF0, v58  }
0x8d: {  	v3 =	vor.u32 v3, v4  }
0x8e: {  	v4 =	vperm.xlane v3, v0;
	_ =	sdelay $0x1  }
0x8f: {  	v3 =	vperm.xlane v3, v2;
	v4 =	vadd.s32 v1, v4;
	_ =	sdelay $0x1  }
0x90: {  	v3 =	vadd.s32 v1, v3;
	_ =	sdelay $0x2  }
0x91: {  	[tilespmem:s6], [sflag:$0x2] =	stream.indirect_vreg.gather [hbm4b:s3+s2], $0x80, v4, vm0, $0xb8;
	[tilespmem:$0x11400] =	vst v63  }
0x92: {  	_ = 	snop  }
0x93: {  	[tilespmem:s18], [sflag:$0x2] =	stream.indirect_vreg.gather [hbm4b:s3+s2], $0x80, v3, vm0, $0xb8;
	[tilespmem:$0x11400] =	vst v63  }
0x94: {  	v3 =	vld [tilespmem:$0xB0];
	_ =	sdelay $0x4  }
0x95: {  	v59 =	vshll.u32 v3, $0x1  }
0x96: {  	v3 =	vand.u32 $0x7, v3;
	v4 =	vand.u32 $0xFFFFFFF0, v59  }
0x97: {  	v3 =	vor.u32 v3, v4  }
0x98: {  	v4 =	vperm.xlane v3, v0;
	_ =	sdelay $0x1  }
0x99: {  	v3 =	vperm.xlane v3, v2;
	v4 =	vadd.s32 v1, v4;
	_ =	sdelay $0x1  }
0x9a: {  	v3 =	vadd.s32 v1, v3;
	_ =	sdelay $0x2  }
0x9b: {  	[tilespmem:s7], [sflag:$0x2] =	stream.indirect_vreg.gather [hbm4b:s3+s2], $0x80, v4, vm0, $0xb8;
	[tilespmem:$0x11400] =	vst v63  }
0x9c: {  	_ = 	snop  }
0x9d: {  	[tilespmem:s19], [sflag:$0x2] =	stream.indirect_vreg.gather [hbm4b:s3+s2], $0x80, v3, vm0, $0xb8;
	[tilespmem:$0x11400] =	vst v63  }
0x9e: {  	v3 =	vld [tilespmem:$0xC0];
	_ =	sdelay $0x4  }
0x9f: {  	v60 =	vshll.u32 v3, $0x1  }
0xa0: {  	v3 =	vand.u32 $0x7, v3;
	v4 =	vand.u32 $0xFFFFFFF0, v60  }
0xa1: {  	v3 =	vor.u32 v3, v4  }
0xa2: {  	v4 =	vperm.xlane v3, v0;
	_ =	sdelay $0x1  }
0xa3: {  	v3 =	vperm.xlane v3, v2;
	v4 =	vadd.s32 v1, v4;
	_ =	sdelay $0x1  }
0xa4: {  	v3 =	vadd.s32 v1, v3;
	_ =	sdelay $0x2  }
0xa5: {  	[tilespmem:s8], [sflag:$0x2] =	stream.indirect_vreg.gather [hbm4b:s3+s2], $0x80, v4, vm0, $0xb8;
	[tilespmem:$0x11400] =	vst v63  }
0xa6: {  	_ = 	snop  }
0xa7: {  	[tilespmem:s20], [sflag:$0x2] =	stream.indirect_vreg.gather [hbm4b:s3+s2], $0x80, v3, vm0, $0xb8;
	[tilespmem:$0x11400] =	vst v63  }
0xa8: {  	v3 =	vld [tilespmem:$0xD0];
	_ =	sdelay $0x4  }
0xa9: {  	v61 =	vshll.u32 v3, $0x1  }
0xaa: {  	v3 =	vand.u32 $0x7, v3;
	v4 =	vand.u32 $0xFFFFFFF0, v61  }
0xab: {  	v3 =	vor.u32 v3, v4  }
0xac: {  	v4 =	vperm.xlane v3, v0;
	_ =	sdelay $0x1  }
0xad: {  	v3 =	vperm.xlane v3, v2;
	v4 =	vadd.s32 v1, v4;
	_ =	sdelay $0x1  }
0xae: {  	v3 =	vadd.s32 v1, v3;
	_ =	sdelay $0x2  }
0xaf: {  	[tilespmem:s9], [sflag:$0x2] =	stream.indirect_vreg.gather [hbm4b:s3+s2], $0x80, v4, vm0, $0xb8;
	[tilespmem:$0x11400] =	vst v63  }
0xb0: {  	_ = 	snop  }
0xb1: {  	[tilespmem:s10], [sflag:$0x2] =	stream.indirect_vreg.gather [hbm4b:s3+s2], $0x80, v3, vm0, $0xb8;
	[tilespmem:$0x11400] =	vst v63  }
0xb2: {  	v3 =	vld [tilespmem:$0xE0];
	_ =	sdelay $0x4  }
0xb3: {  	v62 =	vshll.u32 v3, $0x1  }
0xb4: {  	v3 =	vand.u32 $0x7, v3;
	v4 =	vand.u32 $0xFFFFFFF0, v62  }
0xb5: {  	v3 =	vor.u32 v3, v4  }
0xb6: {  	v4 =	vperm.xlane v3, v0;
	_ =	sdelay $0x1  }
0xb7: {  	v3 =	vperm.xlane v3, v2;
	v4 =	vadd.s32 v1, v4;
	_ =	sdelay $0x1  }
0xb8: {  	v3 =	vadd.s32 v1, v3;
	_ =	sdelay $0x2  }
0xb9: {  	[tilespmem:s30], [sflag:$0x2] =	stream.indirect_vreg.gather [hbm4b:s3+s2], $0x80, v4, vm0, $0xb8;
	[tilespmem:$0x11400] =	vst v63  }
0xba: {  	_ = 	snop  }
0xbb: {  	[tilespmem:s12], [sflag:$0x2] =	stream.indirect_vreg.gather [hbm4b:s3+s2], $0x80, v3, vm0, $0xb8;
	[tilespmem:$0x11400] =	vst v63  }
0xbc: {  	v3 =	vld [tilespmem:$0xF0];
	_ =	sdelay $0x4  }
0xbd: {  	v63 =	vshll.u32 v3, $0x1  }
0xbe: {  	v3 =	vand.u32 $0x7, v3;
	v4 =	vand.u32 $0xFFFFFFF0, v63  }
0xbf: {  	v3 =	vor.u32 v3, v4  }
0xc0: {  	v4 =	vperm.xlane v3, v0;
	_ =	sdelay $0x1  }
0xc1: {  	v3 =	vperm.xlane v3, v2;
	v4 =	vadd.s32 v1, v4;
	_ =	sdelay $0x1  }
0xc2: {  	v3 =	vadd.s32 v1, v3;
	_ =	sdelay $0x2  }
0xc3: {  	[tilespmem:s13], [sflag:$0x2] =	stream.indirect_vreg.gather [hbm4b:s3+s2], $0x80, v4, vm0, $0xb8;
	[tilespmem:$0x11400] =	vst v63  }
0xc4: {  	s0 =	simm.s32 $0xFFFDC000;
	s21 =	rddreg [dreg:$0x4]  }
0xc5: {  	[tilespmem:s31], [sflag:$0x2] =	stream.indirect_vreg.gather [hbm4b:s3+s2], $0x80, v3, vm0, $0xb8;
	[tilespmem:$0x11400] =	vst v63  }
0xc6: {  	s5 =	simm.s32 $0xA400;
	s16 =	simm.s32 $0x1F0;
	s18 =	simm.s32 $0xAC00  }
0xc7: {  	[hbm4b:s21+s2] =	stream.linear.scatter [tilespmem:s11], [sflag:$0x3], $0x8000, $0x38;
	[tilespmem:$0x11400] =	vst v63  }
0xc8: {  	s19 =	simm.s32 $0xBC00;
	s20 =	simm.s32 $0xCC00;
	s21 =	simm.s32 $0xDC00  }
.LBB2_2:
0xc9: {  	_ =	swait.ge [sflag:s14], $0x8000  }
0xca: {  	[sflag:s14] =	ssyncset.done $0x0  }
0xcb: {  	[sflag:s14] =	ssyncadd.s32 $0xFFFF8000  }
0xcc: {  	_ =	swait.ge [sflag:s1], $0x8000  }
0xcd: {  	s4 =	rddreg [dreg:$0x2]  }
0xce: {  	[sflag:s1] =	ssyncset.done $0x0;
	s4 =	sadd.s32 s0, s4  }
0xcf: {  	[sflag:s1] =	ssyncadd.s32 $0xFFFF8000;
	s17 =	sadd.s32 $0x25000, s4  }
0xd0: {  	[hbm4b:s17+s2] =	stream.linear.scatter [tilespmem:s29], [sflag:$0x4], $0x8000, $0x38;
	[tilespmem:$0x11400] =	vst v63  }
0xd1: {  	v3 =	vld [tilespmem:s16+$0xFFFFFF10];
	_ =	sdelay $0x4  }
0xd2: {  	v4 =	vshll.u32 v3, $0x1  }
0xd3: {  	v3 =	vand.u32 $0x7, v3;
	v4 =	vand.u32 $0xFFFFFFF0, v4  }
0xd4: {  	v3 =	vor.u32 v3, v4  }
0xd5: {  	v4 =	vperm.xlane v3, v0;
	_ =	sdelay $0x1  }
0xd6: {  	v3 =	vperm.xlane v3, v2;
	v4 =	vadd.s32 v1, v4;
	_ =	sdelay $0x1  }
0xd7: {  	v3 =	vadd.s32 v1, v3;
	_ =	sdelay $0x2  }
0xd8: {  	[tilespmem:s11], [sflag:$0x1] =	stream.indirect_vreg.gather [hbm4b:s3+s2], $0x80, v4, vm0, $0xb8;
	[tilespmem:$0x11400] =	vst v63  }
0xd9: {  	s8 =	simm.s32 $0x1C00  }
0xda: {  	[tilespmem:s8], [sflag:$0x1] =	stream.indirect_vreg.gather [hbm4b:s3+s2], $0x80, v3, vm0, $0xb8;
	[tilespmem:$0x11400] =	vst v63  }
0xdb: {  	v3 =	vld [tilespmem:s16+$0xFFFFFF20];
	_ =	sdelay $0x4  }
0xdc: {  	v49 =	vshll.u32 v3, $0x1  }
0xdd: {  	v3 =	vand.u32 $0x7, v3;
	v4 =	vand.u32 $0xFFFFFFF0, v49  }
0xde: {  	v3 =	vor.u32 v3, v4  }
0xdf: {  	v4 =	vperm.xlane v3, v0;
	_ =	sdelay $0x1  }
0xe0: {  	v3 =	vperm.xlane v3, v2;
	v4 =	vadd.s32 v1, v4;
	_ =	sdelay $0x1  }
0xe1: {  	v3 =	vadd.s32 v1, v3;
	_ =	sdelay $0x1  }
0xe2: {  	s9 =	simm.s32 $0x2400  }
0xe3: {  	[tilespmem:s9], [sflag:$0x1] =	stream.indirect_vreg.gather [hbm4b:s3+s2], $0x80, v4, vm0, $0xb8;
	[tilespmem:$0x11400] =	vst v63  }
0xe4: {  	s6 =	simm.s32 $0x2C00  }
0xe5: {  	[tilespmem:s6], [sflag:$0x1] =	stream.indirect_vreg.gather [hbm4b:s3+s2], $0x80, v3, vm0, $0xb8;
	[tilespmem:$0x11400] =	vst v63  }
0xe6: {  	v3 =	vld [tilespmem:s16+$0xFFFFFF30];
	_ =	sdelay $0x4  }
0xe7: {  	v50 =	vshll.u32 v3, $0x1  }
0xe8: {  	v3 =	vand.u32 $0x7, v3;
	v4 =	vand.u32 $0xFFFFFFF0, v50  }
0xe9: {  	v3 =	vor.u32 v3, v4  }
0xea: {  	v4 =	vperm.xlane v3, v0;
	_ =	sdelay $0x1  }
0xeb: {  	v3 =	vperm.xlane v3, v2;
	v4 =	vadd.s32 v1, v4;
	_ =	sdelay $0x1  }
0xec: {  	v3 =	vadd.s32 v1, v3;
	_ =	sdelay $0x1  }
0xed: {  	s7 =	simm.s32 $0x3400  }
0xee: {  	[tilespmem:s7], [sflag:$0x1] =	stream.indirect_vreg.gather [hbm4b:s3+s2], $0x80, v4, vm0, $0xb8;
	[tilespmem:$0x11400] =	vst v63  }
0xef: {  	s8 =	simm.s32 $0x3C00  }
0xf0: {  	[tilespmem:s8], [sflag:$0x1] =	stream.indirect_vreg.gather [hbm4b:s3+s2], $0x80, v3, vm0, $0xb8;
	[tilespmem:$0x11400] =	vst v63  }
0xf1: {  	v3 =	vld [tilespmem:s16+$0xFFFFFF40];
	_ =	sdelay $0x4  }
0xf2: {  	v51 =	vshll.u32 v3, $0x1  }
0xf3: {  	v3 =	vand.u32 $0x7, v3;
	v4 =	vand.u32 $0xFFFFFFF0, v51  }
0xf4: {  	v3 =	vor.u32 v3, v4  }
0xf5: {  	v4 =	vperm.xlane v3, v0;
	_ =	sdelay $0x1  }
0xf6: {  	v3 =	vperm.xlane v3, v2;
	v4 =	vadd.s32 v1, v4;
	_ =	sdelay $0x1  }
0xf7: {  	v3 =	vadd.s32 v1, v3;
	_ =	sdelay $0x1  }
0xf8: {  	s9 =	simm.s32 $0x4400  }
0xf9: {  	[tilespmem:s9], [sflag:$0x1] =	stream.indirect_vreg.gather [hbm4b:s3+s2], $0x80, v4, vm0, $0xb8;
	[tilespmem:$0x11400] =	vst v63  }
0xfa: {  	s6 =	simm.s32 $0x4C00  }
0xfb: {  	[tilespmem:s6], [sflag:$0x1] =	stream.indirect_vreg.gather [hbm4b:s3+s2], $0x80, v3, vm0, $0xb8;
	[tilespmem:$0x11400] =	vst v63  }
0xfc: {  	v3 =	vld [tilespmem:s16+$0xFFFFFF50];
	_ =	sdelay $0x4  }
0xfd: {  	v52 =	vshll.u32 v3, $0x1  }
0xfe: {  	v3 =	vand.u32 $0x7, v3;
	v4 =	vand.u32 $0xFFFFFFF0, v52  }
0xff: {  	v3 =	vor.u32 v3, v4  }
0x100: {  	v4 =	vperm.xlane v3, v0;
	_ =	sdelay $0x1  }
0x101: {  	v3 =	vperm.xlane v3, v2;
	v4 =	vadd.s32 v1, v4;
	_ =	sdelay $0x1  }
0x102: {  	v3 =	vadd.s32 v1, v3;
	_ =	sdelay $0x1  }
0x103: {  	s7 =	simm.s32 $0x5400  }
0x104: {  	[tilespmem:s7], [sflag:$0x1] =	stream.indirect_vreg.gather [hbm4b:s3+s2], $0x80, v4, vm0, $0xb8;
	[tilespmem:$0x11400] =	vst v63  }
0x105: {  	s8 =	simm.s32 $0x5C00  }
0x106: {  	[tilespmem:s8], [sflag:$0x1] =	stream.indirect_vreg.gather [hbm4b:s3+s2], $0x80, v3, vm0, $0xb8;
	[tilespmem:$0x11400] =	vst v63  }
0x107: {  	v3 =	vld [tilespmem:s16+$0xFFFFFF60];
	_ =	sdelay $0x4  }
0x108: {  	v53 =	vshll.u32 v3, $0x1  }
0x109: {  	v3 =	vand.u32 $0x7, v3;
	v4 =	vand.u32 $0xFFFFFFF0, v53  }
0x10a: {  	v3 =	vor.u32 v3, v4  }
0x10b: {  	v4 =	vperm.xlane v3, v0;
	_ =	sdelay $0x1  }
0x10c: {  	v3 =	vperm.xlane v3, v2;
	v4 =	vadd.s32 v1, v4;
	_ =	sdelay $0x1  }
0x10d: {  	v3 =	vadd.s32 v1, v3;
	_ =	sdelay $0x1  }
0x10e: {  	s9 =	simm.s32 $0x6400  }
0x10f: {  	[tilespmem:s9], [sflag:$0x1] =	stream.indirect_vreg.gather [hbm4b:s3+s2], $0x80, v4, vm0, $0xb8;
	[tilespmem:$0x11400] =	vst v63  }
0x110: {  	_ = 	snop  }
0x111: {  	[tilespmem:s22], [sflag:$0x1] =	stream.indirect_vreg.gather [hbm4b:s3+s2], $0x80, v3, vm0, $0xb8;
	[tilespmem:$0x11400] =	vst v63  }
0x112: {  	v3 =	vld [tilespmem:s16+$0xFFFFFF70];
	_ =	sdelay $0x4  }
0x113: {  	v54 =	vshll.u32 v3, $0x1  }
0x114: {  	v3 =	vand.u32 $0x7, v3;
	v4 =	vand.u32 $0xFFFFFFF0, v54  }
0x115: {  	v3 =	vor.u32 v3, v4  }
0x116: {  	v4 =	vperm.xlane v3, v0;
	_ =	sdelay $0x1  }
0x117: {  	v3 =	vperm.xlane v3, v2;
	v4 =	vadd.s32 v1, v4;
	_ =	sdelay $0x1  }
0x118: {  	v3 =	vadd.s32 v1, v3;
	_ =	sdelay $0x2  }
0x119: {  	[tilespmem:s23], [sflag:$0x1] =	stream.indirect_vreg.gather [hbm4b:s3+s2], $0x80, v4, vm0, $0xb8;
	[tilespmem:$0x11400] =	vst v63  }
0x11a: {  	_ = 	snop  }
0x11b: {  	[tilespmem:s24], [sflag:$0x1] =	stream.indirect_vreg.gather [hbm4b:s3+s2], $0x80, v3, vm0, $0xb8;
	[tilespmem:$0x11400] =	vst v63  }
0x11c: {  	v3 =	vld [tilespmem:s16+$0xFFFFFF80];
	_ =	sdelay $0x4  }
0x11d: {  	v55 =	vshll.u32 v3, $0x1  }
0x11e: {  	v3 =	vand.u32 $0x7, v3;
	v4 =	vand.u32 $0xFFFFFFF0, v55  }
0x11f: {  	v3 =	vor.u32 v3, v4  }
0x120: {  	v4 =	vperm.xlane v3, v0;
	_ =	sdelay $0x1  }
0x121: {  	v3 =	vperm.xlane v3, v2;
	v4 =	vadd.s32 v1, v4;
	_ =	sdelay $0x1  }
0x122: {  	v3 =	vadd.s32 v1, v3;
	_ =	sdelay $0x2  }
0x123: {  	[tilespmem:s25], [sflag:$0x1] =	stream.indirect_vreg.gather [hbm4b:s3+s2], $0x80, v4, vm0, $0xb8;
	[tilespmem:$0x11400] =	vst v63  }
0x124: {  	_ = 	snop  }
0x125: {  	[tilespmem:s26], [sflag:$0x1] =	stream.indirect_vreg.gather [hbm4b:s3+s2], $0x80, v3, vm0, $0xb8;
	[tilespmem:$0x11400] =	vst v63  }
0x126: {  	_ =	swait.ge [sflag:s15], $0x8000  }
0x127: {  	[sflag:s15] =	ssyncset.done $0x0  }
0x128: {  	[sflag:s15] =	ssyncadd.s32 $0xFFFF8000  }
0x129: {  	_ =	swait.ge [sflag:s28], $0x8000  }
0x12a: {  	[sflag:s28] =	ssyncset.done $0x0  }
0x12b: {  	s4 =	sadd.s32 $0x26000, s4;
	[sflag:s28] =	ssyncadd.s32 $0xFFFF8000  }
0x12c: {  	[hbm4b:s4+s2] =	stream.linear.scatter [tilespmem:s11], [sflag:$0x3], $0x8000, $0x38;
	[tilespmem:$0x11400] =	vst v63  }
0x12d: {  	v3 =	vld [tilespmem:s16+$0xFFFFFF90];
	_ =	sdelay $0x4  }
0x12e: {  	v56 =	vshll.u32 v3, $0x1  }
0x12f: {  	v3 =	vand.u32 $0x7, v3;
	v4 =	vand.u32 $0xFFFFFFF0, v56  }
0x130: {  	v3 =	vor.u32 v3, v4  }
0x131: {  	v4 =	vperm.xlane v3, v0;
	_ =	sdelay $0x1  }
0x132: {  	v3 =	vperm.xlane v3, v2;
	v4 =	vadd.s32 v1, v4;
	_ =	sdelay $0x1  }
0x133: {  	v3 =	vadd.s32 v1, v3;
	_ =	sdelay $0x2  }
0x134: {  	[tilespmem:s29], [sflag:$0x2] =	stream.indirect_vreg.gather [hbm4b:s3+s2], $0x80, v4, vm0, $0xb8;
	[tilespmem:$0x11400] =	vst v63  }
0x135: {  	s17 =	simm.s32 $0x9C00  }
0x136: {  	[tilespmem:s17], [sflag:$0x2] =	stream.indirect_vreg.gather [hbm4b:s3+s2], $0x80, v3, vm0, $0xb8;
	[tilespmem:$0x11400] =	vst v63  }
0x137: {  	v3 =	vld [tilespmem:s16+$0xFFFFFFA0];
	_ =	sdelay $0x4  }
0x138: {  	v57 =	vshll.u32 v3, $0x1  }
0x139: {  	v3 =	vand.u32 $0x7, v3;
	v4 =	vand.u32 $0xFFFFFFF0, v57  }
0x13a: {  	v3 =	vor.u32 v3, v4  }
0x13b: {  	v4 =	vperm.xlane v3, v0;
	_ =	sdelay $0x1  }
0x13c: {  	v3 =	vperm.xlane v3, v2;
	v4 =	vadd.s32 v1, v4;
	_ =	sdelay $0x1  }
0x13d: {  	v3 =	vadd.s32 v1, v3;
	_ =	sdelay $0x2  }
0x13e: {  	[tilespmem:s5], [sflag:$0x2] =	stream.indirect_vreg.gather [hbm4b:s3+s2], $0x80, v4, vm0, $0xb8;
	[tilespmem:$0x11400] =	vst v63  }
0x13f: {  	_ = 	snop  }
0x140: {  	[tilespmem:s18], [sflag:$0x2] =	stream.indirect_vreg.gather [hbm4b:s3+s2], $0x80, v3, vm0, $0xb8;
	[tilespmem:$0x11400] =	vst v63  }
0x141: {  	v3 =	vld [tilespmem:s16+$0xFFFFFFB0];
	_ =	sdelay $0x4  }
0x142: {  	v58 =	vshll.u32 v3, $0x1  }
0x143: {  	v3 =	vand.u32 $0x7, v3;
	v4 =	vand.u32 $0xFFFFFFF0, v58  }
0x144: {  	v3 =	vor.u32 v3, v4  }
0x145: {  	v4 =	vperm.xlane v3, v0;
	_ =	sdelay $0x1  }
0x146: {  	v3 =	vperm.xlane v3, v2;
	v4 =	vadd.s32 v1, v4;
	_ =	sdelay $0x1  }
0x147: {  	v3 =	vadd.s32 v1, v3;
	_ =	sdelay $0x1  }
0x148: {  	s6 =	simm.s32 $0xB400  }
0x149: {  	[tilespmem:s6], [sflag:$0x2] =	stream.indirect_vreg.gather [hbm4b:s3+s2], $0x80, v4, vm0, $0xb8;
	[tilespmem:$0x11400] =	vst v63  }
0x14a: {  	_ = 	snop  }
0x14b: {  	[tilespmem:s19], [sflag:$0x2] =	stream.indirect_vreg.gather [hbm4b:s3+s2], $0x80, v3, vm0, $0xb8;
	[tilespmem:$0x11400] =	vst v63  }
0x14c: {  	v3 =	vld [tilespmem:s16+$0xFFFFFFC0];
	_ =	sdelay $0x4  }
0x14d: {  	v59 =	vshll.u32 v3, $0x1  }
0x14e: {  	v3 =	vand.u32 $0x7, v3;
	v4 =	vand.u32 $0xFFFFFFF0, v59  }
0x14f: {  	v3 =	vor.u32 v3, v4  }
0x150: {  	v4 =	vperm.xlane v3, v0;
	_ =	sdelay $0x1  }
0x151: {  	v3 =	vperm.xlane v3, v2;
	v4 =	vadd.s32 v1, v4;
	_ =	sdelay $0x1  }
0x152: {  	v3 =	vadd.s32 v1, v3;
	_ =	sdelay $0x1  }
0x153: {  	s7 =	simm.s32 $0xC400  }
0x154: {  	[tilespmem:s7], [sflag:$0x2] =	stream.indirect_vreg.gather [hbm4b:s3+s2], $0x80, v4, vm0, $0xb8;
	[tilespmem:$0x11400] =	vst v63  }
0x155: {  	_ = 	snop  }
0x156: {  	[tilespmem:s20], [sflag:$0x2] =	stream.indirect_vreg.gather [hbm4b:s3+s2], $0x80, v3, vm0, $0xb8;
	[tilespmem:$0x11400] =	vst v63  }
0x157: {  	v3 =	vld [tilespmem:s16+$0xFFFFFFD0];
	_ =	sdelay $0x4  }
0x158: {  	v60 =	vshll.u32 v3, $0x1  }
0x159: {  	v3 =	vand.u32 $0x7, v3;
	v4 =	vand.u32 $0xFFFFFFF0, v60  }
0x15a: {  	v3 =	vor.u32 v3, v4  }
0x15b: {  	v4 =	vperm.xlane v3, v0;
	_ =	sdelay $0x1  }
0x15c: {  	v3 =	vperm.xlane v3, v2;
	v4 =	vadd.s32 v1, v4;
	_ =	sdelay $0x1  }
0x15d: {  	v3 =	vadd.s32 v1, v3;
	_ =	sdelay $0x1  }
0x15e: {  	s8 =	simm.s32 $0xD400  }
0x15f: {  	[tilespmem:s8], [sflag:$0x2] =	stream.indirect_vreg.gather [hbm4b:s3+s2], $0x80, v4, vm0, $0xb8;
	[tilespmem:$0x11400] =	vst v63  }
0x160: {  	_ = 	snop  }
0x161: {  	[tilespmem:s21], [sflag:$0x2] =	stream.indirect_vreg.gather [hbm4b:s3+s2], $0x80, v3, vm0, $0xb8;
	[tilespmem:$0x11400] =	vst v63  }
0x162: {  	v3 =	vld [tilespmem:s16+$0xFFFFFFE0];
	_ =	sdelay $0x4  }
0x163: {  	v61 =	vshll.u32 v3, $0x1  }
0x164: {  	v3 =	vand.u32 $0x7, v3;
	v4 =	vand.u32 $0xFFFFFFF0, v61  }
0x165: {  	v3 =	vor.u32 v3, v4  }
0x166: {  	v4 =	vperm.xlane v3, v0;
	_ =	sdelay $0x1  }
0x167: {  	v3 =	vperm.xlane v3, v2;
	v4 =	vadd.s32 v1, v4;
	_ =	sdelay $0x1  }
0x168: {  	v3 =	vadd.s32 v1, v3;
	_ =	sdelay $0x1  }
0x169: {  	s9 =	simm.s32 $0xE400  }
0x16a: {  	[tilespmem:s9], [sflag:$0x2] =	stream.indirect_vreg.gather [hbm4b:s3+s2], $0x80, v4, vm0, $0xb8;
	[tilespmem:$0x11400] =	vst v63  }
0x16b: {  	_ = 	snop  }
0x16c: {  	[tilespmem:s10], [sflag:$0x2] =	stream.indirect_vreg.gather [hbm4b:s3+s2], $0x80, v3, vm0, $0xb8;
	[tilespmem:$0x11400] =	vst v63  }
0x16d: {  	v3 =	vld [tilespmem:s16+$0xFFFFFFF0];
	_ =	sdelay $0x4  }
0x16e: {  	v62 =	vshll.u32 v3, $0x1  }
0x16f: {  	v3 =	vand.u32 $0x7, v3;
	v4 =	vand.u32 $0xFFFFFFF0, v62  }
0x170: {  	v3 =	vor.u32 v3, v4  }
0x171: {  	v4 =	vperm.xlane v3, v0;
	_ =	sdelay $0x1  }
0x172: {  	v3 =	vperm.xlane v3, v2;
	v4 =	vadd.s32 v1, v4;
	_ =	sdelay $0x1  }
0x173: {  	v3 =	vadd.s32 v1, v3;
	_ =	sdelay $0x2  }
0x174: {  	[tilespmem:s30], [sflag:$0x2] =	stream.indirect_vreg.gather [hbm4b:s3+s2], $0x80, v4, vm0, $0xb8;
	[tilespmem:$0x11400] =	vst v63  }
0x175: {  	_ = 	snop  }
0x176: {  	[tilespmem:s12], [sflag:$0x2] =	stream.indirect_vreg.gather [hbm4b:s3+s2], $0x80, v3, vm0, $0xb8;
	[tilespmem:$0x11400] =	vst v63  }
0x177: {  	v3 =	vld [tilespmem:s16+$0x0];
	_ =	sdelay $0x4  }
0x178: {  	v63 =	vshll.u32 v3, $0x1  }
0x179: {  	v3 =	vand.u32 $0x7, v3;
	v4 =	vand.u32 $0xFFFFFFF0, v63  }
0x17a: {  	v3 =	vor.u32 v3, v4  }
0x17b: {  	v4 =	vperm.xlane v3, v0;
	_ =	sdelay $0x1  }
0x17c: {  	v3 =	vperm.xlane v3, v2;
	v4 =	vadd.s32 v1, v4;
	_ =	sdelay $0x1  }
0x17d: {  	p0 =	sne.s32 s0, $0xFFFFE000;
	v3 =	vadd.s32 v1, v3  }
.Ltmp0:
0x17e: {  	_ = 	snop;
	(pc) =	sbr.rel @p0 .LBB2_2-.Ltmp0, $4  }
0x17f: {  	_ = 	snop  }
0x180: {  	[tilespmem:s13], [sflag:$0x2] =	stream.indirect_vreg.gather [hbm4b:s3+s2], $0x80, v4, vm0, $0xb8;
	[tilespmem:$0x11400] =	vst v63  }
0x181: {  	s0 =	sadd.s32 $0x2000, s0;
	s16 =	sadd.s32 $0x100, s16  }
0x182: {  	[tilespmem:s31], [sflag:$0x2] =	stream.indirect_vreg.gather [hbm4b:s3+s2], $0x80, v3, vm0, $0xb8;
	[tilespmem:$0x11400] =	vst v63  }
0x183: {  	_ =	swait.ge [sflag:s14], $0x8000  }
0x184: {  	[sflag:s14] =	ssyncset.done $0x0  }
0x185: {  	[sflag:s14] =	ssyncadd.s32 $0xFFFF8000  }
0x186: {  	_ =	swait.ge [sflag:s1], $0x8000  }
0x187: {  	[sflag:s1] =	ssyncset.done $0x0  }
0x188: {  	s0 =	rddreg [dreg:$0x5];
	[sflag:s1] =	ssyncadd.s32 $0xFFFF8000  }
0x189: {  	[hbm4b:s0+s2] =	stream.linear.scatter [tilespmem:s29], [sflag:$0x4], $0x8000, $0x38;
	[tilespmem:$0x11400] =	vst v63  }
0x18a: {  	v3 =	vld [tilespmem:$0x1300];
	_ =	sdelay $0x4  }
0x18b: {  	v4 =	vshll.u32 v3, $0x1  }
0x18c: {  	v3 =	vand.u32 $0x7, v3;
	v4 =	vand.u32 $0xFFFFFFF0, v4  }
0x18d: {  	v3 =	vor.u32 v3, v4  }
0x18e: {  	v4 =	vperm.xlane v3, v0;
	_ =	sdelay $0x1  }
0x18f: {  	v3 =	vperm.xlane v3, v2;
	v4 =	vadd.s32 v1, v4;
	_ =	sdelay $0x1  }
0x190: {  	v3 =	vadd.s32 v1, v3;
	_ =	sdelay $0x2  }
0x191: {  	[tilespmem:s11], [sflag:$0x1] =	stream.indirect_vreg.gather [hbm4b:s3+s2], $0x80, v4, vm0, $0xb8;
	[tilespmem:$0x11400] =	vst v63  }
0x192: {  	s4 =	simm.s32 $0x1C00  }
0x193: {  	[tilespmem:s4], [sflag:$0x1] =	stream.indirect_vreg.gather [hbm4b:s3+s2], $0x80, v3, vm0, $0xb8;
	[tilespmem:$0x11400] =	vst v63  }
0x194: {  	v3 =	vld [tilespmem:$0x1310];
	_ =	sdelay $0x4  }
0x195: {  	v56 =	vshll.u32 v3, $0x1  }
0x196: {  	v3 =	vand.u32 $0x7, v3;
	v4 =	vand.u32 $0xFFFFFFF0, v56  }
0x197: {  	v3 =	vor.u32 v3, v4  }
0x198: {  	v4 =	vperm.xlane v3, v0;
	_ =	sdelay $0x1  }
0x199: {  	v3 =	vperm.xlane v3, v2;
	v4 =	vadd.s32 v1, v4;
	_ =	sdelay $0x1  }
0x19a: {  	v3 =	vadd.s32 v1, v3;
	_ =	sdelay $0x1  }
0x19b: {  	s5 =	simm.s32 $0x2400  }
0x19c: {  	[tilespmem:s5], [sflag:$0x1] =	stream.indirect_vreg.gather [hbm4b:s3+s2], $0x80, v4, vm0, $0xb8;
	[tilespmem:$0x11400] =	vst v63  }
0x19d: {  	s16 =	simm.s32 $0x2C00  }
0x19e: {  	[tilespmem:s16], [sflag:$0x1] =	stream.indirect_vreg.gather [hbm4b:s3+s2], $0x80, v3, vm0, $0xb8;
	[tilespmem:$0x11400] =	vst v63  }
0x19f: {  	v3 =	vld [tilespmem:$0x1320];
	_ =	sdelay $0x4  }
0x1a0: {  	v57 =	vshll.u32 v3, $0x1  }
0x1a1: {  	v3 =	vand.u32 $0x7, v3;
	v4 =	vand.u32 $0xFFFFFFF0, v57  }
0x1a2: {  	v3 =	vor.u32 v3, v4  }
0x1a3: {  	v4 =	vperm.xlane v3, v0;
	_ =	sdelay $0x1  }
0x1a4: {  	v3 =	vperm.xlane v3, v2;
	v4 =	vadd.s32 v1, v4;
	_ =	sdelay $0x1  }
0x1a5: {  	v3 =	vadd.s32 v1, v3;
	_ =	sdelay $0x1  }
0x1a6: {  	s18 =	simm.s32 $0x3400  }
0x1a7: {  	[tilespmem:s18], [sflag:$0x1] =	stream.indirect_vreg.gather [hbm4b:s3+s2], $0x80, v4, vm0, $0xb8;
	[tilespmem:$0x11400] =	vst v63  }
0x1a8: {  	s19 =	simm.s32 $0x3C00  }
0x1a9: {  	[tilespmem:s19], [sflag:$0x1] =	stream.indirect_vreg.gather [hbm4b:s3+s2], $0x80, v3, vm0, $0xb8;
	[tilespmem:$0x11400] =	vst v63  }
0x1aa: {  	v3 =	vld [tilespmem:$0x1330];
	_ =	sdelay $0x4  }
0x1ab: {  	v58 =	vshll.u32 v3, $0x1  }
0x1ac: {  	v3 =	vand.u32 $0x7, v3;
	v4 =	vand.u32 $0xFFFFFFF0, v58  }
0x1ad: {  	v3 =	vor.u32 v3, v4  }
0x1ae: {  	v4 =	vperm.xlane v3, v0;
	_ =	sdelay $0x1  }
0x1af: {  	v3 =	vperm.xlane v3, v2;
	v4 =	vadd.s32 v1, v4;
	_ =	sdelay $0x1  }
0x1b0: {  	v3 =	vadd.s32 v1, v3;
	_ =	sdelay $0x1  }
0x1b1: {  	s20 =	simm.s32 $0x4400  }
0x1b2: {  	[tilespmem:s20], [sflag:$0x1] =	stream.indirect_vreg.gather [hbm4b:s3+s2], $0x80, v4, vm0, $0xb8;
	[tilespmem:$0x11400] =	vst v63  }
0x1b3: {  	s21 =	simm.s32 $0x4C00  }
0x1b4: {  	[tilespmem:s21], [sflag:$0x1] =	stream.indirect_vreg.gather [hbm4b:s3+s2], $0x80, v3, vm0, $0xb8;
	[tilespmem:$0x11400] =	vst v63  }
0x1b5: {  	v3 =	vld [tilespmem:$0x1340];
	_ =	sdelay $0x4  }
0x1b6: {  	v59 =	vshll.u32 v3, $0x1  }
0x1b7: {  	v3 =	vand.u32 $0x7, v3;
	v4 =	vand.u32 $0xFFFFFFF0, v59  }
0x1b8: {  	v3 =	vor.u32 v3, v4  }
0x1b9: {  	v4 =	vperm.xlane v3, v0;
	_ =	sdelay $0x1  }
0x1ba: {  	v3 =	vperm.xlane v3, v2;
	v4 =	vadd.s32 v1, v4;
	_ =	sdelay $0x1  }
0x1bb: {  	v3 =	vadd.s32 v1, v3;
	_ =	sdelay $0x1  }
0x1bc: {  	s4 =	simm.s32 $0x5400  }
0x1bd: {  	[tilespmem:s4], [sflag:$0x1] =	stream.indirect_vreg.gather [hbm4b:s3+s2], $0x80, v4, vm0, $0xb8;
	[tilespmem:$0x11400] =	vst v63  }
0x1be: {  	s5 =	simm.s32 $0x5C00  }
0x1bf: {  	[tilespmem:s5], [sflag:$0x1] =	stream.indirect_vreg.gather [hbm4b:s3+s2], $0x80, v3, vm0, $0xb8;
	[tilespmem:$0x11400] =	vst v63  }
0x1c0: {  	v3 =	vld [tilespmem:$0x1350];
	_ =	sdelay $0x4  }
0x1c1: {  	v60 =	vshll.u32 v3, $0x1  }
0x1c2: {  	v3 =	vand.u32 $0x7, v3;
	v4 =	vand.u32 $0xFFFFFFF0, v60  }
0x1c3: {  	v3 =	vor.u32 v3, v4  }
0x1c4: {  	v4 =	vperm.xlane v3, v0;
	_ =	sdelay $0x1  }
0x1c5: {  	v3 =	vperm.xlane v3, v2;
	v4 =	vadd.s32 v1, v4;
	_ =	sdelay $0x1  }
0x1c6: {  	v3 =	vadd.s32 v1, v3;
	_ =	sdelay $0x1  }
0x1c7: {  	s16 =	simm.s32 $0x6400  }
0x1c8: {  	[tilespmem:s16], [sflag:$0x1] =	stream.indirect_vreg.gather [hbm4b:s3+s2], $0x80, v4, vm0, $0xb8;
	[tilespmem:$0x11400] =	vst v63  }
0x1c9: {  	_ = 	snop  }
0x1ca: {  	[tilespmem:s22], [sflag:$0x1] =	stream.indirect_vreg.gather [hbm4b:s3+s2], $0x80, v3, vm0, $0xb8;
	[tilespmem:$0x11400] =	vst v63  }
0x1cb: {  	v3 =	vld [tilespmem:$0x1360];
	_ =	sdelay $0x4  }
0x1cc: {  	v61 =	vshll.u32 v3, $0x1  }
0x1cd: {  	v3 =	vand.u32 $0x7, v3;
	v4 =	vand.u32 $0xFFFFFFF0, v61  }
0x1ce: {  	v3 =	vor.u32 v3, v4  }
0x1cf: {  	v4 =	vperm.xlane v3, v0;
	_ =	sdelay $0x1  }
0x1d0: {  	v3 =	vperm.xlane v3, v2;
	v4 =	vadd.s32 v1, v4;
	_ =	sdelay $0x1  }
0x1d1: {  	v3 =	vadd.s32 v1, v3;
	_ =	sdelay $0x2  }
0x1d2: {  	[tilespmem:s23], [sflag:$0x1] =	stream.indirect_vreg.gather [hbm4b:s3+s2], $0x80, v4, vm0, $0xb8;
	[tilespmem:$0x11400] =	vst v63  }
0x1d3: {  	_ = 	snop  }
0x1d4: {  	[tilespmem:s24], [sflag:$0x1] =	stream.indirect_vreg.gather [hbm4b:s3+s2], $0x80, v3, vm0, $0xb8;
	[tilespmem:$0x11400] =	vst v63  }
0x1d5: {  	v3 =	vld [tilespmem:$0x1370];
	_ =	sdelay $0x4  }
0x1d6: {  	v62 =	vshll.u32 v3, $0x1  }
0x1d7: {  	v3 =	vand.u32 $0x7, v3;
	v4 =	vand.u32 $0xFFFFFFF0, v62  }
0x1d8: {  	v3 =	vor.u32 v3, v4  }
0x1d9: {  	v4 =	vperm.xlane v3, v0;
	_ =	sdelay $0x1  }
0x1da: {  	v3 =	vperm.xlane v3, v2;
	v4 =	vadd.s32 v1, v4;
	_ =	sdelay $0x1  }
0x1db: {  	v3 =	vadd.s32 v1, v3;
	_ =	sdelay $0x2  }
0x1dc: {  	[tilespmem:s25], [sflag:$0x1] =	stream.indirect_vreg.gather [hbm4b:s3+s2], $0x80, v4, vm0, $0xb8;
	[tilespmem:$0x11400] =	vst v63  }
0x1dd: {  	_ = 	snop  }
0x1de: {  	[tilespmem:s26], [sflag:$0x1] =	stream.indirect_vreg.gather [hbm4b:s3+s2], $0x80, v3, vm0, $0xb8;
	[tilespmem:$0x11400] =	vst v63  }
0x1df: {  	_ =	swait.ge [sflag:s28], $0x8000  }
0x1e0: {  	[sflag:s28] =	ssyncset.done $0x0  }
0x1e1: {  	s18 =	rddreg [dreg:$0x6];
	[sflag:s28] =	ssyncadd.s32 $0xFFFF8000  }
0x1e2: {  	[hbm4b:s18+s2] =	stream.linear.scatter [tilespmem:s11], [sflag:$0x3], $0x8000, $0x38;
	[tilespmem:$0x11400] =	vst v63  }
0x1e3: {  	_ =	swait.ge [sflag:s15], $0x8000  }
0x1e4: {  	[sflag:s15] =	ssyncset.done $0x0  }
0x1e5: {  	[sflag:s15] =	ssyncadd.s32 $0xFFFF8000  }
0x1e6: {  	v3 =	vld.msk [tilespmem:$0x1380], $0xff;
	_ =	sdelay $0x4  }
0x1e7: {  	v63 =	vshll.u32 v3, $0x1  }
0x1e8: {  	v3 =	vand.u32 $0x7, v3;
	v4 =	vand.u32 $0xFFFFFFF0, v63  }
0x1e9: {  	v3 =	vor.u32 v3, v4  }
0x1ea: {  	v3 =	vperm.xlane v3, v0;
	_ =	sdelay $0x1  }
0x1eb: {  	v3 =	vadd.s32 v1, v3;
	_ =	sdelay $0x4  }
0x1ec: {  	[tilespmem:s29], [sflag:$0x2] =	stream.indirect_vreg.gather [hbm4b:s3+s2], $0x80, v3, vm0, $0xb8;
	[tilespmem:$0x11400] =	vst v63  }
0x1ed: {  	_ =	swait.ge [sflag:s1], $0x800  }
0x1ee: {  	[sflag:s1] =	ssyncset.done $0x0  }
0x1ef: {  	s4 =	simm.s32 $0x5;
	s19 =	rddreg [dreg:$0x7];
	[sflag:s1] =	ssyncadd.s32 $0xFFFFF800  }
0x1f0: {  	[hbm4b:s19+s2] =	stream.linear.scatter [tilespmem:s29], [sflag:$0x5], $0x800, $0x38;
	[tilespmem:$0x11400] =	vst v63  }
0x1f1: {  	_ =	swait.ge [sflag:s4], $0x800  }
0x1f2: {  	[sflag:s4] =	ssyncset.done $0x0  }
0x1f3: {  	[sflag:s4] =	ssyncadd.s32 $0xFFFFF800  }
0x1f4: {  	_ =	swait.ge [sflag:s14], $0x8000  }
0x1f5: {  	s21 =	rddreg [dreg:$0x9]  }
0x1f6: {  	s20 =	rddreg [dreg:$0x8];
	s21 =	sadd.s32 $0x1, s21  }
0x1f7: {  	p0 =	sne.s32 s21, s20  }
.Ltmp1:
0x1f8: {  	_ = 	snop;
	(pc) =	sbr.rel @p0 .LBB2_1-.Ltmp1, $4  }
0x1f9: {  	_ = 	snop  }
0x1fa: {  	s5 =	simm.s32 $0xA400  }
0x1fb: {  	s16 =	simm.s32 $0xAC00;
	s18 =	simm.s32 $0xBC00;
	[sflag:s14] =	ssyncset.done $0x0  }
0x1fc: {  	s19 =	simm.s32 $0xCC00;
	[sflag:s14] =	ssyncadd.s32 $0xFFFF8000;
	s20 =	simm.s32 $0xDC00  }
0x1fd: {  	_ =	sfence.sel $0x180000  }
0x1fe: {  	[bflag:$0x0] =	sbarrier.arrive $0xFFFF  }
0x1ff: {  	_ =	strace $0x90000053  }
0x200: {  	s0 =	stileid.u32;
	[bflag:$0x2] =	sbarrier.arrive $0xFFFF  }
0x201: {  	p0 =	sne.s32 s0, $0x0;
	s0 =	rddreg [dreg:$0x1]  }
0x202: {  	s0 =	sadd.s32 @!p0 $0x100000, s0  }
0x203: {  	[sflag:s0] =	ssyncadd.tile.s32 @!p0 $0x1;
	_ =	shalt  }
.Lfunc_end2:
_tile_overlayer_lowered:
.L_overlay_start_2:
0x204: {  	(tag) =	ssettag $0x2  }
0x205: {  	s0 =	rddreg [dreg:$0x0];
	s2 =	stileid.u32  }
0x206: {  	s1 =	rddreg [dreg:$0x1];
	p0 =	sne.s32 s2, $0x0  }
0x207: {  	s3 =	rddreg [dreg:$0x2];
	[bflag:$0x3] =	sbarrier.arrive $0xFFFF;
	s2 =	simm.s32 @!p0 $0x1C05  }
0x208: {  	[timem:s3], [sflag:s2] =	dma.local @!p0 [hbm:s0], s1  }
0x209: {  	s0 =	simm.s32 @!p0 $0x5  }
0x20a: {  	_ =	swait.ge @!p0 [sflag:s0], s1  }
0x20b: {  	s1 =	ssub.s32 @!p0 $0x0, s1;
	[sflag:s0] =	ssyncset.done @!p0 $0x0  }
0x20c: {  	[sflag:s0] =	ssyncadd.s32 @!p0 s1  }
0x20d: {  	[bflag:$0x3] =	sbarrier.arrive $0xFFFF  }
0x20e: {  	_ =	shalt  }

</sc_bundles>
